<compile_context>
chip_gen: v7x
topology: tpu7x:2x2x1
jax: 0.10.2.dev20260603
libtpu: 0.0.44.dev20260713+nightly
codegen_flags: <defaults>
</compile_context>

<pallas_src>
import functools

import jax
import jax.numpy as jnp
from jax import lax
from jax.experimental import pallas as pl
from jax.experimental.pallas import tpu as pltpu
from jax.experimental.pallas import tpu_sc as plsc

HIDDEN = 1024
D_FF = 1024
N_EXP = 8
N_LOGITS = 16
TOKENS = 2048
TT = 256
NA = 2 * TOKENS
BT = 256
NTILES = 24
P_ALLOC = NTILES * BT
DUMMY = P_ALLOC - 1
NW = 16
APW = NA // NW


def _router_body(x_ref, wr_ref, br_ref, cb_ref, i1_ref, i2_ref, w1_ref,
                 w2_ref, zwx_ref):
    x = x_ref[...]
    logits = jax.lax.dot_general(
        x, wr_ref[...], (((1,), (0,)), ((), ())),
        preferred_element_type=jnp.float32) + br_ref[...]
    scores = jax.nn.sigmoid(logits)
    biased = scores + cb_ref[...]
    col = jax.lax.broadcasted_iota(jnp.int32, biased.shape, 1)
    m1 = jnp.max(biased, axis=1, keepdims=True)
    i1 = jnp.min(jnp.where(biased == m1, col, N_LOGITS), axis=1, keepdims=True)
    sel1 = col == i1
    w1 = jnp.sum(jnp.where(sel1, scores, 0.0), axis=1, keepdims=True)
    b2 = jnp.where(sel1, -jnp.inf, biased)
    m2 = jnp.max(b2, axis=1, keepdims=True)
    i2 = jnp.min(jnp.where(b2 == m2, col, N_LOGITS), axis=1, keepdims=True)
    sel2 = col == i2
    w2 = jnp.sum(jnp.where(sel2, scores, 0.0), axis=1, keepdims=True)

    i1_ref[...] = i1
    i2_ref[...] = i2
    w1_ref[...] = w1
    w2_ref[...] = w2
    zw = (jnp.where(i1 >= N_EXP, w1, 0.0) + jnp.where(i2 >= N_EXP, w2, 0.0))
    zwx_ref[...] = zw * x


def _i16(c):
    return jnp.full((16,), c, jnp.int32)


def _dyn_gather16(y, idx):
    return jax.lax.gather(
        y, idx[:, None],
        jax.lax.GatherDimensionNumbers(
            offset_dims=(), collapsed_slice_dims=(0,), start_index_map=(0,)),
        (1,), mode=jax.lax.GatherScatterMode.PROMISE_IN_BOUNDS)


def _prefix16(y, lanes):
    z = jnp.zeros((16,), jnp.int32)
    for sh in (1, 2, 4, 8):
        idx = jnp.maximum(lanes - _i16(sh), z)
        g = _dyn_gather16(y, idx)
        y = y + jnp.where(lanes >= _i16(sh), g, z)
    return y


def _dispatch_body(eid_hbm, wgt_hbm, pos_hbm, tok_hbm, wgts_hbm, meta_hbm,
                   eid_loc, wgt_loc, lrank_loc, pos_loc, tokv_loc, wgtm_loc,
                   zb_loc, zbf_loc, cnt_vec_loc, cnt_loc, meta_loc,
                   sem, cnt_sh):
    cid = lax.axis_index("c")
    sid = lax.axis_index("s")
    lanes = lax.iota(jnp.int32, 16)
    zeros = jnp.zeros((16,), jnp.int32)

    @pl.when(cid == 0)
    def _():
        w = sid
        base_a = w * APW
        pltpu.sync_copy(eid_hbm.at[pl.ds(base_a, APW)], eid_loc)
        pltpu.sync_copy(wgt_hbm.at[pl.ds(base_a, APW)], wgt_loc)

        spw = P_ALLOC // NW

        def body_z(i, _):
            zb_loc[pl.ds(i * 16, 16)] = zeros
            zbf_loc[pl.ds(i * 16, 16)] = jnp.zeros((16,), jnp.float32)
            return 0

        lax.fori_loop(0, spw // 16, body_z, 0)
        pltpu.sync_copy(zb_loc, tok_hbm.at[pl.ds(w * spw, spw)])
        pltpu.sync_copy(zbf_loc, wgts_hbm.at[pl.ds(w * spw, spw)])

        def body_a(i, run):
            v = eid_loc[pl.ds(i * 16, 16)]
            lr = zeros
            new_run = []
            for ex in range(N_EXP):
                m = v == _i16(ex)
                mi = jnp.where(m, _i16(1), zeros)
                y = _prefix16(mi, lanes)
                lr = jnp.where(m, run[ex] + y - _i16(1), lr)
                new_run.append(run[ex] + _dyn_gather16(y, _i16(15)))
            lrank_loc[pl.ds(i * 16, 16)] = lr
            return tuple(new_run)

        run = lax.fori_loop(0, APW // 16, body_a,
                            tuple(zeros for _ in range(N_EXP)))
        cvec = zeros
        for ex in range(N_EXP):
            cvec = jnp.where(lanes == _i16(ex), run[ex], cvec)
        cnt_vec_loc[...] = cvec
        pltpu.sync_copy(cnt_vec_loc, cnt_sh.at[pl.ds(w * 16, 16)])
        plsc.subcore_barrier()

        pltpu.sync_copy(cnt_sh, cnt_loc)
        tot = zeros
        pre = zeros
        for wp in range(NW):
            cw = cnt_loc[pl.ds(wp * 16, 16)]
            tot = tot + cw
            sel = jnp.minimum(jnp.maximum(w - wp, 0), 1)
            pre = pre + cw * _i16(sel)
        tiles = zeros
        for k in range(NA // BT):
            tiles = tiles + jnp.where(tot > _i16(k * BT), _i16(1), zeros)
        padded = tiles * _i16(BT)
        incl = _prefix16(padded, lanes)
        exc = incl - padded
        base = exc + pre
        base_sp = [_dyn_gather16(base, _i16(ex)) for ex in range(N_EXP)]

        def body_b(i, _):
            v = eid_loc[pl.ds(i * 16, 16)]
            lr = lrank_loc[pl.ds(i * 16, 16)]
            wv = wgt_loc[pl.ds(i * 16, 16)]
            b = _i16(DUMMY)
            for ex in range(N_EXP):
                b = jnp.where(v == _i16(ex), base_sp[ex] + lr, b)
            pos_loc[pl.ds(i * 16, 16)] = b
            tokv_loc[pl.ds(i * 16, 16)] = (
                (lanes + _i16(base_a + i * 16)) & _i16(TOKENS - 1))
            routed = v < _i16(N_EXP)
            wgtm_loc[pl.ds(i * 16, 16)] = jnp.where(
                routed, wv, jnp.zeros((16,), jnp.float32))
            return 0

        lax.fori_loop(0, APW // 16, body_b, 0)
        pltpu.sync_copy(pos_loc, pos_hbm.at[pl.ds(base_a, APW)])
        cp1 = pltpu.async_copy(tokv_loc, tok_hbm.at[pos_loc], sem)
        cp2 = pltpu.async_copy(wgtm_loc, wgts_hbm.at[pos_loc], sem)
        cp1.wait()
        cp2.wait()

        @pl.when(w == 0)
        def _():
            n_used_v = _dyn_gather16(_prefix16(tiles, lanes), _i16(15))
            hix = exc + padded
            for j in range(2):
                jv = (lanes + _i16(j * 16)) * _i16(BT)
                ej = zeros
                for ex in range(N_EXP):
                    lo = _dyn_gather16(exc, _i16(ex))
                    hi = _dyn_gather16(hix, _i16(ex))
                    ej = jnp.where((jv >= lo) & (jv < hi), _i16(ex), ej)
                ej = jnp.where(jv == _i16(24 * BT), n_used_v, ej)
                meta_loc[pl.ds(j * 16, 16)] = ej
            pltpu.sync_copy(meta_loc, meta_hbm)


def _xgather_body(xi_hbm, tok_hbm, xs_hbm, idx_loc, rows_loc, sem):
    cid = lax.axis_index("c")
    sid = lax.axis_index("s")
    wid = sid * 2 + cid
    spw = P_ALLOC // 32
    base = wid * spw
    nch = 8
    ch = spw // nch
    pltpu.sync_copy(tok_hbm.at[pl.ds(base, spw)], idx_loc)
    cps = [pltpu.async_copy(xi_hbm.at[idx_loc.at[pl.ds(c * ch, ch)]],
                            rows_loc.at[pl.ds(c * ch, ch)], sem)
           for c in range(nch)]
    for cp in cps:
        cp.wait()
    pltpu.sync_copy(rows_loc, xs_hbm.at[pl.ds(base, spw)])


def _gmm_body(meta_ref, xs_ref, w1_ref, w2_ref, wg_ref, out_ref):
    i = pl.program_id(0)
    n_used = meta_ref[24]

    @pl.when(i < n_used)
    def _():
        h = jnp.dot(xs_ref[...], w1_ref[0], preferred_element_type=jnp.float32)
        gate = h[:, :D_FF]
        up = h[:, D_FF:]
        act = gate * jax.nn.sigmoid(gate) * up
        o = jnp.dot(act.astype(jnp.bfloat16), w2_ref[0],
                    preferred_element_type=jnp.float32)
        out_ref[...] = wg_ref[...] * o

    @pl.when(i == NTILES - 1)
    def _():
        out_ref[...] = jnp.zeros_like(out_ref)


def _combine_body(zwx_hbm, outs_hbm, pos_hbm, out_hbm,
                  idx0_loc, idx1_loc, b0, b1, b2, b3, b4, b5, b6, sem):
    cid = lax.axis_index("c")
    sid = lax.axis_index("s")
    wid = sid * 2 + cid
    tpw = TOKENS // 32
    CH = 16
    t0 = wid * tpw
    pltpu.sync_copy(pos_hbm.at[pl.ds(t0, tpw)], idx0_loc)
    pltpu.sync_copy(pos_hbm.at[pl.ds(TOKENS + t0, tpw)], idx1_loc)
    bufs = [b0, b1, b2, b3, b4, b5, b6]
    cps = []
    for c in range(3):
        cps.append(pltpu.async_copy(
            outs_hbm.at[idx0_loc.at[pl.ds(c * CH, CH)]], bufs[2 * c], sem))
        cps.append(pltpu.async_copy(
            outs_hbm.at[idx1_loc.at[pl.ds(c * CH, CH)]],
            bufs[2 * c + 1], sem))
    cps.append(pltpu.async_copy(
        outs_hbm.at[idx0_loc.at[pl.ds(3 * CH, CH)]], b6, sem))
    for cp in cps:
        cp.wait()

    def process(g0, g1, c):
        def row(i, _):
            def vec(j, _):
                sl = pl.ds(j * 16, 16)
                g0[i, sl] = g0[i, sl] + g1[i, sl]
                return 0
            return lax.fori_loop(0, HIDDEN // 16, vec, 0)

        lax.fori_loop(0, CH, row, 0)
        pltpu.sync_copy(zwx_hbm.at[pl.ds(t0 + c * CH, CH)], g1)
        lax.fori_loop(0, CH, row, 0)
        pltpu.sync_copy(g0, out_hbm.at[pl.ds(t0 + c * CH, CH)])

    process(b0, b1, 0)
    cp_last = pltpu.async_copy(
        outs_hbm.at[idx1_loc.at[pl.ds(3 * CH, CH)]], b0, sem)
    process(b2, b3, 1)
    process(b4, b5, 2)
    cp_last.wait()
    process(b6, b0, 3)


_sc_mesh = plsc.VectorSubcoreMesh(core_axis_name="c", subcore_axis_name="s")

_dispatch = pl.kernel(
    _dispatch_body, mesh=_sc_mesh,
    out_type=[
        jax.ShapeDtypeStruct((NA,), jnp.int32),
        jax.ShapeDtypeStruct((P_ALLOC,), jnp.int32),
        jax.ShapeDtypeStruct((P_ALLOC,), jnp.float32),
        jax.ShapeDtypeStruct((32,), jnp.int32),
    ],
    scratch_types=[
        pltpu.VMEM((APW,), jnp.int32),
        pltpu.VMEM((APW,), jnp.float32),
        pltpu.VMEM((APW,), jnp.int32),
        pltpu.VMEM((APW,), jnp.int32),
        pltpu.VMEM((APW,), jnp.int32),
        pltpu.VMEM((APW,), jnp.float32),
        pltpu.VMEM((P_ALLOC // NW,), jnp.int32),
        pltpu.VMEM((P_ALLOC // NW,), jnp.float32),
        pltpu.VMEM((16,), jnp.int32),
        pltpu.VMEM((16 * NW,), jnp.int32),
        pltpu.VMEM((32,), jnp.int32),
        pltpu.SemaphoreType.DMA,
        pltpu.VMEM_SHARED((16 * NW,), jnp.int32),
    ],
)

_xgather = pl.kernel(
    _xgather_body, mesh=_sc_mesh,
    out_type=[jax.ShapeDtypeStruct((P_ALLOC, HIDDEN // 2), jnp.int32)],
    scratch_types=[
        pltpu.VMEM((P_ALLOC // 32,), jnp.int32),
        pltpu.VMEM((P_ALLOC // 32, HIDDEN // 2), jnp.int32),
        pltpu.SemaphoreType.DMA,
    ],
)

_combine = pl.kernel(
    _combine_body, mesh=_sc_mesh,
    out_type=[jax.ShapeDtypeStruct((TOKENS, HIDDEN), jnp.float32)],
    scratch_types=(
        [pltpu.VMEM((TOKENS // 32,), jnp.int32)] * 2
        + [pltpu.VMEM((16, HIDDEN), jnp.float32)] * 7
        + [pltpu.SemaphoreType.DMA]
    ),
)


def kernel(hidden_states, Wr, br, correction_bias, W1, W2):
    T = hidden_states.shape[0]
    nt = T // TT
    br2 = br.reshape(1, N_LOGITS)
    cb2 = correction_bias.reshape(1, N_LOGITS)

    i1, i2, w1, w2, zwx = pl.pallas_call(
        _router_body,
        grid=(nt,),
        in_specs=[
            pl.BlockSpec((TT, HIDDEN), lambda t: (t, 0)),
            pl.BlockSpec((HIDDEN, N_LOGITS), lambda t: (0, 0)),
            pl.BlockSpec((1, N_LOGITS), lambda t: (0, 0)),
            pl.BlockSpec((1, N_LOGITS), lambda t: (0, 0)),
        ],
        out_specs=[
            pl.BlockSpec((TT, 1), lambda t: (t, 0)),
            pl.BlockSpec((TT, 1), lambda t: (t, 0)),
            pl.BlockSpec((TT, 1), lambda t: (t, 0)),
            pl.BlockSpec((TT, 1), lambda t: (t, 0)),
            pl.BlockSpec((TT, HIDDEN), lambda t: (t, 0)),
        ],
        out_shape=[
            jax.ShapeDtypeStruct((T, 1), jnp.int32),
            jax.ShapeDtypeStruct((T, 1), jnp.int32),
            jax.ShapeDtypeStruct((T, 1), jnp.float32),
            jax.ShapeDtypeStruct((T, 1), jnp.float32),
            jax.ShapeDtypeStruct((T, HIDDEN), jnp.float32),
        ],
    )(hidden_states, Wr, br2, cb2)

    eid = jnp.concatenate([i1, i2], axis=0).reshape(NA)
    wgt = jnp.concatenate([w1, w2], axis=0).reshape(NA)

    pos, tok, wgs, meta = _dispatch(eid, wgt)
    xb = hidden_states.astype(jnp.bfloat16)
    xi = jax.lax.bitcast_convert_type(
        xb.reshape(T, HIDDEN // 2, 2), jnp.int32)
    (xsi,) = _xgather(xi, tok)
    xs = jax.lax.bitcast_convert_type(xsi, jnp.bfloat16).reshape(
        P_ALLOC, HIDDEN)

    outs = pl.pallas_call(
        _gmm_body,
        grid_spec=pltpu.PrefetchScalarGridSpec(
            num_scalar_prefetch=1,
            grid=(NTILES,),
            in_specs=[
                pl.BlockSpec((BT, HIDDEN), lambda i, m: (i, 0)),
                pl.BlockSpec((1, HIDDEN, 2 * D_FF), lambda i, m: (m[i], 0, 0)),
                pl.BlockSpec((1, D_FF, HIDDEN), lambda i, m: (m[i], 0, 0)),
                pl.BlockSpec((BT, 1), lambda i, m: (i, 0)),
            ],
            out_specs=pl.BlockSpec((BT, HIDDEN), lambda i, m: (i, 0)),
        ),
        out_shape=jax.ShapeDtypeStruct((P_ALLOC, HIDDEN), jnp.float32),
    )(meta, xs, W1.astype(jnp.bfloat16), W2.astype(jnp.bfloat16),
      wgs.reshape(P_ALLOC, 1))

    (out,) = _combine(zwx, outs, pos)
    return out

# --- scband reference (transcript-rebuilt; emitter-appended) ---
"""Pipeline reference for scband-longcat-flash-decoder-layer-29935922053180 (READ-ONLY COPY).

The authoritative reference and input builder live on the scoring server;
editing this copy changes nothing except your own understanding.
"""

import jax, jax.numpy as jnp
import numpy as np

HIDDEN = 1024
D_FF = 1024
N_EXP = 8          # routed experts
ZERO_EXP = 8       # zero (identity) experts
N_LOGITS = N_EXP + ZERO_EXP
TOPK = 2
SCALE = 1.0        # routed_scaling_factor
TOKENS = 2048


def _moe_forward(hidden_states, Wr, br, correction_bias, W1, W2):
    x = hidden_states.astype(jnp.float32)
    # Router (LongcatFlashRouter): fp32 classifier with bias
    logits = x @ Wr + br                                  # [T, N_LOGITS]
    # TopK (sglang forward_native w/ correction_bias, renormalize=False):
    # scores = sigmoid(logits); select on scores + bias; weights = original scores
    scores = jax.nn.sigmoid(logits)
    biased = scores + correction_bias
    _, idx = jax.lax.top_k(biased, TOPK)                  # [T, K] int32
    weights = jnp.take_along_axis(scores, idx, axis=1)    # [T, K] (no renorm)
    # Zero experts: indices >= N_EXP act as identity scaled by weight
    is_zero = idx >= N_EXP                                # [T, K] bool
    zero_w = jnp.sum(jnp.where(is_zero, weights, 0.0), axis=1, keepdims=True)
    zero_expert_result = zero_w * x                       # [T, H]
    # Routed experts: mask out zero-expert slots
    routed_idx = jnp.where(is_zero, 0, idx)
    routed_w = jnp.where(is_zero, 0.0, weights)
    onehot = jax.nn.one_hot(routed_idx, N_EXP, dtype=jnp.float32) * routed_w[..., None]
    gates = onehot.sum(axis=1)                            # [T, N_EXP]
    # Dense expert compute (reference): SiluAndMul MLP per expert
    h = jnp.einsum('td,edf->etf', x, W1)                  # [E, T, 2*D_FF]
    gate, up = jnp.split(h, 2, axis=-1)
    act = jax.nn.silu(gate) * up                          # [E, T, D_FF]
    out_e = jnp.einsum('etf,efd->etd', act, W2)           # [E, T, H]
    routed_out = jnp.einsum('etd,te->td', out_e, gates)   # [T, H]
    final = routed_out * SCALE + zero_expert_result
    return final.astype(hidden_states.dtype)


def setup_inputs(seed: int = 0) -> dict:
    key = jax.random.key(seed)
    ks = jax.random.split(key, 5)
    hidden_states = jax.random.normal(ks[0], (TOKENS, HIDDEN), dtype=jnp.float32)
    Wr = jax.random.normal(ks[1], (HIDDEN, N_LOGITS), dtype=jnp.float32) * 0.02
    br = jnp.zeros((N_LOGITS,), dtype=jnp.float32)
    correction_bias = jnp.zeros((N_LOGITS,), dtype=jnp.float32)  # nn.Parameter zeros init
    W1 = jax.random.normal(ks[2], (N_EXP, HIDDEN, 2 * D_FF), dtype=jnp.float32) * 0.02
    W2 = jax.random.normal(ks[3], (N_EXP, D_FF, HIDDEN), dtype=jnp.float32) * 0.02
    return {"hidden_states": hidden_states, "Wr": Wr, "br": br,
            "correction_bias": correction_bias, "W1": W1, "W2": W2}


def reference(hidden_states, Wr, br, correction_bias, W1, W2):
    return _moe_forward(hidden_states, Wr, br, correction_bias, W1, W2)

if __name__ == "__main__":
    import jax
    _d = setup_inputs()
    print(jax.jit(kernel)(*tuple(_d.values())))

</pallas_src>

<mosaic_0001>
#map = affine_map<(d0, d1) -> (0, 0)>
#map1 = affine_map<(d0, d1) -> (0)>
module attributes {stable_mosaic.version = 14 : i64} {
  func.func @_xgather_body(%arg0: i32, %arg1: i32, %arg2: memref<2048x512xi32, #tpu.memory_space<hbm>>, %arg3: memref<6144xi32, #tpu.memory_space<hbm>>, %arg4: memref<6144x512xi32, #tpu.memory_space<hbm>>, %arg5: memref<192xi32, #tpu.memory_space<vmem>>, %arg6: memref<192x512xi32, #tpu.memory_space<vmem>>, %arg7: memref<!tpu.dma_semaphore, #tpu.memory_space<semaphore_mem>>) attributes {dimension_semantics = [#tpu.dimension_semantics<core_parallel>, #tpu.dimension_semantics<subcore_parallel>], iteration_bounds = array<i64: 2, 16>, scalar_prefetch = 0 : i64, scratch_operands = 3 : i64, tpu.core_type = #tpu.core_type<sc_vector_subcore>, window_params = [{transform_indices = #map}, {transform_indices = #map1}, {transform_indices = #map}]} {
    %mul3A = arith.constant 2 : i32
    %mul3A_0 = arith.muli %arg1, %mul3A : i32
    %add3A = arith.addi %mul3A_0, %arg0 : i32
    %mul3A_1 = arith.constant 192 : i32
    %mul3A_2 = arith.muli %add3A, %mul3A_1 : i32
    "tpu.region"() ({
      %run_scoped3A = tpu.sem_alloc : memref<!tpu.dma_semaphore, #tpu.memory_space<semaphore_mem>>
      %dma_start3A_129 = tpu.memref_slice %arg3[%mul3A_2] : memref<6144xi32, #tpu.memory_space<hbm>> -> memref<192xi32, #tpu.memory_space<hbm>>
      %dma_start3A_130 = tpu.memref_slice %arg3[%mul3A_2] : memref<6144xi32, #tpu.memory_space<hbm>> -> memref<192xi32, #tpu.memory_space<hbm>>
      tpu.enqueue_dma source(%dma_start3A_130 : memref<192xi32, #tpu.memory_space<hbm>>) target(%arg5 : memref<192xi32, #tpu.memory_space<vmem>>) target_semaphore(%run_scoped3A : memref<!tpu.dma_semaphore, #tpu.memory_space<semaphore_mem>>)
      %dma_wait3A_131 = tpu.memref_slice %arg3[%mul3A_2] : memref<6144xi32, #tpu.memory_space<hbm>> -> memref<192xi32, #tpu.memory_space<hbm>>
      %dma_wait3A_132 = tpu.memref_slice %arg3[%mul3A_2] : memref<6144xi32, #tpu.memory_space<hbm>> -> memref<192xi32, #tpu.memory_space<hbm>>
      tpu.wait_dma2 semaphore(%run_scoped3A : memref<!tpu.dma_semaphore, #tpu.memory_space<semaphore_mem>>) src(%dma_wait3A_132 : memref<192xi32, #tpu.memory_space<hbm>>) dst(%arg5 : memref<192xi32, #tpu.memory_space<vmem>>)
      tpu.yield
    }) : () -> ()
    %dma_start3A = arith.constant 0 : i32
    %dma_start3A_3 = arith.constant 0 : i32
    %dma_start3A_4 = tpu.memref_slice %arg6[%dma_start3A, %dma_start3A_3] : memref<192x512xi32, #tpu.memory_space<vmem>> -> memref<24x512xi32, #tpu.memory_space<vmem>>
    %dma_start3A_5 = arith.constant 0 : i32
    %dma_start3A_6 = tpu.memref_slice %arg5[%dma_start3A_5] : memref<192xi32, #tpu.memory_space<vmem>> -> memref<24xi32, #tpu.memory_space<vmem>>
    %dma_start3A_7 = arith.constant 0 : i32
    %dma_start3A_8 = arith.constant 0 : i32
    %dma_start3A_9 = tpu.memref_slice %arg2[%dma_start3A_7, %dma_start3A_8] : memref<2048x512xi32, #tpu.memory_space<hbm>> -> memref<2048x512xi32, #tpu.memory_space<hbm>>
    tpu.enqueue_indirect_dma source(%dma_start3A_9 : memref<2048x512xi32, #tpu.memory_space<hbm>>) target(%dma_start3A_4 : memref<24x512xi32, #tpu.memory_space<vmem>>) offsets(%dma_start3A_6 : memref<24xi32, #tpu.memory_space<vmem>>) semaphore(%arg7 : memref<!tpu.dma_semaphore, #tpu.memory_space<semaphore_mem>>)
    %dma_start3A_10 = arith.constant 24 : i32
    %dma_start3A_11 = arith.constant 0 : i32
    %dma_start3A_12 = tpu.memref_slice %arg6[%dma_start3A_10, %dma_start3A_11] : memref<192x512xi32, #tpu.memory_space<vmem>> -> memref<24x512xi32, #tpu.memory_space<vmem>>
    %dma_start3A_13 = arith.constant 24 : i32
    %dma_start3A_14 = tpu.memref_slice %arg5[%dma_start3A_13] : memref<192xi32, #tpu.memory_space<vmem>> -> memref<24xi32, #tpu.memory_space<vmem>>
    %dma_start3A_15 = arith.constant 0 : i32
    %dma_start3A_16 = arith.constant 0 : i32
    %dma_start3A_17 = tpu.memref_slice %arg2[%dma_start3A_15, %dma_start3A_16] : memref<2048x512xi32, #tpu.memory_space<hbm>> -> memref<2048x512xi32, #tpu.memory_space<hbm>>
    tpu.enqueue_indirect_dma source(%dma_start3A_17 : memref<2048x512xi32, #tpu.memory_space<hbm>>) target(%dma_start3A_12 : memref<24x512xi32, #tpu.memory_space<vmem>>) offsets(%dma_start3A_14 : memref<24xi32, #tpu.memory_space<vmem>>) semaphore(%arg7 : memref<!tpu.dma_semaphore, #tpu.memory_space<semaphore_mem>>)
    %dma_start3A_18 = arith.constant 48 : i32
    %dma_start3A_19 = arith.constant 0 : i32
    %dma_start3A_20 = tpu.memref_slice %arg6[%dma_start3A_18, %dma_start3A_19] : memref<192x512xi32, #tpu.memory_space<vmem>> -> memref<24x512xi32, #tpu.memory_space<vmem>>
    %dma_start3A_21 = arith.constant 48 : i32
    %dma_start3A_22 = tpu.memref_slice %arg5[%dma_start3A_21] : memref<192xi32, #tpu.memory_space<vmem>> -> memref<24xi32, #tpu.memory_space<vmem>>
    %dma_start3A_23 = arith.constant 0 : i32
    %dma_start3A_24 = arith.constant 0 : i32
    %dma_start3A_25 = tpu.memref_slice %arg2[%dma_start3A_23, %dma_start3A_24] : memref<2048x512xi32, #tpu.memory_space<hbm>> -> memref<2048x512xi32, #tpu.memory_space<hbm>>
    tpu.enqueue_indirect_dma source(%dma_start3A_25 : memref<2048x512xi32, #tpu.memory_space<hbm>>) target(%dma_start3A_20 : memref<24x512xi32, #tpu.memory_space<vmem>>) offsets(%dma_start3A_22 : memref<24xi32, #tpu.memory_space<vmem>>) semaphore(%arg7 : memref<!tpu.dma_semaphore, #tpu.memory_space<semaphore_mem>>)
    %dma_start3A_26 = arith.constant 72 : i32
    %dma_start3A_27 = arith.constant 0 : i32
    %dma_start3A_28 = tpu.memref_slice %arg6[%dma_start3A_26, %dma_start3A_27] : memref<192x512xi32, #tpu.memory_space<vmem>> -> memref<24x512xi32, #tpu.memory_space<vmem>>
    %dma_start3A_29 = arith.constant 72 : i32
    %dma_start3A_30 = tpu.memref_slice %arg5[%dma_start3A_29] : memref<192xi32, #tpu.memory_space<vmem>> -> memref<24xi32, #tpu.memory_space<vmem>>
    %dma_start3A_31 = arith.constant 0 : i32
    %dma_start3A_32 = arith.constant 0 : i32
    %dma_start3A_33 = tpu.memref_slice %arg2[%dma_start3A_31, %dma_start3A_32] : memref<2048x512xi32, #tpu.memory_space<hbm>> -> memref<2048x512xi32, #tpu.memory_space<hbm>>
    tpu.enqueue_indirect_dma source(%dma_start3A_33 : memref<2048x512xi32, #tpu.memory_space<hbm>>) target(%dma_start3A_28 : memref<24x512xi32, #tpu.memory_space<vmem>>) offsets(%dma_start3A_30 : memref<24xi32, #tpu.memory_space<vmem>>) semaphore(%arg7 : memref<!tpu.dma_semaphore, #tpu.memory_space<semaphore_mem>>)
    %dma_start3A_34 = arith.constant 96 : i32
    %dma_start3A_35 = arith.constant 0 : i32
    %dma_start3A_36 = tpu.memref_slice %arg6[%dma_start3A_34, %dma_start3A_35] : memref<192x512xi32, #tpu.memory_space<vmem>> -> memref<24x512xi32, #tpu.memory_space<vmem>>
    %dma_start3A_37 = arith.constant 96 : i32
    %dma_start3A_38 = tpu.memref_slice %arg5[%dma_start3A_37] : memref<192xi32, #tpu.memory_space<vmem>> -> memref<24xi32, #tpu.memory_space<vmem>>
    %dma_start3A_39 = arith.constant 0 : i32
    %dma_start3A_40 = arith.constant 0 : i32
    %dma_start3A_41 = tpu.memref_slice %arg2[%dma_start3A_39, %dma_start3A_40] : memref<2048x512xi32, #tpu.memory_space<hbm>> -> memref<2048x512xi32, #tpu.memory_space<hbm>>
    tpu.enqueue_indirect_dma source(%dma_start3A_41 : memref<2048x512xi32, #tpu.memory_space<hbm>>) target(%dma_start3A_36 : memref<24x512xi32, #tpu.memory_space<vmem>>) offsets(%dma_start3A_38 : memref<24xi32, #tpu.memory_space<vmem>>) semaphore(%arg7 : memref<!tpu.dma_semaphore, #tpu.memory_space<semaphore_mem>>)
    %dma_start3A_42 = arith.constant 120 : i32
    %dma_start3A_43 = arith.constant 0 : i32
    %dma_start3A_44 = tpu.memref_slice %arg6[%dma_start3A_42, %dma_start3A_43] : memref<192x512xi32, #tpu.memory_space<vmem>> -> memref<24x512xi32, #tpu.memory_space<vmem>>
    %dma_start3A_45 = arith.constant 120 : i32
    %dma_start3A_46 = tpu.memref_slice %arg5[%dma_start3A_45] : memref<192xi32, #tpu.memory_space<vmem>> -> memref<24xi32, #tpu.memory_space<vmem>>
    %dma_start3A_47 = arith.constant 0 : i32
    %dma_start3A_48 = arith.constant 0 : i32
    %dma_start3A_49 = tpu.memref_slice %arg2[%dma_start3A_47, %dma_start3A_48] : memref<2048x512xi32, #tpu.memory_space<hbm>> -> memref<2048x512xi32, #tpu.memory_space<hbm>>
    tpu.enqueue_indirect_dma source(%dma_start3A_49 : memref<2048x512xi32, #tpu.memory_space<hbm>>) target(%dma_start3A_44 : memref<24x512xi32, #tpu.memory_space<vmem>>) offsets(%dma_start3A_46 : memref<24xi32, #tpu.memory_space<vmem>>) semaphore(%arg7 : memref<!tpu.dma_semaphore, #tpu.memory_space<semaphore_mem>>)
    %dma_start3A_50 = arith.constant 144 : i32
    %dma_start3A_51 = arith.constant 0 : i32
    %dma_start3A_52 = tpu.memref_slice %arg6[%dma_start3A_50, %dma_start3A_51] : memref<192x512xi32, #tpu.memory_space<vmem>> -> memref<24x512xi32, #tpu.memory_space<vmem>>
    %dma_start3A_53 = arith.constant 144 : i32
    %dma_start3A_54 = tpu.memref_slice %arg5[%dma_start3A_53] : memref<192xi32, #tpu.memory_space<vmem>> -> memref<24xi32, #tpu.memory_space<vmem>>
    %dma_start3A_55 = arith.constant 0 : i32
    %dma_start3A_56 = arith.constant 0 : i32
    %dma_start3A_57 = tpu.memref_slice %arg2[%dma_start3A_55, %dma_start3A_56] : memref<2048x512xi32, #tpu.memory_space<hbm>> -> memref<2048x512xi32, #tpu.memory_space<hbm>>
    tpu.enqueue_indirect_dma source(%dma_start3A_57 : memref<2048x512xi32, #tpu.memory_space<hbm>>) target(%dma_start3A_52 : memref<24x512xi32, #tpu.memory_space<vmem>>) offsets(%dma_start3A_54 : memref<24xi32, #tpu.memory_space<vmem>>) semaphore(%arg7 : memref<!tpu.dma_semaphore, #tpu.memory_space<semaphore_mem>>)
    %dma_start3A_58 = arith.constant 168 : i32
    %dma_start3A_59 = arith.constant 0 : i32
    %dma_start3A_60 = tpu.memref_slice %arg6[%dma_start3A_58, %dma_start3A_59] : memref<192x512xi32, #tpu.memory_space<vmem>> -> memref<24x512xi32, #tpu.memory_space<vmem>>
    %dma_start3A_61 = arith.constant 168 : i32
    %dma_start3A_62 = tpu.memref_slice %arg5[%dma_start3A_61] : memref<192xi32, #tpu.memory_space<vmem>> -> memref<24xi32, #tpu.memory_space<vmem>>
    %dma_start3A_63 = arith.constant 0 : i32
    %dma_start3A_64 = arith.constant 0 : i32
    %dma_start3A_65 = tpu.memref_slice %arg2[%dma_start3A_63, %dma_start3A_64] : memref<2048x512xi32, #tpu.memory_space<hbm>> -> memref<2048x512xi32, #tpu.memory_space<hbm>>
    tpu.enqueue_indirect_dma source(%dma_start3A_65 : memref<2048x512xi32, #tpu.memory_space<hbm>>) target(%dma_start3A_60 : memref<24x512xi32, #tpu.memory_space<vmem>>) offsets(%dma_start3A_62 : memref<24xi32, #tpu.memory_space<vmem>>) semaphore(%arg7 : memref<!tpu.dma_semaphore, #tpu.memory_space<semaphore_mem>>)
    %dma_wait3A = arith.constant 0 : i32
    %dma_wait3A_66 = arith.constant 0 : i32
    %dma_wait3A_67 = tpu.memref_slice %arg6[%dma_wait3A, %dma_wait3A_66] : memref<192x512xi32, #tpu.memory_space<vmem>> -> memref<24x512xi32, #tpu.memory_space<vmem>>
    %dma_wait3A_68 = arith.constant 0 : i32
    %dma_wait3A_69 = tpu.memref_slice %arg5[%dma_wait3A_68] : memref<192xi32, #tpu.memory_space<vmem>> -> memref<24xi32, #tpu.memory_space<vmem>>
    %dma_wait3A_70 = arith.constant 0 : i32
    %dma_wait3A_71 = arith.constant 0 : i32
    %dma_wait3A_72 = tpu.memref_slice %arg2[%dma_wait3A_70, %dma_wait3A_71] : memref<2048x512xi32, #tpu.memory_space<hbm>> -> memref<2048x512xi32, #tpu.memory_space<hbm>>
    tpu.wait_indirect_dma semaphore(%arg7 : memref<!tpu.dma_semaphore, #tpu.memory_space<semaphore_mem>>) src(%dma_wait3A_72 : memref<2048x512xi32, #tpu.memory_space<hbm>>) dst(%dma_wait3A_67 : memref<24x512xi32, #tpu.memory_space<vmem>>)
    %dma_wait3A_73 = arith.constant 24 : i32
    %dma_wait3A_74 = arith.constant 0 : i32
    %dma_wait3A_75 = tpu.memref_slice %arg6[%dma_wait3A_73, %dma_wait3A_74] : memref<192x512xi32, #tpu.memory_space<vmem>> -> memref<24x512xi32, #tpu.memory_space<vmem>>
    %dma_wait3A_76 = arith.constant 24 : i32
    %dma_wait3A_77 = tpu.memref_slice %arg5[%dma_wait3A_76] : memref<192xi32, #tpu.memory_space<vmem>> -> memref<24xi32, #tpu.memory_space<vmem>>
    %dma_wait3A_78 = arith.constant 0 : i32
    %dma_wait3A_79 = arith.constant 0 : i32
    %dma_wait3A_80 = tpu.memref_slice %arg2[%dma_wait3A_78, %dma_wait3A_79] : memref<2048x512xi32, #tpu.memory_space<hbm>> -> memref<2048x512xi32, #tpu.memory_space<hbm>>
    tpu.wait_indirect_dma semaphore(%arg7 : memref<!tpu.dma_semaphore, #tpu.memory_space<semaphore_mem>>) src(%dma_wait3A_80 : memref<2048x512xi32, #tpu.memory_space<hbm>>) dst(%dma_wait3A_75 : memref<24x512xi32, #tpu.memory_space<vmem>>)
    %dma_wait3A_81 = arith.constant 48 : i32
    %dma_wait3A_82 = arith.constant 0 : i32
    %dma_wait3A_83 = tpu.memref_slice %arg6[%dma_wait3A_81, %dma_wait3A_82] : memref<192x512xi32, #tpu.memory_space<vmem>> -> memref<24x512xi32, #tpu.memory_space<vmem>>
    %dma_wait3A_84 = arith.constant 48 : i32
    %dma_wait3A_85 = tpu.memref_slice %arg5[%dma_wait3A_84] : memref<192xi32, #tpu.memory_space<vmem>> -> memref<24xi32, #tpu.memory_space<vmem>>
    %dma_wait3A_86 = arith.constant 0 : i32
    %dma_wait3A_87 = arith.constant 0 : i32
    %dma_wait3A_88 = tpu.memref_slice %arg2[%dma_wait3A_86, %dma_wait3A_87] : memref<2048x512xi32, #tpu.memory_space<hbm>> -> memref<2048x512xi32, #tpu.memory_space<hbm>>
    tpu.wait_indirect_dma semaphore(%arg7 : memref<!tpu.dma_semaphore, #tpu.memory_space<semaphore_mem>>) src(%dma_wait3A_88 : memref<2048x512xi32, #tpu.memory_space<hbm>>) dst(%dma_wait3A_83 : memref<24x512xi32, #tpu.memory_space<vmem>>)
    %dma_wait3A_89 = arith.constant 72 : i32
    %dma_wait3A_90 = arith.constant 0 : i32
    %dma_wait3A_91 = tpu.memref_slice %arg6[%dma_wait3A_89, %dma_wait3A_90] : memref<192x512xi32, #tpu.memory_space<vmem>> -> memref<24x512xi32, #tpu.memory_space<vmem>>
    %dma_wait3A_92 = arith.constant 72 : i32
    %dma_wait3A_93 = tpu.memref_slice %arg5[%dma_wait3A_92] : memref<192xi32, #tpu.memory_space<vmem>> -> memref<24xi32, #tpu.memory_space<vmem>>
    %dma_wait3A_94 = arith.constant 0 : i32
    %dma_wait3A_95 = arith.constant 0 : i32
    %dma_wait3A_96 = tpu.memref_slice %arg2[%dma_wait3A_94, %dma_wait3A_95] : memref<2048x512xi32, #tpu.memory_space<hbm>> -> memref<2048x512xi32, #tpu.memory_space<hbm>>
    tpu.wait_indirect_dma semaphore(%arg7 : memref<!tpu.dma_semaphore, #tpu.memory_space<semaphore_mem>>) src(%dma_wait3A_96 : memref<2048x512xi32, #tpu.memory_space<hbm>>) dst(%dma_wait3A_91 : memref<24x512xi32, #tpu.memory_space<vmem>>)
    %dma_wait3A_97 = arith.constant 96 : i32
    %dma_wait3A_98 = arith.constant 0 : i32
    %dma_wait3A_99 = tpu.memref_slice %arg6[%dma_wait3A_97, %dma_wait3A_98] : memref<192x512xi32, #tpu.memory_space<vmem>> -> memref<24x512xi32, #tpu.memory_space<vmem>>
    %dma_wait3A_100 = arith.constant 96 : i32
    %dma_wait3A_101 = tpu.memref_slice %arg5[%dma_wait3A_100] : memref<192xi32, #tpu.memory_space<vmem>> -> memref<24xi32, #tpu.memory_space<vmem>>
    %dma_wait3A_102 = arith.constant 0 : i32
    %dma_wait3A_103 = arith.constant 0 : i32
    %dma_wait3A_104 = tpu.memref_slice %arg2[%dma_wait3A_102, %dma_wait3A_103] : memref<2048x512xi32, #tpu.memory_space<hbm>> -> memref<2048x512xi32, #tpu.memory_space<hbm>>
    tpu.wait_indirect_dma semaphore(%arg7 : memref<!tpu.dma_semaphore, #tpu.memory_space<semaphore_mem>>) src(%dma_wait3A_104 : memref<2048x512xi32, #tpu.memory_space<hbm>>) dst(%dma_wait3A_99 : memref<24x512xi32, #tpu.memory_space<vmem>>)
    %dma_wait3A_105 = arith.constant 120 : i32
    %dma_wait3A_106 = arith.constant 0 : i32
    %dma_wait3A_107 = tpu.memref_slice %arg6[%dma_wait3A_105, %dma_wait3A_106] : memref<192x512xi32, #tpu.memory_space<vmem>> -> memref<24x512xi32, #tpu.memory_space<vmem>>
    %dma_wait3A_108 = arith.constant 120 : i32
    %dma_wait3A_109 = tpu.memref_slice %arg5[%dma_wait3A_108] : memref<192xi32, #tpu.memory_space<vmem>> -> memref<24xi32, #tpu.memory_space<vmem>>
    %dma_wait3A_110 = arith.constant 0 : i32
    %dma_wait3A_111 = arith.constant 0 : i32
    %dma_wait3A_112 = tpu.memref_slice %arg2[%dma_wait3A_110, %dma_wait3A_111] : memref<2048x512xi32, #tpu.memory_space<hbm>> -> memref<2048x512xi32, #tpu.memory_space<hbm>>
    tpu.wait_indirect_dma semaphore(%arg7 : memref<!tpu.dma_semaphore, #tpu.memory_space<semaphore_mem>>) src(%dma_wait3A_112 : memref<2048x512xi32, #tpu.memory_space<hbm>>) dst(%dma_wait3A_107 : memref<24x512xi32, #tpu.memory_space<vmem>>)
    %dma_wait3A_113 = arith.constant 144 : i32
    %dma_wait3A_114 = arith.constant 0 : i32
    %dma_wait3A_115 = tpu.memref_slice %arg6[%dma_wait3A_113, %dma_wait3A_114] : memref<192x512xi32, #tpu.memory_space<vmem>> -> memref<24x512xi32, #tpu.memory_space<vmem>>
    %dma_wait3A_116 = arith.constant 144 : i32
    %dma_wait3A_117 = tpu.memref_slice %arg5[%dma_wait3A_116] : memref<192xi32, #tpu.memory_space<vmem>> -> memref<24xi32, #tpu.memory_space<vmem>>
    %dma_wait3A_118 = arith.constant 0 : i32
    %dma_wait3A_119 = arith.constant 0 : i32
    %dma_wait3A_120 = tpu.memref_slice %arg2[%dma_wait3A_118, %dma_wait3A_119] : memref<2048x512xi32, #tpu.memory_space<hbm>> -> memref<2048x512xi32, #tpu.memory_space<hbm>>
    tpu.wait_indirect_dma semaphore(%arg7 : memref<!tpu.dma_semaphore, #tpu.memory_space<semaphore_mem>>) src(%dma_wait3A_120 : memref<2048x512xi32, #tpu.memory_space<hbm>>) dst(%dma_wait3A_115 : memref<24x512xi32, #tpu.memory_space<vmem>>)
    %dma_wait3A_121 = arith.constant 168 : i32
    %dma_wait3A_122 = arith.constant 0 : i32
    %dma_wait3A_123 = tpu.memref_slice %arg6[%dma_wait3A_121, %dma_wait3A_122] : memref<192x512xi32, #tpu.memory_space<vmem>> -> memref<24x512xi32, #tpu.memory_space<vmem>>
    %dma_wait3A_124 = arith.constant 168 : i32
    %dma_wait3A_125 = tpu.memref_slice %arg5[%dma_wait3A_124] : memref<192xi32, #tpu.memory_space<vmem>> -> memref<24xi32, #tpu.memory_space<vmem>>
    %dma_wait3A_126 = arith.constant 0 : i32
    %dma_wait3A_127 = arith.constant 0 : i32
    %dma_wait3A_128 = tpu.memref_slice %arg2[%dma_wait3A_126, %dma_wait3A_127] : memref<2048x512xi32, #tpu.memory_space<hbm>> -> memref<2048x512xi32, #tpu.memory_space<hbm>>
    tpu.wait_indirect_dma semaphore(%arg7 : memref<!tpu.dma_semaphore, #tpu.memory_space<semaphore_mem>>) src(%dma_wait3A_128 : memref<2048x512xi32, #tpu.memory_space<hbm>>) dst(%dma_wait3A_123 : memref<24x512xi32, #tpu.memory_space<vmem>>)
    "tpu.region"() ({
      %run_scoped3A = tpu.sem_alloc : memref<!tpu.dma_semaphore, #tpu.memory_space<semaphore_mem>>
      %dma_start3A_129 = arith.constant 0 : i32
      %dma_start3A_130 = tpu.memref_slice %arg4[%mul3A_2, %dma_start3A_129] : memref<6144x512xi32, #tpu.memory_space<hbm>> -> memref<192x512xi32, #tpu.memory_space<hbm>>
      %dma_start3A_131 = arith.constant 0 : i32
      %dma_start3A_132 = tpu.memref_slice %arg4[%mul3A_2, %dma_start3A_131] : memref<6144x512xi32, #tpu.memory_space<hbm>> -> memref<192x512xi32, #tpu.memory_space<hbm>>
      tpu.enqueue_dma source(%arg6 : memref<192x512xi32, #tpu.memory_space<vmem>>) target(%dma_start3A_132 : memref<192x512xi32, #tpu.memory_space<hbm>>) target_semaphore(%run_scoped3A : memref<!tpu.dma_semaphore, #tpu.memory_space<semaphore_mem>>)
      %dma_wait3A_133 = arith.constant 0 : i32
      %dma_wait3A_134 = tpu.memref_slice %arg4[%mul3A_2, %dma_wait3A_133] : memref<6144x512xi32, #tpu.memory_space<hbm>> -> memref<192x512xi32, #tpu.memory_space<hbm>>
      %dma_wait3A_135 = arith.constant 0 : i32
      %dma_wait3A_136 = tpu.memref_slice %arg4[%mul3A_2, %dma_wait3A_135] : memref<6144x512xi32, #tpu.memory_space<hbm>> -> memref<192x512xi32, #tpu.memory_space<hbm>>
      tpu.wait_dma2 semaphore(%run_scoped3A : memref<!tpu.dma_semaphore, #tpu.memory_space<semaphore_mem>>) src(%arg6 : memref<192x512xi32, #tpu.memory_space<vmem>>) dst(%dma_wait3A_136 : memref<192x512xi32, #tpu.memory_space<hbm>>)
      tpu.yield
    }) : () -> ()
    return
  }
}

#map = affine_map<(d0, d1) -> (0)>
module attributes {stable_mosaic.version = 14 : i64} {
  func.func @_dispatch_body(%arg0: i32, %arg1: i32, %arg2: memref<4096xi32, #tpu.memory_space<hbm>>, %arg3: memref<4096xf32, #tpu.memory_space<hbm>>, %arg4: memref<4096xi32, #tpu.memory_space<hbm>>, %arg5: memref<6144xi32, #tpu.memory_space<hbm>>, %arg6: memref<6144xf32, #tpu.memory_space<hbm>>, %arg7: memref<32xi32, #tpu.memory_space<hbm>>, %arg8: memref<256xi32, #tpu.memory_space<vmem>>, %arg9: memref<256xf32, #tpu.memory_space<vmem>>, %arg10: memref<256xi32, #tpu.memory_space<vmem>>, %arg11: memref<256xi32, #tpu.memory_space<vmem>>, %arg12: memref<256xi32, #tpu.memory_space<vmem>>, %arg13: memref<256xf32, #tpu.memory_space<vmem>>, %arg14: memref<384xi32, #tpu.memory_space<vmem>>, %arg15: memref<384xf32, #tpu.memory_space<vmem>>, %arg16: memref<16xi32, #tpu.memory_space<vmem>>, %arg17: memref<256xi32, #tpu.memory_space<vmem>>, %arg18: memref<32xi32, #tpu.memory_space<vmem>>, %arg19: memref<!tpu.dma_semaphore, #tpu.memory_space<semaphore_mem>>, %arg20: memref<256xi32, #tpu.memory_space<vmem_shared>>) attributes {dimension_semantics = [#tpu.dimension_semantics<core_parallel>, #tpu.dimension_semantics<subcore_parallel>], iteration_bounds = array<i64: 2, 16>, scalar_prefetch = 0 : i64, scratch_operands = 13 : i64, tpu.core_type = #tpu.core_type<sc_vector_subcore>, window_params = [{transform_indices = #map}, {transform_indices = #map}, {transform_indices = #map}, {transform_indices = #map}, {transform_indices = #map}, {transform_indices = #map}]} {
    %iota3A = tpu.iota {dimensions = array<i32: 0>} : vector<16xi32>
    %broadcast_in_dim3A = arith.constant 0 : i32
    %broadcast_in_dim3A_0 = vector.broadcast %broadcast_in_dim3A : i32 to vector<16xi32>
    %eq3A = arith.constant 0 : i32
    %eq3A_1 = arith.cmpi eq, %arg0, %eq3A : i32
    %convert_element_type3A = arith.extui %eq3A_1 : i1 to i32
    %cond3A = arith.constant 0 : i32
    %cond3A_2 = arith.cmpi ne, %convert_element_type3A, %cond3A : i32
    scf.if %cond3A_2 {
      %mul3A = arith.constant 256 : i32
      %mul3A_3 = arith.muli %arg1, %mul3A : i32
      "tpu.region"() ({
        %run_scoped3A = tpu.sem_alloc : memref<!tpu.dma_semaphore, #tpu.memory_space<semaphore_mem>>
        %dma_start3A_481 = tpu.memref_slice %arg2[%mul3A_3] : memref<4096xi32, #tpu.memory_space<hbm>> -> memref<256xi32, #tpu.memory_space<hbm>>
        %dma_start3A_482 = tpu.memref_slice %arg2[%mul3A_3] : memref<4096xi32, #tpu.memory_space<hbm>> -> memref<256xi32, #tpu.memory_space<hbm>>
        tpu.enqueue_dma source(%dma_start3A_482 : memref<256xi32, #tpu.memory_space<hbm>>) target(%arg8 : memref<256xi32, #tpu.memory_space<vmem>>) target_semaphore(%run_scoped3A : memref<!tpu.dma_semaphore, #tpu.memory_space<semaphore_mem>>)
        %dma_wait3A_483 = tpu.memref_slice %arg2[%mul3A_3] : memref<4096xi32, #tpu.memory_space<hbm>> -> memref<256xi32, #tpu.memory_space<hbm>>
        %dma_wait3A_484 = tpu.memref_slice %arg2[%mul3A_3] : memref<4096xi32, #tpu.memory_space<hbm>> -> memref<256xi32, #tpu.memory_space<hbm>>
        tpu.wait_dma2 semaphore(%run_scoped3A : memref<!tpu.dma_semaphore, #tpu.memory_space<semaphore_mem>>) src(%dma_wait3A_484 : memref<256xi32, #tpu.memory_space<hbm>>) dst(%arg8 : memref<256xi32, #tpu.memory_space<vmem>>)
        tpu.yield
      }) : () -> ()
      "tpu.region"() ({
        %run_scoped3A = tpu.sem_alloc : memref<!tpu.dma_semaphore, #tpu.memory_space<semaphore_mem>>
        %dma_start3A_481 = tpu.memref_slice %arg3[%mul3A_3] : memref<4096xf32, #tpu.memory_space<hbm>> -> memref<256xf32, #tpu.memory_space<hbm>>
        %dma_start3A_482 = tpu.memref_slice %arg3[%mul3A_3] : memref<4096xf32, #tpu.memory_space<hbm>> -> memref<256xf32, #tpu.memory_space<hbm>>
        tpu.enqueue_dma source(%dma_start3A_482 : memref<256xf32, #tpu.memory_space<hbm>>) target(%arg9 : memref<256xf32, #tpu.memory_space<vmem>>) target_semaphore(%run_scoped3A : memref<!tpu.dma_semaphore, #tpu.memory_space<semaphore_mem>>)
        %dma_wait3A_483 = tpu.memref_slice %arg3[%mul3A_3] : memref<4096xf32, #tpu.memory_space<hbm>> -> memref<256xf32, #tpu.memory_space<hbm>>
        %dma_wait3A_484 = tpu.memref_slice %arg3[%mul3A_3] : memref<4096xf32, #tpu.memory_space<hbm>> -> memref<256xf32, #tpu.memory_space<hbm>>
        tpu.wait_dma2 semaphore(%run_scoped3A : memref<!tpu.dma_semaphore, #tpu.memory_space<semaphore_mem>>) src(%dma_wait3A_484 : memref<256xf32, #tpu.memory_space<hbm>>) dst(%arg9 : memref<256xf32, #tpu.memory_space<vmem>>)
        tpu.yield
      }) : () -> ()
      %scan3A = arith.constant 0 : i32
      %scan3A_4 = arith.constant 0 : i32
      %scan3A_5 = arith.constant 24 : i32
      %scan3A_6 = arith.addi %scan3A_4, %scan3A_5 : i32
      %scan3A_7 = arith.constant 1 : i32
      %scan3A_8 = scf.for %scan3A_481 = %scan3A_4 to %scan3A_6 step %scan3A_7 iter_args(%scan3A_482 = %scan3A) -> (i32)  : i32 {
        %mul3A_483 = arith.constant 16 : i32
        %mul3A_484 = arith.muli %scan3A_481, %mul3A_483 : i32
        %swap3A_485 = arith.index_cast %mul3A_484 : i32 to index
        %swap3A_486 = tpu.vector_load %arg14[%swap3A_485] {strides = array<i32>} : memref<384xi32, #tpu.memory_space<vmem>>, vector<16xi32>,
        %swap3A_487 = vector.shape_cast %swap3A_486 : vector<16xi32> to vector<16xi32>
        %swap3A_488 = vector.shape_cast %broadcast_in_dim3A_0 : vector<16xi32> to vector<16xi32>
        tpu.vector_store %arg14[%swap3A_485], %swap3A_488 {strides = array<i32>} : memref<384xi32, #tpu.memory_space<vmem>>, vector<16xi32>,
        %broadcast_in_dim3A_489 = arith.constant 0.000000e+00 : f32
        %broadcast_in_dim3A_490 = vector.broadcast %broadcast_in_dim3A_489 : f32 to vector<16xf32>
        %mul3A_491 = arith.constant 16 : i32
        %mul3A_492 = arith.muli %scan3A_481, %mul3A_491 : i32
        %swap3A_493 = arith.index_cast %mul3A_492 : i32 to index
        %swap3A_494 = tpu.vector_load %arg15[%swap3A_493] {strides = array<i32>} : memref<384xf32, #tpu.memory_space<vmem>>, vector<16xf32>,
        %swap3A_495 = vector.shape_cast %swap3A_494 : vector<16xf32> to vector<16xf32>
        %swap3A_496 = vector.shape_cast %broadcast_in_dim3A_490 : vector<16xf32> to vector<16xf32>
        tpu.vector_store %arg15[%swap3A_493], %swap3A_496 {strides = array<i32>} : memref<384xf32, #tpu.memory_space<vmem>>, vector<16xf32>,
        %scan3A_497 = arith.constant 0 : i32
        scf.yield %scan3A_497 : i32
      }
      %scan3A_9 = arith.constant 24 : i32
      %mul3A_10 = arith.constant 384 : i32
      %mul3A_11 = arith.muli %arg1, %mul3A_10 : i32
      "tpu.region"() ({
        %run_scoped3A = tpu.sem_alloc : memref<!tpu.dma_semaphore, #tpu.memory_space<semaphore_mem>>
        %dma_start3A_481 = tpu.memref_slice %arg5[%mul3A_11] : memref<6144xi32, #tpu.memory_space<hbm>> -> memref<384xi32, #tpu.memory_space<hbm>>
        %dma_start3A_482 = tpu.memref_slice %arg5[%mul3A_11] : memref<6144xi32, #tpu.memory_space<hbm>> -> memref<384xi32, #tpu.memory_space<hbm>>
        tpu.enqueue_dma source(%arg14 : memref<384xi32, #tpu.memory_space<vmem>>) target(%dma_start3A_482 : memref<384xi32, #tpu.memory_space<hbm>>) target_semaphore(%run_scoped3A : memref<!tpu.dma_semaphore, #tpu.memory_space<semaphore_mem>>)
        %dma_wait3A_483 = tpu.memref_slice %arg5[%mul3A_11] : memref<6144xi32, #tpu.memory_space<hbm>> -> memref<384xi32, #tpu.memory_space<hbm>>
        %dma_wait3A_484 = tpu.memref_slice %arg5[%mul3A_11] : memref<6144xi32, #tpu.memory_space<hbm>> -> memref<384xi32, #tpu.memory_space<hbm>>
        tpu.wait_dma2 semaphore(%run_scoped3A : memref<!tpu.dma_semaphore, #tpu.memory_space<semaphore_mem>>) src(%arg14 : memref<384xi32, #tpu.memory_space<vmem>>) dst(%dma_wait3A_484 : memref<384xi32, #tpu.memory_space<hbm>>)
        tpu.yield
      }) : () -> ()
      %mul3A_12 = arith.constant 384 : i32
      %mul3A_13 = arith.muli %arg1, %mul3A_12 : i32
      "tpu.region"() ({
        %run_scoped3A = tpu.sem_alloc : memref<!tpu.dma_semaphore, #tpu.memory_space<semaphore_mem>>
        %dma_start3A_481 = tpu.memref_slice %arg6[%mul3A_13] : memref<6144xf32, #tpu.memory_space<hbm>> -> memref<384xf32, #tpu.memory_space<hbm>>
        %dma_start3A_482 = tpu.memref_slice %arg6[%mul3A_13] : memref<6144xf32, #tpu.memory_space<hbm>> -> memref<384xf32, #tpu.memory_space<hbm>>
        tpu.enqueue_dma source(%arg15 : memref<384xf32, #tpu.memory_space<vmem>>) target(%dma_start3A_482 : memref<384xf32, #tpu.memory_space<hbm>>) target_semaphore(%run_scoped3A : memref<!tpu.dma_semaphore, #tpu.memory_space<semaphore_mem>>)
        %dma_wait3A_483 = tpu.memref_slice %arg6[%mul3A_13] : memref<6144xf32, #tpu.memory_space<hbm>> -> memref<384xf32, #tpu.memory_space<hbm>>
        %dma_wait3A_484 = tpu.memref_slice %arg6[%mul3A_13] : memref<6144xf32, #tpu.memory_space<hbm>> -> memref<384xf32, #tpu.memory_space<hbm>>
        tpu.wait_dma2 semaphore(%run_scoped3A : memref<!tpu.dma_semaphore, #tpu.memory_space<semaphore_mem>>) src(%arg15 : memref<384xf32, #tpu.memory_space<vmem>>) dst(%dma_wait3A_484 : memref<384xf32, #tpu.memory_space<hbm>>)
        tpu.yield
      }) : () -> ()
      %scan3A_14 = arith.constant 0 : i32
      %scan3A_15 = arith.constant 16 : i32
      %scan3A_16 = arith.addi %scan3A_14, %scan3A_15 : i32
      %scan3A_17 = arith.constant 1 : i32
      %scan3A_18:8 = scf.for %scan3A_481 = %scan3A_14 to %scan3A_16 step %scan3A_17 iter_args(%scan3A_482 = %broadcast_in_dim3A_0, %scan3A_483 = %broadcast_in_dim3A_0, %scan3A_484 = %broadcast_in_dim3A_0, %scan3A_485 = %broadcast_in_dim3A_0, %scan3A_486 = %broadcast_in_dim3A_0, %scan3A_487 = %broadcast_in_dim3A_0, %scan3A_488 = %broadcast_in_dim3A_0, %scan3A_489 = %broadcast_in_dim3A_0) -> (vector<16xi32>, vector<16xi32>, vector<16xi32>, vector<16xi32>, vector<16xi32>, vector<16xi32>, vector<16xi32>, vector<16xi32>)  : i32 {
        %mul3A_490 = arith.constant 16 : i32
        %mul3A_491 = arith.muli %scan3A_481, %mul3A_490 : i32
        %get3A_492 = arith.index_cast %mul3A_491 : i32 to index
        %get3A_493 = tpu.vector_load %arg8[%get3A_492] {strides = array<i32>} : memref<256xi32, #tpu.memory_space<vmem>>, vector<16xi32>,
        %get3A_494 = vector.shape_cast %get3A_493 : vector<16xi32> to vector<16xi32>
        %broadcast_in_dim3A_495 = arith.constant 0 : i32
        %broadcast_in_dim3A_496 = vector.broadcast %broadcast_in_dim3A_495 : i32 to vector<16xi32>
        %eq3A_497 = arith.cmpi eq, %get3A_494, %broadcast_in_dim3A_496 : vector<16xi32>
        %broadcast_in_dim3A_498 = arith.constant 1 : i32
        %broadcast_in_dim3A_499 = vector.broadcast %broadcast_in_dim3A_498 : i32 to vector<16xi32>
        %select_n3A_500 = arith.select %eq3A_497, %broadcast_in_dim3A_499, %broadcast_in_dim3A_0 : vector<16xi1>, vector<16xi32>
        %broadcast_in_dim3A_501 = arith.constant 0 : i32
        %broadcast_in_dim3A_502 = vector.broadcast %broadcast_in_dim3A_501 : i32 to vector<16xi32>
        %broadcast_in_dim3A_503 = arith.constant 1 : i32
        %broadcast_in_dim3A_504 = vector.broadcast %broadcast_in_dim3A_503 : i32 to vector<16xi32>
        %sub3A_505 = arith.subi %iota3A, %broadcast_in_dim3A_504 : vector<16xi32>
        %max3A_506 = arith.maxsi %sub3A_505, %broadcast_in_dim3A_502 : vector<16xi32>
        %broadcast_in_dim3A_507 = vector.shape_cast %max3A_506 : vector<16xi32> to vector<16x1xi32>
        %gather3A_508 = vector.shape_cast %broadcast_in_dim3A_507 : vector<16x1xi32> to vector<16xi32>
        %gather3A_509 = tpu.dynamic_gather %select_n3A_500[%gather3A_508] in [0] : vector<16xi32>, vector<16xi32> -> vector<16xi32>
        %broadcast_in_dim3A_510 = arith.constant 1 : i32
        %broadcast_in_dim3A_511 = vector.broadcast %broadcast_in_dim3A_510 : i32 to vector<16xi32>
        %ge3A_512 = arith.cmpi sge, %iota3A, %broadcast_in_dim3A_511 : vector<16xi32>
        %select_n3A_513 = arith.select %ge3A_512, %gather3A_509, %broadcast_in_dim3A_502 : vector<16xi1>, vector<16xi32>
        %add3A_514 = arith.addi %select_n3A_500, %select_n3A_513 : vector<16xi32>
        %broadcast_in_dim3A_515 = arith.constant 2 : i32
        %broadcast_in_dim3A_516 = vector.broadcast %broadcast_in_dim3A_515 : i32 to vector<16xi32>
        %sub3A_517 = arith.subi %iota3A, %broadcast_in_dim3A_516 : vector<16xi32>
        %max3A_518 = arith.maxsi %sub3A_517, %broadcast_in_dim3A_502 : vector<16xi32>
        %broadcast_in_dim3A_519 = vector.shape_cast %max3A_518 : vector<16xi32> to vector<16x1xi32>
        %gather3A_520 = vector.shape_cast %broadcast_in_dim3A_519 : vector<16x1xi32> to vector<16xi32>
        %gather3A_521 = tpu.dynamic_gather %add3A_514[%gather3A_520] in [0] : vector<16xi32>, vector<16xi32> -> vector<16xi32>
        %broadcast_in_dim3A_522 = arith.constant 2 : i32
        %broadcast_in_dim3A_523 = vector.broadcast %broadcast_in_dim3A_522 : i32 to vector<16xi32>
        %ge3A_524 = arith.cmpi sge, %iota3A, %broadcast_in_dim3A_523 : vector<16xi32>
        %select_n3A_525 = arith.select %ge3A_524, %gather3A_521, %broadcast_in_dim3A_502 : vector<16xi1>, vector<16xi32>
        %add3A_526 = arith.addi %add3A_514, %select_n3A_525 : vector<16xi32>
        %broadcast_in_dim3A_527 = arith.constant 4 : i32
        %broadcast_in_dim3A_528 = vector.broadcast %broadcast_in_dim3A_527 : i32 to vector<16xi32>
        %sub3A_529 = arith.subi %iota3A, %broadcast_in_dim3A_528 : vector<16xi32>
        %max3A_530 = arith.maxsi %sub3A_529, %broadcast_in_dim3A_502 : vector<16xi32>
        %broadcast_in_dim3A_531 = vector.shape_cast %max3A_530 : vector<16xi32> to vector<16x1xi32>
        %gather3A_532 = vector.shape_cast %broadcast_in_dim3A_531 : vector<16x1xi32> to vector<16xi32>
        %gather3A_533 = tpu.dynamic_gather %add3A_526[%gather3A_532] in [0] : vector<16xi32>, vector<16xi32> -> vector<16xi32>
        %broadcast_in_dim3A_534 = arith.constant 4 : i32
        %broadcast_in_dim3A_535 = vector.broadcast %broadcast_in_dim3A_534 : i32 to vector<16xi32>
        %ge3A_536 = arith.cmpi sge, %iota3A, %broadcast_in_dim3A_535 : vector<16xi32>
        %select_n3A_537 = arith.select %ge3A_536, %gather3A_533, %broadcast_in_dim3A_502 : vector<16xi1>, vector<16xi32>
        %add3A_538 = arith.addi %add3A_526, %select_n3A_537 : vector<16xi32>
        %broadcast_in_dim3A_539 = arith.constant 8 : i32
        %broadcast_in_dim3A_540 = vector.broadcast %broadcast_in_dim3A_539 : i32 to vector<16xi32>
        %sub3A_541 = arith.subi %iota3A, %broadcast_in_dim3A_540 : vector<16xi32>
        %max3A_542 = arith.maxsi %sub3A_541, %broadcast_in_dim3A_502 : vector<16xi32>
        %broadcast_in_dim3A_543 = vector.shape_cast %max3A_542 : vector<16xi32> to vector<16x1xi32>
        %gather3A_544 = vector.shape_cast %broadcast_in_dim3A_543 : vector<16x1xi32> to vector<16xi32>
        %gather3A_545 = tpu.dynamic_gather %add3A_538[%gather3A_544] in [0] : vector<16xi32>, vector<16xi32> -> vector<16xi32>
        %broadcast_in_dim3A_546 = arith.constant 8 : i32
        %broadcast_in_dim3A_547 = vector.broadcast %broadcast_in_dim3A_546 : i32 to vector<16xi32>
        %ge3A_548 = arith.cmpi sge, %iota3A, %broadcast_in_dim3A_547 : vector<16xi32>
        %select_n3A_549 = arith.select %ge3A_548, %gather3A_545, %broadcast_in_dim3A_502 : vector<16xi1>, vector<16xi32>
        %add3A_550 = arith.addi %add3A_538, %select_n3A_549 : vector<16xi32>
        %add3A_551 = arith.addi %scan3A_482, %add3A_550 : vector<16xi32>
        %broadcast_in_dim3A_552 = arith.constant 1 : i32
        %broadcast_in_dim3A_553 = vector.broadcast %broadcast_in_dim3A_552 : i32 to vector<16xi32>
        %sub3A_554 = arith.subi %add3A_551, %broadcast_in_dim3A_553 : vector<16xi32>
        %select_n3A_555 = arith.select %eq3A_497, %sub3A_554, %broadcast_in_dim3A_0 : vector<16xi1>, vector<16xi32>
        %broadcast_in_dim3A_556 = arith.constant 15 : i32
        %broadcast_in_dim3A_557 = vector.broadcast %broadcast_in_dim3A_556 : i32 to vector<16xi32>
        %broadcast_in_dim3A_558 = vector.shape_cast %broadcast_in_dim3A_557 : vector<16xi32> to vector<16x1xi32>
        %gather3A_559 = vector.shape_cast %broadcast_in_dim3A_558 : vector<16x1xi32> to vector<16xi32>
        %gather3A_560 = tpu.dynamic_gather %add3A_550[%gather3A_559] in [0] : vector<16xi32>, vector<16xi32> -> vector<16xi32>
        %add3A_561 = arith.addi %scan3A_482, %gather3A_560 : vector<16xi32>
        %broadcast_in_dim3A_562 = arith.constant 1 : i32
        %broadcast_in_dim3A_563 = vector.broadcast %broadcast_in_dim3A_562 : i32 to vector<16xi32>
        %eq3A_564 = arith.cmpi eq, %get3A_494, %broadcast_in_dim3A_563 : vector<16xi32>
        %broadcast_in_dim3A_565 = arith.constant 1 : i32
        %broadcast_in_dim3A_566 = vector.broadcast %broadcast_in_dim3A_565 : i32 to vector<16xi32>
        %select_n3A_567 = arith.select %eq3A_564, %broadcast_in_dim3A_566, %broadcast_in_dim3A_0 : vector<16xi1>, vector<16xi32>
        %broadcast_in_dim3A_568 = arith.constant 0 : i32
        %broadcast_in_dim3A_569 = vector.broadcast %broadcast_in_dim3A_568 : i32 to vector<16xi32>
        %broadcast_in_dim3A_570 = arith.constant 1 : i32
        %broadcast_in_dim3A_571 = vector.broadcast %broadcast_in_dim3A_570 : i32 to vector<16xi32>
        %sub3A_572 = arith.subi %iota3A, %broadcast_in_dim3A_571 : vector<16xi32>
        %max3A_573 = arith.maxsi %sub3A_572, %broadcast_in_dim3A_569 : vector<16xi32>
        %broadcast_in_dim3A_574 = vector.shape_cast %max3A_573 : vector<16xi32> to vector<16x1xi32>
        %gather3A_575 = vector.shape_cast %broadcast_in_dim3A_574 : vector<16x1xi32> to vector<16xi32>
        %gather3A_576 = tpu.dynamic_gather %select_n3A_567[%gather3A_575] in [0] : vector<16xi32>, vector<16xi32> -> vector<16xi32>
        %broadcast_in_dim3A_577 = arith.constant 1 : i32
        %broadcast_in_dim3A_578 = vector.broadcast %broadcast_in_dim3A_577 : i32 to vector<16xi32>
        %ge3A_579 = arith.cmpi sge, %iota3A, %broadcast_in_dim3A_578 : vector<16xi32>
        %select_n3A_580 = arith.select %ge3A_579, %gather3A_576, %broadcast_in_dim3A_569 : vector<16xi1>, vector<16xi32>
        %add3A_581 = arith.addi %select_n3A_567, %select_n3A_580 : vector<16xi32>
        %broadcast_in_dim3A_582 = arith.constant 2 : i32
        %broadcast_in_dim3A_583 = vector.broadcast %broadcast_in_dim3A_582 : i32 to vector<16xi32>
        %sub3A_584 = arith.subi %iota3A, %broadcast_in_dim3A_583 : vector<16xi32>
        %max3A_585 = arith.maxsi %sub3A_584, %broadcast_in_dim3A_569 : vector<16xi32>
        %broadcast_in_dim3A_586 = vector.shape_cast %max3A_585 : vector<16xi32> to vector<16x1xi32>
        %gather3A_587 = vector.shape_cast %broadcast_in_dim3A_586 : vector<16x1xi32> to vector<16xi32>
        %gather3A_588 = tpu.dynamic_gather %add3A_581[%gather3A_587] in [0] : vector<16xi32>, vector<16xi32> -> vector<16xi32>
        %broadcast_in_dim3A_589 = arith.constant 2 : i32
        %broadcast_in_dim3A_590 = vector.broadcast %broadcast_in_dim3A_589 : i32 to vector<16xi32>
        %ge3A_591 = arith.cmpi sge, %iota3A, %broadcast_in_dim3A_590 : vector<16xi32>
        %select_n3A_592 = arith.select %ge3A_591, %gather3A_588, %broadcast_in_dim3A_569 : vector<16xi1>, vector<16xi32>
        %add3A_593 = arith.addi %add3A_581, %select_n3A_592 : vector<16xi32>
        %broadcast_in_dim3A_594 = arith.constant 4 : i32
        %broadcast_in_dim3A_595 = vector.broadcast %broadcast_in_dim3A_594 : i32 to vector<16xi32>
        %sub3A_596 = arith.subi %iota3A, %broadcast_in_dim3A_595 : vector<16xi32>
        %max3A_597 = arith.maxsi %sub3A_596, %broadcast_in_dim3A_569 : vector<16xi32>
        %broadcast_in_dim3A_598 = vector.shape_cast %max3A_597 : vector<16xi32> to vector<16x1xi32>
        %gather3A_599 = vector.shape_cast %broadcast_in_dim3A_598 : vector<16x1xi32> to vector<16xi32>
        %gather3A_600 = tpu.dynamic_gather %add3A_593[%gather3A_599] in [0] : vector<16xi32>, vector<16xi32> -> vector<16xi32>
        %broadcast_in_dim3A_601 = arith.constant 4 : i32
        %broadcast_in_dim3A_602 = vector.broadcast %broadcast_in_dim3A_601 : i32 to vector<16xi32>
        %ge3A_603 = arith.cmpi sge, %iota3A, %broadcast_in_dim3A_602 : vector<16xi32>
        %select_n3A_604 = arith.select %ge3A_603, %gather3A_600, %broadcast_in_dim3A_569 : vector<16xi1>, vector<16xi32>
        %add3A_605 = arith.addi %add3A_593, %select_n3A_604 : vector<16xi32>
        %broadcast_in_dim3A_606 = arith.constant 8 : i32
        %broadcast_in_dim3A_607 = vector.broadcast %broadcast_in_dim3A_606 : i32 to vector<16xi32>
        %sub3A_608 = arith.subi %iota3A, %broadcast_in_dim3A_607 : vector<16xi32>
        %max3A_609 = arith.maxsi %sub3A_608, %broadcast_in_dim3A_569 : vector<16xi32>
        %broadcast_in_dim3A_610 = vector.shape_cast %max3A_609 : vector<16xi32> to vector<16x1xi32>
        %gather3A_611 = vector.shape_cast %broadcast_in_dim3A_610 : vector<16x1xi32> to vector<16xi32>
        %gather3A_612 = tpu.dynamic_gather %add3A_605[%gather3A_611] in [0] : vector<16xi32>, vector<16xi32> -> vector<16xi32>
        %broadcast_in_dim3A_613 = arith.constant 8 : i32
        %broadcast_in_dim3A_614 = vector.broadcast %broadcast_in_dim3A_613 : i32 to vector<16xi32>
        %ge3A_615 = arith.cmpi sge, %iota3A, %broadcast_in_dim3A_614 : vector<16xi32>
        %select_n3A_616 = arith.select %ge3A_615, %gather3A_612, %broadcast_in_dim3A_569 : vector<16xi1>, vector<16xi32>
        %add3A_617 = arith.addi %add3A_605, %select_n3A_616 : vector<16xi32>
        %add3A_618 = arith.addi %scan3A_483, %add3A_617 : vector<16xi32>
        %broadcast_in_dim3A_619 = arith.constant 1 : i32
        %broadcast_in_dim3A_620 = vector.broadcast %broadcast_in_dim3A_619 : i32 to vector<16xi32>
        %sub3A_621 = arith.subi %add3A_618, %broadcast_in_dim3A_620 : vector<16xi32>
        %select_n3A_622 = arith.select %eq3A_564, %sub3A_621, %select_n3A_555 : vector<16xi1>, vector<16xi32>
        %broadcast_in_dim3A_623 = arith.constant 15 : i32
        %broadcast_in_dim3A_624 = vector.broadcast %broadcast_in_dim3A_623 : i32 to vector<16xi32>
        %broadcast_in_dim3A_625 = vector.shape_cast %broadcast_in_dim3A_624 : vector<16xi32> to vector<16x1xi32>
        %gather3A_626 = vector.shape_cast %broadcast_in_dim3A_625 : vector<16x1xi32> to vector<16xi32>
        %gather3A_627 = tpu.dynamic_gather %add3A_617[%gather3A_626] in [0] : vector<16xi32>, vector<16xi32> -> vector<16xi32>
        %add3A_628 = arith.addi %scan3A_483, %gather3A_627 : vector<16xi32>
        %broadcast_in_dim3A_629 = arith.constant 2 : i32
        %broadcast_in_dim3A_630 = vector.broadcast %broadcast_in_dim3A_629 : i32 to vector<16xi32>
        %eq3A_631 = arith.cmpi eq, %get3A_494, %broadcast_in_dim3A_630 : vector<16xi32>
        %broadcast_in_dim3A_632 = arith.constant 1 : i32
        %broadcast_in_dim3A_633 = vector.broadcast %broadcast_in_dim3A_632 : i32 to vector<16xi32>
        %select_n3A_634 = arith.select %eq3A_631, %broadcast_in_dim3A_633, %broadcast_in_dim3A_0 : vector<16xi1>, vector<16xi32>
        %broadcast_in_dim3A_635 = arith.constant 0 : i32
        %broadcast_in_dim3A_636 = vector.broadcast %broadcast_in_dim3A_635 : i32 to vector<16xi32>
        %broadcast_in_dim3A_637 = arith.constant 1 : i32
        %broadcast_in_dim3A_638 = vector.broadcast %broadcast_in_dim3A_637 : i32 to vector<16xi32>
        %sub3A_639 = arith.subi %iota3A, %broadcast_in_dim3A_638 : vector<16xi32>
        %max3A_640 = arith.maxsi %sub3A_639, %broadcast_in_dim3A_636 : vector<16xi32>
        %broadcast_in_dim3A_641 = vector.shape_cast %max3A_640 : vector<16xi32> to vector<16x1xi32>
        %gather3A_642 = vector.shape_cast %broadcast_in_dim3A_641 : vector<16x1xi32> to vector<16xi32>
        %gather3A_643 = tpu.dynamic_gather %select_n3A_634[%gather3A_642] in [0] : vector<16xi32>, vector<16xi32> -> vector<16xi32>
        %broadcast_in_dim3A_644 = arith.constant 1 : i32
        %broadcast_in_dim3A_645 = vector.broadcast %broadcast_in_dim3A_644 : i32 to vector<16xi32>
        %ge3A_646 = arith.cmpi sge, %iota3A, %broadcast_in_dim3A_645 : vector<16xi32>
        %select_n3A_647 = arith.select %ge3A_646, %gather3A_643, %broadcast_in_dim3A_636 : vector<16xi1>, vector<16xi32>
        %add3A_648 = arith.addi %select_n3A_634, %select_n3A_647 : vector<16xi32>
        %broadcast_in_dim3A_649 = arith.constant 2 : i32
        %broadcast_in_dim3A_650 = vector.broadcast %broadcast_in_dim3A_649 : i32 to vector<16xi32>
        %sub3A_651 = arith.subi %iota3A, %broadcast_in_dim3A_650 : vector<16xi32>
        %max3A_652 = arith.maxsi %sub3A_651, %broadcast_in_dim3A_636 : vector<16xi32>
        %broadcast_in_dim3A_653 = vector.shape_cast %max3A_652 : vector<16xi32> to vector<16x1xi32>
        %gather3A_654 = vector.shape_cast %broadcast_in_dim3A_653 : vector<16x1xi32> to vector<16xi32>
        %gather3A_655 = tpu.dynamic_gather %add3A_648[%gather3A_654] in [0] : vector<16xi32>, vector<16xi32> -> vector<16xi32>
        %broadcast_in_dim3A_656 = arith.constant 2 : i32
        %broadcast_in_dim3A_657 = vector.broadcast %broadcast_in_dim3A_656 : i32 to vector<16xi32>
        %ge3A_658 = arith.cmpi sge, %iota3A, %broadcast_in_dim3A_657 : vector<16xi32>
        %select_n3A_659 = arith.select %ge3A_658, %gather3A_655, %broadcast_in_dim3A_636 : vector<16xi1>, vector<16xi32>
        %add3A_660 = arith.addi %add3A_648, %select_n3A_659 : vector<16xi32>
        %broadcast_in_dim3A_661 = arith.constant 4 : i32
        %broadcast_in_dim3A_662 = vector.broadcast %broadcast_in_dim3A_661 : i32 to vector<16xi32>
        %sub3A_663 = arith.subi %iota3A, %broadcast_in_dim3A_662 : vector<16xi32>
        %max3A_664 = arith.maxsi %sub3A_663, %broadcast_in_dim3A_636 : vector<16xi32>
        %broadcast_in_dim3A_665 = vector.shape_cast %max3A_664 : vector<16xi32> to vector<16x1xi32>
        %gather3A_666 = vector.shape_cast %broadcast_in_dim3A_665 : vector<16x1xi32> to vector<16xi32>
        %gather3A_667 = tpu.dynamic_gather %add3A_660[%gather3A_666] in [0] : vector<16xi32>, vector<16xi32> -> vector<16xi32>
        %broadcast_in_dim3A_668 = arith.constant 4 : i32
        %broadcast_in_dim3A_669 = vector.broadcast %broadcast_in_dim3A_668 : i32 to vector<16xi32>
        %ge3A_670 = arith.cmpi sge, %iota3A, %broadcast_in_dim3A_669 : vector<16xi32>
        %select_n3A_671 = arith.select %ge3A_670, %gather3A_667, %broadcast_in_dim3A_636 : vector<16xi1>, vector<16xi32>
        %add3A_672 = arith.addi %add3A_660, %select_n3A_671 : vector<16xi32>
        %broadcast_in_dim3A_673 = arith.constant 8 : i32
        %broadcast_in_dim3A_674 = vector.broadcast %broadcast_in_dim3A_673 : i32 to vector<16xi32>
        %sub3A_675 = arith.subi %iota3A, %broadcast_in_dim3A_674 : vector<16xi32>
        %max3A_676 = arith.maxsi %sub3A_675, %broadcast_in_dim3A_636 : vector<16xi32>
        %broadcast_in_dim3A_677 = vector.shape_cast %max3A_676 : vector<16xi32> to vector<16x1xi32>
        %gather3A_678 = vector.shape_cast %broadcast_in_dim3A_677 : vector<16x1xi32> to vector<16xi32>
        %gather3A_679 = tpu.dynamic_gather %add3A_672[%gather3A_678] in [0] : vector<16xi32>, vector<16xi32> -> vector<16xi32>
        %broadcast_in_dim3A_680 = arith.constant 8 : i32
        %broadcast_in_dim3A_681 = vector.broadcast %broadcast_in_dim3A_680 : i32 to vector<16xi32>
        %ge3A_682 = arith.cmpi sge, %iota3A, %broadcast_in_dim3A_681 : vector<16xi32>
        %select_n3A_683 = arith.select %ge3A_682, %gather3A_679, %broadcast_in_dim3A_636 : vector<16xi1>, vector<16xi32>
        %add3A_684 = arith.addi %add3A_672, %select_n3A_683 : vector<16xi32>
        %add3A_685 = arith.addi %scan3A_484, %add3A_684 : vector<16xi32>
        %broadcast_in_dim3A_686 = arith.constant 1 : i32
        %broadcast_in_dim3A_687 = vector.broadcast %broadcast_in_dim3A_686 : i32 to vector<16xi32>
        %sub3A_688 = arith.subi %add3A_685, %broadcast_in_dim3A_687 : vector<16xi32>
        %select_n3A_689 = arith.select %eq3A_631, %sub3A_688, %select_n3A_622 : vector<16xi1>, vector<16xi32>
        %broadcast_in_dim3A_690 = arith.constant 15 : i32
        %broadcast_in_dim3A_691 = vector.broadcast %broadcast_in_dim3A_690 : i32 to vector<16xi32>
        %broadcast_in_dim3A_692 = vector.shape_cast %broadcast_in_dim3A_691 : vector<16xi32> to vector<16x1xi32>
        %gather3A_693 = vector.shape_cast %broadcast_in_dim3A_692 : vector<16x1xi32> to vector<16xi32>
        %gather3A_694 = tpu.dynamic_gather %add3A_684[%gather3A_693] in [0] : vector<16xi32>, vector<16xi32> -> vector<16xi32>
        %add3A_695 = arith.addi %scan3A_484, %gather3A_694 : vector<16xi32>
        %broadcast_in_dim3A_696 = arith.constant 3 : i32
        %broadcast_in_dim3A_697 = vector.broadcast %broadcast_in_dim3A_696 : i32 to vector<16xi32>
        %eq3A_698 = arith.cmpi eq, %get3A_494, %broadcast_in_dim3A_697 : vector<16xi32>
        %broadcast_in_dim3A_699 = arith.constant 1 : i32
        %broadcast_in_dim3A_700 = vector.broadcast %broadcast_in_dim3A_699 : i32 to vector<16xi32>
        %select_n3A_701 = arith.select %eq3A_698, %broadcast_in_dim3A_700, %broadcast_in_dim3A_0 : vector<16xi1>, vector<16xi32>
        %broadcast_in_dim3A_702 = arith.constant 0 : i32
        %broadcast_in_dim3A_703 = vector.broadcast %broadcast_in_dim3A_702 : i32 to vector<16xi32>
        %broadcast_in_dim3A_704 = arith.constant 1 : i32
        %broadcast_in_dim3A_705 = vector.broadcast %broadcast_in_dim3A_704 : i32 to vector<16xi32>
        %sub3A_706 = arith.subi %iota3A, %broadcast_in_dim3A_705 : vector<16xi32>
        %max3A_707 = arith.maxsi %sub3A_706, %broadcast_in_dim3A_703 : vector<16xi32>
        %broadcast_in_dim3A_708 = vector.shape_cast %max3A_707 : vector<16xi32> to vector<16x1xi32>
        %gather3A_709 = vector.shape_cast %broadcast_in_dim3A_708 : vector<16x1xi32> to vector<16xi32>
        %gather3A_710 = tpu.dynamic_gather %select_n3A_701[%gather3A_709] in [0] : vector<16xi32>, vector<16xi32> -> vector<16xi32>
        %broadcast_in_dim3A_711 = arith.constant 1 : i32
        %broadcast_in_dim3A_712 = vector.broadcast %broadcast_in_dim3A_711 : i32 to vector<16xi32>
        %ge3A_713 = arith.cmpi sge, %iota3A, %broadcast_in_dim3A_712 : vector<16xi32>
        %select_n3A_714 = arith.select %ge3A_713, %gather3A_710, %broadcast_in_dim3A_703 : vector<16xi1>, vector<16xi32>
        %add3A_715 = arith.addi %select_n3A_701, %select_n3A_714 : vector<16xi32>
        %broadcast_in_dim3A_716 = arith.constant 2 : i32
        %broadcast_in_dim3A_717 = vector.broadcast %broadcast_in_dim3A_716 : i32 to vector<16xi32>
        %sub3A_718 = arith.subi %iota3A, %broadcast_in_dim3A_717 : vector<16xi32>
        %max3A_719 = arith.maxsi %sub3A_718, %broadcast_in_dim3A_703 : vector<16xi32>
        %broadcast_in_dim3A_720 = vector.shape_cast %max3A_719 : vector<16xi32> to vector<16x1xi32>
        %gather3A_721 = vector.shape_cast %broadcast_in_dim3A_720 : vector<16x1xi32> to vector<16xi32>
        %gather3A_722 = tpu.dynamic_gather %add3A_715[%gather3A_721] in [0] : vector<16xi32>, vector<16xi32> -> vector<16xi32>
        %broadcast_in_dim3A_723 = arith.constant 2 : i32
        %broadcast_in_dim3A_724 = vector.broadcast %broadcast_in_dim3A_723 : i32 to vector<16xi32>
        %ge3A_725 = arith.cmpi sge, %iota3A, %broadcast_in_dim3A_724 : vector<16xi32>
        %select_n3A_726 = arith.select %ge3A_725, %gather3A_722, %broadcast_in_dim3A_703 : vector<16xi1>, vector<16xi32>
        %add3A_727 = arith.addi %add3A_715, %select_n3A_726 : vector<16xi32>
        %broadcast_in_dim3A_728 = arith.constant 4 : i32
        %broadcast_in_dim3A_729 = vector.broadcast %broadcast_in_dim3A_728 : i32 to vector<16xi32>
        %sub3A_730 = arith.subi %iota3A, %broadcast_in_dim3A_729 : vector<16xi32>
        %max3A_731 = arith.maxsi %sub3A_730, %broadcast_in_dim3A_703 : vector<16xi32>
        %broadcast_in_dim3A_732 = vector.shape_cast %max3A_731 : vector<16xi32> to vector<16x1xi32>
        %gather3A_733 = vector.shape_cast %broadcast_in_dim3A_732 : vector<16x1xi32> to vector<16xi32>
        %gather3A_734 = tpu.dynamic_gather %add3A_727[%gather3A_733] in [0] : vector<16xi32>, vector<16xi32> -> vector<16xi32>
        %broadcast_in_dim3A_735 = arith.constant 4 : i32
        %broadcast_in_dim3A_736 = vector.broadcast %broadcast_in_dim3A_735 : i32 to vector<16xi32>
        %ge3A_737 = arith.cmpi sge, %iota3A, %broadcast_in_dim3A_736 : vector<16xi32>
        %select_n3A_738 = arith.select %ge3A_737, %gather3A_734, %broadcast_in_dim3A_703 : vector<16xi1>, vector<16xi32>
        %add3A_739 = arith.addi %add3A_727, %select_n3A_738 : vector<16xi32>
        %broadcast_in_dim3A_740 = arith.constant 8 : i32
        %broadcast_in_dim3A_741 = vector.broadcast %broadcast_in_dim3A_740 : i32 to vector<16xi32>
        %sub3A_742 = arith.subi %iota3A, %broadcast_in_dim3A_741 : vector<16xi32>
        %max3A_743 = arith.maxsi %sub3A_742, %broadcast_in_dim3A_703 : vector<16xi32>
        %broadcast_in_dim3A_744 = vector.shape_cast %max3A_743 : vector<16xi32> to vector<16x1xi32>
        %gather3A_745 = vector.shape_cast %broadcast_in_dim3A_744 : vector<16x1xi32> to vector<16xi32>
        %gather3A_746 = tpu.dynamic_gather %add3A_739[%gather3A_745] in [0] : vector<16xi32>, vector<16xi32> -> vector<16xi32>
        %broadcast_in_dim3A_747 = arith.constant 8 : i32
        %broadcast_in_dim3A_748 = vector.broadcast %broadcast_in_dim3A_747 : i32 to vector<16xi32>
        %ge3A_749 = arith.cmpi sge, %iota3A, %broadcast_in_dim3A_748 : vector<16xi32>
        %select_n3A_750 = arith.select %ge3A_749, %gather3A_746, %broadcast_in_dim3A_703 : vector<16xi1>, vector<16xi32>
        %add3A_751 = arith.addi %add3A_739, %select_n3A_750 : vector<16xi32>
        %add3A_752 = arith.addi %scan3A_485, %add3A_751 : vector<16xi32>
        %broadcast_in_dim3A_753 = arith.constant 1 : i32
        %broadcast_in_dim3A_754 = vector.broadcast %broadcast_in_dim3A_753 : i32 to vector<16xi32>
        %sub3A_755 = arith.subi %add3A_752, %broadcast_in_dim3A_754 : vector<16xi32>
        %select_n3A_756 = arith.select %eq3A_698, %sub3A_755, %select_n3A_689 : vector<16xi1>, vector<16xi32>
        %broadcast_in_dim3A_757 = arith.constant 15 : i32
        %broadcast_in_dim3A_758 = vector.broadcast %broadcast_in_dim3A_757 : i32 to vector<16xi32>
        %broadcast_in_dim3A_759 = vector.shape_cast %broadcast_in_dim3A_758 : vector<16xi32> to vector<16x1xi32>
        %gather3A_760 = vector.shape_cast %broadcast_in_dim3A_759 : vector<16x1xi32> to vector<16xi32>
        %gather3A_761 = tpu.dynamic_gather %add3A_751[%gather3A_760] in [0] : vector<16xi32>, vector<16xi32> -> vector<16xi32>
        %add3A_762 = arith.addi %scan3A_485, %gather3A_761 : vector<16xi32>
        %broadcast_in_dim3A_763 = arith.constant 4 : i32
        %broadcast_in_dim3A_764 = vector.broadcast %broadcast_in_dim3A_763 : i32 to vector<16xi32>
        %eq3A_765 = arith.cmpi eq, %get3A_494, %broadcast_in_dim3A_764 : vector<16xi32>
        %broadcast_in_dim3A_766 = arith.constant 1 : i32
        %broadcast_in_dim3A_767 = vector.broadcast %broadcast_in_dim3A_766 : i32 to vector<16xi32>
        %select_n3A_768 = arith.select %eq3A_765, %broadcast_in_dim3A_767, %broadcast_in_dim3A_0 : vector<16xi1>, vector<16xi32>
        %broadcast_in_dim3A_769 = arith.constant 0 : i32
        %broadcast_in_dim3A_770 = vector.broadcast %broadcast_in_dim3A_769 : i32 to vector<16xi32>
        %broadcast_in_dim3A_771 = arith.constant 1 : i32
        %broadcast_in_dim3A_772 = vector.broadcast %broadcast_in_dim3A_771 : i32 to vector<16xi32>
        %sub3A_773 = arith.subi %iota3A, %broadcast_in_dim3A_772 : vector<16xi32>
        %max3A_774 = arith.maxsi %sub3A_773, %broadcast_in_dim3A_770 : vector<16xi32>
        %broadcast_in_dim3A_775 = vector.shape_cast %max3A_774 : vector<16xi32> to vector<16x1xi32>
        %gather3A_776 = vector.shape_cast %broadcast_in_dim3A_775 : vector<16x1xi32> to vector<16xi32>
        %gather3A_777 = tpu.dynamic_gather %select_n3A_768[%gather3A_776] in [0] : vector<16xi32>, vector<16xi32> -> vector<16xi32>
        %broadcast_in_dim3A_778 = arith.constant 1 : i32
        %broadcast_in_dim3A_779 = vector.broadcast %broadcast_in_dim3A_778 : i32 to vector<16xi32>
        %ge3A_780 = arith.cmpi sge, %iota3A, %broadcast_in_dim3A_779 : vector<16xi32>
        %select_n3A_781 = arith.select %ge3A_780, %gather3A_777, %broadcast_in_dim3A_770 : vector<16xi1>, vector<16xi32>
        %add3A_782 = arith.addi %select_n3A_768, %select_n3A_781 : vector<16xi32>
        %broadcast_in_dim3A_783 = arith.constant 2 : i32
        %broadcast_in_dim3A_784 = vector.broadcast %broadcast_in_dim3A_783 : i32 to vector<16xi32>
        %sub3A_785 = arith.subi %iota3A, %broadcast_in_dim3A_784 : vector<16xi32>
        %max3A_786 = arith.maxsi %sub3A_785, %broadcast_in_dim3A_770 : vector<16xi32>
        %broadcast_in_dim3A_787 = vector.shape_cast %max3A_786 : vector<16xi32> to vector<16x1xi32>
        %gather3A_788 = vector.shape_cast %broadcast_in_dim3A_787 : vector<16x1xi32> to vector<16xi32>
        %gather3A_789 = tpu.dynamic_gather %add3A_782[%gather3A_788] in [0] : vector<16xi32>, vector<16xi32> -> vector<16xi32>
        %broadcast_in_dim3A_790 = arith.constant 2 : i32
        %broadcast_in_dim3A_791 = vector.broadcast %broadcast_in_dim3A_790 : i32 to vector<16xi32>
        %ge3A_792 = arith.cmpi sge, %iota3A, %broadcast_in_dim3A_791 : vector<16xi32>
        %select_n3A_793 = arith.select %ge3A_792, %gather3A_789, %broadcast_in_dim3A_770 : vector<16xi1>, vector<16xi32>
        %add3A_794 = arith.addi %add3A_782, %select_n3A_793 : vector<16xi32>
        %broadcast_in_dim3A_795 = arith.constant 4 : i32
        %broadcast_in_dim3A_796 = vector.broadcast %broadcast_in_dim3A_795 : i32 to vector<16xi32>
        %sub3A_797 = arith.subi %iota3A, %broadcast_in_dim3A_796 : vector<16xi32>
        %max3A_798 = arith.maxsi %sub3A_797, %broadcast_in_dim3A_770 : vector<16xi32>
        %broadcast_in_dim3A_799 = vector.shape_cast %max3A_798 : vector<16xi32> to vector<16x1xi32>
        %gather3A_800 = vector.shape_cast %broadcast_in_dim3A_799 : vector<16x1xi32> to vector<16xi32>
        %gather3A_801 = tpu.dynamic_gather %add3A_794[%gather3A_800] in [0] : vector<16xi32>, vector<16xi32> -> vector<16xi32>
        %broadcast_in_dim3A_802 = arith.constant 4 : i32
        %broadcast_in_dim3A_803 = vector.broadcast %broadcast_in_dim3A_802 : i32 to vector<16xi32>
        %ge3A_804 = arith.cmpi sge, %iota3A, %broadcast_in_dim3A_803 : vector<16xi32>
        %select_n3A_805 = arith.select %ge3A_804, %gather3A_801, %broadcast_in_dim3A_770 : vector<16xi1>, vector<16xi32>
        %add3A_806 = arith.addi %add3A_794, %select_n3A_805 : vector<16xi32>
        %broadcast_in_dim3A_807 = arith.constant 8 : i32
        %broadcast_in_dim3A_808 = vector.broadcast %broadcast_in_dim3A_807 : i32 to vector<16xi32>
        %sub3A_809 = arith.subi %iota3A, %broadcast_in_dim3A_808 : vector<16xi32>
        %max3A_810 = arith.maxsi %sub3A_809, %broadcast_in_dim3A_770 : vector<16xi32>
        %broadcast_in_dim3A_811 = vector.shape_cast %max3A_810 : vector<16xi32> to vector<16x1xi32>
        %gather3A_812 = vector.shape_cast %broadcast_in_dim3A_811 : vector<16x1xi32> to vector<16xi32>
        %gather3A_813 = tpu.dynamic_gather %add3A_806[%gather3A_812] in [0] : vector<16xi32>, vector<16xi32> -> vector<16xi32>
        %broadcast_in_dim3A_814 = arith.constant 8 : i32
        %broadcast_in_dim3A_815 = vector.broadcast %broadcast_in_dim3A_814 : i32 to vector<16xi32>
        %ge3A_816 = arith.cmpi sge, %iota3A, %broadcast_in_dim3A_815 : vector<16xi32>
        %select_n3A_817 = arith.select %ge3A_816, %gather3A_813, %broadcast_in_dim3A_770 : vector<16xi1>, vector<16xi32>
        %add3A_818 = arith.addi %add3A_806, %select_n3A_817 : vector<16xi32>
        %add3A_819 = arith.addi %scan3A_486, %add3A_818 : vector<16xi32>
        %broadcast_in_dim3A_820 = arith.constant 1 : i32
        %broadcast_in_dim3A_821 = vector.broadcast %broadcast_in_dim3A_820 : i32 to vector<16xi32>
        %sub3A_822 = arith.subi %add3A_819, %broadcast_in_dim3A_821 : vector<16xi32>
        %select_n3A_823 = arith.select %eq3A_765, %sub3A_822, %select_n3A_756 : vector<16xi1>, vector<16xi32>
        %broadcast_in_dim3A_824 = arith.constant 15 : i32
        %broadcast_in_dim3A_825 = vector.broadcast %broadcast_in_dim3A_824 : i32 to vector<16xi32>
        %broadcast_in_dim3A_826 = vector.shape_cast %broadcast_in_dim3A_825 : vector<16xi32> to vector<16x1xi32>
        %gather3A_827 = vector.shape_cast %broadcast_in_dim3A_826 : vector<16x1xi32> to vector<16xi32>
        %gather3A_828 = tpu.dynamic_gather %add3A_818[%gather3A_827] in [0] : vector<16xi32>, vector<16xi32> -> vector<16xi32>
        %add3A_829 = arith.addi %scan3A_486, %gather3A_828 : vector<16xi32>
        %broadcast_in_dim3A_830 = arith.constant 5 : i32
        %broadcast_in_dim3A_831 = vector.broadcast %broadcast_in_dim3A_830 : i32 to vector<16xi32>
        %eq3A_832 = arith.cmpi eq, %get3A_494, %broadcast_in_dim3A_831 : vector<16xi32>
        %broadcast_in_dim3A_833 = arith.constant 1 : i32
        %broadcast_in_dim3A_834 = vector.broadcast %broadcast_in_dim3A_833 : i32 to vector<16xi32>
        %select_n3A_835 = arith.select %eq3A_832, %broadcast_in_dim3A_834, %broadcast_in_dim3A_0 : vector<16xi1>, vector<16xi32>
        %broadcast_in_dim3A_836 = arith.constant 0 : i32
        %broadcast_in_dim3A_837 = vector.broadcast %broadcast_in_dim3A_836 : i32 to vector<16xi32>
        %broadcast_in_dim3A_838 = arith.constant 1 : i32
        %broadcast_in_dim3A_839 = vector.broadcast %broadcast_in_dim3A_838 : i32 to vector<16xi32>
        %sub3A_840 = arith.subi %iota3A, %broadcast_in_dim3A_839 : vector<16xi32>
        %max3A_841 = arith.maxsi %sub3A_840, %broadcast_in_dim3A_837 : vector<16xi32>
        %broadcast_in_dim3A_842 = vector.shape_cast %max3A_841 : vector<16xi32> to vector<16x1xi32>
        %gather3A_843 = vector.shape_cast %broadcast_in_dim3A_842 : vector<16x1xi32> to vector<16xi32>
        %gather3A_844 = tpu.dynamic_gather %select_n3A_835[%gather3A_843] in [0] : vector<16xi32>, vector<16xi32> -> vector<16xi32>
        %broadcast_in_dim3A_845 = arith.constant 1 : i32
        %broadcast_in_dim3A_846 = vector.broadcast %broadcast_in_dim3A_845 : i32 to vector<16xi32>
        %ge3A_847 = arith.cmpi sge, %iota3A, %broadcast_in_dim3A_846 : vector<16xi32>
        %select_n3A_848 = arith.select %ge3A_847, %gather3A_844, %broadcast_in_dim3A_837 : vector<16xi1>, vector<16xi32>
        %add3A_849 = arith.addi %select_n3A_835, %select_n3A_848 : vector<16xi32>
        %broadcast_in_dim3A_850 = arith.constant 2 : i32
        %broadcast_in_dim3A_851 = vector.broadcast %broadcast_in_dim3A_850 : i32 to vector<16xi32>
        %sub3A_852 = arith.subi %iota3A, %broadcast_in_dim3A_851 : vector<16xi32>
        %max3A_853 = arith.maxsi %sub3A_852, %broadcast_in_dim3A_837 : vector<16xi32>
        %broadcast_in_dim3A_854 = vector.shape_cast %max3A_853 : vector<16xi32> to vector<16x1xi32>
        %gather3A_855 = vector.shape_cast %broadcast_in_dim3A_854 : vector<16x1xi32> to vector<16xi32>
        %gather3A_856 = tpu.dynamic_gather %add3A_849[%gather3A_855] in [0] : vector<16xi32>, vector<16xi32> -> vector<16xi32>
        %broadcast_in_dim3A_857 = arith.constant 2 : i32
        %broadcast_in_dim3A_858 = vector.broadcast %broadcast_in_dim3A_857 : i32 to vector<16xi32>
        %ge3A_859 = arith.cmpi sge, %iota3A, %broadcast_in_dim3A_858 : vector<16xi32>
        %select_n3A_860 = arith.select %ge3A_859, %gather3A_856, %broadcast_in_dim3A_837 : vector<16xi1>, vector<16xi32>
        %add3A_861 = arith.addi %add3A_849, %select_n3A_860 : vector<16xi32>
        %broadcast_in_dim3A_862 = arith.constant 4 : i32
        %broadcast_in_dim3A_863 = vector.broadcast %broadcast_in_dim3A_862 : i32 to vector<16xi32>
        %sub3A_864 = arith.subi %iota3A, %broadcast_in_dim3A_863 : vector<16xi32>
        %max3A_865 = arith.maxsi %sub3A_864, %broadcast_in_dim3A_837 : vector<16xi32>
        %broadcast_in_dim3A_866 = vector.shape_cast %max3A_865 : vector<16xi32> to vector<16x1xi32>
        %gather3A_867 = vector.shape_cast %broadcast_in_dim3A_866 : vector<16x1xi32> to vector<16xi32>
        %gather3A_868 = tpu.dynamic_gather %add3A_861[%gather3A_867] in [0] : vector<16xi32>, vector<16xi32> -> vector<16xi32>
        %broadcast_in_dim3A_869 = arith.constant 4 : i32
        %broadcast_in_dim3A_870 = vector.broadcast %broadcast_in_dim3A_869 : i32 to vector<16xi32>
        %ge3A_871 = arith.cmpi sge, %iota3A, %broadcast_in_dim3A_870 : vector<16xi32>
        %select_n3A_872 = arith.select %ge3A_871, %gather3A_868, %broadcast_in_dim3A_837 : vector<16xi1>, vector<16xi32>
        %add3A_873 = arith.addi %add3A_861, %select_n3A_872 : vector<16xi32>
        %broadcast_in_dim3A_874 = arith.constant 8 : i32
        %broadcast_in_dim3A_875 = vector.broadcast %broadcast_in_dim3A_874 : i32 to vector<16xi32>
        %sub3A_876 = arith.subi %iota3A, %broadcast_in_dim3A_875 : vector<16xi32>
        %max3A_877 = arith.maxsi %sub3A_876, %broadcast_in_dim3A_837 : vector<16xi32>
        %broadcast_in_dim3A_878 = vector.shape_cast %max3A_877 : vector<16xi32> to vector<16x1xi32>
        %gather3A_879 = vector.shape_cast %broadcast_in_dim3A_878 : vector<16x1xi32> to vector<16xi32>
        %gather3A_880 = tpu.dynamic_gather %add3A_873[%gather3A_879] in [0] : vector<16xi32>, vector<16xi32> -> vector<16xi32>
        %broadcast_in_dim3A_881 = arith.constant 8 : i32
        %broadcast_in_dim3A_882 = vector.broadcast %broadcast_in_dim3A_881 : i32 to vector<16xi32>
        %ge3A_883 = arith.cmpi sge, %iota3A, %broadcast_in_dim3A_882 : vector<16xi32>
        %select_n3A_884 = arith.select %ge3A_883, %gather3A_880, %broadcast_in_dim3A_837 : vector<16xi1>, vector<16xi32>
        %add3A_885 = arith.addi %add3A_873, %select_n3A_884 : vector<16xi32>
        %add3A_886 = arith.addi %scan3A_487, %add3A_885 : vector<16xi32>
        %broadcast_in_dim3A_887 = arith.constant 1 : i32
        %broadcast_in_dim3A_888 = vector.broadcast %broadcast_in_dim3A_887 : i32 to vector<16xi32>
        %sub3A_889 = arith.subi %add3A_886, %broadcast_in_dim3A_888 : vector<16xi32>
        %select_n3A_890 = arith.select %eq3A_832, %sub3A_889, %select_n3A_823 : vector<16xi1>, vector<16xi32>
        %broadcast_in_dim3A_891 = arith.constant 15 : i32
        %broadcast_in_dim3A_892 = vector.broadcast %broadcast_in_dim3A_891 : i32 to vector<16xi32>
        %broadcast_in_dim3A_893 = vector.shape_cast %broadcast_in_dim3A_892 : vector<16xi32> to vector<16x1xi32>
        %gather3A_894 = vector.shape_cast %broadcast_in_dim3A_893 : vector<16x1xi32> to vector<16xi32>
        %gather3A_895 = tpu.dynamic_gather %add3A_885[%gather3A_894] in [0] : vector<16xi32>, vector<16xi32> -> vector<16xi32>
        %add3A_896 = arith.addi %scan3A_487, %gather3A_895 : vector<16xi32>
        %broadcast_in_dim3A_897 = arith.constant 6 : i32
        %broadcast_in_dim3A_898 = vector.broadcast %broadcast_in_dim3A_897 : i32 to vector<16xi32>
        %eq3A_899 = arith.cmpi eq, %get3A_494, %broadcast_in_dim3A_898 : vector<16xi32>
        %broadcast_in_dim3A_900 = arith.constant 1 : i32
        %broadcast_in_dim3A_901 = vector.broadcast %broadcast_in_dim3A_900 : i32 to vector<16xi32>
        %select_n3A_902 = arith.select %eq3A_899, %broadcast_in_dim3A_901, %broadcast_in_dim3A_0 : vector<16xi1>, vector<16xi32>
        %broadcast_in_dim3A_903 = arith.constant 0 : i32
        %broadcast_in_dim3A_904 = vector.broadcast %broadcast_in_dim3A_903 : i32 to vector<16xi32>
        %broadcast_in_dim3A_905 = arith.constant 1 : i32
        %broadcast_in_dim3A_906 = vector.broadcast %broadcast_in_dim3A_905 : i32 to vector<16xi32>
        %sub3A_907 = arith.subi %iota3A, %broadcast_in_dim3A_906 : vector<16xi32>
        %max3A_908 = arith.maxsi %sub3A_907, %broadcast_in_dim3A_904 : vector<16xi32>
        %broadcast_in_dim3A_909 = vector.shape_cast %max3A_908 : vector<16xi32> to vector<16x1xi32>
        %gather3A_910 = vector.shape_cast %broadcast_in_dim3A_909 : vector<16x1xi32> to vector<16xi32>
        %gather3A_911 = tpu.dynamic_gather %select_n3A_902[%gather3A_910] in [0] : vector<16xi32>, vector<16xi32> -> vector<16xi32>
        %broadcast_in_dim3A_912 = arith.constant 1 : i32
        %broadcast_in_dim3A_913 = vector.broadcast %broadcast_in_dim3A_912 : i32 to vector<16xi32>
        %ge3A_914 = arith.cmpi sge, %iota3A, %broadcast_in_dim3A_913 : vector<16xi32>
        %select_n3A_915 = arith.select %ge3A_914, %gather3A_911, %broadcast_in_dim3A_904 : vector<16xi1>, vector<16xi32>
        %add3A_916 = arith.addi %select_n3A_902, %select_n3A_915 : vector<16xi32>
        %broadcast_in_dim3A_917 = arith.constant 2 : i32
        %broadcast_in_dim3A_918 = vector.broadcast %broadcast_in_dim3A_917 : i32 to vector<16xi32>
        %sub3A_919 = arith.subi %iota3A, %broadcast_in_dim3A_918 : vector<16xi32>
        %max3A_920 = arith.maxsi %sub3A_919, %broadcast_in_dim3A_904 : vector<16xi32>
        %broadcast_in_dim3A_921 = vector.shape_cast %max3A_920 : vector<16xi32> to vector<16x1xi32>
        %gather3A_922 = vector.shape_cast %broadcast_in_dim3A_921 : vector<16x1xi32> to vector<16xi32>
        %gather3A_923 = tpu.dynamic_gather %add3A_916[%gather3A_922] in [0] : vector<16xi32>, vector<16xi32> -> vector<16xi32>
        %broadcast_in_dim3A_924 = arith.constant 2 : i32
        %broadcast_in_dim3A_925 = vector.broadcast %broadcast_in_dim3A_924 : i32 to vector<16xi32>
        %ge3A_926 = arith.cmpi sge, %iota3A, %broadcast_in_dim3A_925 : vector<16xi32>
        %select_n3A_927 = arith.select %ge3A_926, %gather3A_923, %broadcast_in_dim3A_904 : vector<16xi1>, vector<16xi32>
        %add3A_928 = arith.addi %add3A_916, %select_n3A_927 : vector<16xi32>
        %broadcast_in_dim3A_929 = arith.constant 4 : i32
        %broadcast_in_dim3A_930 = vector.broadcast %broadcast_in_dim3A_929 : i32 to vector<16xi32>
        %sub3A_931 = arith.subi %iota3A, %broadcast_in_dim3A_930 : vector<16xi32>
        %max3A_932 = arith.maxsi %sub3A_931, %broadcast_in_dim3A_904 : vector<16xi32>
        %broadcast_in_dim3A_933 = vector.shape_cast %max3A_932 : vector<16xi32> to vector<16x1xi32>
        %gather3A_934 = vector.shape_cast %broadcast_in_dim3A_933 : vector<16x1xi32> to vector<16xi32>
        %gather3A_935 = tpu.dynamic_gather %add3A_928[%gather3A_934] in [0] : vector<16xi32>, vector<16xi32> -> vector<16xi32>
        %broadcast_in_dim3A_936 = arith.constant 4 : i32
        %broadcast_in_dim3A_937 = vector.broadcast %broadcast_in_dim3A_936 : i32 to vector<16xi32>
        %ge3A_938 = arith.cmpi sge, %iota3A, %broadcast_in_dim3A_937 : vector<16xi32>
        %select_n3A_939 = arith.select %ge3A_938, %gather3A_935, %broadcast_in_dim3A_904 : vector<16xi1>, vector<16xi32>
        %add3A_940 = arith.addi %add3A_928, %select_n3A_939 : vector<16xi32>
        %broadcast_in_dim3A_941 = arith.constant 8 : i32
        %broadcast_in_dim3A_942 = vector.broadcast %broadcast_in_dim3A_941 : i32 to vector<16xi32>
        %sub3A_943 = arith.subi %iota3A, %broadcast_in_dim3A_942 : vector<16xi32>
        %max3A_944 = arith.maxsi %sub3A_943, %broadcast_in_dim3A_904 : vector<16xi32>
        %broadcast_in_dim3A_945 = vector.shape_cast %max3A_944 : vector<16xi32> to vector<16x1xi32>
        %gather3A_946 = vector.shape_cast %broadcast_in_dim3A_945 : vector<16x1xi32> to vector<16xi32>
        %gather3A_947 = tpu.dynamic_gather %add3A_940[%gather3A_946] in [0] : vector<16xi32>, vector<16xi32> -> vector<16xi32>
        %broadcast_in_dim3A_948 = arith.constant 8 : i32
        %broadcast_in_dim3A_949 = vector.broadcast %broadcast_in_dim3A_948 : i32 to vector<16xi32>
        %ge3A_950 = arith.cmpi sge, %iota3A, %broadcast_in_dim3A_949 : vector<16xi32>
        %select_n3A_951 = arith.select %ge3A_950, %gather3A_947, %broadcast_in_dim3A_904 : vector<16xi1>, vector<16xi32>
        %add3A_952 = arith.addi %add3A_940, %select_n3A_951 : vector<16xi32>
        %add3A_953 = arith.addi %scan3A_488, %add3A_952 : vector<16xi32>
        %broadcast_in_dim3A_954 = arith.constant 1 : i32
        %broadcast_in_dim3A_955 = vector.broadcast %broadcast_in_dim3A_954 : i32 to vector<16xi32>
        %sub3A_956 = arith.subi %add3A_953, %broadcast_in_dim3A_955 : vector<16xi32>
        %select_n3A_957 = arith.select %eq3A_899, %sub3A_956, %select_n3A_890 : vector<16xi1>, vector<16xi32>
        %broadcast_in_dim3A_958 = arith.constant 15 : i32
        %broadcast_in_dim3A_959 = vector.broadcast %broadcast_in_dim3A_958 : i32 to vector<16xi32>
        %broadcast_in_dim3A_960 = vector.shape_cast %broadcast_in_dim3A_959 : vector<16xi32> to vector<16x1xi32>
        %gather3A_961 = vector.shape_cast %broadcast_in_dim3A_960 : vector<16x1xi32> to vector<16xi32>
        %gather3A_962 = tpu.dynamic_gather %add3A_952[%gather3A_961] in [0] : vector<16xi32>, vector<16xi32> -> vector<16xi32>
        %add3A_963 = arith.addi %scan3A_488, %gather3A_962 : vector<16xi32>
        %broadcast_in_dim3A_964 = arith.constant 7 : i32
        %broadcast_in_dim3A_965 = vector.broadcast %broadcast_in_dim3A_964 : i32 to vector<16xi32>
        %eq3A_966 = arith.cmpi eq, %get3A_494, %broadcast_in_dim3A_965 : vector<16xi32>
        %broadcast_in_dim3A_967 = arith.constant 1 : i32
        %broadcast_in_dim3A_968 = vector.broadcast %broadcast_in_dim3A_967 : i32 to vector<16xi32>
        %select_n3A_969 = arith.select %eq3A_966, %broadcast_in_dim3A_968, %broadcast_in_dim3A_0 : vector<16xi1>, vector<16xi32>
        %broadcast_in_dim3A_970 = arith.constant 0 : i32
        %broadcast_in_dim3A_971 = vector.broadcast %broadcast_in_dim3A_970 : i32 to vector<16xi32>
        %broadcast_in_dim3A_972 = arith.constant 1 : i32
        %broadcast_in_dim3A_973 = vector.broadcast %broadcast_in_dim3A_972 : i32 to vector<16xi32>
        %sub3A_974 = arith.subi %iota3A, %broadcast_in_dim3A_973 : vector<16xi32>
        %max3A_975 = arith.maxsi %sub3A_974, %broadcast_in_dim3A_971 : vector<16xi32>
        %broadcast_in_dim3A_976 = vector.shape_cast %max3A_975 : vector<16xi32> to vector<16x1xi32>
        %gather3A_977 = vector.shape_cast %broadcast_in_dim3A_976 : vector<16x1xi32> to vector<16xi32>
        %gather3A_978 = tpu.dynamic_gather %select_n3A_969[%gather3A_977] in [0] : vector<16xi32>, vector<16xi32> -> vector<16xi32>
        %broadcast_in_dim3A_979 = arith.constant 1 : i32
        %broadcast_in_dim3A_980 = vector.broadcast %broadcast_in_dim3A_979 : i32 to vector<16xi32>
        %ge3A_981 = arith.cmpi sge, %iota3A, %broadcast_in_dim3A_980 : vector<16xi32>
        %select_n3A_982 = arith.select %ge3A_981, %gather3A_978, %broadcast_in_dim3A_971 : vector<16xi1>, vector<16xi32>
        %add3A_983 = arith.addi %select_n3A_969, %select_n3A_982 : vector<16xi32>
        %broadcast_in_dim3A_984 = arith.constant 2 : i32
        %broadcast_in_dim3A_985 = vector.broadcast %broadcast_in_dim3A_984 : i32 to vector<16xi32>
        %sub3A_986 = arith.subi %iota3A, %broadcast_in_dim3A_985 : vector<16xi32>
        %max3A_987 = arith.maxsi %sub3A_986, %broadcast_in_dim3A_971 : vector<16xi32>
        %broadcast_in_dim3A_988 = vector.shape_cast %max3A_987 : vector<16xi32> to vector<16x1xi32>
        %gather3A_989 = vector.shape_cast %broadcast_in_dim3A_988 : vector<16x1xi32> to vector<16xi32>
        %gather3A_990 = tpu.dynamic_gather %add3A_983[%gather3A_989] in [0] : vector<16xi32>, vector<16xi32> -> vector<16xi32>
        %broadcast_in_dim3A_991 = arith.constant 2 : i32
        %broadcast_in_dim3A_992 = vector.broadcast %broadcast_in_dim3A_991 : i32 to vector<16xi32>
        %ge3A_993 = arith.cmpi sge, %iota3A, %broadcast_in_dim3A_992 : vector<16xi32>
        %select_n3A_994 = arith.select %ge3A_993, %gather3A_990, %broadcast_in_dim3A_971 : vector<16xi1>, vector<16xi32>
        %add3A_995 = arith.addi %add3A_983, %select_n3A_994 : vector<16xi32>
        %broadcast_in_dim3A_996 = arith.constant 4 : i32
        %broadcast_in_dim3A_997 = vector.broadcast %broadcast_in_dim3A_996 : i32 to vector<16xi32>
        %sub3A_998 = arith.subi %iota3A, %broadcast_in_dim3A_997 : vector<16xi32>
        %max3A_999 = arith.maxsi %sub3A_998, %broadcast_in_dim3A_971 : vector<16xi32>
        %broadcast_in_dim3A_1000 = vector.shape_cast %max3A_999 : vector<16xi32> to vector<16x1xi32>
        %gather3A_1001 = vector.shape_cast %broadcast_in_dim3A_1000 : vector<16x1xi32> to vector<16xi32>
        %gather3A_1002 = tpu.dynamic_gather %add3A_995[%gather3A_1001] in [0] : vector<16xi32>, vector<16xi32> -> vector<16xi32>
        %broadcast_in_dim3A_1003 = arith.constant 4 : i32
        %broadcast_in_dim3A_1004 = vector.broadcast %broadcast_in_dim3A_1003 : i32 to vector<16xi32>
        %ge3A_1005 = arith.cmpi sge, %iota3A, %broadcast_in_dim3A_1004 : vector<16xi32>
        %select_n3A_1006 = arith.select %ge3A_1005, %gather3A_1002, %broadcast_in_dim3A_971 : vector<16xi1>, vector<16xi32>
        %add3A_1007 = arith.addi %add3A_995, %select_n3A_1006 : vector<16xi32>
        %broadcast_in_dim3A_1008 = arith.constant 8 : i32
        %broadcast_in_dim3A_1009 = vector.broadcast %broadcast_in_dim3A_1008 : i32 to vector<16xi32>
        %sub3A_1010 = arith.subi %iota3A, %broadcast_in_dim3A_1009 : vector<16xi32>
        %max3A_1011 = arith.maxsi %sub3A_1010, %broadcast_in_dim3A_971 : vector<16xi32>
        %broadcast_in_dim3A_1012 = vector.shape_cast %max3A_1011 : vector<16xi32> to vector<16x1xi32>
        %gather3A_1013 = vector.shape_cast %broadcast_in_dim3A_1012 : vector<16x1xi32> to vector<16xi32>
        %gather3A_1014 = tpu.dynamic_gather %add3A_1007[%gather3A_1013] in [0] : vector<16xi32>, vector<16xi32> -> vector<16xi32>
        %broadcast_in_dim3A_1015 = arith.constant 8 : i32
        %broadcast_in_dim3A_1016 = vector.broadcast %broadcast_in_dim3A_1015 : i32 to vector<16xi32>
        %ge3A_1017 = arith.cmpi sge, %iota3A, %broadcast_in_dim3A_1016 : vector<16xi32>
        %select_n3A_1018 = arith.select %ge3A_1017, %gather3A_1014, %broadcast_in_dim3A_971 : vector<16xi1>, vector<16xi32>
        %add3A_1019 = arith.addi %add3A_1007, %select_n3A_1018 : vector<16xi32>
        %add3A_1020 = arith.addi %scan3A_489, %add3A_1019 : vector<16xi32>
        %broadcast_in_dim3A_1021 = arith.constant 1 : i32
        %broadcast_in_dim3A_1022 = vector.broadcast %broadcast_in_dim3A_1021 : i32 to vector<16xi32>
        %sub3A_1023 = arith.subi %add3A_1020, %broadcast_in_dim3A_1022 : vector<16xi32>
        %select_n3A_1024 = arith.select %eq3A_966, %sub3A_1023, %select_n3A_957 : vector<16xi1>, vector<16xi32>
        %broadcast_in_dim3A_1025 = arith.constant 15 : i32
        %broadcast_in_dim3A_1026 = vector.broadcast %broadcast_in_dim3A_1025 : i32 to vector<16xi32>
        %broadcast_in_dim3A_1027 = vector.shape_cast %broadcast_in_dim3A_1026 : vector<16xi32> to vector<16x1xi32>
        %gather3A_1028 = vector.shape_cast %broadcast_in_dim3A_1027 : vector<16x1xi32> to vector<16xi32>
        %gather3A_1029 = tpu.dynamic_gather %add3A_1019[%gather3A_1028] in [0] : vector<16xi32>, vector<16xi32> -> vector<16xi32>
        %add3A_1030 = arith.addi %scan3A_489, %gather3A_1029 : vector<16xi32>
        %mul3A_1031 = arith.constant 16 : i32
        %mul3A_1032 = arith.muli %scan3A_481, %mul3A_1031 : i32
        %swap3A_1033 = arith.index_cast %mul3A_1032 : i32 to index
        %swap3A_1034 = tpu.vector_load %arg10[%swap3A_1033] {strides = array<i32>} : memref<256xi32, #tpu.memory_space<vmem>>, vector<16xi32>,
        %swap3A_1035 = vector.shape_cast %swap3A_1034 : vector<16xi32> to vector<16xi32>
        %swap3A_1036 = vector.shape_cast %select_n3A_1024 : vector<16xi32> to vector<16xi32>
        tpu.vector_store %arg10[%swap3A_1033], %swap3A_1036 {strides = array<i32>} : memref<256xi32, #tpu.memory_space<vmem>>, vector<16xi32>,
        scf.yield %add3A_561, %add3A_628, %add3A_695, %add3A_762, %add3A_829, %add3A_896, %add3A_963, %add3A_1030 : vector<16xi32>, vector<16xi32>, vector<16xi32>, vector<16xi32>, vector<16xi32>, vector<16xi32>, vector<16xi32>, vector<16xi32>
      }
      %scan3A_19 = arith.constant 16 : i32
      %broadcast_in_dim3A_20 = arith.constant 0 : i32
      %broadcast_in_dim3A_21 = vector.broadcast %broadcast_in_dim3A_20 : i32 to vector<16xi32>
      %eq3A_22 = arith.cmpi eq, %iota3A, %broadcast_in_dim3A_21 : vector<16xi32>
      %select_n3A = arith.select %eq3A_22, %scan3A_18#0, %broadcast_in_dim3A_0 : vector<16xi1>, vector<16xi32>
      %broadcast_in_dim3A_23 = arith.constant 1 : i32
      %broadcast_in_dim3A_24 = vector.broadcast %broadcast_in_dim3A_23 : i32 to vector<16xi32>
      %eq3A_25 = arith.cmpi eq, %iota3A, %broadcast_in_dim3A_24 : vector<16xi32>
      %select_n3A_26 = arith.select %eq3A_25, %scan3A_18#1, %select_n3A : vector<16xi1>, vector<16xi32>
      %broadcast_in_dim3A_27 = arith.constant 2 : i32
      %broadcast_in_dim3A_28 = vector.broadcast %broadcast_in_dim3A_27 : i32 to vector<16xi32>
      %eq3A_29 = arith.cmpi eq, %iota3A, %broadcast_in_dim3A_28 : vector<16xi32>
      %select_n3A_30 = arith.select %eq3A_29, %scan3A_18#2, %select_n3A_26 : vector<16xi1>, vector<16xi32>
      %broadcast_in_dim3A_31 = arith.constant 3 : i32
      %broadcast_in_dim3A_32 = vector.broadcast %broadcast_in_dim3A_31 : i32 to vector<16xi32>
      %eq3A_33 = arith.cmpi eq, %iota3A, %broadcast_in_dim3A_32 : vector<16xi32>
      %select_n3A_34 = arith.select %eq3A_33, %scan3A_18#3, %select_n3A_30 : vector<16xi1>, vector<16xi32>
      %broadcast_in_dim3A_35 = arith.constant 4 : i32
      %broadcast_in_dim3A_36 = vector.broadcast %broadcast_in_dim3A_35 : i32 to vector<16xi32>
      %eq3A_37 = arith.cmpi eq, %iota3A, %broadcast_in_dim3A_36 : vector<16xi32>
      %select_n3A_38 = arith.select %eq3A_37, %scan3A_18#4, %select_n3A_34 : vector<16xi1>, vector<16xi32>
      %broadcast_in_dim3A_39 = arith.constant 5 : i32
      %broadcast_in_dim3A_40 = vector.broadcast %broadcast_in_dim3A_39 : i32 to vector<16xi32>
      %eq3A_41 = arith.cmpi eq, %iota3A, %broadcast_in_dim3A_40 : vector<16xi32>
      %select_n3A_42 = arith.select %eq3A_41, %scan3A_18#5, %select_n3A_38 : vector<16xi1>, vector<16xi32>
      %broadcast_in_dim3A_43 = arith.constant 6 : i32
      %broadcast_in_dim3A_44 = vector.broadcast %broadcast_in_dim3A_43 : i32 to vector<16xi32>
      %eq3A_45 = arith.cmpi eq, %iota3A, %broadcast_in_dim3A_44 : vector<16xi32>
      %select_n3A_46 = arith.select %eq3A_45, %scan3A_18#6, %select_n3A_42 : vector<16xi1>, vector<16xi32>
      %broadcast_in_dim3A_47 = arith.constant 7 : i32
      %broadcast_in_dim3A_48 = vector.broadcast %broadcast_in_dim3A_47 : i32 to vector<16xi32>
      %eq3A_49 = arith.cmpi eq, %iota3A, %broadcast_in_dim3A_48 : vector<16xi32>
      %select_n3A_50 = arith.select %eq3A_49, %scan3A_18#7, %select_n3A_46 : vector<16xi1>, vector<16xi32>
      %swap3A = arith.constant 0 : index
      %swap3A_51 = tpu.vector_load %arg16[%swap3A] {strides = array<i32>} : memref<16xi32, #tpu.memory_space<vmem>>, vector<16xi32>,
      %swap3A_52 = vector.shape_cast %swap3A_51 : vector<16xi32> to vector<16xi32>
      %swap3A_53 = vector.shape_cast %select_n3A_50 : vector<16xi32> to vector<16xi32>
      tpu.vector_store %arg16[%swap3A], %swap3A_53 {strides = array<i32>} : memref<16xi32, #tpu.memory_space<vmem>>, vector<16xi32>,
      %mul3A_54 = arith.constant 16 : i32
      %mul3A_55 = arith.muli %arg1, %mul3A_54 : i32
      "tpu.region"() ({
        %run_scoped3A = tpu.sem_alloc : memref<!tpu.dma_semaphore, #tpu.memory_space<semaphore_mem>>
        %dma_start3A_481 = tpu.memref_slice %arg20[%mul3A_55] : memref<256xi32, #tpu.memory_space<vmem_shared>> -> memref<16xi32, #tpu.memory_space<vmem_shared>>
        %dma_start3A_482 = tpu.memref_slice %arg20[%mul3A_55] : memref<256xi32, #tpu.memory_space<vmem_shared>> -> memref<16xi32, #tpu.memory_space<vmem_shared>>
        tpu.enqueue_dma source(%arg16 : memref<16xi32, #tpu.memory_space<vmem>>) target(%dma_start3A_482 : memref<16xi32, #tpu.memory_space<vmem_shared>>) target_semaphore(%run_scoped3A : memref<!tpu.dma_semaphore, #tpu.memory_space<semaphore_mem>>)
        %dma_wait3A_483 = tpu.memref_slice %arg20[%mul3A_55] : memref<256xi32, #tpu.memory_space<vmem_shared>> -> memref<16xi32, #tpu.memory_space<vmem_shared>>
        %dma_wait3A_484 = tpu.memref_slice %arg20[%mul3A_55] : memref<256xi32, #tpu.memory_space<vmem_shared>> -> memref<16xi32, #tpu.memory_space<vmem_shared>>
        tpu.wait_dma2 semaphore(%run_scoped3A : memref<!tpu.dma_semaphore, #tpu.memory_space<semaphore_mem>>) src(%arg16 : memref<16xi32, #tpu.memory_space<vmem>>) dst(%dma_wait3A_484 : memref<16xi32, #tpu.memory_space<vmem_shared>>)
        tpu.yield
      }) : () -> ()
      %barrier3A = arith.constant 0 : index
      tpu.barrier barrier_id(%barrier3A)
      "tpu.region"() ({
        %run_scoped3A = tpu.sem_alloc : memref<!tpu.dma_semaphore, #tpu.memory_space<semaphore_mem>>
        tpu.enqueue_dma source(%arg20 : memref<256xi32, #tpu.memory_space<vmem_shared>>) target(%arg17 : memref<256xi32, #tpu.memory_space<vmem>>) target_semaphore(%run_scoped3A : memref<!tpu.dma_semaphore, #tpu.memory_space<semaphore_mem>>)
        tpu.wait_dma2 semaphore(%run_scoped3A : memref<!tpu.dma_semaphore, #tpu.memory_space<semaphore_mem>>) src(%arg20 : memref<256xi32, #tpu.memory_space<vmem_shared>>) dst(%arg17 : memref<256xi32, #tpu.memory_space<vmem>>)
        tpu.yield
      }) : () -> ()
      %get3A = arith.constant 0 : index
      %get3A_56 = tpu.vector_load %arg17[%get3A] {strides = array<i32>} : memref<256xi32, #tpu.memory_space<vmem>>, vector<16xi32>,
      %get3A_57 = vector.shape_cast %get3A_56 : vector<16xi32> to vector<16xi32>
      %add3A = arith.addi %broadcast_in_dim3A_0, %get3A_57 : vector<16xi32>
      %sub3A = arith.constant 0 : i32
      %sub3A_58 = arith.subi %arg1, %sub3A : i32
      %max3A = arith.constant 0 : i32
      %max3A_59 = arith.maxsi %sub3A_58, %max3A : i32
      %min3A = arith.constant 1 : i32
      %min3A_60 = arith.minsi %max3A_59, %min3A : i32
      %broadcast_in_dim3A_61 = vector.broadcast %min3A_60 : i32 to vector<16xi32>
      %mul3A_62 = arith.muli %get3A_57, %broadcast_in_dim3A_61 : vector<16xi32>
      %add3A_63 = arith.addi %broadcast_in_dim3A_0, %mul3A_62 : vector<16xi32>
      %get3A_64 = arith.constant 16 : index
      %get3A_65 = tpu.vector_load %arg17[%get3A_64] {strides = array<i32>} : memref<256xi32, #tpu.memory_space<vmem>>, vector<16xi32>,
      %get3A_66 = vector.shape_cast %get3A_65 : vector<16xi32> to vector<16xi32>
      %add3A_67 = arith.addi %add3A, %get3A_66 : vector<16xi32>
      %sub3A_68 = arith.constant 1 : i32
      %sub3A_69 = arith.subi %arg1, %sub3A_68 : i32
      %max3A_70 = arith.constant 0 : i32
      %max3A_71 = arith.maxsi %sub3A_69, %max3A_70 : i32
      %min3A_72 = arith.constant 1 : i32
      %min3A_73 = arith.minsi %max3A_71, %min3A_72 : i32
      %broadcast_in_dim3A_74 = vector.broadcast %min3A_73 : i32 to vector<16xi32>
      %mul3A_75 = arith.muli %get3A_66, %broadcast_in_dim3A_74 : vector<16xi32>
      %add3A_76 = arith.addi %add3A_63, %mul3A_75 : vector<16xi32>
      %get3A_77 = arith.constant 32 : index
      %get3A_78 = tpu.vector_load %arg17[%get3A_77] {strides = array<i32>} : memref<256xi32, #tpu.memory_space<vmem>>, vector<16xi32>,
      %get3A_79 = vector.shape_cast %get3A_78 : vector<16xi32> to vector<16xi32>
      %add3A_80 = arith.addi %add3A_67, %get3A_79 : vector<16xi32>
      %sub3A_81 = arith.constant 2 : i32
      %sub3A_82 = arith.subi %arg1, %sub3A_81 : i32
      %max3A_83 = arith.constant 0 : i32
      %max3A_84 = arith.maxsi %sub3A_82, %max3A_83 : i32
      %min3A_85 = arith.constant 1 : i32
      %min3A_86 = arith.minsi %max3A_84, %min3A_85 : i32
      %broadcast_in_dim3A_87 = vector.broadcast %min3A_86 : i32 to vector<16xi32>
      %mul3A_88 = arith.muli %get3A_79, %broadcast_in_dim3A_87 : vector<16xi32>
      %add3A_89 = arith.addi %add3A_76, %mul3A_88 : vector<16xi32>
      %get3A_90 = arith.constant 48 : index
      %get3A_91 = tpu.vector_load %arg17[%get3A_90] {strides = array<i32>} : memref<256xi32, #tpu.memory_space<vmem>>, vector<16xi32>,
      %get3A_92 = vector.shape_cast %get3A_91 : vector<16xi32> to vector<16xi32>
      %add3A_93 = arith.addi %add3A_80, %get3A_92 : vector<16xi32>
      %sub3A_94 = arith.constant 3 : i32
      %sub3A_95 = arith.subi %arg1, %sub3A_94 : i32
      %max3A_96 = arith.constant 0 : i32
      %max3A_97 = arith.maxsi %sub3A_95, %max3A_96 : i32
      %min3A_98 = arith.constant 1 : i32
      %min3A_99 = arith.minsi %max3A_97, %min3A_98 : i32
      %broadcast_in_dim3A_100 = vector.broadcast %min3A_99 : i32 to vector<16xi32>
      %mul3A_101 = arith.muli %get3A_92, %broadcast_in_dim3A_100 : vector<16xi32>
      %add3A_102 = arith.addi %add3A_89, %mul3A_101 : vector<16xi32>
      %get3A_103 = arith.constant 64 : index
      %get3A_104 = tpu.vector_load %arg17[%get3A_103] {strides = array<i32>} : memref<256xi32, #tpu.memory_space<vmem>>, vector<16xi32>,
      %get3A_105 = vector.shape_cast %get3A_104 : vector<16xi32> to vector<16xi32>
      %add3A_106 = arith.addi %add3A_93, %get3A_105 : vector<16xi32>
      %sub3A_107 = arith.constant 4 : i32
      %sub3A_108 = arith.subi %arg1, %sub3A_107 : i32
      %max3A_109 = arith.constant 0 : i32
      %max3A_110 = arith.maxsi %sub3A_108, %max3A_109 : i32
      %min3A_111 = arith.constant 1 : i32
      %min3A_112 = arith.minsi %max3A_110, %min3A_111 : i32
      %broadcast_in_dim3A_113 = vector.broadcast %min3A_112 : i32 to vector<16xi32>
      %mul3A_114 = arith.muli %get3A_105, %broadcast_in_dim3A_113 : vector<16xi32>
      %add3A_115 = arith.addi %add3A_102, %mul3A_114 : vector<16xi32>
      %get3A_116 = arith.constant 80 : index
      %get3A_117 = tpu.vector_load %arg17[%get3A_116] {strides = array<i32>} : memref<256xi32, #tpu.memory_space<vmem>>, vector<16xi32>,
      %get3A_118 = vector.shape_cast %get3A_117 : vector<16xi32> to vector<16xi32>
      %add3A_119 = arith.addi %add3A_106, %get3A_118 : vector<16xi32>
      %sub3A_120 = arith.constant 5 : i32
      %sub3A_121 = arith.subi %arg1, %sub3A_120 : i32
      %max3A_122 = arith.constant 0 : i32
      %max3A_123 = arith.maxsi %sub3A_121, %max3A_122 : i32
      %min3A_124 = arith.constant 1 : i32
      %min3A_125 = arith.minsi %max3A_123, %min3A_124 : i32
      %broadcast_in_dim3A_126 = vector.broadcast %min3A_125 : i32 to vector<16xi32>
      %mul3A_127 = arith.muli %get3A_118, %broadcast_in_dim3A_126 : vector<16xi32>
      %add3A_128 = arith.addi %add3A_115, %mul3A_127 : vector<16xi32>
      %get3A_129 = arith.constant 96 : index
      %get3A_130 = tpu.vector_load %arg17[%get3A_129] {strides = array<i32>} : memref<256xi32, #tpu.memory_space<vmem>>, vector<16xi32>,
      %get3A_131 = vector.shape_cast %get3A_130 : vector<16xi32> to vector<16xi32>
      %add3A_132 = arith.addi %add3A_119, %get3A_131 : vector<16xi32>
      %sub3A_133 = arith.constant 6 : i32
      %sub3A_134 = arith.subi %arg1, %sub3A_133 : i32
      %max3A_135 = arith.constant 0 : i32
      %max3A_136 = arith.maxsi %sub3A_134, %max3A_135 : i32
      %min3A_137 = arith.constant 1 : i32
      %min3A_138 = arith.minsi %max3A_136, %min3A_137 : i32
      %broadcast_in_dim3A_139 = vector.broadcast %min3A_138 : i32 to vector<16xi32>
      %mul3A_140 = arith.muli %get3A_131, %broadcast_in_dim3A_139 : vector<16xi32>
      %add3A_141 = arith.addi %add3A_128, %mul3A_140 : vector<16xi32>
      %get3A_142 = arith.constant 112 : index
      %get3A_143 = tpu.vector_load %arg17[%get3A_142] {strides = array<i32>} : memref<256xi32, #tpu.memory_space<vmem>>, vector<16xi32>,
      %get3A_144 = vector.shape_cast %get3A_143 : vector<16xi32> to vector<16xi32>
      %add3A_145 = arith.addi %add3A_132, %get3A_144 : vector<16xi32>
      %sub3A_146 = arith.constant 7 : i32
      %sub3A_147 = arith.subi %arg1, %sub3A_146 : i32
      %max3A_148 = arith.constant 0 : i32
      %max3A_149 = arith.maxsi %sub3A_147, %max3A_148 : i32
      %min3A_150 = arith.constant 1 : i32
      %min3A_151 = arith.minsi %max3A_149, %min3A_150 : i32
      %broadcast_in_dim3A_152 = vector.broadcast %min3A_151 : i32 to vector<16xi32>
      %mul3A_153 = arith.muli %get3A_144, %broadcast_in_dim3A_152 : vector<16xi32>
      %add3A_154 = arith.addi %add3A_141, %mul3A_153 : vector<16xi32>
      %get3A_155 = arith.constant 128 : index
      %get3A_156 = tpu.vector_load %arg17[%get3A_155] {strides = array<i32>} : memref<256xi32, #tpu.memory_space<vmem>>, vector<16xi32>,
      %get3A_157 = vector.shape_cast %get3A_156 : vector<16xi32> to vector<16xi32>
      %add3A_158 = arith.addi %add3A_145, %get3A_157 : vector<16xi32>
      %sub3A_159 = arith.constant 8 : i32
      %sub3A_160 = arith.subi %arg1, %sub3A_159 : i32
      %max3A_161 = arith.constant 0 : i32
      %max3A_162 = arith.maxsi %sub3A_160, %max3A_161 : i32
      %min3A_163 = arith.constant 1 : i32
      %min3A_164 = arith.minsi %max3A_162, %min3A_163 : i32
      %broadcast_in_dim3A_165 = vector.broadcast %min3A_164 : i32 to vector<16xi32>
      %mul3A_166 = arith.muli %get3A_157, %broadcast_in_dim3A_165 : vector<16xi32>
      %add3A_167 = arith.addi %add3A_154, %mul3A_166 : vector<16xi32>
      %get3A_168 = arith.constant 144 : index
      %get3A_169 = tpu.vector_load %arg17[%get3A_168] {strides = array<i32>} : memref<256xi32, #tpu.memory_space<vmem>>, vector<16xi32>,
      %get3A_170 = vector.shape_cast %get3A_169 : vector<16xi32> to vector<16xi32>
      %add3A_171 = arith.addi %add3A_158, %get3A_170 : vector<16xi32>
      %sub3A_172 = arith.constant 9 : i32
      %sub3A_173 = arith.subi %arg1, %sub3A_172 : i32
      %max3A_174 = arith.constant 0 : i32
      %max3A_175 = arith.maxsi %sub3A_173, %max3A_174 : i32
      %min3A_176 = arith.constant 1 : i32
      %min3A_177 = arith.minsi %max3A_175, %min3A_176 : i32
      %broadcast_in_dim3A_178 = vector.broadcast %min3A_177 : i32 to vector<16xi32>
      %mul3A_179 = arith.muli %get3A_170, %broadcast_in_dim3A_178 : vector<16xi32>
      %add3A_180 = arith.addi %add3A_167, %mul3A_179 : vector<16xi32>
      %get3A_181 = arith.constant 160 : index
      %get3A_182 = tpu.vector_load %arg17[%get3A_181] {strides = array<i32>} : memref<256xi32, #tpu.memory_space<vmem>>, vector<16xi32>,
      %get3A_183 = vector.shape_cast %get3A_182 : vector<16xi32> to vector<16xi32>
      %add3A_184 = arith.addi %add3A_171, %get3A_183 : vector<16xi32>
      %sub3A_185 = arith.constant 10 : i32
      %sub3A_186 = arith.subi %arg1, %sub3A_185 : i32
      %max3A_187 = arith.constant 0 : i32
      %max3A_188 = arith.maxsi %sub3A_186, %max3A_187 : i32
      %min3A_189 = arith.constant 1 : i32
      %min3A_190 = arith.minsi %max3A_188, %min3A_189 : i32
      %broadcast_in_dim3A_191 = vector.broadcast %min3A_190 : i32 to vector<16xi32>
      %mul3A_192 = arith.muli %get3A_183, %broadcast_in_dim3A_191 : vector<16xi32>
      %add3A_193 = arith.addi %add3A_180, %mul3A_192 : vector<16xi32>
      %get3A_194 = arith.constant 176 : index
      %get3A_195 = tpu.vector_load %arg17[%get3A_194] {strides = array<i32>} : memref<256xi32, #tpu.memory_space<vmem>>, vector<16xi32>,
      %get3A_196 = vector.shape_cast %get3A_195 : vector<16xi32> to vector<16xi32>
      %add3A_197 = arith.addi %add3A_184, %get3A_196 : vector<16xi32>
      %sub3A_198 = arith.constant 11 : i32
      %sub3A_199 = arith.subi %arg1, %sub3A_198 : i32
      %max3A_200 = arith.constant 0 : i32
      %max3A_201 = arith.maxsi %sub3A_199, %max3A_200 : i32
      %min3A_202 = arith.constant 1 : i32
      %min3A_203 = arith.minsi %max3A_201, %min3A_202 : i32
      %broadcast_in_dim3A_204 = vector.broadcast %min3A_203 : i32 to vector<16xi32>
      %mul3A_205 = arith.muli %get3A_196, %broadcast_in_dim3A_204 : vector<16xi32>
      %add3A_206 = arith.addi %add3A_193, %mul3A_205 : vector<16xi32>
      %get3A_207 = arith.constant 192 : index
      %get3A_208 = tpu.vector_load %arg17[%get3A_207] {strides = array<i32>} : memref<256xi32, #tpu.memory_space<vmem>>, vector<16xi32>,
      %get3A_209 = vector.shape_cast %get3A_208 : vector<16xi32> to vector<16xi32>
      %add3A_210 = arith.addi %add3A_197, %get3A_209 : vector<16xi32>
      %sub3A_211 = arith.constant 12 : i32
      %sub3A_212 = arith.subi %arg1, %sub3A_211 : i32
      %max3A_213 = arith.constant 0 : i32
      %max3A_214 = arith.maxsi %sub3A_212, %max3A_213 : i32
      %min3A_215 = arith.constant 1 : i32
      %min3A_216 = arith.minsi %max3A_214, %min3A_215 : i32
      %broadcast_in_dim3A_217 = vector.broadcast %min3A_216 : i32 to vector<16xi32>
      %mul3A_218 = arith.muli %get3A_209, %broadcast_in_dim3A_217 : vector<16xi32>
      %add3A_219 = arith.addi %add3A_206, %mul3A_218 : vector<16xi32>
      %get3A_220 = arith.constant 208 : index
      %get3A_221 = tpu.vector_load %arg17[%get3A_220] {strides = array<i32>} : memref<256xi32, #tpu.memory_space<vmem>>, vector<16xi32>,
      %get3A_222 = vector.shape_cast %get3A_221 : vector<16xi32> to vector<16xi32>
      %add3A_223 = arith.addi %add3A_210, %get3A_222 : vector<16xi32>
      %sub3A_224 = arith.constant 13 : i32
      %sub3A_225 = arith.subi %arg1, %sub3A_224 : i32
      %max3A_226 = arith.constant 0 : i32
      %max3A_227 = arith.maxsi %sub3A_225, %max3A_226 : i32
      %min3A_228 = arith.constant 1 : i32
      %min3A_229 = arith.minsi %max3A_227, %min3A_228 : i32
      %broadcast_in_dim3A_230 = vector.broadcast %min3A_229 : i32 to vector<16xi32>
      %mul3A_231 = arith.muli %get3A_222, %broadcast_in_dim3A_230 : vector<16xi32>
      %add3A_232 = arith.addi %add3A_219, %mul3A_231 : vector<16xi32>
      %get3A_233 = arith.constant 224 : index
      %get3A_234 = tpu.vector_load %arg17[%get3A_233] {strides = array<i32>} : memref<256xi32, #tpu.memory_space<vmem>>, vector<16xi32>,
      %get3A_235 = vector.shape_cast %get3A_234 : vector<16xi32> to vector<16xi32>
      %add3A_236 = arith.addi %add3A_223, %get3A_235 : vector<16xi32>
      %sub3A_237 = arith.constant 14 : i32
      %sub3A_238 = arith.subi %arg1, %sub3A_237 : i32
      %max3A_239 = arith.constant 0 : i32
      %max3A_240 = arith.maxsi %sub3A_238, %max3A_239 : i32
      %min3A_241 = arith.constant 1 : i32
      %min3A_242 = arith.minsi %max3A_240, %min3A_241 : i32
      %broadcast_in_dim3A_243 = vector.broadcast %min3A_242 : i32 to vector<16xi32>
      %mul3A_244 = arith.muli %get3A_235, %broadcast_in_dim3A_243 : vector<16xi32>
      %add3A_245 = arith.addi %add3A_232, %mul3A_244 : vector<16xi32>
      %get3A_246 = arith.constant 240 : index
      %get3A_247 = tpu.vector_load %arg17[%get3A_246] {strides = array<i32>} : memref<256xi32, #tpu.memory_space<vmem>>, vector<16xi32>,
      %get3A_248 = vector.shape_cast %get3A_247 : vector<16xi32> to vector<16xi32>
      %add3A_249 = arith.addi %add3A_236, %get3A_248 : vector<16xi32>
      %sub3A_250 = arith.constant 15 : i32
      %sub3A_251 = arith.subi %arg1, %sub3A_250 : i32
      %max3A_252 = arith.constant 0 : i32
      %max3A_253 = arith.maxsi %sub3A_251, %max3A_252 : i32
      %min3A_254 = arith.constant 1 : i32
      %min3A_255 = arith.minsi %max3A_253, %min3A_254 : i32
      %broadcast_in_dim3A_256 = vector.broadcast %min3A_255 : i32 to vector<16xi32>
      %mul3A_257 = arith.muli %get3A_248, %broadcast_in_dim3A_256 : vector<16xi32>
      %add3A_258 = arith.addi %add3A_245, %mul3A_257 : vector<16xi32>
      %broadcast_in_dim3A_259 = arith.constant 0 : i32
      %broadcast_in_dim3A_260 = vector.broadcast %broadcast_in_dim3A_259 : i32 to vector<16xi32>
      %gt3A = arith.cmpi sgt, %add3A_249, %broadcast_in_dim3A_260 : vector<16xi32>
      %broadcast_in_dim3A_261 = arith.constant 1 : i32
      %broadcast_in_dim3A_262 = vector.broadcast %broadcast_in_dim3A_261 : i32 to vector<16xi32>
      %select_n3A_263 = arith.select %gt3A, %broadcast_in_dim3A_262, %broadcast_in_dim3A_0 : vector<16xi1>, vector<16xi32>
      %add3A_264 = arith.addi %broadcast_in_dim3A_0, %select_n3A_263 : vector<16xi32>
      %broadcast_in_dim3A_265 = arith.constant 256 : i32
      %broadcast_in_dim3A_266 = vector.broadcast %broadcast_in_dim3A_265 : i32 to vector<16xi32>
      %gt3A_267 = arith.cmpi sgt, %add3A_249, %broadcast_in_dim3A_266 : vector<16xi32>
      %broadcast_in_dim3A_268 = arith.constant 1 : i32
      %broadcast_in_dim3A_269 = vector.broadcast %broadcast_in_dim3A_268 : i32 to vector<16xi32>
      %select_n3A_270 = arith.select %gt3A_267, %broadcast_in_dim3A_269, %broadcast_in_dim3A_0 : vector<16xi1>, vector<16xi32>
      %add3A_271 = arith.addi %add3A_264, %select_n3A_270 : vector<16xi32>
      %broadcast_in_dim3A_272 = arith.constant 512 : i32
      %broadcast_in_dim3A_273 = vector.broadcast %broadcast_in_dim3A_272 : i32 to vector<16xi32>
      %gt3A_274 = arith.cmpi sgt, %add3A_249, %broadcast_in_dim3A_273 : vector<16xi32>
      %broadcast_in_dim3A_275 = arith.constant 1 : i32
      %broadcast_in_dim3A_276 = vector.broadcast %broadcast_in_dim3A_275 : i32 to vector<16xi32>
      %select_n3A_277 = arith.select %gt3A_274, %broadcast_in_dim3A_276, %broadcast_in_dim3A_0 : vector<16xi1>, vector<16xi32>
      %add3A_278 = arith.addi %add3A_271, %select_n3A_277 : vector<16xi32>
      %broadcast_in_dim3A_279 = arith.constant 768 : i32
      %broadcast_in_dim3A_280 = vector.broadcast %broadcast_in_dim3A_279 : i32 to vector<16xi32>
      %gt3A_281 = arith.cmpi sgt, %add3A_249, %broadcast_in_dim3A_280 : vector<16xi32>
      %broadcast_in_dim3A_282 = arith.constant 1 : i32
      %broadcast_in_dim3A_283 = vector.broadcast %broadcast_in_dim3A_282 : i32 to vector<16xi32>
      %select_n3A_284 = arith.select %gt3A_281, %broadcast_in_dim3A_283, %broadcast_in_dim3A_0 : vector<16xi1>, vector<16xi32>
      %add3A_285 = arith.addi %add3A_278, %select_n3A_284 : vector<16xi32>
      %broadcast_in_dim3A_286 = arith.constant 1024 : i32
      %broadcast_in_dim3A_287 = vector.broadcast %broadcast_in_dim3A_286 : i32 to vector<16xi32>
      %gt3A_288 = arith.cmpi sgt, %add3A_249, %broadcast_in_dim3A_287 : vector<16xi32>
      %broadcast_in_dim3A_289 = arith.constant 1 : i32
      %broadcast_in_dim3A_290 = vector.broadcast %broadcast_in_dim3A_289 : i32 to vector<16xi32>
      %select_n3A_291 = arith.select %gt3A_288, %broadcast_in_dim3A_290, %broadcast_in_dim3A_0 : vector<16xi1>, vector<16xi32>
      %add3A_292 = arith.addi %add3A_285, %select_n3A_291 : vector<16xi32>
      %broadcast_in_dim3A_293 = arith.constant 1280 : i32
      %broadcast_in_dim3A_294 = vector.broadcast %broadcast_in_dim3A_293 : i32 to vector<16xi32>
      %gt3A_295 = arith.cmpi sgt, %add3A_249, %broadcast_in_dim3A_294 : vector<16xi32>
      %broadcast_in_dim3A_296 = arith.constant 1 : i32
      %broadcast_in_dim3A_297 = vector.broadcast %broadcast_in_dim3A_296 : i32 to vector<16xi32>
      %select_n3A_298 = arith.select %gt3A_295, %broadcast_in_dim3A_297, %broadcast_in_dim3A_0 : vector<16xi1>, vector<16xi32>
      %add3A_299 = arith.addi %add3A_292, %select_n3A_298 : vector<16xi32>
      %broadcast_in_dim3A_300 = arith.constant 1536 : i32
      %broadcast_in_dim3A_301 = vector.broadcast %broadcast_in_dim3A_300 : i32 to vector<16xi32>
      %gt3A_302 = arith.cmpi sgt, %add3A_249, %broadcast_in_dim3A_301 : vector<16xi32>
      %broadcast_in_dim3A_303 = arith.constant 1 : i32
      %broadcast_in_dim3A_304 = vector.broadcast %broadcast_in_dim3A_303 : i32 to vector<16xi32>
      %select_n3A_305 = arith.select %gt3A_302, %broadcast_in_dim3A_304, %broadcast_in_dim3A_0 : vector<16xi1>, vector<16xi32>
      %add3A_306 = arith.addi %add3A_299, %select_n3A_305 : vector<16xi32>
      %broadcast_in_dim3A_307 = arith.constant 1792 : i32
      %broadcast_in_dim3A_308 = vector.broadcast %broadcast_in_dim3A_307 : i32 to vector<16xi32>
      %gt3A_309 = arith.cmpi sgt, %add3A_249, %broadcast_in_dim3A_308 : vector<16xi32>
      %broadcast_in_dim3A_310 = arith.constant 1 : i32
      %broadcast_in_dim3A_311 = vector.broadcast %broadcast_in_dim3A_310 : i32 to vector<16xi32>
      %select_n3A_312 = arith.select %gt3A_309, %broadcast_in_dim3A_311, %broadcast_in_dim3A_0 : vector<16xi1>, vector<16xi32>
      %add3A_313 = arith.addi %add3A_306, %select_n3A_312 : vector<16xi32>
      %broadcast_in_dim3A_314 = arith.constant 2048 : i32
      %broadcast_in_dim3A_315 = vector.broadcast %broadcast_in_dim3A_314 : i32 to vector<16xi32>
      %gt3A_316 = arith.cmpi sgt, %add3A_249, %broadcast_in_dim3A_315 : vector<16xi32>
      %broadcast_in_dim3A_317 = arith.constant 1 : i32
      %broadcast_in_dim3A_318 = vector.broadcast %broadcast_in_dim3A_317 : i32 to vector<16xi32>
      %select_n3A_319 = arith.select %gt3A_316, %broadcast_in_dim3A_318, %broadcast_in_dim3A_0 : vector<16xi1>, vector<16xi32>
      %add3A_320 = arith.addi %add3A_313, %select_n3A_319 : vector<16xi32>
      %broadcast_in_dim3A_321 = arith.constant 2304 : i32
      %broadcast_in_dim3A_322 = vector.broadcast %broadcast_in_dim3A_321 : i32 to vector<16xi32>
      %gt3A_323 = arith.cmpi sgt, %add3A_249, %broadcast_in_dim3A_322 : vector<16xi32>
      %broadcast_in_dim3A_324 = arith.constant 1 : i32
      %broadcast_in_dim3A_325 = vector.broadcast %broadcast_in_dim3A_324 : i32 to vector<16xi32>
      %select_n3A_326 = arith.select %gt3A_323, %broadcast_in_dim3A_325, %broadcast_in_dim3A_0 : vector<16xi1>, vector<16xi32>
      %add3A_327 = arith.addi %add3A_320, %select_n3A_326 : vector<16xi32>
      %broadcast_in_dim3A_328 = arith.constant 2560 : i32
      %broadcast_in_dim3A_329 = vector.broadcast %broadcast_in_dim3A_328 : i32 to vector<16xi32>
      %gt3A_330 = arith.cmpi sgt, %add3A_249, %broadcast_in_dim3A_329 : vector<16xi32>
      %broadcast_in_dim3A_331 = arith.constant 1 : i32
      %broadcast_in_dim3A_332 = vector.broadcast %broadcast_in_dim3A_331 : i32 to vector<16xi32>
      %select_n3A_333 = arith.select %gt3A_330, %broadcast_in_dim3A_332, %broadcast_in_dim3A_0 : vector<16xi1>, vector<16xi32>
      %add3A_334 = arith.addi %add3A_327, %select_n3A_333 : vector<16xi32>
      %broadcast_in_dim3A_335 = arith.constant 2816 : i32
      %broadcast_in_dim3A_336 = vector.broadcast %broadcast_in_dim3A_335 : i32 to vector<16xi32>
      %gt3A_337 = arith.cmpi sgt, %add3A_249, %broadcast_in_dim3A_336 : vector<16xi32>
      %broadcast_in_dim3A_338 = arith.constant 1 : i32
      %broadcast_in_dim3A_339 = vector.broadcast %broadcast_in_dim3A_338 : i32 to vector<16xi32>
      %select_n3A_340 = arith.select %gt3A_337, %broadcast_in_dim3A_339, %broadcast_in_dim3A_0 : vector<16xi1>, vector<16xi32>
      %add3A_341 = arith.addi %add3A_334, %select_n3A_340 : vector<16xi32>
      %broadcast_in_dim3A_342 = arith.constant 3072 : i32
      %broadcast_in_dim3A_343 = vector.broadcast %broadcast_in_dim3A_342 : i32 to vector<16xi32>
      %gt3A_344 = arith.cmpi sgt, %add3A_249, %broadcast_in_dim3A_343 : vector<16xi32>
      %broadcast_in_dim3A_345 = arith.constant 1 : i32
      %broadcast_in_dim3A_346 = vector.broadcast %broadcast_in_dim3A_345 : i32 to vector<16xi32>
      %select_n3A_347 = arith.select %gt3A_344, %broadcast_in_dim3A_346, %broadcast_in_dim3A_0 : vector<16xi1>, vector<16xi32>
      %add3A_348 = arith.addi %add3A_341, %select_n3A_347 : vector<16xi32>
      %broadcast_in_dim3A_349 = arith.constant 3328 : i32
      %broadcast_in_dim3A_350 = vector.broadcast %broadcast_in_dim3A_349 : i32 to vector<16xi32>
      %gt3A_351 = arith.cmpi sgt, %add3A_249, %broadcast_in_dim3A_350 : vector<16xi32>
      %broadcast_in_dim3A_352 = arith.constant 1 : i32
      %broadcast_in_dim3A_353 = vector.broadcast %broadcast_in_dim3A_352 : i32 to vector<16xi32>
      %select_n3A_354 = arith.select %gt3A_351, %broadcast_in_dim3A_353, %broadcast_in_dim3A_0 : vector<16xi1>, vector<16xi32>
      %add3A_355 = arith.addi %add3A_348, %select_n3A_354 : vector<16xi32>
      %broadcast_in_dim3A_356 = arith.constant 3584 : i32
      %broadcast_in_dim3A_357 = vector.broadcast %broadcast_in_dim3A_356 : i32 to vector<16xi32>
      %gt3A_358 = arith.cmpi sgt, %add3A_249, %broadcast_in_dim3A_357 : vector<16xi32>
      %broadcast_in_dim3A_359 = arith.constant 1 : i32
      %broadcast_in_dim3A_360 = vector.broadcast %broadcast_in_dim3A_359 : i32 to vector<16xi32>
      %select_n3A_361 = arith.select %gt3A_358, %broadcast_in_dim3A_360, %broadcast_in_dim3A_0 : vector<16xi1>, vector<16xi32>
      %add3A_362 = arith.addi %add3A_355, %select_n3A_361 : vector<16xi32>
      %broadcast_in_dim3A_363 = arith.constant 3840 : i32
      %broadcast_in_dim3A_364 = vector.broadcast %broadcast_in_dim3A_363 : i32 to vector<16xi32>
      %gt3A_365 = arith.cmpi sgt, %add3A_249, %broadcast_in_dim3A_364 : vector<16xi32>
      %broadcast_in_dim3A_366 = arith.constant 1 : i32
      %broadcast_in_dim3A_367 = vector.broadcast %broadcast_in_dim3A_366 : i32 to vector<16xi32>
      %select_n3A_368 = arith.select %gt3A_365, %broadcast_in_dim3A_367, %broadcast_in_dim3A_0 : vector<16xi1>, vector<16xi32>
      %add3A_369 = arith.addi %add3A_362, %select_n3A_368 : vector<16xi32>
      %broadcast_in_dim3A_370 = arith.constant 256 : i32
      %broadcast_in_dim3A_371 = vector.broadcast %broadcast_in_dim3A_370 : i32 to vector<16xi32>
      %mul3A_372 = arith.muli %add3A_369, %broadcast_in_dim3A_371 : vector<16xi32>
      %broadcast_in_dim3A_373 = arith.constant 0 : i32
      %broadcast_in_dim3A_374 = vector.broadcast %broadcast_in_dim3A_373 : i32 to vector<16xi32>
      %broadcast_in_dim3A_375 = arith.constant 1 : i32
      %broadcast_in_dim3A_376 = vector.broadcast %broadcast_in_dim3A_375 : i32 to vector<16xi32>
      %sub3A_377 = arith.subi %iota3A, %broadcast_in_dim3A_376 : vector<16xi32>
      %max3A_378 = arith.maxsi %sub3A_377, %broadcast_in_dim3A_374 : vector<16xi32>
      %broadcast_in_dim3A_379 = vector.shape_cast %max3A_378 : vector<16xi32> to vector<16x1xi32>
      %gather3A = vector.shape_cast %broadcast_in_dim3A_379 : vector<16x1xi32> to vector<16xi32>
      %gather3A_380 = tpu.dynamic_gather %mul3A_372[%gather3A] in [0] : vector<16xi32>, vector<16xi32> -> vector<16xi32>
      %broadcast_in_dim3A_381 = arith.constant 1 : i32
      %broadcast_in_dim3A_382 = vector.broadcast %broadcast_in_dim3A_381 : i32 to vector<16xi32>
      %ge3A = arith.cmpi sge, %iota3A, %broadcast_in_dim3A_382 : vector<16xi32>
      %select_n3A_383 = arith.select %ge3A, %gather3A_380, %broadcast_in_dim3A_374 : vector<16xi1>, vector<16xi32>
      %add3A_384 = arith.addi %mul3A_372, %select_n3A_383 : vector<16xi32>
      %broadcast_in_dim3A_385 = arith.constant 2 : i32
      %broadcast_in_dim3A_386 = vector.broadcast %broadcast_in_dim3A_385 : i32 to vector<16xi32>
      %sub3A_387 = arith.subi %iota3A, %broadcast_in_dim3A_386 : vector<16xi32>
      %max3A_388 = arith.maxsi %sub3A_387, %broadcast_in_dim3A_374 : vector<16xi32>
      %broadcast_in_dim3A_389 = vector.shape_cast %max3A_388 : vector<16xi32> to vector<16x1xi32>
      %gather3A_390 = vector.shape_cast %broadcast_in_dim3A_389 : vector<16x1xi32> to vector<16xi32>
      %gather3A_391 = tpu.dynamic_gather %add3A_384[%gather3A_390] in [0] : vector<16xi32>, vector<16xi32> -> vector<16xi32>
      %broadcast_in_dim3A_392 = arith.constant 2 : i32
      %broadcast_in_dim3A_393 = vector.broadcast %broadcast_in_dim3A_392 : i32 to vector<16xi32>
      %ge3A_394 = arith.cmpi sge, %iota3A, %broadcast_in_dim3A_393 : vector<16xi32>
      %select_n3A_395 = arith.select %ge3A_394, %gather3A_391, %broadcast_in_dim3A_374 : vector<16xi1>, vector<16xi32>
      %add3A_396 = arith.addi %add3A_384, %select_n3A_395 : vector<16xi32>
      %broadcast_in_dim3A_397 = arith.constant 4 : i32
      %broadcast_in_dim3A_398 = vector.broadcast %broadcast_in_dim3A_397 : i32 to vector<16xi32>
      %sub3A_399 = arith.subi %iota3A, %broadcast_in_dim3A_398 : vector<16xi32>
      %max3A_400 = arith.maxsi %sub3A_399, %broadcast_in_dim3A_374 : vector<16xi32>
      %broadcast_in_dim3A_401 = vector.shape_cast %max3A_400 : vector<16xi32> to vector<16x1xi32>
      %gather3A_402 = vector.shape_cast %broadcast_in_dim3A_401 : vector<16x1xi32> to vector<16xi32>
      %gather3A_403 = tpu.dynamic_gather %add3A_396[%gather3A_402] in [0] : vector<16xi32>, vector<16xi32> -> vector<16xi32>
      %broadcast_in_dim3A_404 = arith.constant 4 : i32
      %broadcast_in_dim3A_405 = vector.broadcast %broadcast_in_dim3A_404 : i32 to vector<16xi32>
      %ge3A_406 = arith.cmpi sge, %iota3A, %broadcast_in_dim3A_405 : vector<16xi32>
      %select_n3A_407 = arith.select %ge3A_406, %gather3A_403, %broadcast_in_dim3A_374 : vector<16xi1>, vector<16xi32>
      %add3A_408 = arith.addi %add3A_396, %select_n3A_407 : vector<16xi32>
      %broadcast_in_dim3A_409 = arith.constant 8 : i32
      %broadcast_in_dim3A_410 = vector.broadcast %broadcast_in_dim3A_409 : i32 to vector<16xi32>
      %sub3A_411 = arith.subi %iota3A, %broadcast_in_dim3A_410 : vector<16xi32>
      %max3A_412 = arith.maxsi %sub3A_411, %broadcast_in_dim3A_374 : vector<16xi32>
      %broadcast_in_dim3A_413 = vector.shape_cast %max3A_412 : vector<16xi32> to vector<16x1xi32>
      %gather3A_414 = vector.shape_cast %broadcast_in_dim3A_413 : vector<16x1xi32> to vector<16xi32>
      %gather3A_415 = tpu.dynamic_gather %add3A_408[%gather3A_414] in [0] : vector<16xi32>, vector<16xi32> -> vector<16xi32>
      %broadcast_in_dim3A_416 = arith.constant 8 : i32
      %broadcast_in_dim3A_417 = vector.broadcast %broadcast_in_dim3A_416 : i32 to vector<16xi32>
      %ge3A_418 = arith.cmpi sge, %iota3A, %broadcast_in_dim3A_417 : vector<16xi32>
      %select_n3A_419 = arith.select %ge3A_418, %gather3A_415, %broadcast_in_dim3A_374 : vector<16xi1>, vector<16xi32>
      %add3A_420 = arith.addi %add3A_408, %select_n3A_419 : vector<16xi32>
      %sub3A_421 = arith.subi %add3A_420, %mul3A_372 : vector<16xi32>
      %add3A_422 = arith.addi %sub3A_421, %add3A_258 : vector<16xi32>
      %broadcast_in_dim3A_423 = arith.constant 0 : i32
      %broadcast_in_dim3A_424 = vector.broadcast %broadcast_in_dim3A_423 : i32 to vector<16xi32>
      %broadcast_in_dim3A_425 = vector.shape_cast %broadcast_in_dim3A_424 : vector<16xi32> to vector<16x1xi32>
      %gather3A_426 = vector.shape_cast %broadcast_in_dim3A_425 : vector<16x1xi32> to vector<16xi32>
      %gather3A_427 = tpu.dynamic_gather %add3A_422[%gather3A_426] in [0] : vector<16xi32>, vector<16xi32> -> vector<16xi32>
      %broadcast_in_dim3A_428 = arith.constant 1 : i32
      %broadcast_in_dim3A_429 = vector.broadcast %broadcast_in_dim3A_428 : i32 to vector<16xi32>
      %broadcast_in_dim3A_430 = vector.shape_cast %broadcast_in_dim3A_429 : vector<16xi32> to vector<16x1xi32>
      %gather3A_431 = vector.shape_cast %broadcast_in_dim3A_430 : vector<16x1xi32> to vector<16xi32>
      %gather3A_432 = tpu.dynamic_gather %add3A_422[%gather3A_431] in [0] : vector<16xi32>, vector<16xi32> -> vector<16xi32>
      %broadcast_in_dim3A_433 = arith.constant 2 : i32
      %broadcast_in_dim3A_434 = vector.broadcast %broadcast_in_dim3A_433 : i32 to vector<16xi32>
      %broadcast_in_dim3A_435 = vector.shape_cast %broadcast_in_dim3A_434 : vector<16xi32> to vector<16x1xi32>
      %gather3A_436 = vector.shape_cast %broadcast_in_dim3A_435 : vector<16x1xi32> to vector<16xi32>
      %gather3A_437 = tpu.dynamic_gather %add3A_422[%gather3A_436] in [0] : vector<16xi32>, vector<16xi32> -> vector<16xi32>
      %broadcast_in_dim3A_438 = arith.constant 3 : i32
      %broadcast_in_dim3A_439 = vector.broadcast %broadcast_in_dim3A_438 : i32 to vector<16xi32>
      %broadcast_in_dim3A_440 = vector.shape_cast %broadcast_in_dim3A_439 : vector<16xi32> to vector<16x1xi32>
      %gather3A_441 = vector.shape_cast %broadcast_in_dim3A_440 : vector<16x1xi32> to vector<16xi32>
      %gather3A_442 = tpu.dynamic_gather %add3A_422[%gather3A_441] in [0] : vector<16xi32>, vector<16xi32> -> vector<16xi32>
      %broadcast_in_dim3A_443 = arith.constant 4 : i32
      %broadcast_in_dim3A_444 = vector.broadcast %broadcast_in_dim3A_443 : i32 to vector<16xi32>
      %broadcast_in_dim3A_445 = vector.shape_cast %broadcast_in_dim3A_444 : vector<16xi32> to vector<16x1xi32>
      %gather3A_446 = vector.shape_cast %broadcast_in_dim3A_445 : vector<16x1xi32> to vector<16xi32>
      %gather3A_447 = tpu.dynamic_gather %add3A_422[%gather3A_446] in [0] : vector<16xi32>, vector<16xi32> -> vector<16xi32>
      %broadcast_in_dim3A_448 = arith.constant 5 : i32
      %broadcast_in_dim3A_449 = vector.broadcast %broadcast_in_dim3A_448 : i32 to vector<16xi32>
      %broadcast_in_dim3A_450 = vector.shape_cast %broadcast_in_dim3A_449 : vector<16xi32> to vector<16x1xi32>
      %gather3A_451 = vector.shape_cast %broadcast_in_dim3A_450 : vector<16x1xi32> to vector<16xi32>
      %gather3A_452 = tpu.dynamic_gather %add3A_422[%gather3A_451] in [0] : vector<16xi32>, vector<16xi32> -> vector<16xi32>
      %broadcast_in_dim3A_453 = arith.constant 6 : i32
      %broadcast_in_dim3A_454 = vector.broadcast %broadcast_in_dim3A_453 : i32 to vector<16xi32>
      %broadcast_in_dim3A_455 = vector.shape_cast %broadcast_in_dim3A_454 : vector<16xi32> to vector<16x1xi32>
      %gather3A_456 = vector.shape_cast %broadcast_in_dim3A_455 : vector<16x1xi32> to vector<16xi32>
      %gather3A_457 = tpu.dynamic_gather %add3A_422[%gather3A_456] in [0] : vector<16xi32>, vector<16xi32> -> vector<16xi32>
      %broadcast_in_dim3A_458 = arith.constant 7 : i32
      %broadcast_in_dim3A_459 = vector.broadcast %broadcast_in_dim3A_458 : i32 to vector<16xi32>
      %broadcast_in_dim3A_460 = vector.shape_cast %broadcast_in_dim3A_459 : vector<16xi32> to vector<16x1xi32>
      %gather3A_461 = vector.shape_cast %broadcast_in_dim3A_460 : vector<16x1xi32> to vector<16xi32>
      %gather3A_462 = tpu.dynamic_gather %add3A_422[%gather3A_461] in [0] : vector<16xi32>, vector<16xi32> -> vector<16xi32>
      %scan3A_463 = arith.constant 0 : i32
      %scan3A_464 = arith.constant 0 : i32
      %scan3A_465 = arith.constant 16 : i32
      %scan3A_466 = arith.addi %scan3A_464, %scan3A_465 : i32
      %scan3A_467 = arith.constant 1 : i32
      %scan3A_468 = scf.for %scan3A_481 = %scan3A_464 to %scan3A_466 step %scan3A_467 iter_args(%scan3A_482 = %scan3A_463) -> (i32)  : i32 {
        %mul3A_483 = arith.constant 16 : i32
        %mul3A_484 = arith.muli %scan3A_481, %mul3A_483 : i32
        %get3A_485 = arith.index_cast %mul3A_484 : i32 to index
        %get3A_486 = tpu.vector_load %arg8[%get3A_485] {strides = array<i32>} : memref<256xi32, #tpu.memory_space<vmem>>, vector<16xi32>,
        %get3A_487 = vector.shape_cast %get3A_486 : vector<16xi32> to vector<16xi32>
        %mul3A_488 = arith.constant 16 : i32
        %mul3A_489 = arith.muli %scan3A_481, %mul3A_488 : i32
        %get3A_490 = arith.index_cast %mul3A_489 : i32 to index
        %get3A_491 = tpu.vector_load %arg10[%get3A_490] {strides = array<i32>} : memref<256xi32, #tpu.memory_space<vmem>>, vector<16xi32>,
        %get3A_492 = vector.shape_cast %get3A_491 : vector<16xi32> to vector<16xi32>
        %mul3A_493 = arith.constant 16 : i32
        %mul3A_494 = arith.muli %scan3A_481, %mul3A_493 : i32
        %get3A_495 = arith.index_cast %mul3A_494 : i32 to index
        %get3A_496 = tpu.vector_load %arg9[%get3A_495] {strides = array<i32>} : memref<256xf32, #tpu.memory_space<vmem>>, vector<16xf32>,
        %get3A_497 = vector.shape_cast %get3A_496 : vector<16xf32> to vector<16xf32>
        %broadcast_in_dim3A_498 = arith.constant 6143 : i32
        %broadcast_in_dim3A_499 = vector.broadcast %broadcast_in_dim3A_498 : i32 to vector<16xi32>
        %broadcast_in_dim3A_500 = arith.constant 0 : i32
        %broadcast_in_dim3A_501 = vector.broadcast %broadcast_in_dim3A_500 : i32 to vector<16xi32>
        %eq3A_502 = arith.cmpi eq, %get3A_487, %broadcast_in_dim3A_501 : vector<16xi32>
        %add3A_503 = arith.addi %gather3A_427, %get3A_492 : vector<16xi32>
        %select_n3A_504 = arith.select %eq3A_502, %add3A_503, %broadcast_in_dim3A_499 : vector<16xi1>, vector<16xi32>
        %broadcast_in_dim3A_505 = arith.constant 1 : i32
        %broadcast_in_dim3A_506 = vector.broadcast %broadcast_in_dim3A_505 : i32 to vector<16xi32>
        %eq3A_507 = arith.cmpi eq, %get3A_487, %broadcast_in_dim3A_506 : vector<16xi32>
        %add3A_508 = arith.addi %gather3A_432, %get3A_492 : vector<16xi32>
        %select_n3A_509 = arith.select %eq3A_507, %add3A_508, %select_n3A_504 : vector<16xi1>, vector<16xi32>
        %broadcast_in_dim3A_510 = arith.constant 2 : i32
        %broadcast_in_dim3A_511 = vector.broadcast %broadcast_in_dim3A_510 : i32 to vector<16xi32>
        %eq3A_512 = arith.cmpi eq, %get3A_487, %broadcast_in_dim3A_511 : vector<16xi32>
        %add3A_513 = arith.addi %gather3A_437, %get3A_492 : vector<16xi32>
        %select_n3A_514 = arith.select %eq3A_512, %add3A_513, %select_n3A_509 : vector<16xi1>, vector<16xi32>
        %broadcast_in_dim3A_515 = arith.constant 3 : i32
        %broadcast_in_dim3A_516 = vector.broadcast %broadcast_in_dim3A_515 : i32 to vector<16xi32>
        %eq3A_517 = arith.cmpi eq, %get3A_487, %broadcast_in_dim3A_516 : vector<16xi32>
        %add3A_518 = arith.addi %gather3A_442, %get3A_492 : vector<16xi32>
        %select_n3A_519 = arith.select %eq3A_517, %add3A_518, %select_n3A_514 : vector<16xi1>, vector<16xi32>
        %broadcast_in_dim3A_520 = arith.constant 4 : i32
        %broadcast_in_dim3A_521 = vector.broadcast %broadcast_in_dim3A_520 : i32 to vector<16xi32>
        %eq3A_522 = arith.cmpi eq, %get3A_487, %broadcast_in_dim3A_521 : vector<16xi32>
        %add3A_523 = arith.addi %gather3A_447, %get3A_492 : vector<16xi32>
        %select_n3A_524 = arith.select %eq3A_522, %add3A_523, %select_n3A_519 : vector<16xi1>, vector<16xi32>
        %broadcast_in_dim3A_525 = arith.constant 5 : i32
        %broadcast_in_dim3A_526 = vector.broadcast %broadcast_in_dim3A_525 : i32 to vector<16xi32>
        %eq3A_527 = arith.cmpi eq, %get3A_487, %broadcast_in_dim3A_526 : vector<16xi32>
        %add3A_528 = arith.addi %gather3A_452, %get3A_492 : vector<16xi32>
        %select_n3A_529 = arith.select %eq3A_527, %add3A_528, %select_n3A_524 : vector<16xi1>, vector<16xi32>
        %broadcast_in_dim3A_530 = arith.constant 6 : i32
        %broadcast_in_dim3A_531 = vector.broadcast %broadcast_in_dim3A_530 : i32 to vector<16xi32>
        %eq3A_532 = arith.cmpi eq, %get3A_487, %broadcast_in_dim3A_531 : vector<16xi32>
        %add3A_533 = arith.addi %gather3A_457, %get3A_492 : vector<16xi32>
        %select_n3A_534 = arith.select %eq3A_532, %add3A_533, %select_n3A_529 : vector<16xi1>, vector<16xi32>
        %broadcast_in_dim3A_535 = arith.constant 7 : i32
        %broadcast_in_dim3A_536 = vector.broadcast %broadcast_in_dim3A_535 : i32 to vector<16xi32>
        %eq3A_537 = arith.cmpi eq, %get3A_487, %broadcast_in_dim3A_536 : vector<16xi32>
        %add3A_538 = arith.addi %gather3A_462, %get3A_492 : vector<16xi32>
        %select_n3A_539 = arith.select %eq3A_537, %add3A_538, %select_n3A_534 : vector<16xi1>, vector<16xi32>
        %mul3A_540 = arith.constant 16 : i32
        %mul3A_541 = arith.muli %scan3A_481, %mul3A_540 : i32
        %swap3A_542 = arith.index_cast %mul3A_541 : i32 to index
        %swap3A_543 = tpu.vector_load %arg11[%swap3A_542] {strides = array<i32>} : memref<256xi32, #tpu.memory_space<vmem>>, vector<16xi32>,
        %swap3A_544 = vector.shape_cast %swap3A_543 : vector<16xi32> to vector<16xi32>
        %swap3A_545 = vector.shape_cast %select_n3A_539 : vector<16xi32> to vector<16xi32>
        tpu.vector_store %arg11[%swap3A_542], %swap3A_545 {strides = array<i32>} : memref<256xi32, #tpu.memory_space<vmem>>, vector<16xi32>,
        %mul3A_546 = arith.constant 16 : i32
        %mul3A_547 = arith.muli %scan3A_481, %mul3A_546 : i32
        %add3A_548 = arith.addi %mul3A_3, %mul3A_547 : i32
        %broadcast_in_dim3A_549 = vector.broadcast %add3A_548 : i32 to vector<16xi32>
        %add3A_550 = arith.addi %iota3A, %broadcast_in_dim3A_549 : vector<16xi32>
        %broadcast_in_dim3A_551 = arith.constant 2047 : i32
        %broadcast_in_dim3A_552 = vector.broadcast %broadcast_in_dim3A_551 : i32 to vector<16xi32>
        %and3A = arith.andi %add3A_550, %broadcast_in_dim3A_552 : vector<16xi32>
        %mul3A_553 = arith.constant 16 : i32
        %mul3A_554 = arith.muli %scan3A_481, %mul3A_553 : i32
        %swap3A_555 = arith.index_cast %mul3A_554 : i32 to index
        %swap3A_556 = tpu.vector_load %arg12[%swap3A_555] {strides = array<i32>} : memref<256xi32, #tpu.memory_space<vmem>>, vector<16xi32>,
        %swap3A_557 = vector.shape_cast %swap3A_556 : vector<16xi32> to vector<16xi32>
        %swap3A_558 = vector.shape_cast %and3A : vector<16xi32> to vector<16xi32>
        tpu.vector_store %arg12[%swap3A_555], %swap3A_558 {strides = array<i32>} : memref<256xi32, #tpu.memory_space<vmem>>, vector<16xi32>,
        %broadcast_in_dim3A_559 = arith.constant 8 : i32
        %broadcast_in_dim3A_560 = vector.broadcast %broadcast_in_dim3A_559 : i32 to vector<16xi32>
        %lt3A = arith.cmpi slt, %get3A_487, %broadcast_in_dim3A_560 : vector<16xi32>
        %broadcast_in_dim3A_561 = arith.constant 0.000000e+00 : f32
        %broadcast_in_dim3A_562 = vector.broadcast %broadcast_in_dim3A_561 : f32 to vector<16xf32>
        %select_n3A_563 = arith.select %lt3A, %get3A_497, %broadcast_in_dim3A_562 : vector<16xi1>, vector<16xf32>
        %mul3A_564 = arith.constant 16 : i32
        %mul3A_565 = arith.muli %scan3A_481, %mul3A_564 : i32
        %swap3A_566 = arith.index_cast %mul3A_565 : i32 to index
        %swap3A_567 = tpu.vector_load %arg13[%swap3A_566] {strides = array<i32>} : memref<256xf32, #tpu.memory_space<vmem>>, vector<16xf32>,
        %swap3A_568 = vector.shape_cast %swap3A_567 : vector<16xf32> to vector<16xf32>
        %swap3A_569 = vector.shape_cast %select_n3A_563 : vector<16xf32> to vector<16xf32>
        tpu.vector_store %arg13[%swap3A_566], %swap3A_569 {strides = array<i32>} : memref<256xf32, #tpu.memory_space<vmem>>, vector<16xf32>,
        %scan3A_570 = arith.constant 0 : i32
        scf.yield %scan3A_570 : i32
      }
      %scan3A_469 = arith.constant 16 : i32
      "tpu.region"() ({
        %run_scoped3A = tpu.sem_alloc : memref<!tpu.dma_semaphore, #tpu.memory_space<semaphore_mem>>
        %dma_start3A_481 = tpu.memref_slice %arg4[%mul3A_3] : memref<4096xi32, #tpu.memory_space<hbm>> -> memref<256xi32, #tpu.memory_space<hbm>>
        %dma_start3A_482 = tpu.memref_slice %arg4[%mul3A_3] : memref<4096xi32, #tpu.memory_space<hbm>> -> memref<256xi32, #tpu.memory_space<hbm>>
        tpu.enqueue_dma source(%arg11 : memref<256xi32, #tpu.memory_space<vmem>>) target(%dma_start3A_482 : memref<256xi32, #tpu.memory_space<hbm>>) target_semaphore(%run_scoped3A : memref<!tpu.dma_semaphore, #tpu.memory_space<semaphore_mem>>)
        %dma_wait3A_483 = tpu.memref_slice %arg4[%mul3A_3] : memref<4096xi32, #tpu.memory_space<hbm>> -> memref<256xi32, #tpu.memory_space<hbm>>
        %dma_wait3A_484 = tpu.memref_slice %arg4[%mul3A_3] : memref<4096xi32, #tpu.memory_space<hbm>> -> memref<256xi32, #tpu.memory_space<hbm>>
        tpu.wait_dma2 semaphore(%run_scoped3A : memref<!tpu.dma_semaphore, #tpu.memory_space<semaphore_mem>>) src(%arg11 : memref<256xi32, #tpu.memory_space<vmem>>) dst(%dma_wait3A_484 : memref<256xi32, #tpu.memory_space<hbm>>)
        tpu.yield
      }) : () -> ()
      %dma_start3A = arith.constant 0 : i32
      %dma_start3A_470 = tpu.memref_slice %arg5[%dma_start3A] : memref<6144xi32, #tpu.memory_space<hbm>> -> memref<6144xi32, #tpu.memory_space<hbm>>
      tpu.enqueue_indirect_dma source(%arg12 : memref<256xi32, #tpu.memory_space<vmem>>) target(%dma_start3A_470 : memref<6144xi32, #tpu.memory_space<hbm>>) offsets(%arg11 : memref<256xi32, #tpu.memory_space<vmem>>) semaphore(%arg19 : memref<!tpu.dma_semaphore, #tpu.memory_space<semaphore_mem>>)
      %dma_start3A_471 = arith.constant 0 : i32
      %dma_start3A_472 = tpu.memref_slice %arg6[%dma_start3A_471] : memref<6144xf32, #tpu.memory_space<hbm>> -> memref<6144xf32, #tpu.memory_space<hbm>>
      tpu.enqueue_indirect_dma source(%arg13 : memref<256xf32, #tpu.memory_space<vmem>>) target(%dma_start3A_472 : memref<6144xf32, #tpu.memory_space<hbm>>) offsets(%arg11 : memref<256xi32, #tpu.memory_space<vmem>>) semaphore(%arg19 : memref<!tpu.dma_semaphore, #tpu.memory_space<semaphore_mem>>)
      %dma_wait3A = arith.constant 0 : i32
      %dma_wait3A_473 = tpu.memref_slice %arg5[%dma_wait3A] : memref<6144xi32, #tpu.memory_space<hbm>> -> memref<6144xi32, #tpu.memory_space<hbm>>
      tpu.wait_indirect_dma semaphore(%arg19 : memref<!tpu.dma_semaphore, #tpu.memory_space<semaphore_mem>>) src(%arg12 : memref<256xi32, #tpu.memory_space<vmem>>) dst(%dma_wait3A_473 : memref<6144xi32, #tpu.memory_space<hbm>>)
      %dma_wait3A_474 = arith.constant 0 : i32
      %dma_wait3A_475 = tpu.memref_slice %arg6[%dma_wait3A_474] : memref<6144xf32, #tpu.memory_space<hbm>> -> memref<6144xf32, #tpu.memory_space<hbm>>
      tpu.wait_indirect_dma semaphore(%arg19 : memref<!tpu.dma_semaphore, #tpu.memory_space<semaphore_mem>>) src(%arg13 : memref<256xf32, #tpu.memory_space<vmem>>) dst(%dma_wait3A_475 : memref<6144xf32, #tpu.memory_space<hbm>>)
      %eq3A_476 = arith.constant 0 : i32
      %eq3A_477 = arith.cmpi eq, %arg1, %eq3A_476 : i32
      %convert_element_type3A_478 = arith.extui %eq3A_477 : i1 to i32
      %cond3A_479 = arith.constant 0 : i32
      %cond3A_480 = arith.cmpi ne, %convert_element_type3A_478, %cond3A_479 : i32
      scf.if %cond3A_480 {
        %broadcast_in_dim3A_481 = arith.constant 0 : i32
        %broadcast_in_dim3A_482 = vector.broadcast %broadcast_in_dim3A_481 : i32 to vector<16xi32>
        %broadcast_in_dim3A_483 = arith.constant 1 : i32
        %broadcast_in_dim3A_484 = vector.broadcast %broadcast_in_dim3A_483 : i32 to vector<16xi32>
        %sub3A_485 = arith.subi %iota3A, %broadcast_in_dim3A_484 : vector<16xi32>
        %max3A_486 = arith.maxsi %sub3A_485, %broadcast_in_dim3A_482 : vector<16xi32>
        %broadcast_in_dim3A_487 = vector.shape_cast %max3A_486 : vector<16xi32> to vector<16x1xi32>
        %gather3A_488 = vector.shape_cast %broadcast_in_dim3A_487 : vector<16x1xi32> to vector<16xi32>
        %gather3A_489 = tpu.dynamic_gather %add3A_369[%gather3A_488] in [0] : vector<16xi32>, vector<16xi32> -> vector<16xi32>
        %broadcast_in_dim3A_490 = arith.constant 1 : i32
        %broadcast_in_dim3A_491 = vector.broadcast %broadcast_in_dim3A_490 : i32 to vector<16xi32>
        %ge3A_492 = arith.cmpi sge, %iota3A, %broadcast_in_dim3A_491 : vector<16xi32>
        %select_n3A_493 = arith.select %ge3A_492, %gather3A_489, %broadcast_in_dim3A_482 : vector<16xi1>, vector<16xi32>
        %add3A_494 = arith.addi %add3A_369, %select_n3A_493 : vector<16xi32>
        %broadcast_in_dim3A_495 = arith.constant 2 : i32
        %broadcast_in_dim3A_496 = vector.broadcast %broadcast_in_dim3A_495 : i32 to vector<16xi32>
        %sub3A_497 = arith.subi %iota3A, %broadcast_in_dim3A_496 : vector<16xi32>
        %max3A_498 = arith.maxsi %sub3A_497, %broadcast_in_dim3A_482 : vector<16xi32>
        %broadcast_in_dim3A_499 = vector.shape_cast %max3A_498 : vector<16xi32> to vector<16x1xi32>
        %gather3A_500 = vector.shape_cast %broadcast_in_dim3A_499 : vector<16x1xi32> to vector<16xi32>
        %gather3A_501 = tpu.dynamic_gather %add3A_494[%gather3A_500] in [0] : vector<16xi32>, vector<16xi32> -> vector<16xi32>
        %broadcast_in_dim3A_502 = arith.constant 2 : i32
        %broadcast_in_dim3A_503 = vector.broadcast %broadcast_in_dim3A_502 : i32 to vector<16xi32>
        %ge3A_504 = arith.cmpi sge, %iota3A, %broadcast_in_dim3A_503 : vector<16xi32>
        %select_n3A_505 = arith.select %ge3A_504, %gather3A_501, %broadcast_in_dim3A_482 : vector<16xi1>, vector<16xi32>
        %add3A_506 = arith.addi %add3A_494, %select_n3A_505 : vector<16xi32>
        %broadcast_in_dim3A_507 = arith.constant 4 : i32
        %broadcast_in_dim3A_508 = vector.broadcast %broadcast_in_dim3A_507 : i32 to vector<16xi32>
        %sub3A_509 = arith.subi %iota3A, %broadcast_in_dim3A_508 : vector<16xi32>
        %max3A_510 = arith.maxsi %sub3A_509, %broadcast_in_dim3A_482 : vector<16xi32>
        %broadcast_in_dim3A_511 = vector.shape_cast %max3A_510 : vector<16xi32> to vector<16x1xi32>
        %gather3A_512 = vector.shape_cast %broadcast_in_dim3A_511 : vector<16x1xi32> to vector<16xi32>
        %gather3A_513 = tpu.dynamic_gather %add3A_506[%gather3A_512] in [0] : vector<16xi32>, vector<16xi32> -> vector<16xi32>
        %broadcast_in_dim3A_514 = arith.constant 4 : i32
        %broadcast_in_dim3A_515 = vector.broadcast %broadcast_in_dim3A_514 : i32 to vector<16xi32>
        %ge3A_516 = arith.cmpi sge, %iota3A, %broadcast_in_dim3A_515 : vector<16xi32>
        %select_n3A_517 = arith.select %ge3A_516, %gather3A_513, %broadcast_in_dim3A_482 : vector<16xi1>, vector<16xi32>
        %add3A_518 = arith.addi %add3A_506, %select_n3A_517 : vector<16xi32>
        %broadcast_in_dim3A_519 = arith.constant 8 : i32
        %broadcast_in_dim3A_520 = vector.broadcast %broadcast_in_dim3A_519 : i32 to vector<16xi32>
        %sub3A_521 = arith.subi %iota3A, %broadcast_in_dim3A_520 : vector<16xi32>
        %max3A_522 = arith.maxsi %sub3A_521, %broadcast_in_dim3A_482 : vector<16xi32>
        %broadcast_in_dim3A_523 = vector.shape_cast %max3A_522 : vector<16xi32> to vector<16x1xi32>
        %gather3A_524 = vector.shape_cast %broadcast_in_dim3A_523 : vector<16x1xi32> to vector<16xi32>
        %gather3A_525 = tpu.dynamic_gather %add3A_518[%gather3A_524] in [0] : vector<16xi32>, vector<16xi32> -> vector<16xi32>
        %broadcast_in_dim3A_526 = arith.constant 8 : i32
        %broadcast_in_dim3A_527 = vector.broadcast %broadcast_in_dim3A_526 : i32 to vector<16xi32>
        %ge3A_528 = arith.cmpi sge, %iota3A, %broadcast_in_dim3A_527 : vector<16xi32>
        %select_n3A_529 = arith.select %ge3A_528, %gather3A_525, %broadcast_in_dim3A_482 : vector<16xi1>, vector<16xi32>
        %add3A_530 = arith.addi %add3A_518, %select_n3A_529 : vector<16xi32>
        %broadcast_in_dim3A_531 = arith.constant 15 : i32
        %broadcast_in_dim3A_532 = vector.broadcast %broadcast_in_dim3A_531 : i32 to vector<16xi32>
        %broadcast_in_dim3A_533 = vector.shape_cast %broadcast_in_dim3A_532 : vector<16xi32> to vector<16x1xi32>
        %gather3A_534 = vector.shape_cast %broadcast_in_dim3A_533 : vector<16x1xi32> to vector<16xi32>
        %gather3A_535 = tpu.dynamic_gather %add3A_530[%gather3A_534] in [0] : vector<16xi32>, vector<16xi32> -> vector<16xi32>
        %add3A_536 = arith.addi %sub3A_421, %mul3A_372 : vector<16xi32>
        %broadcast_in_dim3A_537 = arith.constant 0 : i32
        %broadcast_in_dim3A_538 = vector.broadcast %broadcast_in_dim3A_537 : i32 to vector<16xi32>
        %add3A_539 = arith.addi %iota3A, %broadcast_in_dim3A_538 : vector<16xi32>
        %broadcast_in_dim3A_540 = arith.constant 256 : i32
        %broadcast_in_dim3A_541 = vector.broadcast %broadcast_in_dim3A_540 : i32 to vector<16xi32>
        %mul3A_542 = arith.muli %add3A_539, %broadcast_in_dim3A_541 : vector<16xi32>
        %broadcast_in_dim3A_543 = arith.constant 0 : i32
        %broadcast_in_dim3A_544 = vector.broadcast %broadcast_in_dim3A_543 : i32 to vector<16xi32>
        %broadcast_in_dim3A_545 = vector.shape_cast %broadcast_in_dim3A_544 : vector<16xi32> to vector<16x1xi32>
        %gather3A_546 = vector.shape_cast %broadcast_in_dim3A_545 : vector<16x1xi32> to vector<16xi32>
        %gather3A_547 = tpu.dynamic_gather %sub3A_421[%gather3A_546] in [0] : vector<16xi32>, vector<16xi32> -> vector<16xi32>
        %broadcast_in_dim3A_548 = arith.constant 0 : i32
        %broadcast_in_dim3A_549 = vector.broadcast %broadcast_in_dim3A_548 : i32 to vector<16xi32>
        %broadcast_in_dim3A_550 = vector.shape_cast %broadcast_in_dim3A_549 : vector<16xi32> to vector<16x1xi32>
        %gather3A_551 = vector.shape_cast %broadcast_in_dim3A_550 : vector<16x1xi32> to vector<16xi32>
        %gather3A_552 = tpu.dynamic_gather %add3A_536[%gather3A_551] in [0] : vector<16xi32>, vector<16xi32> -> vector<16xi32>
        %ge3A_553 = arith.cmpi sge, %mul3A_542, %gather3A_547 : vector<16xi32>
        %lt3A = arith.cmpi slt, %mul3A_542, %gather3A_552 : vector<16xi32>
        %and3A = arith.andi %ge3A_553, %lt3A : vector<16xi1>
        %broadcast_in_dim3A_554 = arith.constant 0 : i32
        %broadcast_in_dim3A_555 = vector.broadcast %broadcast_in_dim3A_554 : i32 to vector<16xi32>
        %select_n3A_556 = arith.select %and3A, %broadcast_in_dim3A_555, %broadcast_in_dim3A_0 : vector<16xi1>, vector<16xi32>
        %broadcast_in_dim3A_557 = arith.constant 1 : i32
        %broadcast_in_dim3A_558 = vector.broadcast %broadcast_in_dim3A_557 : i32 to vector<16xi32>
        %broadcast_in_dim3A_559 = vector.shape_cast %broadcast_in_dim3A_558 : vector<16xi32> to vector<16x1xi32>
        %gather3A_560 = vector.shape_cast %broadcast_in_dim3A_559 : vector<16x1xi32> to vector<16xi32>
        %gather3A_561 = tpu.dynamic_gather %sub3A_421[%gather3A_560] in [0] : vector<16xi32>, vector<16xi32> -> vector<16xi32>
        %broadcast_in_dim3A_562 = arith.constant 1 : i32
        %broadcast_in_dim3A_563 = vector.broadcast %broadcast_in_dim3A_562 : i32 to vector<16xi32>
        %broadcast_in_dim3A_564 = vector.shape_cast %broadcast_in_dim3A_563 : vector<16xi32> to vector<16x1xi32>
        %gather3A_565 = vector.shape_cast %broadcast_in_dim3A_564 : vector<16x1xi32> to vector<16xi32>
        %gather3A_566 = tpu.dynamic_gather %add3A_536[%gather3A_565] in [0] : vector<16xi32>, vector<16xi32> -> vector<16xi32>
        %ge3A_567 = arith.cmpi sge, %mul3A_542, %gather3A_561 : vector<16xi32>
        %lt3A_568 = arith.cmpi slt, %mul3A_542, %gather3A_566 : vector<16xi32>
        %and3A_569 = arith.andi %ge3A_567, %lt3A_568 : vector<16xi1>
        %broadcast_in_dim3A_570 = arith.constant 1 : i32
        %broadcast_in_dim3A_571 = vector.broadcast %broadcast_in_dim3A_570 : i32 to vector<16xi32>
        %select_n3A_572 = arith.select %and3A_569, %broadcast_in_dim3A_571, %select_n3A_556 : vector<16xi1>, vector<16xi32>
        %broadcast_in_dim3A_573 = arith.constant 2 : i32
        %broadcast_in_dim3A_574 = vector.broadcast %broadcast_in_dim3A_573 : i32 to vector<16xi32>
        %broadcast_in_dim3A_575 = vector.shape_cast %broadcast_in_dim3A_574 : vector<16xi32> to vector<16x1xi32>
        %gather3A_576 = vector.shape_cast %broadcast_in_dim3A_575 : vector<16x1xi32> to vector<16xi32>
        %gather3A_577 = tpu.dynamic_gather %sub3A_421[%gather3A_576] in [0] : vector<16xi32>, vector<16xi32> -> vector<16xi32>
        %broadcast_in_dim3A_578 = arith.constant 2 : i32
        %broadcast_in_dim3A_579 = vector.broadcast %broadcast_in_dim3A_578 : i32 to vector<16xi32>
        %broadcast_in_dim3A_580 = vector.shape_cast %broadcast_in_dim3A_579 : vector<16xi32> to vector<16x1xi32>
        %gather3A_581 = vector.shape_cast %broadcast_in_dim3A_580 : vector<16x1xi32> to vector<16xi32>
        %gather3A_582 = tpu.dynamic_gather %add3A_536[%gather3A_581] in [0] : vector<16xi32>, vector<16xi32> -> vector<16xi32>
        %ge3A_583 = arith.cmpi sge, %mul3A_542, %gather3A_577 : vector<16xi32>
        %lt3A_584 = arith.cmpi slt, %mul3A_542, %gather3A_582 : vector<16xi32>
        %and3A_585 = arith.andi %ge3A_583, %lt3A_584 : vector<16xi1>
        %broadcast_in_dim3A_586 = arith.constant 2 : i32
        %broadcast_in_dim3A_587 = vector.broadcast %broadcast_in_dim3A_586 : i32 to vector<16xi32>
        %select_n3A_588 = arith.select %and3A_585, %broadcast_in_dim3A_587, %select_n3A_572 : vector<16xi1>, vector<16xi32>
        %broadcast_in_dim3A_589 = arith.constant 3 : i32
        %broadcast_in_dim3A_590 = vector.broadcast %broadcast_in_dim3A_589 : i32 to vector<16xi32>
        %broadcast_in_dim3A_591 = vector.shape_cast %broadcast_in_dim3A_590 : vector<16xi32> to vector<16x1xi32>
        %gather3A_592 = vector.shape_cast %broadcast_in_dim3A_591 : vector<16x1xi32> to vector<16xi32>
        %gather3A_593 = tpu.dynamic_gather %sub3A_421[%gather3A_592] in [0] : vector<16xi32>, vector<16xi32> -> vector<16xi32>
        %broadcast_in_dim3A_594 = arith.constant 3 : i32
        %broadcast_in_dim3A_595 = vector.broadcast %broadcast_in_dim3A_594 : i32 to vector<16xi32>
        %broadcast_in_dim3A_596 = vector.shape_cast %broadcast_in_dim3A_595 : vector<16xi32> to vector<16x1xi32>
        %gather3A_597 = vector.shape_cast %broadcast_in_dim3A_596 : vector<16x1xi32> to vector<16xi32>
        %gather3A_598 = tpu.dynamic_gather %add3A_536[%gather3A_597] in [0] : vector<16xi32>, vector<16xi32> -> vector<16xi32>
        %ge3A_599 = arith.cmpi sge, %mul3A_542, %gather3A_593 : vector<16xi32>
        %lt3A_600 = arith.cmpi slt, %mul3A_542, %gather3A_598 : vector<16xi32>
        %and3A_601 = arith.andi %ge3A_599, %lt3A_600 : vector<16xi1>
        %broadcast_in_dim3A_602 = arith.constant 3 : i32
        %broadcast_in_dim3A_603 = vector.broadcast %broadcast_in_dim3A_602 : i32 to vector<16xi32>
        %select_n3A_604 = arith.select %and3A_601, %broadcast_in_dim3A_603, %select_n3A_588 : vector<16xi1>, vector<16xi32>
        %broadcast_in_dim3A_605 = arith.constant 4 : i32
        %broadcast_in_dim3A_606 = vector.broadcast %broadcast_in_dim3A_605 : i32 to vector<16xi32>
        %broadcast_in_dim3A_607 = vector.shape_cast %broadcast_in_dim3A_606 : vector<16xi32> to vector<16x1xi32>
        %gather3A_608 = vector.shape_cast %broadcast_in_dim3A_607 : vector<16x1xi32> to vector<16xi32>
        %gather3A_609 = tpu.dynamic_gather %sub3A_421[%gather3A_608] in [0] : vector<16xi32>, vector<16xi32> -> vector<16xi32>
        %broadcast_in_dim3A_610 = arith.constant 4 : i32
        %broadcast_in_dim3A_611 = vector.broadcast %broadcast_in_dim3A_610 : i32 to vector<16xi32>
        %broadcast_in_dim3A_612 = vector.shape_cast %broadcast_in_dim3A_611 : vector<16xi32> to vector<16x1xi32>
        %gather3A_613 = vector.shape_cast %broadcast_in_dim3A_612 : vector<16x1xi32> to vector<16xi32>
        %gather3A_614 = tpu.dynamic_gather %add3A_536[%gather3A_613] in [0] : vector<16xi32>, vector<16xi32> -> vector<16xi32>
        %ge3A_615 = arith.cmpi sge, %mul3A_542, %gather3A_609 : vector<16xi32>
        %lt3A_616 = arith.cmpi slt, %mul3A_542, %gather3A_614 : vector<16xi32>
        %and3A_617 = arith.andi %ge3A_615, %lt3A_616 : vector<16xi1>
        %broadcast_in_dim3A_618 = arith.constant 4 : i32
        %broadcast_in_dim3A_619 = vector.broadcast %broadcast_in_dim3A_618 : i32 to vector<16xi32>
        %select_n3A_620 = arith.select %and3A_617, %broadcast_in_dim3A_619, %select_n3A_604 : vector<16xi1>, vector<16xi32>
        %broadcast_in_dim3A_621 = arith.constant 5 : i32
        %broadcast_in_dim3A_622 = vector.broadcast %broadcast_in_dim3A_621 : i32 to vector<16xi32>
        %broadcast_in_dim3A_623 = vector.shape_cast %broadcast_in_dim3A_622 : vector<16xi32> to vector<16x1xi32>
        %gather3A_624 = vector.shape_cast %broadcast_in_dim3A_623 : vector<16x1xi32> to vector<16xi32>
        %gather3A_625 = tpu.dynamic_gather %sub3A_421[%gather3A_624] in [0] : vector<16xi32>, vector<16xi32> -> vector<16xi32>
        %broadcast_in_dim3A_626 = arith.constant 5 : i32
        %broadcast_in_dim3A_627 = vector.broadcast %broadcast_in_dim3A_626 : i32 to vector<16xi32>
        %broadcast_in_dim3A_628 = vector.shape_cast %broadcast_in_dim3A_627 : vector<16xi32> to vector<16x1xi32>
        %gather3A_629 = vector.shape_cast %broadcast_in_dim3A_628 : vector<16x1xi32> to vector<16xi32>
        %gather3A_630 = tpu.dynamic_gather %add3A_536[%gather3A_629] in [0] : vector<16xi32>, vector<16xi32> -> vector<16xi32>
        %ge3A_631 = arith.cmpi sge, %mul3A_542, %gather3A_625 : vector<16xi32>
        %lt3A_632 = arith.cmpi slt, %mul3A_542, %gather3A_630 : vector<16xi32>
        %and3A_633 = arith.andi %ge3A_631, %lt3A_632 : vector<16xi1>
        %broadcast_in_dim3A_634 = arith.constant 5 : i32
        %broadcast_in_dim3A_635 = vector.broadcast %broadcast_in_dim3A_634 : i32 to vector<16xi32>
        %select_n3A_636 = arith.select %and3A_633, %broadcast_in_dim3A_635, %select_n3A_620 : vector<16xi1>, vector<16xi32>
        %broadcast_in_dim3A_637 = arith.constant 6 : i32
        %broadcast_in_dim3A_638 = vector.broadcast %broadcast_in_dim3A_637 : i32 to vector<16xi32>
        %broadcast_in_dim3A_639 = vector.shape_cast %broadcast_in_dim3A_638 : vector<16xi32> to vector<16x1xi32>
        %gather3A_640 = vector.shape_cast %broadcast_in_dim3A_639 : vector<16x1xi32> to vector<16xi32>
        %gather3A_641 = tpu.dynamic_gather %sub3A_421[%gather3A_640] in [0] : vector<16xi32>, vector<16xi32> -> vector<16xi32>
        %broadcast_in_dim3A_642 = arith.constant 6 : i32
        %broadcast_in_dim3A_643 = vector.broadcast %broadcast_in_dim3A_642 : i32 to vector<16xi32>
        %broadcast_in_dim3A_644 = vector.shape_cast %broadcast_in_dim3A_643 : vector<16xi32> to vector<16x1xi32>
        %gather3A_645 = vector.shape_cast %broadcast_in_dim3A_644 : vector<16x1xi32> to vector<16xi32>
        %gather3A_646 = tpu.dynamic_gather %add3A_536[%gather3A_645] in [0] : vector<16xi32>, vector<16xi32> -> vector<16xi32>
        %ge3A_647 = arith.cmpi sge, %mul3A_542, %gather3A_641 : vector<16xi32>
        %lt3A_648 = arith.cmpi slt, %mul3A_542, %gather3A_646 : vector<16xi32>
        %and3A_649 = arith.andi %ge3A_647, %lt3A_648 : vector<16xi1>
        %broadcast_in_dim3A_650 = arith.constant 6 : i32
        %broadcast_in_dim3A_651 = vector.broadcast %broadcast_in_dim3A_650 : i32 to vector<16xi32>
        %select_n3A_652 = arith.select %and3A_649, %broadcast_in_dim3A_651, %select_n3A_636 : vector<16xi1>, vector<16xi32>
        %broadcast_in_dim3A_653 = arith.constant 7 : i32
        %broadcast_in_dim3A_654 = vector.broadcast %broadcast_in_dim3A_653 : i32 to vector<16xi32>
        %broadcast_in_dim3A_655 = vector.shape_cast %broadcast_in_dim3A_654 : vector<16xi32> to vector<16x1xi32>
        %gather3A_656 = vector.shape_cast %broadcast_in_dim3A_655 : vector<16x1xi32> to vector<16xi32>
        %gather3A_657 = tpu.dynamic_gather %sub3A_421[%gather3A_656] in [0] : vector<16xi32>, vector<16xi32> -> vector<16xi32>
        %broadcast_in_dim3A_658 = arith.constant 7 : i32
        %broadcast_in_dim3A_659 = vector.broadcast %broadcast_in_dim3A_658 : i32 to vector<16xi32>
        %broadcast_in_dim3A_660 = vector.shape_cast %broadcast_in_dim3A_659 : vector<16xi32> to vector<16x1xi32>
        %gather3A_661 = vector.shape_cast %broadcast_in_dim3A_660 : vector<16x1xi32> to vector<16xi32>
        %gather3A_662 = tpu.dynamic_gather %add3A_536[%gather3A_661] in [0] : vector<16xi32>, vector<16xi32> -> vector<16xi32>
        %ge3A_663 = arith.cmpi sge, %mul3A_542, %gather3A_657 : vector<16xi32>
        %lt3A_664 = arith.cmpi slt, %mul3A_542, %gather3A_662 : vector<16xi32>
        %and3A_665 = arith.andi %ge3A_663, %lt3A_664 : vector<16xi1>
        %broadcast_in_dim3A_666 = arith.constant 7 : i32
        %broadcast_in_dim3A_667 = vector.broadcast %broadcast_in_dim3A_666 : i32 to vector<16xi32>
        %select_n3A_668 = arith.select %and3A_665, %broadcast_in_dim3A_667, %select_n3A_652 : vector<16xi1>, vector<16xi32>
        %broadcast_in_dim3A_669 = arith.constant 6144 : i32
        %broadcast_in_dim3A_670 = vector.broadcast %broadcast_in_dim3A_669 : i32 to vector<16xi32>
        %eq3A_671 = arith.cmpi eq, %mul3A_542, %broadcast_in_dim3A_670 : vector<16xi32>
        %select_n3A_672 = arith.select %eq3A_671, %gather3A_535, %select_n3A_668 : vector<16xi1>, vector<16xi32>
        %swap3A_673 = arith.constant 0 : index
        %swap3A_674 = tpu.vector_load %arg18[%swap3A_673] {strides = array<i32>} : memref<32xi32, #tpu.memory_space<vmem>>, vector<16xi32>,
        %swap3A_675 = vector.shape_cast %swap3A_674 : vector<16xi32> to vector<16xi32>
        %swap3A_676 = vector.shape_cast %select_n3A_672 : vector<16xi32> to vector<16xi32>
        tpu.vector_store %arg18[%swap3A_673], %swap3A_676 {strides = array<i32>} : memref<32xi32, #tpu.memory_space<vmem>>, vector<16xi32>,
        %broadcast_in_dim3A_677 = arith.constant 16 : i32
        %broadcast_in_dim3A_678 = vector.broadcast %broadcast_in_dim3A_677 : i32 to vector<16xi32>
        %add3A_679 = arith.addi %iota3A, %broadcast_in_dim3A_678 : vector<16xi32>
        %broadcast_in_dim3A_680 = arith.constant 256 : i32
        %broadcast_in_dim3A_681 = vector.broadcast %broadcast_in_dim3A_680 : i32 to vector<16xi32>
        %mul3A_682 = arith.muli %add3A_679, %broadcast_in_dim3A_681 : vector<16xi32>
        %broadcast_in_dim3A_683 = arith.constant 0 : i32
        %broadcast_in_dim3A_684 = vector.broadcast %broadcast_in_dim3A_683 : i32 to vector<16xi32>
        %broadcast_in_dim3A_685 = vector.shape_cast %broadcast_in_dim3A_684 : vector<16xi32> to vector<16x1xi32>
        %gather3A_686 = vector.shape_cast %broadcast_in_dim3A_685 : vector<16x1xi32> to vector<16xi32>
        %gather3A_687 = tpu.dynamic_gather %sub3A_421[%gather3A_686] in [0] : vector<16xi32>, vector<16xi32> -> vector<16xi32>
        %broadcast_in_dim3A_688 = arith.constant 0 : i32
        %broadcast_in_dim3A_689 = vector.broadcast %broadcast_in_dim3A_688 : i32 to vector<16xi32>
        %broadcast_in_dim3A_690 = vector.shape_cast %broadcast_in_dim3A_689 : vector<16xi32> to vector<16x1xi32>
        %gather3A_691 = vector.shape_cast %broadcast_in_dim3A_690 : vector<16x1xi32> to vector<16xi32>
        %gather3A_692 = tpu.dynamic_gather %add3A_536[%gather3A_691] in [0] : vector<16xi32>, vector<16xi32> -> vector<16xi32>
        %ge3A_693 = arith.cmpi sge, %mul3A_682, %gather3A_687 : vector<16xi32>
        %lt3A_694 = arith.cmpi slt, %mul3A_682, %gather3A_692 : vector<16xi32>
        %and3A_695 = arith.andi %ge3A_693, %lt3A_694 : vector<16xi1>
        %broadcast_in_dim3A_696 = arith.constant 0 : i32
        %broadcast_in_dim3A_697 = vector.broadcast %broadcast_in_dim3A_696 : i32 to vector<16xi32>
        %select_n3A_698 = arith.select %and3A_695, %broadcast_in_dim3A_697, %broadcast_in_dim3A_0 : vector<16xi1>, vector<16xi32>
        %broadcast_in_dim3A_699 = arith.constant 1 : i32
        %broadcast_in_dim3A_700 = vector.broadcast %broadcast_in_dim3A_699 : i32 to vector<16xi32>
        %broadcast_in_dim3A_701 = vector.shape_cast %broadcast_in_dim3A_700 : vector<16xi32> to vector<16x1xi32>
        %gather3A_702 = vector.shape_cast %broadcast_in_dim3A_701 : vector<16x1xi32> to vector<16xi32>
        %gather3A_703 = tpu.dynamic_gather %sub3A_421[%gather3A_702] in [0] : vector<16xi32>, vector<16xi32> -> vector<16xi32>
        %broadcast_in_dim3A_704 = arith.constant 1 : i32
        %broadcast_in_dim3A_705 = vector.broadcast %broadcast_in_dim3A_704 : i32 to vector<16xi32>
        %broadcast_in_dim3A_706 = vector.shape_cast %broadcast_in_dim3A_705 : vector<16xi32> to vector<16x1xi32>
        %gather3A_707 = vector.shape_cast %broadcast_in_dim3A_706 : vector<16x1xi32> to vector<16xi32>
        %gather3A_708 = tpu.dynamic_gather %add3A_536[%gather3A_707] in [0] : vector<16xi32>, vector<16xi32> -> vector<16xi32>
        %ge3A_709 = arith.cmpi sge, %mul3A_682, %gather3A_703 : vector<16xi32>
        %lt3A_710 = arith.cmpi slt, %mul3A_682, %gather3A_708 : vector<16xi32>
        %and3A_711 = arith.andi %ge3A_709, %lt3A_710 : vector<16xi1>
        %broadcast_in_dim3A_712 = arith.constant 1 : i32
        %broadcast_in_dim3A_713 = vector.broadcast %broadcast_in_dim3A_712 : i32 to vector<16xi32>
        %select_n3A_714 = arith.select %and3A_711, %broadcast_in_dim3A_713, %select_n3A_698 : vector<16xi1>, vector<16xi32>
        %broadcast_in_dim3A_715 = arith.constant 2 : i32
        %broadcast_in_dim3A_716 = vector.broadcast %broadcast_in_dim3A_715 : i32 to vector<16xi32>
        %broadcast_in_dim3A_717 = vector.shape_cast %broadcast_in_dim3A_716 : vector<16xi32> to vector<16x1xi32>
        %gather3A_718 = vector.shape_cast %broadcast_in_dim3A_717 : vector<16x1xi32> to vector<16xi32>
        %gather3A_719 = tpu.dynamic_gather %sub3A_421[%gather3A_718] in [0] : vector<16xi32>, vector<16xi32> -> vector<16xi32>
        %broadcast_in_dim3A_720 = arith.constant 2 : i32
        %broadcast_in_dim3A_721 = vector.broadcast %broadcast_in_dim3A_720 : i32 to vector<16xi32>
        %broadcast_in_dim3A_722 = vector.shape_cast %broadcast_in_dim3A_721 : vector<16xi32> to vector<16x1xi32>
        %gather3A_723 = vector.shape_cast %broadcast_in_dim3A_722 : vector<16x1xi32> to vector<16xi32>
        %gather3A_724 = tpu.dynamic_gather %add3A_536[%gather3A_723] in [0] : vector<16xi32>, vector<16xi32> -> vector<16xi32>
        %ge3A_725 = arith.cmpi sge, %mul3A_682, %gather3A_719 : vector<16xi32>
        %lt3A_726 = arith.cmpi slt, %mul3A_682, %gather3A_724 : vector<16xi32>
        %and3A_727 = arith.andi %ge3A_725, %lt3A_726 : vector<16xi1>
        %broadcast_in_dim3A_728 = arith.constant 2 : i32
        %broadcast_in_dim3A_729 = vector.broadcast %broadcast_in_dim3A_728 : i32 to vector<16xi32>
        %select_n3A_730 = arith.select %and3A_727, %broadcast_in_dim3A_729, %select_n3A_714 : vector<16xi1>, vector<16xi32>
        %broadcast_in_dim3A_731 = arith.constant 3 : i32
        %broadcast_in_dim3A_732 = vector.broadcast %broadcast_in_dim3A_731 : i32 to vector<16xi32>
        %broadcast_in_dim3A_733 = vector.shape_cast %broadcast_in_dim3A_732 : vector<16xi32> to vector<16x1xi32>
        %gather3A_734 = vector.shape_cast %broadcast_in_dim3A_733 : vector<16x1xi32> to vector<16xi32>
        %gather3A_735 = tpu.dynamic_gather %sub3A_421[%gather3A_734] in [0] : vector<16xi32>, vector<16xi32> -> vector<16xi32>
        %broadcast_in_dim3A_736 = arith.constant 3 : i32
        %broadcast_in_dim3A_737 = vector.broadcast %broadcast_in_dim3A_736 : i32 to vector<16xi32>
        %broadcast_in_dim3A_738 = vector.shape_cast %broadcast_in_dim3A_737 : vector<16xi32> to vector<16x1xi32>
        %gather3A_739 = vector.shape_cast %broadcast_in_dim3A_738 : vector<16x1xi32> to vector<16xi32>
        %gather3A_740 = tpu.dynamic_gather %add3A_536[%gather3A_739] in [0] : vector<16xi32>, vector<16xi32> -> vector<16xi32>
        %ge3A_741 = arith.cmpi sge, %mul3A_682, %gather3A_735 : vector<16xi32>
        %lt3A_742 = arith.cmpi slt, %mul3A_682, %gather3A_740 : vector<16xi32>
        %and3A_743 = arith.andi %ge3A_741, %lt3A_742 : vector<16xi1>
        %broadcast_in_dim3A_744 = arith.constant 3 : i32
        %broadcast_in_dim3A_745 = vector.broadcast %broadcast_in_dim3A_744 : i32 to vector<16xi32>
        %select_n3A_746 = arith.select %and3A_743, %broadcast_in_dim3A_745, %select_n3A_730 : vector<16xi1>, vector<16xi32>
        %broadcast_in_dim3A_747 = arith.constant 4 : i32
        %broadcast_in_dim3A_748 = vector.broadcast %broadcast_in_dim3A_747 : i32 to vector<16xi32>
        %broadcast_in_dim3A_749 = vector.shape_cast %broadcast_in_dim3A_748 : vector<16xi32> to vector<16x1xi32>
        %gather3A_750 = vector.shape_cast %broadcast_in_dim3A_749 : vector<16x1xi32> to vector<16xi32>
        %gather3A_751 = tpu.dynamic_gather %sub3A_421[%gather3A_750] in [0] : vector<16xi32>, vector<16xi32> -> vector<16xi32>
        %broadcast_in_dim3A_752 = arith.constant 4 : i32
        %broadcast_in_dim3A_753 = vector.broadcast %broadcast_in_dim3A_752 : i32 to vector<16xi32>
        %broadcast_in_dim3A_754 = vector.shape_cast %broadcast_in_dim3A_753 : vector<16xi32> to vector<16x1xi32>
        %gather3A_755 = vector.shape_cast %broadcast_in_dim3A_754 : vector<16x1xi32> to vector<16xi32>
        %gather3A_756 = tpu.dynamic_gather %add3A_536[%gather3A_755] in [0] : vector<16xi32>, vector<16xi32> -> vector<16xi32>
        %ge3A_757 = arith.cmpi sge, %mul3A_682, %gather3A_751 : vector<16xi32>
        %lt3A_758 = arith.cmpi slt, %mul3A_682, %gather3A_756 : vector<16xi32>
        %and3A_759 = arith.andi %ge3A_757, %lt3A_758 : vector<16xi1>
        %broadcast_in_dim3A_760 = arith.constant 4 : i32
        %broadcast_in_dim3A_761 = vector.broadcast %broadcast_in_dim3A_760 : i32 to vector<16xi32>
        %select_n3A_762 = arith.select %and3A_759, %broadcast_in_dim3A_761, %select_n3A_746 : vector<16xi1>, vector<16xi32>
        %broadcast_in_dim3A_763 = arith.constant 5 : i32
        %broadcast_in_dim3A_764 = vector.broadcast %broadcast_in_dim3A_763 : i32 to vector<16xi32>
        %broadcast_in_dim3A_765 = vector.shape_cast %broadcast_in_dim3A_764 : vector<16xi32> to vector<16x1xi32>
        %gather3A_766 = vector.shape_cast %broadcast_in_dim3A_765 : vector<16x1xi32> to vector<16xi32>
        %gather3A_767 = tpu.dynamic_gather %sub3A_421[%gather3A_766] in [0] : vector<16xi32>, vector<16xi32> -> vector<16xi32>
        %broadcast_in_dim3A_768 = arith.constant 5 : i32
        %broadcast_in_dim3A_769 = vector.broadcast %broadcast_in_dim3A_768 : i32 to vector<16xi32>
        %broadcast_in_dim3A_770 = vector.shape_cast %broadcast_in_dim3A_769 : vector<16xi32> to vector<16x1xi32>
        %gather3A_771 = vector.shape_cast %broadcast_in_dim3A_770 : vector<16x1xi32> to vector<16xi32>
        %gather3A_772 = tpu.dynamic_gather %add3A_536[%gather3A_771] in [0] : vector<16xi32>, vector<16xi32> -> vector<16xi32>
        %ge3A_773 = arith.cmpi sge, %mul3A_682, %gather3A_767 : vector<16xi32>
        %lt3A_774 = arith.cmpi slt, %mul3A_682, %gather3A_772 : vector<16xi32>
        %and3A_775 = arith.andi %ge3A_773, %lt3A_774 : vector<16xi1>
        %broadcast_in_dim3A_776 = arith.constant 5 : i32
        %broadcast_in_dim3A_777 = vector.broadcast %broadcast_in_dim3A_776 : i32 to vector<16xi32>
        %select_n3A_778 = arith.select %and3A_775, %broadcast_in_dim3A_777, %select_n3A_762 : vector<16xi1>, vector<16xi32>
        %broadcast_in_dim3A_779 = arith.constant 6 : i32
        %broadcast_in_dim3A_780 = vector.broadcast %broadcast_in_dim3A_779 : i32 to vector<16xi32>
        %broadcast_in_dim3A_781 = vector.shape_cast %broadcast_in_dim3A_780 : vector<16xi32> to vector<16x1xi32>
        %gather3A_782 = vector.shape_cast %broadcast_in_dim3A_781 : vector<16x1xi32> to vector<16xi32>
        %gather3A_783 = tpu.dynamic_gather %sub3A_421[%gather3A_782] in [0] : vector<16xi32>, vector<16xi32> -> vector<16xi32>
        %broadcast_in_dim3A_784 = arith.constant 6 : i32
        %broadcast_in_dim3A_785 = vector.broadcast %broadcast_in_dim3A_784 : i32 to vector<16xi32>
        %broadcast_in_dim3A_786 = vector.shape_cast %broadcast_in_dim3A_785 : vector<16xi32> to vector<16x1xi32>
        %gather3A_787 = vector.shape_cast %broadcast_in_dim3A_786 : vector<16x1xi32> to vector<16xi32>
        %gather3A_788 = tpu.dynamic_gather %add3A_536[%gather3A_787] in [0] : vector<16xi32>, vector<16xi32> -> vector<16xi32>
        %ge3A_789 = arith.cmpi sge, %mul3A_682, %gather3A_783 : vector<16xi32>
        %lt3A_790 = arith.cmpi slt, %mul3A_682, %gather3A_788 : vector<16xi32>
        %and3A_791 = arith.andi %ge3A_789, %lt3A_790 : vector<16xi1>
        %broadcast_in_dim3A_792 = arith.constant 6 : i32
        %broadcast_in_dim3A_793 = vector.broadcast %broadcast_in_dim3A_792 : i32 to vector<16xi32>
        %select_n3A_794 = arith.select %and3A_791, %broadcast_in_dim3A_793, %select_n3A_778 : vector<16xi1>, vector<16xi32>
        %broadcast_in_dim3A_795 = arith.constant 7 : i32
        %broadcast_in_dim3A_796 = vector.broadcast %broadcast_in_dim3A_795 : i32 to vector<16xi32>
        %broadcast_in_dim3A_797 = vector.shape_cast %broadcast_in_dim3A_796 : vector<16xi32> to vector<16x1xi32>
        %gather3A_798 = vector.shape_cast %broadcast_in_dim3A_797 : vector<16x1xi32> to vector<16xi32>
        %gather3A_799 = tpu.dynamic_gather %sub3A_421[%gather3A_798] in [0] : vector<16xi32>, vector<16xi32> -> vector<16xi32>
        %broadcast_in_dim3A_800 = arith.constant 7 : i32
        %broadcast_in_dim3A_801 = vector.broadcast %broadcast_in_dim3A_800 : i32 to vector<16xi32>
        %broadcast_in_dim3A_802 = vector.shape_cast %broadcast_in_dim3A_801 : vector<16xi32> to vector<16x1xi32>
        %gather3A_803 = vector.shape_cast %broadcast_in_dim3A_802 : vector<16x1xi32> to vector<16xi32>
        %gather3A_804 = tpu.dynamic_gather %add3A_536[%gather3A_803] in [0] : vector<16xi32>, vector<16xi32> -> vector<16xi32>
        %ge3A_805 = arith.cmpi sge, %mul3A_682, %gather3A_799 : vector<16xi32>
        %lt3A_806 = arith.cmpi slt, %mul3A_682, %gather3A_804 : vector<16xi32>
        %and3A_807 = arith.andi %ge3A_805, %lt3A_806 : vector<16xi1>
        %broadcast_in_dim3A_808 = arith.constant 7 : i32
        %broadcast_in_dim3A_809 = vector.broadcast %broadcast_in_dim3A_808 : i32 to vector<16xi32>
        %select_n3A_810 = arith.select %and3A_807, %broadcast_in_dim3A_809, %select_n3A_794 : vector<16xi1>, vector<16xi32>
        %broadcast_in_dim3A_811 = arith.constant 6144 : i32
        %broadcast_in_dim3A_812 = vector.broadcast %broadcast_in_dim3A_811 : i32 to vector<16xi32>
        %eq3A_813 = arith.cmpi eq, %mul3A_682, %broadcast_in_dim3A_812 : vector<16xi32>
        %select_n3A_814 = arith.select %eq3A_813, %gather3A_535, %select_n3A_810 : vector<16xi1>, vector<16xi32>
        %swap3A_815 = arith.constant 16 : index
        %swap3A_816 = tpu.vector_load %arg18[%swap3A_815] {strides = array<i32>} : memref<32xi32, #tpu.memory_space<vmem>>, vector<16xi32>,
        %swap3A_817 = vector.shape_cast %swap3A_816 : vector<16xi32> to vector<16xi32>
        %swap3A_818 = vector.shape_cast %select_n3A_814 : vector<16xi32> to vector<16xi32>
        tpu.vector_store %arg18[%swap3A_815], %swap3A_818 {strides = array<i32>} : memref<32xi32, #tpu.memory_space<vmem>>, vector<16xi32>,
        "tpu.region"() ({
          %run_scoped3A = tpu.sem_alloc : memref<!tpu.dma_semaphore, #tpu.memory_space<semaphore_mem>>
          tpu.enqueue_dma source(%arg18 : memref<32xi32, #tpu.memory_space<vmem>>) target(%arg7 : memref<32xi32, #tpu.memory_space<hbm>>) target_semaphore(%run_scoped3A : memref<!tpu.dma_semaphore, #tpu.memory_space<semaphore_mem>>)
          tpu.wait_dma2 semaphore(%run_scoped3A : memref<!tpu.dma_semaphore, #tpu.memory_space<semaphore_mem>>) src(%arg18 : memref<32xi32, #tpu.memory_space<vmem>>) dst(%arg7 : memref<32xi32, #tpu.memory_space<hbm>>)
          tpu.yield
        }) : () -> ()
      } else {
      }
    } else {
    }
    return
  }
}

#map = affine_map<(d0, d1) -> (0, 0)>
#map1 = affine_map<(d0, d1) -> (0)>
module attributes {stable_mosaic.version = 14 : i64} {
  func.func @_combine_body(%arg0: i32, %arg1: i32, %arg2: memref<2048x1024xf32, #tpu.memory_space<hbm>>, %arg3: memref<6144x1024xf32, #tpu.memory_space<hbm>>, %arg4: memref<4096xi32, #tpu.memory_space<hbm>>, %arg5: memref<2048x1024xf32, #tpu.memory_space<hbm>>, %arg6: memref<64xi32, #tpu.memory_space<vmem>>, %arg7: memref<64xi32, #tpu.memory_space<vmem>>, %arg8: memref<16x1024xf32, #tpu.memory_space<vmem>>, %arg9: memref<16x1024xf32, #tpu.memory_space<vmem>>, %arg10: memref<16x1024xf32, #tpu.memory_space<vmem>>, %arg11: memref<16x1024xf32, #tpu.memory_space<vmem>>, %arg12: memref<16x1024xf32, #tpu.memory_space<vmem>>, %arg13: memref<16x1024xf32, #tpu.memory_space<vmem>>, %arg14: memref<16x1024xf32, #tpu.memory_space<vmem>>, %arg15: memref<!tpu.dma_semaphore, #tpu.memory_space<semaphore_mem>>) attributes {dimension_semantics = [#tpu.dimension_semantics<core_parallel>, #tpu.dimension_semantics<subcore_parallel>], iteration_bounds = array<i64: 2, 16>, scalar_prefetch = 0 : i64, scratch_operands = 10 : i64, tpu.core_type = #tpu.core_type<sc_vector_subcore>, window_params = [{transform_indices = #map}, {transform_indices = #map}, {transform_indices = #map1}, {transform_indices = #map}]} {
    %mul3A = arith.constant 2 : i32
    %mul3A_0 = arith.muli %arg1, %mul3A : i32
    %add3A = arith.addi %mul3A_0, %arg0 : i32
    %mul3A_1 = arith.constant 64 : i32
    %mul3A_2 = arith.muli %add3A, %mul3A_1 : i32
    "tpu.region"() ({
      %run_scoped3A = tpu.sem_alloc : memref<!tpu.dma_semaphore, #tpu.memory_space<semaphore_mem>>
      %dma_start3A_154 = tpu.memref_slice %arg4[%mul3A_2] : memref<4096xi32, #tpu.memory_space<hbm>> -> memref<64xi32, #tpu.memory_space<hbm>>
      %dma_start3A_155 = tpu.memref_slice %arg4[%mul3A_2] : memref<4096xi32, #tpu.memory_space<hbm>> -> memref<64xi32, #tpu.memory_space<hbm>>
      tpu.enqueue_dma source(%dma_start3A_155 : memref<64xi32, #tpu.memory_space<hbm>>) target(%arg6 : memref<64xi32, #tpu.memory_space<vmem>>) target_semaphore(%run_scoped3A : memref<!tpu.dma_semaphore, #tpu.memory_space<semaphore_mem>>)
      %dma_wait3A_156 = tpu.memref_slice %arg4[%mul3A_2] : memref<4096xi32, #tpu.memory_space<hbm>> -> memref<64xi32, #tpu.memory_space<hbm>>
      %dma_wait3A_157 = tpu.memref_slice %arg4[%mul3A_2] : memref<4096xi32, #tpu.memory_space<hbm>> -> memref<64xi32, #tpu.memory_space<hbm>>
      tpu.wait_dma2 semaphore(%run_scoped3A : memref<!tpu.dma_semaphore, #tpu.memory_space<semaphore_mem>>) src(%dma_wait3A_157 : memref<64xi32, #tpu.memory_space<hbm>>) dst(%arg6 : memref<64xi32, #tpu.memory_space<vmem>>)
      tpu.yield
    }) : () -> ()
    %add3A_3 = arith.constant 2048 : i32
    %add3A_4 = arith.addi %add3A_3, %mul3A_2 : i32
    "tpu.region"() ({
      %run_scoped3A = tpu.sem_alloc : memref<!tpu.dma_semaphore, #tpu.memory_space<semaphore_mem>>
      %dma_start3A_154 = tpu.memref_slice %arg4[%add3A_4] : memref<4096xi32, #tpu.memory_space<hbm>> -> memref<64xi32, #tpu.memory_space<hbm>>
      %dma_start3A_155 = tpu.memref_slice %arg4[%add3A_4] : memref<4096xi32, #tpu.memory_space<hbm>> -> memref<64xi32, #tpu.memory_space<hbm>>
      tpu.enqueue_dma source(%dma_start3A_155 : memref<64xi32, #tpu.memory_space<hbm>>) target(%arg7 : memref<64xi32, #tpu.memory_space<vmem>>) target_semaphore(%run_scoped3A : memref<!tpu.dma_semaphore, #tpu.memory_space<semaphore_mem>>)
      %dma_wait3A_156 = tpu.memref_slice %arg4[%add3A_4] : memref<4096xi32, #tpu.memory_space<hbm>> -> memref<64xi32, #tpu.memory_space<hbm>>
      %dma_wait3A_157 = tpu.memref_slice %arg4[%add3A_4] : memref<4096xi32, #tpu.memory_space<hbm>> -> memref<64xi32, #tpu.memory_space<hbm>>
      tpu.wait_dma2 semaphore(%run_scoped3A : memref<!tpu.dma_semaphore, #tpu.memory_space<semaphore_mem>>) src(%dma_wait3A_157 : memref<64xi32, #tpu.memory_space<hbm>>) dst(%arg7 : memref<64xi32, #tpu.memory_space<vmem>>)
      tpu.yield
    }) : () -> ()
    %dma_start3A = arith.constant 0 : i32
    %dma_start3A_5 = tpu.memref_slice %arg6[%dma_start3A] : memref<64xi32, #tpu.memory_space<vmem>> -> memref<16xi32, #tpu.memory_space<vmem>>
    %dma_start3A_6 = arith.constant 0 : i32
    %dma_start3A_7 = arith.constant 0 : i32
    %dma_start3A_8 = tpu.memref_slice %arg3[%dma_start3A_6, %dma_start3A_7] : memref<6144x1024xf32, #tpu.memory_space<hbm>> -> memref<6144x1024xf32, #tpu.memory_space<hbm>>
    tpu.enqueue_indirect_dma source(%dma_start3A_8 : memref<6144x1024xf32, #tpu.memory_space<hbm>>) target(%arg8 : memref<16x1024xf32, #tpu.memory_space<vmem>>) offsets(%dma_start3A_5 : memref<16xi32, #tpu.memory_space<vmem>>) semaphore(%arg15 : memref<!tpu.dma_semaphore, #tpu.memory_space<semaphore_mem>>)
    %dma_start3A_9 = arith.constant 0 : i32
    %dma_start3A_10 = tpu.memref_slice %arg7[%dma_start3A_9] : memref<64xi32, #tpu.memory_space<vmem>> -> memref<16xi32, #tpu.memory_space<vmem>>
    %dma_start3A_11 = arith.constant 0 : i32
    %dma_start3A_12 = arith.constant 0 : i32
    %dma_start3A_13 = tpu.memref_slice %arg3[%dma_start3A_11, %dma_start3A_12] : memref<6144x1024xf32, #tpu.memory_space<hbm>> -> memref<6144x1024xf32, #tpu.memory_space<hbm>>
    tpu.enqueue_indirect_dma source(%dma_start3A_13 : memref<6144x1024xf32, #tpu.memory_space<hbm>>) target(%arg9 : memref<16x1024xf32, #tpu.memory_space<vmem>>) offsets(%dma_start3A_10 : memref<16xi32, #tpu.memory_space<vmem>>) semaphore(%arg15 : memref<!tpu.dma_semaphore, #tpu.memory_space<semaphore_mem>>)
    %dma_start3A_14 = arith.constant 16 : i32
    %dma_start3A_15 = tpu.memref_slice %arg6[%dma_start3A_14] : memref<64xi32, #tpu.memory_space<vmem>> -> memref<16xi32, #tpu.memory_space<vmem>>
    %dma_start3A_16 = arith.constant 0 : i32
    %dma_start3A_17 = arith.constant 0 : i32
    %dma_start3A_18 = tpu.memref_slice %arg3[%dma_start3A_16, %dma_start3A_17] : memref<6144x1024xf32, #tpu.memory_space<hbm>> -> memref<6144x1024xf32, #tpu.memory_space<hbm>>
    tpu.enqueue_indirect_dma source(%dma_start3A_18 : memref<6144x1024xf32, #tpu.memory_space<hbm>>) target(%arg10 : memref<16x1024xf32, #tpu.memory_space<vmem>>) offsets(%dma_start3A_15 : memref<16xi32, #tpu.memory_space<vmem>>) semaphore(%arg15 : memref<!tpu.dma_semaphore, #tpu.memory_space<semaphore_mem>>)
    %dma_start3A_19 = arith.constant 16 : i32
    %dma_start3A_20 = tpu.memref_slice %arg7[%dma_start3A_19] : memref<64xi32, #tpu.memory_space<vmem>> -> memref<16xi32, #tpu.memory_space<vmem>>
    %dma_start3A_21 = arith.constant 0 : i32
    %dma_start3A_22 = arith.constant 0 : i32
    %dma_start3A_23 = tpu.memref_slice %arg3[%dma_start3A_21, %dma_start3A_22] : memref<6144x1024xf32, #tpu.memory_space<hbm>> -> memref<6144x1024xf32, #tpu.memory_space<hbm>>
    tpu.enqueue_indirect_dma source(%dma_start3A_23 : memref<6144x1024xf32, #tpu.memory_space<hbm>>) target(%arg11 : memref<16x1024xf32, #tpu.memory_space<vmem>>) offsets(%dma_start3A_20 : memref<16xi32, #tpu.memory_space<vmem>>) semaphore(%arg15 : memref<!tpu.dma_semaphore, #tpu.memory_space<semaphore_mem>>)
    %dma_start3A_24 = arith.constant 32 : i32
    %dma_start3A_25 = tpu.memref_slice %arg6[%dma_start3A_24] : memref<64xi32, #tpu.memory_space<vmem>> -> memref<16xi32, #tpu.memory_space<vmem>>
    %dma_start3A_26 = arith.constant 0 : i32
    %dma_start3A_27 = arith.constant 0 : i32
    %dma_start3A_28 = tpu.memref_slice %arg3[%dma_start3A_26, %dma_start3A_27] : memref<6144x1024xf32, #tpu.memory_space<hbm>> -> memref<6144x1024xf32, #tpu.memory_space<hbm>>
    tpu.enqueue_indirect_dma source(%dma_start3A_28 : memref<6144x1024xf32, #tpu.memory_space<hbm>>) target(%arg12 : memref<16x1024xf32, #tpu.memory_space<vmem>>) offsets(%dma_start3A_25 : memref<16xi32, #tpu.memory_space<vmem>>) semaphore(%arg15 : memref<!tpu.dma_semaphore, #tpu.memory_space<semaphore_mem>>)
    %dma_start3A_29 = arith.constant 32 : i32
    %dma_start3A_30 = tpu.memref_slice %arg7[%dma_start3A_29] : memref<64xi32, #tpu.memory_space<vmem>> -> memref<16xi32, #tpu.memory_space<vmem>>
    %dma_start3A_31 = arith.constant 0 : i32
    %dma_start3A_32 = arith.constant 0 : i32
    %dma_start3A_33 = tpu.memref_slice %arg3[%dma_start3A_31, %dma_start3A_32] : memref<6144x1024xf32, #tpu.memory_space<hbm>> -> memref<6144x1024xf32, #tpu.memory_space<hbm>>
    tpu.enqueue_indirect_dma source(%dma_start3A_33 : memref<6144x1024xf32, #tpu.memory_space<hbm>>) target(%arg13 : memref<16x1024xf32, #tpu.memory_space<vmem>>) offsets(%dma_start3A_30 : memref<16xi32, #tpu.memory_space<vmem>>) semaphore(%arg15 : memref<!tpu.dma_semaphore, #tpu.memory_space<semaphore_mem>>)
    %dma_start3A_34 = arith.constant 48 : i32
    %dma_start3A_35 = tpu.memref_slice %arg6[%dma_start3A_34] : memref<64xi32, #tpu.memory_space<vmem>> -> memref<16xi32, #tpu.memory_space<vmem>>
    %dma_start3A_36 = arith.constant 0 : i32
    %dma_start3A_37 = arith.constant 0 : i32
    %dma_start3A_38 = tpu.memref_slice %arg3[%dma_start3A_36, %dma_start3A_37] : memref<6144x1024xf32, #tpu.memory_space<hbm>> -> memref<6144x1024xf32, #tpu.memory_space<hbm>>
    tpu.enqueue_indirect_dma source(%dma_start3A_38 : memref<6144x1024xf32, #tpu.memory_space<hbm>>) target(%arg14 : memref<16x1024xf32, #tpu.memory_space<vmem>>) offsets(%dma_start3A_35 : memref<16xi32, #tpu.memory_space<vmem>>) semaphore(%arg15 : memref<!tpu.dma_semaphore, #tpu.memory_space<semaphore_mem>>)
    %dma_wait3A = arith.constant 0 : i32
    %dma_wait3A_39 = tpu.memref_slice %arg6[%dma_wait3A] : memref<64xi32, #tpu.memory_space<vmem>> -> memref<16xi32, #tpu.memory_space<vmem>>
    %dma_wait3A_40 = arith.constant 0 : i32
    %dma_wait3A_41 = arith.constant 0 : i32
    %dma_wait3A_42 = tpu.memref_slice %arg3[%dma_wait3A_40, %dma_wait3A_41] : memref<6144x1024xf32, #tpu.memory_space<hbm>> -> memref<6144x1024xf32, #tpu.memory_space<hbm>>
    tpu.wait_indirect_dma semaphore(%arg15 : memref<!tpu.dma_semaphore, #tpu.memory_space<semaphore_mem>>) src(%dma_wait3A_42 : memref<6144x1024xf32, #tpu.memory_space<hbm>>) dst(%arg8 : memref<16x1024xf32, #tpu.memory_space<vmem>>)
    %dma_wait3A_43 = arith.constant 0 : i32
    %dma_wait3A_44 = tpu.memref_slice %arg7[%dma_wait3A_43] : memref<64xi32, #tpu.memory_space<vmem>> -> memref<16xi32, #tpu.memory_space<vmem>>
    %dma_wait3A_45 = arith.constant 0 : i32
    %dma_wait3A_46 = arith.constant 0 : i32
    %dma_wait3A_47 = tpu.memref_slice %arg3[%dma_wait3A_45, %dma_wait3A_46] : memref<6144x1024xf32, #tpu.memory_space<hbm>> -> memref<6144x1024xf32, #tpu.memory_space<hbm>>
    tpu.wait_indirect_dma semaphore(%arg15 : memref<!tpu.dma_semaphore, #tpu.memory_space<semaphore_mem>>) src(%dma_wait3A_47 : memref<6144x1024xf32, #tpu.memory_space<hbm>>) dst(%arg9 : memref<16x1024xf32, #tpu.memory_space<vmem>>)
    %dma_wait3A_48 = arith.constant 16 : i32
    %dma_wait3A_49 = tpu.memref_slice %arg6[%dma_wait3A_48] : memref<64xi32, #tpu.memory_space<vmem>> -> memref<16xi32, #tpu.memory_space<vmem>>
    %dma_wait3A_50 = arith.constant 0 : i32
    %dma_wait3A_51 = arith.constant 0 : i32
    %dma_wait3A_52 = tpu.memref_slice %arg3[%dma_wait3A_50, %dma_wait3A_51] : memref<6144x1024xf32, #tpu.memory_space<hbm>> -> memref<6144x1024xf32, #tpu.memory_space<hbm>>
    tpu.wait_indirect_dma semaphore(%arg15 : memref<!tpu.dma_semaphore, #tpu.memory_space<semaphore_mem>>) src(%dma_wait3A_52 : memref<6144x1024xf32, #tpu.memory_space<hbm>>) dst(%arg10 : memref<16x1024xf32, #tpu.memory_space<vmem>>)
    %dma_wait3A_53 = arith.constant 16 : i32
    %dma_wait3A_54 = tpu.memref_slice %arg7[%dma_wait3A_53] : memref<64xi32, #tpu.memory_space<vmem>> -> memref<16xi32, #tpu.memory_space<vmem>>
    %dma_wait3A_55 = arith.constant 0 : i32
    %dma_wait3A_56 = arith.constant 0 : i32
    %dma_wait3A_57 = tpu.memref_slice %arg3[%dma_wait3A_55, %dma_wait3A_56] : memref<6144x1024xf32, #tpu.memory_space<hbm>> -> memref<6144x1024xf32, #tpu.memory_space<hbm>>
    tpu.wait_indirect_dma semaphore(%arg15 : memref<!tpu.dma_semaphore, #tpu.memory_space<semaphore_mem>>) src(%dma_wait3A_57 : memref<6144x1024xf32, #tpu.memory_space<hbm>>) dst(%arg11 : memref<16x1024xf32, #tpu.memory_space<vmem>>)
    %dma_wait3A_58 = arith.constant 32 : i32
    %dma_wait3A_59 = tpu.memref_slice %arg6[%dma_wait3A_58] : memref<64xi32, #tpu.memory_space<vmem>> -> memref<16xi32, #tpu.memory_space<vmem>>
    %dma_wait3A_60 = arith.constant 0 : i32
    %dma_wait3A_61 = arith.constant 0 : i32
    %dma_wait3A_62 = tpu.memref_slice %arg3[%dma_wait3A_60, %dma_wait3A_61] : memref<6144x1024xf32, #tpu.memory_space<hbm>> -> memref<6144x1024xf32, #tpu.memory_space<hbm>>
    tpu.wait_indirect_dma semaphore(%arg15 : memref<!tpu.dma_semaphore, #tpu.memory_space<semaphore_mem>>) src(%dma_wait3A_62 : memref<6144x1024xf32, #tpu.memory_space<hbm>>) dst(%arg12 : memref<16x1024xf32, #tpu.memory_space<vmem>>)
    %dma_wait3A_63 = arith.constant 32 : i32
    %dma_wait3A_64 = tpu.memref_slice %arg7[%dma_wait3A_63] : memref<64xi32, #tpu.memory_space<vmem>> -> memref<16xi32, #tpu.memory_space<vmem>>
    %dma_wait3A_65 = arith.constant 0 : i32
    %dma_wait3A_66 = arith.constant 0 : i32
    %dma_wait3A_67 = tpu.memref_slice %arg3[%dma_wait3A_65, %dma_wait3A_66] : memref<6144x1024xf32, #tpu.memory_space<hbm>> -> memref<6144x1024xf32, #tpu.memory_space<hbm>>
    tpu.wait_indirect_dma semaphore(%arg15 : memref<!tpu.dma_semaphore, #tpu.memory_space<semaphore_mem>>) src(%dma_wait3A_67 : memref<6144x1024xf32, #tpu.memory_space<hbm>>) dst(%arg13 : memref<16x1024xf32, #tpu.memory_space<vmem>>)
    %dma_wait3A_68 = arith.constant 48 : i32
    %dma_wait3A_69 = tpu.memref_slice %arg6[%dma_wait3A_68] : memref<64xi32, #tpu.memory_space<vmem>> -> memref<16xi32, #tpu.memory_space<vmem>>
    %dma_wait3A_70 = arith.constant 0 : i32
    %dma_wait3A_71 = arith.constant 0 : i32
    %dma_wait3A_72 = tpu.memref_slice %arg3[%dma_wait3A_70, %dma_wait3A_71] : memref<6144x1024xf32, #tpu.memory_space<hbm>> -> memref<6144x1024xf32, #tpu.memory_space<hbm>>
    tpu.wait_indirect_dma semaphore(%arg15 : memref<!tpu.dma_semaphore, #tpu.memory_space<semaphore_mem>>) src(%dma_wait3A_72 : memref<6144x1024xf32, #tpu.memory_space<hbm>>) dst(%arg14 : memref<16x1024xf32, #tpu.memory_space<vmem>>)
    %scan3A = arith.constant 0 : i32
    %scan3A_73 = arith.constant 0 : i32
    %scan3A_74 = arith.constant 16 : i32
    %scan3A_75 = arith.addi %scan3A_73, %scan3A_74 : i32
    %scan3A_76 = arith.constant 1 : i32
    %scan3A_77 = scf.for %scan3A_154 = %scan3A_73 to %scan3A_75 step %scan3A_76 iter_args(%scan3A_155 = %scan3A) -> (i32)  : i32 {
      %scan3A_156 = arith.constant 0 : i32
      %scan3A_157 = arith.constant 0 : i32
      %scan3A_158 = arith.constant 64 : i32
      %scan3A_159 = arith.addi %scan3A_157, %scan3A_158 : i32
      %scan3A_160 = arith.constant 1 : i32
      %scan3A_161 = scf.for %scan3A_163 = %scan3A_157 to %scan3A_159 step %scan3A_160 iter_args(%scan3A_164 = %scan3A_156) -> (i32)  : i32 {
        %mul3A_165 = arith.constant 16 : i32
        %mul3A_166 = arith.muli %scan3A_163, %mul3A_165 : i32
        %get3A = arith.index_cast %scan3A_154 : i32 to index
        %get3A_167 = arith.index_cast %mul3A_166 : i32 to index
        %get3A_168 = tpu.vector_load %arg8[%get3A, %get3A_167] {strides = array<i32>} : memref<16x1024xf32, #tpu.memory_space<vmem>>, vector<1x16xf32>,
        %get3A_169 = vector.shape_cast %get3A_168 : vector<1x16xf32> to vector<16xf32>
        %get3A_170 = arith.index_cast %scan3A_154 : i32 to index
        %get3A_171 = arith.index_cast %mul3A_166 : i32 to index
        %get3A_172 = tpu.vector_load %arg9[%get3A_170, %get3A_171] {strides = array<i32>} : memref<16x1024xf32, #tpu.memory_space<vmem>>, vector<1x16xf32>,
        %get3A_173 = vector.shape_cast %get3A_172 : vector<1x16xf32> to vector<16xf32>
        %add3A_174 = arith.addf %get3A_169, %get3A_173 : vector<16xf32>
        %swap3A = arith.index_cast %scan3A_154 : i32 to index
        %swap3A_175 = arith.index_cast %mul3A_166 : i32 to index
        %swap3A_176 = tpu.vector_load %arg8[%swap3A, %swap3A_175] {strides = array<i32>} : memref<16x1024xf32, #tpu.memory_space<vmem>>, vector<1x16xf32>,
        %swap3A_177 = vector.shape_cast %swap3A_176 : vector<1x16xf32> to vector<16xf32>
        %swap3A_178 = vector.shape_cast %add3A_174 : vector<16xf32> to vector<1x16xf32>
        tpu.vector_store %arg8[%swap3A, %swap3A_175], %swap3A_178 {strides = array<i32>} : memref<16x1024xf32, #tpu.memory_space<vmem>>, vector<1x16xf32>,
        %scan3A_179 = arith.constant 0 : i32
        scf.yield %scan3A_179 : i32
      }
      %scan3A_162 = arith.constant 64 : i32
      scf.yield %scan3A_161 : i32
    }
    %scan3A_78 = arith.constant 16 : i32
    %add3A_79 = arith.constant 0 : i32
    %add3A_80 = arith.addi %mul3A_2, %add3A_79 : i32
    "tpu.region"() ({
      %run_scoped3A = tpu.sem_alloc : memref<!tpu.dma_semaphore, #tpu.memory_space<semaphore_mem>>
      %dma_start3A_154 = arith.constant 0 : i32
      %dma_start3A_155 = tpu.memref_slice %arg2[%add3A_80, %dma_start3A_154] : memref<2048x1024xf32, #tpu.memory_space<hbm>> -> memref<16x1024xf32, #tpu.memory_space<hbm>>
      %dma_start3A_156 = arith.constant 0 : i32
      %dma_start3A_157 = tpu.memref_slice %arg2[%add3A_80, %dma_start3A_156] : memref<2048x1024xf32, #tpu.memory_space<hbm>> -> memref<16x1024xf32, #tpu.memory_space<hbm>>
      tpu.enqueue_dma source(%dma_start3A_157 : memref<16x1024xf32, #tpu.memory_space<hbm>>) target(%arg9 : memref<16x1024xf32, #tpu.memory_space<vmem>>) target_semaphore(%run_scoped3A : memref<!tpu.dma_semaphore, #tpu.memory_space<semaphore_mem>>)
      %dma_wait3A_158 = arith.constant 0 : i32
      %dma_wait3A_159 = tpu.memref_slice %arg2[%add3A_80, %dma_wait3A_158] : memref<2048x1024xf32, #tpu.memory_space<hbm>> -> memref<16x1024xf32, #tpu.memory_space<hbm>>
      %dma_wait3A_160 = arith.constant 0 : i32
      %dma_wait3A_161 = tpu.memref_slice %arg2[%add3A_80, %dma_wait3A_160] : memref<2048x1024xf32, #tpu.memory_space<hbm>> -> memref<16x1024xf32, #tpu.memory_space<hbm>>
      tpu.wait_dma2 semaphore(%run_scoped3A : memref<!tpu.dma_semaphore, #tpu.memory_space<semaphore_mem>>) src(%dma_wait3A_161 : memref<16x1024xf32, #tpu.memory_space<hbm>>) dst(%arg9 : memref<16x1024xf32, #tpu.memory_space<vmem>>)
      tpu.yield
    }) : () -> ()
    %scan3A_81 = arith.constant 0 : i32
    %scan3A_82 = arith.constant 0 : i32
    %scan3A_83 = arith.constant 16 : i32
    %scan3A_84 = arith.addi %scan3A_82, %scan3A_83 : i32
    %scan3A_85 = arith.constant 1 : i32
    %scan3A_86 = scf.for %scan3A_154 = %scan3A_82 to %scan3A_84 step %scan3A_85 iter_args(%scan3A_155 = %scan3A_81) -> (i32)  : i32 {
      %scan3A_156 = arith.constant 0 : i32
      %scan3A_157 = arith.constant 0 : i32
      %scan3A_158 = arith.constant 64 : i32
      %scan3A_159 = arith.addi %scan3A_157, %scan3A_158 : i32
      %scan3A_160 = arith.constant 1 : i32
      %scan3A_161 = scf.for %scan3A_163 = %scan3A_157 to %scan3A_159 step %scan3A_160 iter_args(%scan3A_164 = %scan3A_156) -> (i32)  : i32 {
        %mul3A_165 = arith.constant 16 : i32
        %mul3A_166 = arith.muli %scan3A_163, %mul3A_165 : i32
        %get3A = arith.index_cast %scan3A_154 : i32 to index
        %get3A_167 = arith.index_cast %mul3A_166 : i32 to index
        %get3A_168 = tpu.vector_load %arg8[%get3A, %get3A_167] {strides = array<i32>} : memref<16x1024xf32, #tpu.memory_space<vmem>>, vector<1x16xf32>,
        %get3A_169 = vector.shape_cast %get3A_168 : vector<1x16xf32> to vector<16xf32>
        %get3A_170 = arith.index_cast %scan3A_154 : i32 to index
        %get3A_171 = arith.index_cast %mul3A_166 : i32 to index
        %get3A_172 = tpu.vector_load %arg9[%get3A_170, %get3A_171] {strides = array<i32>} : memref<16x1024xf32, #tpu.memory_space<vmem>>, vector<1x16xf32>,
        %get3A_173 = vector.shape_cast %get3A_172 : vector<1x16xf32> to vector<16xf32>
        %add3A_174 = arith.addf %get3A_169, %get3A_173 : vector<16xf32>
        %swap3A = arith.index_cast %scan3A_154 : i32 to index
        %swap3A_175 = arith.index_cast %mul3A_166 : i32 to index
        %swap3A_176 = tpu.vector_load %arg8[%swap3A, %swap3A_175] {strides = array<i32>} : memref<16x1024xf32, #tpu.memory_space<vmem>>, vector<1x16xf32>,
        %swap3A_177 = vector.shape_cast %swap3A_176 : vector<1x16xf32> to vector<16xf32>
        %swap3A_178 = vector.shape_cast %add3A_174 : vector<16xf32> to vector<1x16xf32>
        tpu.vector_store %arg8[%swap3A, %swap3A_175], %swap3A_178 {strides = array<i32>} : memref<16x1024xf32, #tpu.memory_space<vmem>>, vector<1x16xf32>,
        %scan3A_179 = arith.constant 0 : i32
        scf.yield %scan3A_179 : i32
      }
      %scan3A_162 = arith.constant 64 : i32
      scf.yield %scan3A_161 : i32
    }
    %scan3A_87 = arith.constant 16 : i32
    %add3A_88 = arith.constant 0 : i32
    %add3A_89 = arith.addi %mul3A_2, %add3A_88 : i32
    "tpu.region"() ({
      %run_scoped3A = tpu.sem_alloc : memref<!tpu.dma_semaphore, #tpu.memory_space<semaphore_mem>>
      %dma_start3A_154 = arith.constant 0 : i32
      %dma_start3A_155 = tpu.memref_slice %arg5[%add3A_89, %dma_start3A_154] : memref<2048x1024xf32, #tpu.memory_space<hbm>> -> memref<16x1024xf32, #tpu.memory_space<hbm>>
      %dma_start3A_156 = arith.constant 0 : i32
      %dma_start3A_157 = tpu.memref_slice %arg5[%add3A_89, %dma_start3A_156] : memref<2048x1024xf32, #tpu.memory_space<hbm>> -> memref<16x1024xf32, #tpu.memory_space<hbm>>
      tpu.enqueue_dma source(%arg8 : memref<16x1024xf32, #tpu.memory_space<vmem>>) target(%dma_start3A_157 : memref<16x1024xf32, #tpu.memory_space<hbm>>) target_semaphore(%run_scoped3A : memref<!tpu.dma_semaphore, #tpu.memory_space<semaphore_mem>>)
      %dma_wait3A_158 = arith.constant 0 : i32
      %dma_wait3A_159 = tpu.memref_slice %arg5[%add3A_89, %dma_wait3A_158] : memref<2048x1024xf32, #tpu.memory_space<hbm>> -> memref<16x1024xf32, #tpu.memory_space<hbm>>
      %dma_wait3A_160 = arith.constant 0 : i32
      %dma_wait3A_161 = tpu.memref_slice %arg5[%add3A_89, %dma_wait3A_160] : memref<2048x1024xf32, #tpu.memory_space<hbm>> -> memref<16x1024xf32, #tpu.memory_space<hbm>>
      tpu.wait_dma2 semaphore(%run_scoped3A : memref<!tpu.dma_semaphore, #tpu.memory_space<semaphore_mem>>) src(%arg8 : memref<16x1024xf32, #tpu.memory_space<vmem>>) dst(%dma_wait3A_161 : memref<16x1024xf32, #tpu.memory_space<hbm>>)
      tpu.yield
    }) : () -> ()
    %dma_start3A_90 = arith.constant 48 : i32
    %dma_start3A_91 = tpu.memref_slice %arg7[%dma_start3A_90] : memref<64xi32, #tpu.memory_space<vmem>> -> memref<16xi32, #tpu.memory_space<vmem>>
    %dma_start3A_92 = arith.constant 0 : i32
    %dma_start3A_93 = arith.constant 0 : i32
    %dma_start3A_94 = tpu.memref_slice %arg3[%dma_start3A_92, %dma_start3A_93] : memref<6144x1024xf32, #tpu.memory_space<hbm>> -> memref<6144x1024xf32, #tpu.memory_space<hbm>>
    tpu.enqueue_indirect_dma source(%dma_start3A_94 : memref<6144x1024xf32, #tpu.memory_space<hbm>>) target(%arg8 : memref<16x1024xf32, #tpu.memory_space<vmem>>) offsets(%dma_start3A_91 : memref<16xi32, #tpu.memory_space<vmem>>) semaphore(%arg15 : memref<!tpu.dma_semaphore, #tpu.memory_space<semaphore_mem>>)
    %scan3A_95 = arith.constant 0 : i32
    %scan3A_96 = arith.constant 0 : i32
    %scan3A_97 = arith.constant 16 : i32
    %scan3A_98 = arith.addi %scan3A_96, %scan3A_97 : i32
    %scan3A_99 = arith.constant 1 : i32
    %scan3A_100 = scf.for %scan3A_154 = %scan3A_96 to %scan3A_98 step %scan3A_99 iter_args(%scan3A_155 = %scan3A_95) -> (i32)  : i32 {
      %scan3A_156 = arith.constant 0 : i32
      %scan3A_157 = arith.constant 0 : i32
      %scan3A_158 = arith.constant 64 : i32
      %scan3A_159 = arith.addi %scan3A_157, %scan3A_158 : i32
      %scan3A_160 = arith.constant 1 : i32
      %scan3A_161 = scf.for %scan3A_163 = %scan3A_157 to %scan3A_159 step %scan3A_160 iter_args(%scan3A_164 = %scan3A_156) -> (i32)  : i32 {
        %mul3A_165 = arith.constant 16 : i32
        %mul3A_166 = arith.muli %scan3A_163, %mul3A_165 : i32
        %get3A = arith.index_cast %scan3A_154 : i32 to index
        %get3A_167 = arith.index_cast %mul3A_166 : i32 to index
        %get3A_168 = tpu.vector_load %arg10[%get3A, %get3A_167] {strides = array<i32>} : memref<16x1024xf32, #tpu.memory_space<vmem>>, vector<1x16xf32>,
        %get3A_169 = vector.shape_cast %get3A_168 : vector<1x16xf32> to vector<16xf32>
        %get3A_170 = arith.index_cast %scan3A_154 : i32 to index
        %get3A_171 = arith.index_cast %mul3A_166 : i32 to index
        %get3A_172 = tpu.vector_load %arg11[%get3A_170, %get3A_171] {strides = array<i32>} : memref<16x1024xf32, #tpu.memory_space<vmem>>, vector<1x16xf32>,
        %get3A_173 = vector.shape_cast %get3A_172 : vector<1x16xf32> to vector<16xf32>
        %add3A_174 = arith.addf %get3A_169, %get3A_173 : vector<16xf32>
        %swap3A = arith.index_cast %scan3A_154 : i32 to index
        %swap3A_175 = arith.index_cast %mul3A_166 : i32 to index
        %swap3A_176 = tpu.vector_load %arg10[%swap3A, %swap3A_175] {strides = array<i32>} : memref<16x1024xf32, #tpu.memory_space<vmem>>, vector<1x16xf32>,
        %swap3A_177 = vector.shape_cast %swap3A_176 : vector<1x16xf32> to vector<16xf32>
        %swap3A_178 = vector.shape_cast %add3A_174 : vector<16xf32> to vector<1x16xf32>
        tpu.vector_store %arg10[%swap3A, %swap3A_175], %swap3A_178 {strides = array<i32>} : memref<16x1024xf32, #tpu.memory_space<vmem>>, vector<1x16xf32>,
        %scan3A_179 = arith.constant 0 : i32
        scf.yield %scan3A_179 : i32
      }
      %scan3A_162 = arith.constant 64 : i32
      scf.yield %scan3A_161 : i32
    }
    %scan3A_101 = arith.constant 16 : i32
    %add3A_102 = arith.constant 16 : i32
    %add3A_103 = arith.addi %mul3A_2, %add3A_102 : i32
    "tpu.region"() ({
      %run_scoped3A = tpu.sem_alloc : memref<!tpu.dma_semaphore, #tpu.memory_space<semaphore_mem>>
      %dma_start3A_154 = arith.constant 0 : i32
      %dma_start3A_155 = tpu.memref_slice %arg2[%add3A_103, %dma_start3A_154] : memref<2048x1024xf32, #tpu.memory_space<hbm>> -> memref<16x1024xf32, #tpu.memory_space<hbm>>
      %dma_start3A_156 = arith.constant 0 : i32
      %dma_start3A_157 = tpu.memref_slice %arg2[%add3A_103, %dma_start3A_156] : memref<2048x1024xf32, #tpu.memory_space<hbm>> -> memref<16x1024xf32, #tpu.memory_space<hbm>>
      tpu.enqueue_dma source(%dma_start3A_157 : memref<16x1024xf32, #tpu.memory_space<hbm>>) target(%arg11 : memref<16x1024xf32, #tpu.memory_space<vmem>>) target_semaphore(%run_scoped3A : memref<!tpu.dma_semaphore, #tpu.memory_space<semaphore_mem>>)
      %dma_wait3A_158 = arith.constant 0 : i32
      %dma_wait3A_159 = tpu.memref_slice %arg2[%add3A_103, %dma_wait3A_158] : memref<2048x1024xf32, #tpu.memory_space<hbm>> -> memref<16x1024xf32, #tpu.memory_space<hbm>>
      %dma_wait3A_160 = arith.constant 0 : i32
      %dma_wait3A_161 = tpu.memref_slice %arg2[%add3A_103, %dma_wait3A_160] : memref<2048x1024xf32, #tpu.memory_space<hbm>> -> memref<16x1024xf32, #tpu.memory_space<hbm>>
      tpu.wait_dma2 semaphore(%run_scoped3A : memref<!tpu.dma_semaphore, #tpu.memory_space<semaphore_mem>>) src(%dma_wait3A_161 : memref<16x1024xf32, #tpu.memory_space<hbm>>) dst(%arg11 : memref<16x1024xf32, #tpu.memory_space<vmem>>)
      tpu.yield
    }) : () -> ()
    %scan3A_104 = arith.constant 0 : i32
    %scan3A_105 = arith.constant 0 : i32
    %scan3A_106 = arith.constant 16 : i32
    %scan3A_107 = arith.addi %scan3A_105, %scan3A_106 : i32
    %scan3A_108 = arith.constant 1 : i32
    %scan3A_109 = scf.for %scan3A_154 = %scan3A_105 to %scan3A_107 step %scan3A_108 iter_args(%scan3A_155 = %scan3A_104) -> (i32)  : i32 {
      %scan3A_156 = arith.constant 0 : i32
      %scan3A_157 = arith.constant 0 : i32
      %scan3A_158 = arith.constant 64 : i32
      %scan3A_159 = arith.addi %scan3A_157, %scan3A_158 : i32
      %scan3A_160 = arith.constant 1 : i32
      %scan3A_161 = scf.for %scan3A_163 = %scan3A_157 to %scan3A_159 step %scan3A_160 iter_args(%scan3A_164 = %scan3A_156) -> (i32)  : i32 {
        %mul3A_165 = arith.constant 16 : i32
        %mul3A_166 = arith.muli %scan3A_163, %mul3A_165 : i32
        %get3A = arith.index_cast %scan3A_154 : i32 to index
        %get3A_167 = arith.index_cast %mul3A_166 : i32 to index
        %get3A_168 = tpu.vector_load %arg10[%get3A, %get3A_167] {strides = array<i32>} : memref<16x1024xf32, #tpu.memory_space<vmem>>, vector<1x16xf32>,
        %get3A_169 = vector.shape_cast %get3A_168 : vector<1x16xf32> to vector<16xf32>
        %get3A_170 = arith.index_cast %scan3A_154 : i32 to index
        %get3A_171 = arith.index_cast %mul3A_166 : i32 to index
        %get3A_172 = tpu.vector_load %arg11[%get3A_170, %get3A_171] {strides = array<i32>} : memref<16x1024xf32, #tpu.memory_space<vmem>>, vector<1x16xf32>,
        %get3A_173 = vector.shape_cast %get3A_172 : vector<1x16xf32> to vector<16xf32>
        %add3A_174 = arith.addf %get3A_169, %get3A_173 : vector<16xf32>
        %swap3A = arith.index_cast %scan3A_154 : i32 to index
        %swap3A_175 = arith.index_cast %mul3A_166 : i32 to index
        %swap3A_176 = tpu.vector_load %arg10[%swap3A, %swap3A_175] {strides = array<i32>} : memref<16x1024xf32, #tpu.memory_space<vmem>>, vector<1x16xf32>,
        %swap3A_177 = vector.shape_cast %swap3A_176 : vector<1x16xf32> to vector<16xf32>
        %swap3A_178 = vector.shape_cast %add3A_174 : vector<16xf32> to vector<1x16xf32>
        tpu.vector_store %arg10[%swap3A, %swap3A_175], %swap3A_178 {strides = array<i32>} : memref<16x1024xf32, #tpu.memory_space<vmem>>, vector<1x16xf32>,
        %scan3A_179 = arith.constant 0 : i32
        scf.yield %scan3A_179 : i32
      }
      %scan3A_162 = arith.constant 64 : i32
      scf.yield %scan3A_161 : i32
    }
    %scan3A_110 = arith.constant 16 : i32
    %add3A_111 = arith.constant 16 : i32
    %add3A_112 = arith.addi %mul3A_2, %add3A_111 : i32
    "tpu.region"() ({
      %run_scoped3A = tpu.sem_alloc : memref<!tpu.dma_semaphore, #tpu.memory_space<semaphore_mem>>
      %dma_start3A_154 = arith.constant 0 : i32
      %dma_start3A_155 = tpu.memref_slice %arg5[%add3A_112, %dma_start3A_154] : memref<2048x1024xf32, #tpu.memory_space<hbm>> -> memref<16x1024xf32, #tpu.memory_space<hbm>>
      %dma_start3A_156 = arith.constant 0 : i32
      %dma_start3A_157 = tpu.memref_slice %arg5[%add3A_112, %dma_start3A_156] : memref<2048x1024xf32, #tpu.memory_space<hbm>> -> memref<16x1024xf32, #tpu.memory_space<hbm>>
      tpu.enqueue_dma source(%arg10 : memref<16x1024xf32, #tpu.memory_space<vmem>>) target(%dma_start3A_157 : memref<16x1024xf32, #tpu.memory_space<hbm>>) target_semaphore(%run_scoped3A : memref<!tpu.dma_semaphore, #tpu.memory_space<semaphore_mem>>)
      %dma_wait3A_158 = arith.constant 0 : i32
      %dma_wait3A_159 = tpu.memref_slice %arg5[%add3A_112, %dma_wait3A_158] : memref<2048x1024xf32, #tpu.memory_space<hbm>> -> memref<16x1024xf32, #tpu.memory_space<hbm>>
      %dma_wait3A_160 = arith.constant 0 : i32
      %dma_wait3A_161 = tpu.memref_slice %arg5[%add3A_112, %dma_wait3A_160] : memref<2048x1024xf32, #tpu.memory_space<hbm>> -> memref<16x1024xf32, #tpu.memory_space<hbm>>
      tpu.wait_dma2 semaphore(%run_scoped3A : memref<!tpu.dma_semaphore, #tpu.memory_space<semaphore_mem>>) src(%arg10 : memref<16x1024xf32, #tpu.memory_space<vmem>>) dst(%dma_wait3A_161 : memref<16x1024xf32, #tpu.memory_space<hbm>>)
      tpu.yield
    }) : () -> ()
    %scan3A_113 = arith.constant 0 : i32
    %scan3A_114 = arith.constant 0 : i32
    %scan3A_115 = arith.constant 16 : i32
    %scan3A_116 = arith.addi %scan3A_114, %scan3A_115 : i32
    %scan3A_117 = arith.constant 1 : i32
    %scan3A_118 = scf.for %scan3A_154 = %scan3A_114 to %scan3A_116 step %scan3A_117 iter_args(%scan3A_155 = %scan3A_113) -> (i32)  : i32 {
      %scan3A_156 = arith.constant 0 : i32
      %scan3A_157 = arith.constant 0 : i32
      %scan3A_158 = arith.constant 64 : i32
      %scan3A_159 = arith.addi %scan3A_157, %scan3A_158 : i32
      %scan3A_160 = arith.constant 1 : i32
      %scan3A_161 = scf.for %scan3A_163 = %scan3A_157 to %scan3A_159 step %scan3A_160 iter_args(%scan3A_164 = %scan3A_156) -> (i32)  : i32 {
        %mul3A_165 = arith.constant 16 : i32
        %mul3A_166 = arith.muli %scan3A_163, %mul3A_165 : i32
        %get3A = arith.index_cast %scan3A_154 : i32 to index
        %get3A_167 = arith.index_cast %mul3A_166 : i32 to index
        %get3A_168 = tpu.vector_load %arg12[%get3A, %get3A_167] {strides = array<i32>} : memref<16x1024xf32, #tpu.memory_space<vmem>>, vector<1x16xf32>,
        %get3A_169 = vector.shape_cast %get3A_168 : vector<1x16xf32> to vector<16xf32>
        %get3A_170 = arith.index_cast %scan3A_154 : i32 to index
        %get3A_171 = arith.index_cast %mul3A_166 : i32 to index
        %get3A_172 = tpu.vector_load %arg13[%get3A_170, %get3A_171] {strides = array<i32>} : memref<16x1024xf32, #tpu.memory_space<vmem>>, vector<1x16xf32>,
        %get3A_173 = vector.shape_cast %get3A_172 : vector<1x16xf32> to vector<16xf32>
        %add3A_174 = arith.addf %get3A_169, %get3A_173 : vector<16xf32>
        %swap3A = arith.index_cast %scan3A_154 : i32 to index
        %swap3A_175 = arith.index_cast %mul3A_166 : i32 to index
        %swap3A_176 = tpu.vector_load %arg12[%swap3A, %swap3A_175] {strides = array<i32>} : memref<16x1024xf32, #tpu.memory_space<vmem>>, vector<1x16xf32>,
        %swap3A_177 = vector.shape_cast %swap3A_176 : vector<1x16xf32> to vector<16xf32>
        %swap3A_178 = vector.shape_cast %add3A_174 : vector<16xf32> to vector<1x16xf32>
        tpu.vector_store %arg12[%swap3A, %swap3A_175], %swap3A_178 {strides = array<i32>} : memref<16x1024xf32, #tpu.memory_space<vmem>>, vector<1x16xf32>,
        %scan3A_179 = arith.constant 0 : i32
        scf.yield %scan3A_179 : i32
      }
      %scan3A_162 = arith.constant 64 : i32
      scf.yield %scan3A_161 : i32
    }
    %scan3A_119 = arith.constant 16 : i32
    %add3A_120 = arith.constant 32 : i32
    %add3A_121 = arith.addi %mul3A_2, %add3A_120 : i32
    "tpu.region"() ({
      %run_scoped3A = tpu.sem_alloc : memref<!tpu.dma_semaphore, #tpu.memory_space<semaphore_mem>>
      %dma_start3A_154 = arith.constant 0 : i32
      %dma_start3A_155 = tpu.memref_slice %arg2[%add3A_121, %dma_start3A_154] : memref<2048x1024xf32, #tpu.memory_space<hbm>> -> memref<16x1024xf32, #tpu.memory_space<hbm>>
      %dma_start3A_156 = arith.constant 0 : i32
      %dma_start3A_157 = tpu.memref_slice %arg2[%add3A_121, %dma_start3A_156] : memref<2048x1024xf32, #tpu.memory_space<hbm>> -> memref<16x1024xf32, #tpu.memory_space<hbm>>
      tpu.enqueue_dma source(%dma_start3A_157 : memref<16x1024xf32, #tpu.memory_space<hbm>>) target(%arg13 : memref<16x1024xf32, #tpu.memory_space<vmem>>) target_semaphore(%run_scoped3A : memref<!tpu.dma_semaphore, #tpu.memory_space<semaphore_mem>>)
      %dma_wait3A_158 = arith.constant 0 : i32
      %dma_wait3A_159 = tpu.memref_slice %arg2[%add3A_121, %dma_wait3A_158] : memref<2048x1024xf32, #tpu.memory_space<hbm>> -> memref<16x1024xf32, #tpu.memory_space<hbm>>
      %dma_wait3A_160 = arith.constant 0 : i32
      %dma_wait3A_161 = tpu.memref_slice %arg2[%add3A_121, %dma_wait3A_160] : memref<2048x1024xf32, #tpu.memory_space<hbm>> -> memref<16x1024xf32, #tpu.memory_space<hbm>>
      tpu.wait_dma2 semaphore(%run_scoped3A : memref<!tpu.dma_semaphore, #tpu.memory_space<semaphore_mem>>) src(%dma_wait3A_161 : memref<16x1024xf32, #tpu.memory_space<hbm>>) dst(%arg13 : memref<16x1024xf32, #tpu.memory_space<vmem>>)
      tpu.yield
    }) : () -> ()
    %scan3A_122 = arith.constant 0 : i32
    %scan3A_123 = arith.constant 0 : i32
    %scan3A_124 = arith.constant 16 : i32
    %scan3A_125 = arith.addi %scan3A_123, %scan3A_124 : i32
    %scan3A_126 = arith.constant 1 : i32
    %scan3A_127 = scf.for %scan3A_154 = %scan3A_123 to %scan3A_125 step %scan3A_126 iter_args(%scan3A_155 = %scan3A_122) -> (i32)  : i32 {
      %scan3A_156 = arith.constant 0 : i32
      %scan3A_157 = arith.constant 0 : i32
      %scan3A_158 = arith.constant 64 : i32
      %scan3A_159 = arith.addi %scan3A_157, %scan3A_158 : i32
      %scan3A_160 = arith.constant 1 : i32
      %scan3A_161 = scf.for %scan3A_163 = %scan3A_157 to %scan3A_159 step %scan3A_160 iter_args(%scan3A_164 = %scan3A_156) -> (i32)  : i32 {
        %mul3A_165 = arith.constant 16 : i32
        %mul3A_166 = arith.muli %scan3A_163, %mul3A_165 : i32
        %get3A = arith.index_cast %scan3A_154 : i32 to index
        %get3A_167 = arith.index_cast %mul3A_166 : i32 to index
        %get3A_168 = tpu.vector_load %arg12[%get3A, %get3A_167] {strides = array<i32>} : memref<16x1024xf32, #tpu.memory_space<vmem>>, vector<1x16xf32>,
        %get3A_169 = vector.shape_cast %get3A_168 : vector<1x16xf32> to vector<16xf32>
        %get3A_170 = arith.index_cast %scan3A_154 : i32 to index
        %get3A_171 = arith.index_cast %mul3A_166 : i32 to index
        %get3A_172 = tpu.vector_load %arg13[%get3A_170, %get3A_171] {strides = array<i32>} : memref<16x1024xf32, #tpu.memory_space<vmem>>, vector<1x16xf32>,
        %get3A_173 = vector.shape_cast %get3A_172 : vector<1x16xf32> to vector<16xf32>
        %add3A_174 = arith.addf %get3A_169, %get3A_173 : vector<16xf32>
        %swap3A = arith.index_cast %scan3A_154 : i32 to index
        %swap3A_175 = arith.index_cast %mul3A_166 : i32 to index
        %swap3A_176 = tpu.vector_load %arg12[%swap3A, %swap3A_175] {strides = array<i32>} : memref<16x1024xf32, #tpu.memory_space<vmem>>, vector<1x16xf32>,
        %swap3A_177 = vector.shape_cast %swap3A_176 : vector<1x16xf32> to vector<16xf32>
        %swap3A_178 = vector.shape_cast %add3A_174 : vector<16xf32> to vector<1x16xf32>
        tpu.vector_store %arg12[%swap3A, %swap3A_175], %swap3A_178 {strides = array<i32>} : memref<16x1024xf32, #tpu.memory_space<vmem>>, vector<1x16xf32>,
        %scan3A_179 = arith.constant 0 : i32
        scf.yield %scan3A_179 : i32
      }
      %scan3A_162 = arith.constant 64 : i32
      scf.yield %scan3A_161 : i32
    }
    %scan3A_128 = arith.constant 16 : i32
    %add3A_129 = arith.constant 32 : i32
    %add3A_130 = arith.addi %mul3A_2, %add3A_129 : i32
    "tpu.region"() ({
      %run_scoped3A = tpu.sem_alloc : memref<!tpu.dma_semaphore, #tpu.memory_space<semaphore_mem>>
      %dma_start3A_154 = arith.constant 0 : i32
      %dma_start3A_155 = tpu.memref_slice %arg5[%add3A_130, %dma_start3A_154] : memref<2048x1024xf32, #tpu.memory_space<hbm>> -> memref<16x1024xf32, #tpu.memory_space<hbm>>
      %dma_start3A_156 = arith.constant 0 : i32
      %dma_start3A_157 = tpu.memref_slice %arg5[%add3A_130, %dma_start3A_156] : memref<2048x1024xf32, #tpu.memory_space<hbm>> -> memref<16x1024xf32, #tpu.memory_space<hbm>>
      tpu.enqueue_dma source(%arg12 : memref<16x1024xf32, #tpu.memory_space<vmem>>) target(%dma_start3A_157 : memref<16x1024xf32, #tpu.memory_space<hbm>>) target_semaphore(%run_scoped3A : memref<!tpu.dma_semaphore, #tpu.memory_space<semaphore_mem>>)
      %dma_wait3A_158 = arith.constant 0 : i32
      %dma_wait3A_159 = tpu.memref_slice %arg5[%add3A_130, %dma_wait3A_158] : memref<2048x1024xf32, #tpu.memory_space<hbm>> -> memref<16x1024xf32, #tpu.memory_space<hbm>>
      %dma_wait3A_160 = arith.constant 0 : i32
      %dma_wait3A_161 = tpu.memref_slice %arg5[%add3A_130, %dma_wait3A_160] : memref<2048x1024xf32, #tpu.memory_space<hbm>> -> memref<16x1024xf32, #tpu.memory_space<hbm>>
      tpu.wait_dma2 semaphore(%run_scoped3A : memref<!tpu.dma_semaphore, #tpu.memory_space<semaphore_mem>>) src(%arg12 : memref<16x1024xf32, #tpu.memory_space<vmem>>) dst(%dma_wait3A_161 : memref<16x1024xf32, #tpu.memory_space<hbm>>)
      tpu.yield
    }) : () -> ()
    %dma_wait3A_131 = arith.constant 48 : i32
    %dma_wait3A_132 = tpu.memref_slice %arg7[%dma_wait3A_131] : memref<64xi32, #tpu.memory_space<vmem>> -> memref<16xi32, #tpu.memory_space<vmem>>
    %dma_wait3A_133 = arith.constant 0 : i32
    %dma_wait3A_134 = arith.constant 0 : i32
    %dma_wait3A_135 = tpu.memref_slice %arg3[%dma_wait3A_133, %dma_wait3A_134] : memref<6144x1024xf32, #tpu.memory_space<hbm>> -> memref<6144x1024xf32, #tpu.memory_space<hbm>>
    tpu.wait_indirect_dma semaphore(%arg15 : memref<!tpu.dma_semaphore, #tpu.memory_space<semaphore_mem>>) src(%dma_wait3A_135 : memref<6144x1024xf32, #tpu.memory_space<hbm>>) dst(%arg8 : memref<16x1024xf32, #tpu.memory_space<vmem>>)
    %scan3A_136 = arith.constant 0 : i32
    %scan3A_137 = arith.constant 0 : i32
    %scan3A_138 = arith.constant 16 : i32
    %scan3A_139 = arith.addi %scan3A_137, %scan3A_138 : i32
    %scan3A_140 = arith.constant 1 : i32
    %scan3A_141 = scf.for %scan3A_154 = %scan3A_137 to %scan3A_139 step %scan3A_140 iter_args(%scan3A_155 = %scan3A_136) -> (i32)  : i32 {
      %scan3A_156 = arith.constant 0 : i32
      %scan3A_157 = arith.constant 0 : i32
      %scan3A_158 = arith.constant 64 : i32
      %scan3A_159 = arith.addi %scan3A_157, %scan3A_158 : i32
      %scan3A_160 = arith.constant 1 : i32
      %scan3A_161 = scf.for %scan3A_163 = %scan3A_157 to %scan3A_159 step %scan3A_160 iter_args(%scan3A_164 = %scan3A_156) -> (i32)  : i32 {
        %mul3A_165 = arith.constant 16 : i32
        %mul3A_166 = arith.muli %scan3A_163, %mul3A_165 : i32
        %get3A = arith.index_cast %scan3A_154 : i32 to index
        %get3A_167 = arith.index_cast %mul3A_166 : i32 to index
        %get3A_168 = tpu.vector_load %arg14[%get3A, %get3A_167] {strides = array<i32>} : memref<16x1024xf32, #tpu.memory_space<vmem>>, vector<1x16xf32>,
        %get3A_169 = vector.shape_cast %get3A_168 : vector<1x16xf32> to vector<16xf32>
        %get3A_170 = arith.index_cast %scan3A_154 : i32 to index
        %get3A_171 = arith.index_cast %mul3A_166 : i32 to index
        %get3A_172 = tpu.vector_load %arg8[%get3A_170, %get3A_171] {strides = array<i32>} : memref<16x1024xf32, #tpu.memory_space<vmem>>, vector<1x16xf32>,
        %get3A_173 = vector.shape_cast %get3A_172 : vector<1x16xf32> to vector<16xf32>
        %add3A_174 = arith.addf %get3A_169, %get3A_173 : vector<16xf32>
        %swap3A = arith.index_cast %scan3A_154 : i32 to index
        %swap3A_175 = arith.index_cast %mul3A_166 : i32 to index
        %swap3A_176 = tpu.vector_load %arg14[%swap3A, %swap3A_175] {strides = array<i32>} : memref<16x1024xf32, #tpu.memory_space<vmem>>, vector<1x16xf32>,
        %swap3A_177 = vector.shape_cast %swap3A_176 : vector<1x16xf32> to vector<16xf32>
        %swap3A_178 = vector.shape_cast %add3A_174 : vector<16xf32> to vector<1x16xf32>
        tpu.vector_store %arg14[%swap3A, %swap3A_175], %swap3A_178 {strides = array<i32>} : memref<16x1024xf32, #tpu.memory_space<vmem>>, vector<1x16xf32>,
        %scan3A_179 = arith.constant 0 : i32
        scf.yield %scan3A_179 : i32
      }
      %scan3A_162 = arith.constant 64 : i32
      scf.yield %scan3A_161 : i32
    }
    %scan3A_142 = arith.constant 16 : i32
    %add3A_143 = arith.constant 48 : i32
    %add3A_144 = arith.addi %mul3A_2, %add3A_143 : i32
    "tpu.region"() ({
      %run_scoped3A = tpu.sem_alloc : memref<!tpu.dma_semaphore, #tpu.memory_space<semaphore_mem>>
      %dma_start3A_154 = arith.constant 0 : i32
      %dma_start3A_155 = tpu.memref_slice %arg2[%add3A_144, %dma_start3A_154] : memref<2048x1024xf32, #tpu.memory_space<hbm>> -> memref<16x1024xf32, #tpu.memory_space<hbm>>
      %dma_start3A_156 = arith.constant 0 : i32
      %dma_start3A_157 = tpu.memref_slice %arg2[%add3A_144, %dma_start3A_156] : memref<2048x1024xf32, #tpu.memory_space<hbm>> -> memref<16x1024xf32, #tpu.memory_space<hbm>>
      tpu.enqueue_dma source(%dma_start3A_157 : memref<16x1024xf32, #tpu.memory_space<hbm>>) target(%arg8 : memref<16x1024xf32, #tpu.memory_space<vmem>>) target_semaphore(%run_scoped3A : memref<!tpu.dma_semaphore, #tpu.memory_space<semaphore_mem>>)
      %dma_wait3A_158 = arith.constant 0 : i32
      %dma_wait3A_159 = tpu.memref_slice %arg2[%add3A_144, %dma_wait3A_158] : memref<2048x1024xf32, #tpu.memory_space<hbm>> -> memref<16x1024xf32, #tpu.memory_space<hbm>>
      %dma_wait3A_160 = arith.constant 0 : i32
      %dma_wait3A_161 = tpu.memref_slice %arg2[%add3A_144, %dma_wait3A_160] : memref<2048x1024xf32, #tpu.memory_space<hbm>> -> memref<16x1024xf32, #tpu.memory_space<hbm>>
      tpu.wait_dma2 semaphore(%run_scoped3A : memref<!tpu.dma_semaphore, #tpu.memory_space<semaphore_mem>>) src(%dma_wait3A_161 : memref<16x1024xf32, #tpu.memory_space<hbm>>) dst(%arg8 : memref<16x1024xf32, #tpu.memory_space<vmem>>)
      tpu.yield
    }) : () -> ()
    %scan3A_145 = arith.constant 0 : i32
    %scan3A_146 = arith.constant 0 : i32
    %scan3A_147 = arith.constant 16 : i32
    %scan3A_148 = arith.addi %scan3A_146, %scan3A_147 : i32
    %scan3A_149 = arith.constant 1 : i32
    %scan3A_150 = scf.for %scan3A_154 = %scan3A_146 to %scan3A_148 step %scan3A_149 iter_args(%scan3A_155 = %scan3A_145) -> (i32)  : i32 {
      %scan3A_156 = arith.constant 0 : i32
      %scan3A_157 = arith.constant 0 : i32
      %scan3A_158 = arith.constant 64 : i32
      %scan3A_159 = arith.addi %scan3A_157, %scan3A_158 : i32
      %scan3A_160 = arith.constant 1 : i32
      %scan3A_161 = scf.for %scan3A_163 = %scan3A_157 to %scan3A_159 step %scan3A_160 iter_args(%scan3A_164 = %scan3A_156) -> (i32)  : i32 {
        %mul3A_165 = arith.constant 16 : i32
        %mul3A_166 = arith.muli %scan3A_163, %mul3A_165 : i32
        %get3A = arith.index_cast %scan3A_154 : i32 to index
        %get3A_167 = arith.index_cast %mul3A_166 : i32 to index
        %get3A_168 = tpu.vector_load %arg14[%get3A, %get3A_167] {strides = array<i32>} : memref<16x1024xf32, #tpu.memory_space<vmem>>, vector<1x16xf32>,
        %get3A_169 = vector.shape_cast %get3A_168 : vector<1x16xf32> to vector<16xf32>
        %get3A_170 = arith.index_cast %scan3A_154 : i32 to index
        %get3A_171 = arith.index_cast %mul3A_166 : i32 to index
        %get3A_172 = tpu.vector_load %arg8[%get3A_170, %get3A_171] {strides = array<i32>} : memref<16x1024xf32, #tpu.memory_space<vmem>>, vector<1x16xf32>,
        %get3A_173 = vector.shape_cast %get3A_172 : vector<1x16xf32> to vector<16xf32>
        %add3A_174 = arith.addf %get3A_169, %get3A_173 : vector<16xf32>
        %swap3A = arith.index_cast %scan3A_154 : i32 to index
        %swap3A_175 = arith.index_cast %mul3A_166 : i32 to index
        %swap3A_176 = tpu.vector_load %arg14[%swap3A, %swap3A_175] {strides = array<i32>} : memref<16x1024xf32, #tpu.memory_space<vmem>>, vector<1x16xf32>,
        %swap3A_177 = vector.shape_cast %swap3A_176 : vector<1x16xf32> to vector<16xf32>
        %swap3A_178 = vector.shape_cast %add3A_174 : vector<16xf32> to vector<1x16xf32>
        tpu.vector_store %arg14[%swap3A, %swap3A_175], %swap3A_178 {strides = array<i32>} : memref<16x1024xf32, #tpu.memory_space<vmem>>, vector<1x16xf32>,
        %scan3A_179 = arith.constant 0 : i32
        scf.yield %scan3A_179 : i32
      }
      %scan3A_162 = arith.constant 64 : i32
      scf.yield %scan3A_161 : i32
    }
    %scan3A_151 = arith.constant 16 : i32
    %add3A_152 = arith.constant 48 : i32
    %add3A_153 = arith.addi %mul3A_2, %add3A_152 : i32
    "tpu.region"() ({
      %run_scoped3A = tpu.sem_alloc : memref<!tpu.dma_semaphore, #tpu.memory_space<semaphore_mem>>
      %dma_start3A_154 = arith.constant 0 : i32
      %dma_start3A_155 = tpu.memref_slice %arg5[%add3A_153, %dma_start3A_154] : memref<2048x1024xf32, #tpu.memory_space<hbm>> -> memref<16x1024xf32, #tpu.memory_space<hbm>>
      %dma_start3A_156 = arith.constant 0 : i32
      %dma_start3A_157 = tpu.memref_slice %arg5[%add3A_153, %dma_start3A_156] : memref<2048x1024xf32, #tpu.memory_space<hbm>> -> memref<16x1024xf32, #tpu.memory_space<hbm>>
      tpu.enqueue_dma source(%arg14 : memref<16x1024xf32, #tpu.memory_space<vmem>>) target(%dma_start3A_157 : memref<16x1024xf32, #tpu.memory_space<hbm>>) target_semaphore(%run_scoped3A : memref<!tpu.dma_semaphore, #tpu.memory_space<semaphore_mem>>)
      %dma_wait3A_158 = arith.constant 0 : i32
      %dma_wait3A_159 = tpu.memref_slice %arg5[%add3A_153, %dma_wait3A_158] : memref<2048x1024xf32, #tpu.memory_space<hbm>> -> memref<16x1024xf32, #tpu.memory_space<hbm>>
      %dma_wait3A_160 = arith.constant 0 : i32
      %dma_wait3A_161 = tpu.memref_slice %arg5[%add3A_153, %dma_wait3A_160] : memref<2048x1024xf32, #tpu.memory_space<hbm>> -> memref<16x1024xf32, #tpu.memory_space<hbm>>
      tpu.wait_dma2 semaphore(%run_scoped3A : memref<!tpu.dma_semaphore, #tpu.memory_space<semaphore_mem>>) src(%arg14 : memref<16x1024xf32, #tpu.memory_space<vmem>>) dst(%dma_wait3A_161 : memref<16x1024xf32, #tpu.memory_space<hbm>>)
      tpu.yield
    }) : () -> ()
    return
  }
}

module attributes {stable_mosaic.version = 14 : i64} {
  func.func @_router_body(%arg0: i32, %arg1: memref<256x1024xf32, #tpu.memory_space<vmem>>, %arg2: memref<1024x16xf32, #tpu.memory_space<vmem>>, %arg3: memref<1x16xf32, #tpu.memory_space<vmem>>, %arg4: memref<1x16xf32, #tpu.memory_space<vmem>>, %arg5: memref<256x1xi32, #tpu.memory_space<vmem>>, %arg6: memref<256x1xi32, #tpu.memory_space<vmem>>, %arg7: memref<256x1xf32, #tpu.memory_space<vmem>>, %arg8: memref<256x1xf32, #tpu.memory_space<vmem>>, %arg9: memref<256x1024xf32, #tpu.memory_space<vmem>>) attributes {dimension_semantics = [#tpu.dimension_semantics<arbitrary>], iteration_bounds = array<i64: 8>, scalar_prefetch = 0 : i64, scratch_operands = 0 : i64, tpu.core_type = #tpu.core_type<tc>, window_params = [{transform_indices = @transform_0, window_bounds = array<i64: 256, 1024>}, {pipeline_mode = #tpu.pipeline_mode<synchronous>, transform_indices = @transform_1, window_bounds = array<i64: 1024, 16>}, {pipeline_mode = #tpu.pipeline_mode<synchronous>, transform_indices = @transform_2, window_bounds = array<i64: 1, 16>}, {pipeline_mode = #tpu.pipeline_mode<synchronous>, transform_indices = @transform_3, window_bounds = array<i64: 1, 16>}, {transform_indices = @transform_4, window_bounds = array<i64: 256, 1>}, {transform_indices = @transform_5, window_bounds = array<i64: 256, 1>}, {transform_indices = @transform_6, window_bounds = array<i64: 256, 1>}, {transform_indices = @transform_7, window_bounds = array<i64: 256, 1>}, {transform_indices = @transform_8, window_bounds = array<i64: 256, 1024>}]} {
    %get3A = arith.constant 0 : index
    %get3A_0 = arith.constant 0 : index
    %get3A_1 = vector.load %arg1[%get3A, %get3A_0] : memref<256x1024xf32, #tpu.memory_space<vmem>>, vector<256x1024xf32>
    %get3A_2 = arith.constant 0 : index
    %get3A_3 = arith.constant 0 : index
    %get3A_4 = vector.load %arg2[%get3A_2, %get3A_3] : memref<1024x16xf32, #tpu.memory_space<vmem>>, vector<1024x16xf32>
    %dot_general3A = arith.constant dense<0.000000e+00> : vector<256x16xf32>
    %dot_general3A_5 = tpu.matmul %get3A_1, %get3A_4, %dot_general3A {dimension_numbers = #tpu.dot_dimension_numbers<[1], [0], [0], [1], [0, 0, 1, 1], [], []>, transpose_lhs_hint = false} : vector<256x1024xf32>, vector<1024x16xf32>, vector<256x16xf32> -> vector<256x16xf32>
    %get3A_6 = arith.constant 0 : index
    %get3A_7 = arith.constant 0 : index
    %get3A_8 = vector.load %arg3[%get3A_6, %get3A_7] : memref<1x16xf32, #tpu.memory_space<vmem>>, vector<1x16xf32>
    %add3A = vector.broadcast %get3A_8 : vector<1x16xf32> to vector<256x16xf32>
    %add3A_9 = arith.addf %dot_general3A_5, %add3A : vector<256x16xf32>
    %logistic3A = arith.negf %add3A_9 : vector<256x16xf32>
    %logistic3A_10 = math.exp %logistic3A : vector<256x16xf32>
    %logistic3A_11 = arith.constant 1.000000e+00 : f32
    %logistic3A_12 = vector.broadcast %logistic3A_11 : f32 to vector<256x16xf32>
    %logistic3A_13 = arith.addf %logistic3A_12, %logistic3A_10 : vector<256x16xf32>
    %logistic3A_14 = arith.divf %logistic3A_12, %logistic3A_13 : vector<256x16xf32>
    %get3A_15 = arith.constant 0 : index
    %get3A_16 = arith.constant 0 : index
    %get3A_17 = vector.load %arg4[%get3A_15, %get3A_16] : memref<1x16xf32, #tpu.memory_space<vmem>>, vector<1x16xf32>
    %add3A_18 = vector.broadcast %get3A_17 : vector<1x16xf32> to vector<256x16xf32>
    %add3A_19 = arith.addf %logistic3A_14, %add3A_18 : vector<256x16xf32>
    %iota3A = tpu.iota {dimensions = array<i32: 1>} : vector<256x16xi32>
    %reduce_max3A = arith.constant dense<0xFF800000> : vector<256xf32>
    %reduce_max3A_20 = vector.multi_reduction <maximumf>, %add3A_19, %reduce_max3A [1] : vector<256x16xf32> to vector<256xf32>
    %broadcast_in_dim3A = vector.shape_cast %reduce_max3A_20 : vector<256xf32> to vector<256x1xf32>
    %eq3A = vector.broadcast %broadcast_in_dim3A : vector<256x1xf32> to vector<256x16xf32>
    %eq3A_21 = arith.cmpf oeq, %add3A_19, %eq3A : vector<256x16xf32>
    %jit3A = arith.constant 16 : i32
    %broadcast_in_dim3A_22 = vector.broadcast %jit3A : i32 to vector<256x16xi32>
    %select_n3A = arith.select %eq3A_21, %iota3A, %broadcast_in_dim3A_22 : vector<256x16xi1>, vector<256x16xi32>
    %reduce_min3A = arith.constant dense<2147483647> : vector<256xi32>
    %reduce_min3A_23 = vector.multi_reduction <minsi>, %select_n3A, %reduce_min3A [1] : vector<256x16xi32> to vector<256xi32>
    %broadcast_in_dim3A_24 = vector.shape_cast %reduce_min3A_23 : vector<256xi32> to vector<256x1xi32>
    %eq3A_25 = vector.broadcast %broadcast_in_dim3A_24 : vector<256x1xi32> to vector<256x16xi32>
    %eq3A_26 = arith.cmpi eq, %iota3A, %eq3A_25 : vector<256x16xi32>
    %jit3A_27 = arith.constant 0.000000e+00 : f32
    %broadcast_in_dim3A_28 = vector.broadcast %jit3A_27 : f32 to vector<256x16xf32>
    %select_n3A_29 = arith.select %eq3A_26, %logistic3A_14, %broadcast_in_dim3A_28 : vector<256x16xi1>, vector<256x16xf32>
    %reduce_sum3A = arith.constant dense<0.000000e+00> : vector<256xf32>
    %reduce_sum3A_30 = vector.multi_reduction <add>, %select_n3A_29, %reduce_sum3A [1] : vector<256x16xf32> to vector<256xf32>
    %broadcast_in_dim3A_31 = vector.shape_cast %reduce_sum3A_30 : vector<256xf32> to vector<256x1xf32>
    %jit3A_32 = arith.constant 0xFF800000 : f32
    %broadcast_in_dim3A_33 = vector.broadcast %jit3A_32 : f32 to vector<256x16xf32>
    %select_n3A_34 = arith.select %eq3A_26, %broadcast_in_dim3A_33, %add3A_19 : vector<256x16xi1>, vector<256x16xf32>
    %reduce_max3A_35 = arith.constant dense<0xFF800000> : vector<256xf32>
    %reduce_max3A_36 = vector.multi_reduction <maximumf>, %select_n3A_34, %reduce_max3A_35 [1] : vector<256x16xf32> to vector<256xf32>
    %broadcast_in_dim3A_37 = vector.shape_cast %reduce_max3A_36 : vector<256xf32> to vector<256x1xf32>
    %eq3A_38 = vector.broadcast %broadcast_in_dim3A_37 : vector<256x1xf32> to vector<256x16xf32>
    %eq3A_39 = arith.cmpf oeq, %select_n3A_34, %eq3A_38 : vector<256x16xf32>
    %jit3A_40 = arith.constant 16 : i32
    %broadcast_in_dim3A_41 = vector.broadcast %jit3A_40 : i32 to vector<256x16xi32>
    %select_n3A_42 = arith.select %eq3A_39, %iota3A, %broadcast_in_dim3A_41 : vector<256x16xi1>, vector<256x16xi32>
    %reduce_min3A_43 = arith.constant dense<2147483647> : vector<256xi32>
    %reduce_min3A_44 = vector.multi_reduction <minsi>, %select_n3A_42, %reduce_min3A_43 [1] : vector<256x16xi32> to vector<256xi32>
    %broadcast_in_dim3A_45 = vector.shape_cast %reduce_min3A_44 : vector<256xi32> to vector<256x1xi32>
    %eq3A_46 = vector.broadcast %broadcast_in_dim3A_45 : vector<256x1xi32> to vector<256x16xi32>
    %eq3A_47 = arith.cmpi eq, %iota3A, %eq3A_46 : vector<256x16xi32>
    %jit3A_48 = arith.constant 0.000000e+00 : f32
    %broadcast_in_dim3A_49 = vector.broadcast %jit3A_48 : f32 to vector<256x16xf32>
    %select_n3A_50 = arith.select %eq3A_47, %logistic3A_14, %broadcast_in_dim3A_49 : vector<256x16xi1>, vector<256x16xf32>
    %reduce_sum3A_51 = arith.constant dense<0.000000e+00> : vector<256xf32>
    %reduce_sum3A_52 = vector.multi_reduction <add>, %select_n3A_50, %reduce_sum3A_51 [1] : vector<256x16xf32> to vector<256xf32>
    %broadcast_in_dim3A_53 = vector.shape_cast %reduce_sum3A_52 : vector<256xf32> to vector<256x1xf32>
    %swap3A = arith.constant 0 : index
    %swap3A_54 = arith.constant 0 : index
    %swap3A_55 = vector.load %arg5[%swap3A, %swap3A_54] : memref<256x1xi32, #tpu.memory_space<vmem>>, vector<256x1xi32>
    tpu.vector_store %arg5[%swap3A, %swap3A_54], %broadcast_in_dim3A_24 {strides = array<i32>} : memref<256x1xi32, #tpu.memory_space<vmem>>, vector<256x1xi32>,
    %swap3A_56 = arith.constant 0 : index
    %swap3A_57 = arith.constant 0 : index
    %swap3A_58 = vector.load %arg6[%swap3A_56, %swap3A_57] : memref<256x1xi32, #tpu.memory_space<vmem>>, vector<256x1xi32>
    tpu.vector_store %arg6[%swap3A_56, %swap3A_57], %broadcast_in_dim3A_45 {strides = array<i32>} : memref<256x1xi32, #tpu.memory_space<vmem>>, vector<256x1xi32>,
    %swap3A_59 = arith.constant 0 : index
    %swap3A_60 = arith.constant 0 : index
    %swap3A_61 = vector.load %arg7[%swap3A_59, %swap3A_60] : memref<256x1xf32, #tpu.memory_space<vmem>>, vector<256x1xf32>
    tpu.vector_store %arg7[%swap3A_59, %swap3A_60], %broadcast_in_dim3A_31 {strides = array<i32>} : memref<256x1xf32, #tpu.memory_space<vmem>>, vector<256x1xf32>,
    %swap3A_62 = arith.constant 0 : index
    %swap3A_63 = arith.constant 0 : index
    %swap3A_64 = vector.load %arg8[%swap3A_62, %swap3A_63] : memref<256x1xf32, #tpu.memory_space<vmem>>, vector<256x1xf32>
    tpu.vector_store %arg8[%swap3A_62, %swap3A_63], %broadcast_in_dim3A_53 {strides = array<i32>} : memref<256x1xf32, #tpu.memory_space<vmem>>, vector<256x1xf32>,
    %ge3A = arith.constant 8 : i32
    %ge3A_65 = vector.broadcast %ge3A : i32 to vector<256x1xi32>
    %ge3A_66 = arith.cmpi sge, %broadcast_in_dim3A_24, %ge3A_65 : vector<256x1xi32>
    %jit3A_67 = arith.constant 0.000000e+00 : f32
    %broadcast_in_dim3A_68 = vector.broadcast %jit3A_67 : f32 to vector<256x1xf32>
    %select_n3A_69 = arith.select %ge3A_66, %broadcast_in_dim3A_31, %broadcast_in_dim3A_68 : vector<256x1xi1>, vector<256x1xf32>
    %ge3A_70 = arith.constant 8 : i32
    %ge3A_71 = vector.broadcast %ge3A_70 : i32 to vector<256x1xi32>
    %ge3A_72 = arith.cmpi sge, %broadcast_in_dim3A_45, %ge3A_71 : vector<256x1xi32>
    %jit3A_73 = arith.constant 0.000000e+00 : f32
    %broadcast_in_dim3A_74 = vector.broadcast %jit3A_73 : f32 to vector<256x1xf32>
    %select_n3A_75 = arith.select %ge3A_72, %broadcast_in_dim3A_53, %broadcast_in_dim3A_74 : vector<256x1xi1>, vector<256x1xf32>
    %add3A_76 = arith.addf %select_n3A_69, %select_n3A_75 : vector<256x1xf32>
    %mul3A = vector.broadcast %add3A_76 : vector<256x1xf32> to vector<256x1024xf32>
    %mul3A_77 = arith.mulf %mul3A, %get3A_1 : vector<256x1024xf32>
    %swap3A_78 = arith.constant 0 : index
    %swap3A_79 = arith.constant 0 : index
    %swap3A_80 = vector.load %arg9[%swap3A_78, %swap3A_79] : memref<256x1024xf32, #tpu.memory_space<vmem>>, vector<256x1024xf32>
    tpu.vector_store %arg9[%swap3A_78, %swap3A_79], %mul3A_77 {strides = array<i32>} : memref<256x1024xf32, #tpu.memory_space<vmem>>, vector<256x1024xf32>,
    return
  }
  func.func @transform_0(%arg0: i32) -> (i32, i32) {
    %c0_i32 = arith.constant 0 : i32
    %c0_i32_0 = arith.constant 0 : i32
    return %arg0, %c0_i32 : i32, i32
  }
  func.func @transform_1(%arg0: i32) -> (i32, i32) {
    %c0_i32 = arith.constant 0 : i32
    %c0_i32_0 = arith.constant 0 : i32
    %c0_i32_1 = arith.constant 0 : i32
    return %c0_i32, %c0_i32_0 : i32, i32
  }
  func.func @transform_2(%arg0: i32) -> (i32, i32) {
    %c0_i32 = arith.constant 0 : i32
    %c0_i32_0 = arith.constant 0 : i32
    %c0_i32_1 = arith.constant 0 : i32
    return %c0_i32, %c0_i32_0 : i32, i32
  }
  func.func @transform_3(%arg0: i32) -> (i32, i32) {
    %c0_i32 = arith.constant 0 : i32
    %c0_i32_0 = arith.constant 0 : i32
    %c0_i32_1 = arith.constant 0 : i32
    return %c0_i32, %c0_i32_0 : i32, i32
  }
  func.func @transform_4(%arg0: i32) -> (i32, i32) {
    %c0_i32 = arith.constant 0 : i32
    %c0_i32_0 = arith.constant 0 : i32
    return %arg0, %c0_i32 : i32, i32
  }
  func.func @transform_5(%arg0: i32) -> (i32, i32) {
    %c0_i32 = arith.constant 0 : i32
    %c0_i32_0 = arith.constant 0 : i32
    return %arg0, %c0_i32 : i32, i32
  }
  func.func @transform_6(%arg0: i32) -> (i32, i32) {
    %c0_i32 = arith.constant 0 : i32
    %c0_i32_0 = arith.constant 0 : i32
    return %arg0, %c0_i32 : i32, i32
  }
  func.func @transform_7(%arg0: i32) -> (i32, i32) {
    %c0_i32 = arith.constant 0 : i32
    %c0_i32_0 = arith.constant 0 : i32
    return %arg0, %c0_i32 : i32, i32
  }
  func.func @transform_8(%arg0: i32) -> (i32, i32) {
    %c0_i32 = arith.constant 0 : i32
    %c0_i32_0 = arith.constant 0 : i32
    return %arg0, %c0_i32 : i32, i32
  }
}

module attributes {stable_mosaic.version = 14 : i64} {
  func.func @_gmm_body(%arg0: i32, %arg1: memref<32xi32, #tpu.memory_space<smem>>, %arg2: memref<256x1024xbf16, #tpu.memory_space<vmem>>, %arg3: memref<1x1024x2048xbf16, #tpu.memory_space<vmem>>, %arg4: memref<1x1024x1024xbf16, #tpu.memory_space<vmem>>, %arg5: memref<256x1xf32, #tpu.memory_space<vmem>>, %arg6: memref<256x1024xf32, #tpu.memory_space<vmem>>) attributes {dimension_semantics = [#tpu.dimension_semantics<arbitrary>], iteration_bounds = array<i64: 24>, scalar_prefetch = 1 : i64, scratch_operands = 0 : i64, tpu.core_type = #tpu.core_type<tc>, window_params = [{transform_indices = @transform_0, window_bounds = array<i64: 256, 1024>}, {transform_indices = @transform_1, window_bounds = array<i64: 1, 1024, 2048>}, {transform_indices = @transform_2, window_bounds = array<i64: 1, 1024, 1024>}, {transform_indices = @transform_3, window_bounds = array<i64: 256, 1>}, {transform_indices = @transform_4, window_bounds = array<i64: 256, 1024>}]} {
    %get3A = arith.constant 24 : index
    %get3A_0 = memref.load %arg1[%get3A] : memref<32xi32, #tpu.memory_space<smem>>
    %lt3A = arith.cmpi slt, %arg0, %get3A_0 : i32
    %convert_element_type3A = arith.extui %lt3A : i1 to i32
    %cond3A = arith.constant 0 : i32
    %cond3A_1 = arith.cmpi ne, %convert_element_type3A, %cond3A : i32
    scf.if %cond3A_1 {
      %get3A_6 = arith.constant 0 : index
      %get3A_7 = arith.constant 0 : index
      %get3A_8 = vector.load %arg2[%get3A_6, %get3A_7] : memref<256x1024xbf16, #tpu.memory_space<vmem>>, vector<256x1024xbf16>
      %get3A_9 = arith.constant 0 : index
      %get3A_10 = arith.constant 0 : index
      %get3A_11 = arith.constant 0 : index
      %get3A_12 = vector.load %arg3[%get3A_9, %get3A_10, %get3A_11] : memref<1x1024x2048xbf16, #tpu.memory_space<vmem>>, vector<1x1024x2048xbf16>
      %get3A_13 = vector.shape_cast %get3A_12 : vector<1x1024x2048xbf16> to vector<1024x2048xbf16>
      %dot_general3A = arith.constant dense<0.000000e+00> : vector<256x2048xf32>
      %dot_general3A_14 = tpu.matmul %get3A_8, %get3A_13, %dot_general3A {dimension_numbers = #tpu.dot_dimension_numbers<[1], [0], [0], [1], [0, 0, 1, 1], [], []>, transpose_lhs_hint = false} : vector<256x1024xbf16>, vector<1024x2048xbf16>, vector<256x2048xf32> -> vector<256x2048xf32>
      %slice3A = vector.extract_strided_slice %dot_general3A_14 {offsets = [0, 0], sizes = [256, 1024], strides = [1, 1]} : vector<256x2048xf32> to vector<256x1024xf32>
      %slice3A_15 = vector.extract_strided_slice %dot_general3A_14 {offsets = [0, 1024], sizes = [256, 1024], strides = [1, 1]} : vector<256x2048xf32> to vector<256x1024xf32>
      %logistic3A = arith.negf %slice3A : vector<256x1024xf32>
      %logistic3A_16 = math.exp %logistic3A : vector<256x1024xf32>
      %logistic3A_17 = arith.constant 1.000000e+00 : f32
      %logistic3A_18 = vector.broadcast %logistic3A_17 : f32 to vector<256x1024xf32>
      %logistic3A_19 = arith.addf %logistic3A_18, %logistic3A_16 : vector<256x1024xf32>
      %logistic3A_20 = arith.divf %logistic3A_18, %logistic3A_19 : vector<256x1024xf32>
      %mul3A = arith.mulf %slice3A, %logistic3A_20 : vector<256x1024xf32>
      %mul3A_21 = arith.mulf %mul3A, %slice3A_15 : vector<256x1024xf32>
      %convert_element_type3A_22 = arith.truncf %mul3A_21 : vector<256x1024xf32> to vector<256x1024xbf16>
      %get3A_23 = arith.constant 0 : index
      %get3A_24 = arith.constant 0 : index
      %get3A_25 = arith.constant 0 : index
      %get3A_26 = vector.load %arg4[%get3A_23, %get3A_24, %get3A_25] : memref<1x1024x1024xbf16, #tpu.memory_space<vmem>>, vector<1x1024x1024xbf16>
      %get3A_27 = vector.shape_cast %get3A_26 : vector<1x1024x1024xbf16> to vector<1024x1024xbf16>
      %dot_general3A_28 = arith.constant dense<0.000000e+00> : vector<256x1024xf32>
      %dot_general3A_29 = tpu.matmul %convert_element_type3A_22, %get3A_27, %dot_general3A_28 {dimension_numbers = #tpu.dot_dimension_numbers<[1], [0], [0], [1], [0, 0, 1, 1], [], []>, transpose_lhs_hint = false} : vector<256x1024xbf16>, vector<1024x1024xbf16>, vector<256x1024xf32> -> vector<256x1024xf32>
      %get3A_30 = arith.constant 0 : index
      %get3A_31 = arith.constant 0 : index
      %get3A_32 = vector.load %arg5[%get3A_30, %get3A_31] : memref<256x1xf32, #tpu.memory_space<vmem>>, vector<256x1xf32>
      %mul3A_33 = vector.broadcast %get3A_32 : vector<256x1xf32> to vector<256x1024xf32>
      %mul3A_34 = arith.mulf %mul3A_33, %dot_general3A_29 : vector<256x1024xf32>
      %swap3A = arith.constant 0 : index
      %swap3A_35 = arith.constant 0 : index
      %swap3A_36 = vector.load %arg6[%swap3A, %swap3A_35] : memref<256x1024xf32, #tpu.memory_space<vmem>>, vector<256x1024xf32>
      tpu.vector_store %arg6[%swap3A, %swap3A_35], %mul3A_34 {strides = array<i32>} : memref<256x1024xf32, #tpu.memory_space<vmem>>, vector<256x1024xf32>,
    } else {
    }
    %eq3A = arith.constant 23 : i32
    %eq3A_2 = arith.cmpi eq, %arg0, %eq3A : i32
    %convert_element_type3A_3 = arith.extui %eq3A_2 : i1 to i32
    %cond3A_4 = arith.constant 0 : i32
    %cond3A_5 = arith.cmpi ne, %convert_element_type3A_3, %cond3A_4 : i32
    scf.if %cond3A_5 {
      %broadcast_in_dim3A = arith.constant 0.000000e+00 : f32
      %broadcast_in_dim3A_6 = vector.broadcast %broadcast_in_dim3A : f32 to vector<256x1024xf32>
      %swap3A = arith.constant 0 : index
      %swap3A_7 = arith.constant 0 : index
      %swap3A_8 = vector.load %arg6[%swap3A, %swap3A_7] : memref<256x1024xf32, #tpu.memory_space<vmem>>, vector<256x1024xf32>
      tpu.vector_store %arg6[%swap3A, %swap3A_7], %broadcast_in_dim3A_6 {strides = array<i32>} : memref<256x1024xf32, #tpu.memory_space<vmem>>, vector<256x1024xf32>,
    } else {
    }
    return
  }
  func.func @transform_0(%arg0: i32, %arg1: memref<32xi32, #tpu.memory_space<smem>>) -> (i32, i32) {
    %c0_i32 = arith.constant 0 : i32
    %c0_i32_0 = arith.constant 0 : i32
    return %arg0, %c0_i32 : i32, i32
  }
  func.func @transform_1(%arg0: i32, %arg1: memref<32xi32, #tpu.memory_space<smem>>) -> (i32, i32, i32) {
    %get3A = arith.index_cast %arg0 : i32 to index
    %get3A_0 = memref.load %arg1[%get3A] : memref<32xi32, #tpu.memory_space<smem>>
    %c0_i32 = arith.constant 0 : i32
    %c0_i32_1 = arith.constant 0 : i32
    %c0_i32_2 = arith.constant 0 : i32
    return %get3A_0, %c0_i32, %c0_i32_1 : i32, i32, i32
  }
  func.func @transform_2(%arg0: i32, %arg1: memref<32xi32, #tpu.memory_space<smem>>) -> (i32, i32, i32) {
    %get3A = arith.index_cast %arg0 : i32 to index
    %get3A_0 = memref.load %arg1[%get3A] : memref<32xi32, #tpu.memory_space<smem>>
    %c0_i32 = arith.constant 0 : i32
    %c0_i32_1 = arith.constant 0 : i32
    %c0_i32_2 = arith.constant 0 : i32
    return %get3A_0, %c0_i32, %c0_i32_1 : i32, i32, i32
  }
  func.func @transform_3(%arg0: i32, %arg1: memref<32xi32, #tpu.memory_space<smem>>) -> (i32, i32) {
    %c0_i32 = arith.constant 0 : i32
    %c0_i32_0 = arith.constant 0 : i32
    return %arg0, %c0_i32 : i32, i32
  }
  func.func @transform_4(%arg0: i32, %arg1: memref<32xi32, #tpu.memory_space<smem>>) -> (i32, i32) {
    %c0_i32 = arith.constant 0 : i32
    %c0_i32_0 = arith.constant 0 : i32
    return %arg0, %c0_i32 : i32, i32
  }
}

</mosaic_0001>

<sc_bundles>
// kernel: kernel.10.cloned.1.call-start
scs
__scs_entry_jumppad:
0x0: {  	(pc) =	sbr.rel $0x88, $3  }
0x1: {  	(tag) =	ssettag $0x0;
	lr =	simm.s32 $0x1  }
0x2: {  	[smem:$0x3F9B] =	sst lr;
	_ =	strace $0xD0000000  }
0x3: {  	_ = 	snop  }
0x4: {  	_ = 	snop  }
0x5: {  	_ = 	snop  }
0x6: {  	_ = 	snop  }
0x7: {  	_ = 	snop  }
__scs_overlays_trampoline_lowered:
0x8: {  	[smem:$0x3FAA] =	sst s0  }
0x9: {  	[smem:$0x3FAB] =	sst s1  }
0xa: {  	[smem:$0x3FAC] =	sst s2  }
0xb: {  	[smem:$0x3FAD] =	sst s3  }
0xc: {  	[smem:$0x3FAE] =	sst s4  }
0xd: {  	[smem:$0x3FAF] =	sst s5  }
0xe: {  	[smem:$0x3FB0] =	sst s6  }
0xf: {  	[smem:$0x3FB1] =	sst s7  }
0x10: {  	[smem:$0x3FB2] =	sst s8  }
0x11: {  	[smem:$0x3FB3] =	sst s9;
	s0 =	simm.s32 @!p0 $0x0  }
0x12: {  	s1 =	sld [smem:$0x3F99];
	s0 =	simm.s32 @p0 $0x1  }
0x13: {  	[smem:$0x3FB4] =	sst s0;
	s0 =	simm.s32 @!p1 $0x0  }
0x14: {  	s2 =	sld [smem:$0x3F98];
	s0 =	simm.s32 @p1 $0x1  }
0x15: {  	[smem:$0x3FB5] =	sst s0;
	s0 =	simm.s32 @!p2 $0x0  }
0x16: {  	s3 =	sld [smem:$0x3FDB];
	s0 =	simm.s32 @p2 $0x1  }
0x17: {  	s4 =	simm.s32 $0x1BF5;
	[smem:$0x3FB7] =	sst s0  }
0x18: {  	s0 =	sld [smem:$0x3F9A];
	_ =	swait.ge [sflag:s4], $0x0  }
0x19: {  	s7 =	sld [smem:$0x3F9B]  }
0x1a: {  	s8 =	sadd.s32 $0xFFFFE003, lr  }
0x1b: {  	s9 =	sadd.s32 $0xFFFFFEF7, lr;
	s5 =	simm.s32 $0xFFFFFFFF;
	p2 =	slt.u32 s8, $0xFFFFF086  }
0x1c: {  	p1 =	slt.u32 s9, $0xF7A;
	s5 =	simm.s32 @!p2 $0x0  }
0x1d: {  	s5 =	simm.s32 @p1 $0x1;
	p0 =	seq.s32 s7, s2  }
0x1e: {  	s7 =	smul.u32 @!p0 $0xF7A, s2;
	p2 =	seq.s32 @!p0 s5, $0x0  }
0x1f: {  	s9 =	smul.u32 $0xF7A, s1;
	s8 =	simm.s32 @!p0 $0x1BF5;
	p2 =	por !p2, p0  }
0x20: {  	[sflag:s8] =	ssyncset.s32 @!p0 $0xFFFFF086;
	s6 =	sadd.s32 @!p0 s3, s7;
	s7 =	simm.s32 @!p0 $0x108  }
0x21: {  	s3 =	sadd.s32 s3, s9;
	s6 =	sadd.s32 @!p0 $0x88, s6;
	s7 =	simm.s32 @p2 $0x1082  }
0x22: {  	[simem:s7], [sflag:s8] =	dma.local @!p0 [hbm:s6], $0xF7A  }
0x23: {  	s9 =	sor.u32 $0xD0000000, s2;
	s6 =	simm.s32 $0x108;
	_ =	swait.ge @!p0 [sflag:s8], $0x0  }
0x24: {  	s3 =	sadd.s32 $0x88, s3;
	s6 =	simm.s32 @!p1 $0x1082;
	[sflag:s4] =	ssyncset.s32 $0xFFFFF086  }
0x25: {  	[simem:s6], [sflag:s4] =	dma.local [hbm:s3], $0xF7A  }
0x26: {  	[smem:$0x3F9B] =	sst s1;
	(tag) =	ssettag s2;
	_ =	strace s9  }
0x27: {  	s1 =	sld [smem:$0x3FAB]  }
0x28: {  	s2 =	sld [smem:$0x3FAC]  }
0x29: {  	s4 =	sld [smem:$0x3FAE]  }
0x2a: {  	p0 =	seq.s32 s5, $0x0;
	s5 =	sld [smem:$0x3FAF]  }
0x2b: {  	s6 =	sld [smem:$0x3FB0]  }
0x2c: {  	s7 =	sld [smem:$0x3FB1]  }
0x2d: {  	s3 =	simm.s32 $0x108;
	s8 =	sld [smem:$0x3FB2]  }
0x2e: {  	s3 =	simm.s32 @!p0 $0x1082;
	s9 =	sld [smem:$0x3FB3]  }
0x2f: {  	lr =	sadd.s32 s0, s3;
	s0 =	sld [smem:$0x3FAA]  }
0x30: {  	s3 =	sld [smem:$0x3FAD]  }
0x31: {  	[smem:$0x3FB6] =	sst s10  }
0x32: {  	s10 =	sld [smem:$0x3FB4];
	_ =	sdelay $0x3  }
0x33: {  	p0 =	seq.s32 s10, $0x1;
	s10 =	sld [smem:$0x3FB6];
	_ =	sdelay $0x3  }
0x34: {  	[smem:$0x3FB6] =	sst s10  }
0x35: {  	s10 =	sld [smem:$0x3FB5];
	_ =	sdelay $0x3  }
0x36: {  	p1 =	seq.s32 s10, $0x1;
	s10 =	sld [smem:$0x3FB6];
	_ =	sdelay $0x3  }
0x37: {  	[smem:$0x3FB6] =	sst s10  }
0x38: {  	s10 =	sld [smem:$0x3FB7]  }
0x39: {  	_ = 	snop;
	(pc) =	sbr.ind lr, $3  }
0x3a: {  	_ = 	snop  }
0x3b: {  	_ = 	snop  }
0x3c: {  	p2 =	seq.s32 s10, $0x1;
	s10 =	sld [smem:$0x3FB6]  }
0x3d: {  	_ =	shalt  }
0x3e: {  	_ =	shalt  }
0x3f: {  	_ =	shalt  }
0x40: {  	_ =	shalt  }
0x41: {  	_ =	shalt  }
0x42: {  	_ =	shalt  }
0x43: {  	_ =	shalt  }
0x44: {  	_ =	shalt  }
0x45: {  	_ =	shalt  }
0x46: {  	_ =	shalt  }
0x47: {  	_ =	shalt  }
0x48: {  	_ =	shalt  }
0x49: {  	_ =	shalt  }
0x4a: {  	_ =	shalt  }
0x4b: {  	_ =	shalt  }
0x4c: {  	_ =	shalt  }
0x4d: {  	_ =	shalt  }
0x4e: {  	_ =	shalt  }
0x4f: {  	_ =	shalt  }
0x50: {  	_ =	shalt  }
0x51: {  	_ =	shalt  }
0x52: {  	_ =	shalt  }
0x53: {  	_ =	shalt  }
0x54: {  	_ =	shalt  }
0x55: {  	_ =	shalt  }
0x56: {  	_ =	shalt  }
0x57: {  	_ =	shalt  }
0x58: {  	_ =	shalt  }
0x59: {  	_ =	shalt  }
0x5a: {  	_ =	shalt  }
0x5b: {  	_ =	shalt  }
0x5c: {  	_ =	shalt  }
0x5d: {  	_ =	shalt  }
0x5e: {  	_ =	shalt  }
0x5f: {  	_ =	shalt  }
0x60: {  	_ =	shalt  }
0x61: {  	_ =	shalt  }
0x62: {  	_ =	shalt  }
0x63: {  	_ =	shalt  }
0x64: {  	_ =	shalt  }
0x65: {  	_ =	shalt  }
0x66: {  	_ =	shalt  }
0x67: {  	_ =	shalt  }
0x68: {  	_ =	shalt  }
0x69: {  	_ =	shalt  }
0x6a: {  	_ =	shalt  }
0x6b: {  	_ =	shalt  }
0x6c: {  	_ =	shalt  }
0x6d: {  	_ =	shalt  }
0x6e: {  	_ =	shalt  }
0x6f: {  	_ =	shalt  }
0x70: {  	_ =	shalt  }
0x71: {  	_ =	shalt  }
0x72: {  	_ =	shalt  }
0x73: {  	_ =	shalt  }
0x74: {  	_ =	shalt  }
0x75: {  	_ =	shalt  }
0x76: {  	_ =	shalt  }
0x77: {  	_ =	shalt  }
0x78: {  	_ =	shalt  }
0x79: {  	_ =	shalt  }
0x7a: {  	_ =	shalt  }
0x7b: {  	_ =	shalt  }
0x7c: {  	_ =	shalt  }
0x7d: {  	_ =	shalt  }
0x7e: {  	_ =	shalt  }
0x7f: {  	_ =	shalt  }
0x80: {  	_ =	shalt  }
0x81: {  	_ =	shalt  }
0x82: {  	_ =	shalt  }
0x83: {  	_ =	shalt  }
0x84: {  	_ =	shalt  }
0x85: {  	_ =	shalt  }
0x86: {  	_ =	shalt  }
0x87: {  	_ =	shalt  }
.Lfunc_end0:
.L_simem_size_0:
called_computation.1_lowered:
.L_overlay_start_0:
0x88: {  	s2 =	sld [smem:$0x3FD9]  }
0x89: {  	s3 =	sld [smem:$0x3FFE];
	_ =	sdelay $0x1  }
0x8a: {  	s1 =	srdreg.scid  }
0x8b: {  	s0 =	sand.u32 $0x1, s1  }
0x8c: {  	s17 =	sshll.u32 s0, $0xA;
	s2 =	sadd.s32 s3, s2  }
0x8d: {  	s2 =	sadd.s32 s2, s17  }
0x8e: {  	[smem:$0x3FC2] =	sst s2  }
0x8f: {  	_ = 	snop  }
0x90: {  	s2 =	sld [smem:$0x3FD0];
	(tm) =	ssettm $0x1  }
0x91: {  	s18 =	sld [smem:$0x3FFB];
	_ =	sdelay $0x3  }
0x92: {  	_ =	strace s18  }
0x93: {  	s3 =	sld [smem:$0x3FFC];
	_ =	sdelay $0x3  }
0x94: {  	_ =	strace s3  }
0x95: {  	s3 =	sld [smem:$0x3FFD];
	_ =	sdelay $0x3  }
0x96: {  	_ =	strace s3  }
0x97: {  	_ =	strace $0x8FFFFFFF  }
0x98: {  	s19 =	sld [smem:$0x3FDB];
	_ =	sdelay $0x1  }
0x99: {  	s4 =	simm.s32 $_scs_section_size  }
0x9a: {  	s5 =	simm.s32 $_size__tile_overlayer_lowered;
	s6 =	simm.s32 $_tile_overlayer_lowered  }
0x9b: {  	s22 =	simm.s32 $0x1BFF;
	s21 =	sshll.u32 s6, $0x1;
	s3 =	sadd.s32 s4, s19  }
0x9c: {  	s7 =	simm.s32 $0x0;
	s20 =	sshll.u32 s5, $0x1;
	s5 =	sadd.s32 s21, s3  }
0x9d: {  	[timem:s7], [sflag:s22] =	dma.local [hbm:s5], s20  }
0x9e: {  	_ =	swait.ge [sflag:s22], s20  }
0x9f: {  	s4 =	ssub.s32 $0x0, s20;
	[sflag:s22] =	ssyncset.done $0x0  }
0xa0: {  	[sflag:s22] =	ssyncadd.s32 s4;
	_ =	sdelay $0x1  }
0xa1: {  	s23 =	simm.s32 $0x1B8B  }
0xa2: {  	_ =	swait.ge [sflag:s23], $0x1  }
0xa3: {  	[sflag:s23] =	ssyncset.done $0x0  }
0xa4: {  	s25 =	simm.s32 $0x1B8E;
	s24 =	sld [smem:$0x3FFE];
	[sflag:s23] =	ssyncadd.s32 $0xFFFFFFFF  }
0xa5: {  	s26 =	simm.s32 $execute0_lowered;
	[smem:$0x3FD2] =	sst s25  }
0xa6: {  	s5 =	sshll.u32 s26, $0x1;
	_ =	strace $0x80000049;
	[dreg:$0x1] =	wrdreg $0xFFFFFFFF  }
0xa7: {  	s28 =	simm.s32 $_size_execute0_lowered;
	s3 =	sadd.s32 s3, s5;
	[dreg:$0x0] =	wrdreg $0x0  }
0xa8: {  	s5 =	sshll.u32 s28, $0x1;
	[dreg:$0x2] =	wrdreg s3  }
0xa9: {  	[dreg:$0x3] =	wrdreg s5  }
0xaa: {  	[dreg:$0x4] =	wrdreg $0xC0  }
0xab: {  	_ =	task [dreg:s7], $0x5FFFF  }
0xac: {  	[dreg:$0x1] =	wrdreg $0xFFFFFFFF  }
0xad: {  	[dreg:$0x0] =	wrdreg $0x60  }
0xae: {  	[dreg:$0x2] =	wrdreg s2  }
0xaf: {  	[dreg:$0x3] =	wrdreg s24  }
0xb0: {  	[dreg:$0x4] =	wrdreg $0x9  }
0xb1: {  	_ =	task.clear_ibuf [dreg:s7], $0x5FFFF;
	_ =	strace $0x90000049  }
0xb2: {  	s29 =	simm.s32 $0x9;
	_ =	strace $0x8000004B  }
0xb3: {  	_ =	swait.ge [sflag:s29], $0x1  }
0xb4: {  	[sflag:s29] =	ssyncadd.s32 $0xFFFFFFFF  }
0xb5: {  	_ =	strace $0x9000004B  }
0xb6: {  	_ =	sfence  }
0xb7: {  	s30 =	sld [smem:$0x0];
	_ =	sdelay $0x2  }
0xb8: {  	s31 =	sshll.u32 s1, $0xD;
	s1 =	sshrl.u32 s1, $0x2  }
0xb9: {  	s3 =	sand.u32 $0x4000, s31;
	s1 =	sadd.s32 s1, s30  }
0xba: {  	s0 =	sor.u32 s3, s0;
	s1 =	sshll.u32 s1, $0x11  }
0xbb: {  	s0 =	sor.u32 s1, s0  }
0xbc: {  	s0 =	sadd.s32 $0x8F2B, s0  }
0xbd: {  	[sflag:s0] =	ssyncadd.remote.s32 $0x1  }
0xbe: {  	_ =	sfence.sel $0xFFFF  }
0xbf: {  	[dreg:$0x0] =	wrdreg $0xFFFFFFFF;
	(pc) =	sbr.abs _section_cstart, $3  }
0xc0: {  	[dreg:$0x1] =	wrdreg $0xFFFFFFFF  }
0xc1: {  	_ =	task.clear_ibuf [dreg:s7], $0x2FFFF;
	_ =	strace $0x9FFFFFFF  }
0xc2: {  	(tm) =	ssettm $0x7FFFFFFF  }
0xc3: {  	_ =	shalt  }
tec
execute0_lowered:
.L_overlay_start_1:
0x0: {  	(tag) =	ssettag $0x1  }
0x1: {  	s1 =	srdreg.scid;
	s0 =	stileid.u32  }
0x2: {  	s2 =	rddreg [dreg:$0x0];
	s1 =	sand.u32 $0x1, s1;
	s3 =	sshll.u32 s0, $0x1  }
0x3: {  	s5 =	rddreg [dreg:$0x1];
	s4 =	sor.u32 s1, s3;
	s3 =	simm.s32 $0x0  }
0x4: {  	s25 =	simm.s32 $0x900;
	[smem:$0x7FF] =	sst s3  }
0x5: {  	s26 =	simm.s32 $0x1100;
	_ =	strace $0x8000004A;
	[dreg:$0x5] =	wrdreg s25  }
0x6: {  	s0 =	simm.s32 $0x1900;
	[dreg:$0x6] =	wrdreg s26  }
0x7: {  	s7 =	simm.s32 $0x3100;
	[dreg:$0x7] =	wrdreg s0  }
0x8: {  	s8 =	simm.s32 $0x3900;
	[dreg:$0xa] =	wrdreg s7  }
0x9: {  	s9 =	simm.s32 $0x4100;
	[dreg:$0xb] =	wrdreg s8  }
0xa: {  	s10 =	simm.s32 $0x4900;
	[dreg:$0xc] =	wrdreg s9  }
0xb: {  	s11 =	simm.s32 $0x5100;
	[dreg:$0xd] =	wrdreg s10  }
0xc: {  	s12 =	simm.s32 $0x5900;
	[dreg:$0xe] =	wrdreg s11  }
0xd: {  	s13 =	simm.s32 $0x6100;
	[dreg:$0xf] =	wrdreg s12  }
0xe: {  	s14 =	simm.s32 $0x6900;
	[dreg:$0x10] =	wrdreg s13  }
0xf: {  	s15 =	simm.s32 $0x7100;
	[dreg:$0x11] =	wrdreg s14  }
0x10: {  	s16 =	simm.s32 $0x7900;
	s17 =	simm.s32 $0x8100;
	[dreg:$0x12] =	wrdreg s15  }
0x11: {  	s18 =	simm.s32 $0x8900;
	s19 =	simm.s32 $0x9100;
	[dreg:$0x13] =	wrdreg s16  }
0x12: {  	s20 =	simm.s32 $0x9900;
	s21 =	simm.s32 $0xA100;
	[dreg:$0x14] =	wrdreg s17  }
0x13: {  	s23 =	simm.s32 $0xA900;
	s28 =	simm.s32 $0x16100;
	[dreg:$0x15] =	wrdreg s18  }
0x14: {  	s29 =	simm.s32 $0x16900;
	s30 =	simm.s32 $0x17100;
	[dreg:$0x16] =	wrdreg s19  }
0x15: {  	s31 =	simm.s32 $0x17900;
	s1 =	ssub.s32 $0x2, s1;
	[dreg:$0x17] =	wrdreg s20  }
0x16: {  	s6 =	smul.u32 $0x18, s4;
	s22 =	sshrl.u32 s1, $0x1;
	[dreg:$0x18] =	wrdreg s21  }
0x17: {  	s4 =	smul.u32 $0x3000, s4;
	s1 =	ssub.s32 s1, s22;
	[dreg:$0x19] =	wrdreg s23  }
0x18: {  	s25 =	simm.s32 $0xB900;
	s26 =	simm.s32 $0xC100;
	s7 =	simm.s32 $0x100  }
0x19: {  	s9 =	simm.s32 $0xD100;
	s10 =	simm.s32 $0xD900;
	s11 =	simm.s32 $0xE100  }
0x1a: {  	s12 =	simm.s32 $0xE900;
	s13 =	simm.s32 $0xF100;
	s14 =	simm.s32 $0xF900  }
0x1b: {  	s15 =	simm.s32 $0x10100;
	s16 =	simm.s32 $0x10900;
	s17 =	simm.s32 $0x11100  }
0x1c: {  	s18 =	simm.s32 $0x11900;
	s19 =	simm.s32 $0x12100;
	s20 =	simm.s32 $0x12900  }
0x1d: {  	s21 =	simm.s32 $0x13100;
	s22 =	simm.s32 $0x13900;
	s23 =	simm.s32 $0x14100  }
0x1e: {  	s6 =	sadd.s32 s6, s5;
	s4 =	sadd.s32 s4, s5;
	[dreg:$0x1b] =	wrdreg s25  }
0x1f: {  	s5 =	simm.s32 $0x2100;
	[dreg:$0x1c] =	wrdreg s26;
	s25 =	simm.s32 $0x15100  }
0x20: {  	s26 =	simm.s32 $0x15900;
	s24 =	sadd.s32 $0x42200, s6;
	[dreg:$0x8] =	wrdreg s5  }
0x21: {  	s4 =	sadd.s32 $0x42A00, s4;
	s6 =	simm.s32 $0x2900;
	[dreg:$0x3] =	wrdreg s24  }
0x22: {  	v2 =	vlaneseq.u32;
	s5 =	smax.u32 s1, $0x1;
	s1 =	simm.s32 $0x1;
	[dreg:$0x4] =	wrdreg s4  }
0x23: {  	vm0 =	vmmov $0xffff;
	v1 =	vshrl.u32 v2, $0x3;
	[dreg:$0x9] =	wrdreg s6;
	s24 =	simm.s32 $0xB100;
	s4 =	sadd.s32 $0x100, s2  }
0x24: {  	v0 =	vand.u32 $0x7, v2;
	v2 =	vor.u32 $0x8, v2;
	v1 =	vmul.u32 $0x8, v1;
	s6 =	simm.s32 $0x2;
	[dreg:$0x1a] =	wrdreg s24;
	s24 =	simm.s32 $0x14900  }
.LBB2_1:
0x25: {  	s0 =	rddreg [dreg:$0x3]  }
0x26: {  	[tilespmem:s3], [sflag:$0x2] =	stream.linear.gather [hbm4b:s0+s3], $0xC0, $0x38;
	[tilespmem:$0x18100] =	vst v63  }
0x27: {  	_ =	swait.ge [sflag:s6], $0xC0  }
0x28: {  	[sflag:s6] =	ssyncset.done $0x0  }
0x29: {  	[sflag:s6] =	ssyncadd.s32 $0xFFFFFF40  }
0x2a: {  	v3 =	vld [tilespmem:$0x0];
	_ =	sdelay $0x4  }
0x2b: {  	v4 =	vshll.u32 v3, $0x2  }
0x2c: {  	v3 =	vand.u32 $0x7, v3;
	v4 =	vand.u32 $0xFFFFFFE0, v4  }
0x2d: {  	v3 =	vor.u32 v3, v4  }
0x2e: {  	v4 =	vperm.xlane v3, v0;
	_ =	sdelay $0x1  }
0x2f: {  	v4 =	vadd.s32 v1, v4;
	_ =	sdelay $0x1  }
0x30: {  	v3 =	vperm.xlane v3, v2;
	_ =	sdelay $0x1  }
0x31: {  	v3 =	vadd.s32 v1, v3  }
0x32: {  	[tilespmem:s7], [sflag:$0x1] =	stream.indirect_vreg.gather [hbm4b:s2+s3], $0x80, v4, vm0, $0xb8;
	[tilespmem:$0x18100] =	vst v63  }
0x33: {  	s0 =	rddreg [dreg:$0x5]  }
0x34: {  	[tilespmem:s0], [sflag:$0x1] =	stream.indirect_vreg.gather [hbm4b:s4+s3], $0x80, v4, vm0, $0xb8;
	[tilespmem:$0x18100] =	vst v63  }
0x35: {  	s8 =	rddreg [dreg:$0x6]  }
0x36: {  	[tilespmem:s8], [sflag:$0x1] =	stream.indirect_vreg.gather [hbm4b:s2+s3], $0x80, v3, vm0, $0xb8;
	[tilespmem:$0x18100] =	vst v63  }
0x37: {  	s0 =	rddreg [dreg:$0x7]  }
0x38: {  	[tilespmem:s0], [sflag:$0x1] =	stream.indirect_vreg.gather [hbm4b:s4+s3], $0x80, v3, vm0, $0xb8;
	[tilespmem:$0x18100] =	vst v63  }
0x39: {  	v3 =	vld.msk [tilespmem:$0x10], $0xff;
	_ =	sdelay $0x4  }
0x3a: {  	v49 =	vshll.u32 v3, $0x2  }
0x3b: {  	v3 =	vand.u32 $0x7, v3;
	v4 =	vand.u32 $0xFFFFFFE0, v49  }
0x3c: {  	v3 =	vor.u32 v3, v4  }
0x3d: {  	v3 =	vperm.xlane v3, v0;
	_ =	sdelay $0x1  }
0x3e: {  	v3 =	vadd.s32 v1, v3;
	_ =	sdelay $0x3  }
0x3f: {  	s0 =	rddreg [dreg:$0x8]  }
0x40: {  	[tilespmem:s0], [sflag:$0x1] =	stream.indirect_vreg.gather [hbm4b:s2+s3], $0x80, v3, vm0, $0xb8;
	[tilespmem:$0x18100] =	vst v63  }
0x41: {  	s8 =	rddreg [dreg:$0x9]  }
0x42: {  	[tilespmem:s8], [sflag:$0x1] =	stream.indirect_vreg.gather [hbm4b:s4+s3], $0x80, v3, vm0, $0xb8;
	[tilespmem:$0x18100] =	vst v63  }
0x43: {  	v3 =	vld [tilespmem:$0x18];
	_ =	sdelay $0x4  }
0x44: {  	v50 =	vshll.u32 v3, $0x2  }
0x45: {  	v3 =	vand.u32 $0x7, v3;
	v4 =	vand.u32 $0xFFFFFFE0, v50  }
0x46: {  	v3 =	vor.u32 v3, v4  }
0x47: {  	v4 =	vperm.xlane v3, v0;
	_ =	sdelay $0x1  }
0x48: {  	v4 =	vadd.s32 v1, v4;
	_ =	sdelay $0x1  }
0x49: {  	v3 =	vperm.xlane v3, v2;
	_ =	sdelay $0x1  }
0x4a: {  	s0 =	rddreg [dreg:$0xa];
	v3 =	vadd.s32 v1, v3  }
0x4b: {  	[tilespmem:s0], [sflag:$0x1] =	stream.indirect_vreg.gather [hbm4b:s2+s3], $0x80, v4, vm0, $0xb8;
	[tilespmem:$0x18100] =	vst v63  }
0x4c: {  	s8 =	rddreg [dreg:$0xb]  }
0x4d: {  	[tilespmem:s8], [sflag:$0x1] =	stream.indirect_vreg.gather [hbm4b:s4+s3], $0x80, v4, vm0, $0xb8;
	[tilespmem:$0x18100] =	vst v63  }
0x4e: {  	s0 =	rddreg [dreg:$0xc]  }
0x4f: {  	[tilespmem:s0], [sflag:$0x1] =	stream.indirect_vreg.gather [hbm4b:s2+s3], $0x80, v3, vm0, $0xb8;
	[tilespmem:$0x18100] =	vst v63  }
0x50: {  	s8 =	rddreg [dreg:$0xd]  }
0x51: {  	[tilespmem:s8], [sflag:$0x1] =	stream.indirect_vreg.gather [hbm4b:s4+s3], $0x80, v3, vm0, $0xb8;
	[tilespmem:$0x18100] =	vst v63  }
0x52: {  	v3 =	vld.msk [tilespmem:$0x28], $0xff;
	_ =	sdelay $0x4  }
0x53: {  	v51 =	vshll.u32 v3, $0x2  }
0x54: {  	v3 =	vand.u32 $0x7, v3;
	v4 =	vand.u32 $0xFFFFFFE0, v51  }
0x55: {  	v3 =	vor.u32 v3, v4  }
0x56: {  	v3 =	vperm.xlane v3, v0;
	_ =	sdelay $0x1  }
0x57: {  	v3 =	vadd.s32 v1, v3;
	_ =	sdelay $0x3  }
0x58: {  	s0 =	rddreg [dreg:$0xe]  }
0x59: {  	[tilespmem:s0], [sflag:$0x1] =	stream.indirect_vreg.gather [hbm4b:s2+s3], $0x80, v3, vm0, $0xb8;
	[tilespmem:$0x18100] =	vst v63  }
0x5a: {  	s8 =	rddreg [dreg:$0xf]  }
0x5b: {  	[tilespmem:s8], [sflag:$0x1] =	stream.indirect_vreg.gather [hbm4b:s4+s3], $0x80, v3, vm0, $0xb8;
	[tilespmem:$0x18100] =	vst v63  }
0x5c: {  	v3 =	vld [tilespmem:$0x30];
	_ =	sdelay $0x4  }
0x5d: {  	v52 =	vshll.u32 v3, $0x2  }
0x5e: {  	v3 =	vand.u32 $0x7, v3;
	v4 =	vand.u32 $0xFFFFFFE0, v52  }
0x5f: {  	v3 =	vor.u32 v3, v4  }
0x60: {  	v4 =	vperm.xlane v3, v0;
	_ =	sdelay $0x1  }
0x61: {  	v4 =	vadd.s32 v1, v4;
	_ =	sdelay $0x1  }
0x62: {  	v3 =	vperm.xlane v3, v2;
	_ =	sdelay $0x1  }
0x63: {  	s0 =	rddreg [dreg:$0x10];
	v3 =	vadd.s32 v1, v3  }
0x64: {  	[tilespmem:s0], [sflag:$0x1] =	stream.indirect_vreg.gather [hbm4b:s2+s3], $0x80, v4, vm0, $0xb8;
	[tilespmem:$0x18100] =	vst v63  }
0x65: {  	s8 =	rddreg [dreg:$0x11]  }
0x66: {  	[tilespmem:s8], [sflag:$0x1] =	stream.indirect_vreg.gather [hbm4b:s4+s3], $0x80, v4, vm0, $0xb8;
	[tilespmem:$0x18100] =	vst v63  }
0x67: {  	s0 =	rddreg [dreg:$0x12]  }
0x68: {  	[tilespmem:s0], [sflag:$0x1] =	stream.indirect_vreg.gather [hbm4b:s2+s3], $0x80, v3, vm0, $0xb8;
	[tilespmem:$0x18100] =	vst v63  }
0x69: {  	s8 =	rddreg [dreg:$0x13]  }
0x6a: {  	[tilespmem:s8], [sflag:$0x1] =	stream.indirect_vreg.gather [hbm4b:s4+s3], $0x80, v3, vm0, $0xb8;
	[tilespmem:$0x18100] =	vst v63  }
0x6b: {  	v3 =	vld.msk [tilespmem:$0x40], $0xff;
	_ =	sdelay $0x4  }
0x6c: {  	v53 =	vshll.u32 v3, $0x2  }
0x6d: {  	v3 =	vand.u32 $0x7, v3;
	v4 =	vand.u32 $0xFFFFFFE0, v53  }
0x6e: {  	v3 =	vor.u32 v3, v4  }
0x6f: {  	v3 =	vperm.xlane v3, v0;
	_ =	sdelay $0x1  }
0x70: {  	v3 =	vadd.s32 v1, v3;
	_ =	sdelay $0x3  }
0x71: {  	s0 =	rddreg [dreg:$0x14]  }
0x72: {  	[tilespmem:s0], [sflag:$0x1] =	stream.indirect_vreg.gather [hbm4b:s2+s3], $0x80, v3, vm0, $0xb8;
	[tilespmem:$0x18100] =	vst v63  }
0x73: {  	s8 =	rddreg [dreg:$0x15]  }
0x74: {  	[tilespmem:s8], [sflag:$0x1] =	stream.indirect_vreg.gather [hbm4b:s4+s3], $0x80, v3, vm0, $0xb8;
	[tilespmem:$0x18100] =	vst v63  }
0x75: {  	v3 =	vld [tilespmem:$0x48];
	_ =	sdelay $0x4  }
0x76: {  	v54 =	vshll.u32 v3, $0x2  }
0x77: {  	v3 =	vand.u32 $0x7, v3;
	v4 =	vand.u32 $0xFFFFFFE0, v54  }
0x78: {  	v3 =	vor.u32 v3, v4  }
0x79: {  	v4 =	vperm.xlane v3, v0;
	_ =	sdelay $0x1  }
0x7a: {  	v4 =	vadd.s32 v1, v4;
	_ =	sdelay $0x1  }
0x7b: {  	v3 =	vperm.xlane v3, v2;
	_ =	sdelay $0x1  }
0x7c: {  	s0 =	rddreg [dreg:$0x16];
	v3 =	vadd.s32 v1, v3  }
0x7d: {  	[tilespmem:s0], [sflag:$0x1] =	stream.indirect_vreg.gather [hbm4b:s2+s3], $0x80, v4, vm0, $0xb8;
	[tilespmem:$0x18100] =	vst v63  }
0x7e: {  	s8 =	rddreg [dreg:$0x17]  }
0x7f: {  	[tilespmem:s8], [sflag:$0x1] =	stream.indirect_vreg.gather [hbm4b:s4+s3], $0x80, v4, vm0, $0xb8;
	[tilespmem:$0x18100] =	vst v63  }
0x80: {  	s0 =	rddreg [dreg:$0x18]  }
0x81: {  	[tilespmem:s0], [sflag:$0x1] =	stream.indirect_vreg.gather [hbm4b:s2+s3], $0x80, v3, vm0, $0xb8;
	[tilespmem:$0x18100] =	vst v63  }
0x82: {  	s8 =	rddreg [dreg:$0x19]  }
0x83: {  	[tilespmem:s8], [sflag:$0x1] =	stream.indirect_vreg.gather [hbm4b:s4+s3], $0x80, v3, vm0, $0xb8;
	[tilespmem:$0x18100] =	vst v63  }
0x84: {  	v3 =	vld.msk [tilespmem:$0x58], $0xff;
	_ =	sdelay $0x4  }
0x85: {  	v55 =	vshll.u32 v3, $0x2  }
0x86: {  	v3 =	vand.u32 $0x7, v3;
	v4 =	vand.u32 $0xFFFFFFE0, v55  }
0x87: {  	v3 =	vor.u32 v3, v4  }
0x88: {  	v3 =	vperm.xlane v3, v0;
	_ =	sdelay $0x1  }
0x89: {  	v3 =	vadd.s32 v1, v3;
	_ =	sdelay $0x3  }
0x8a: {  	s0 =	rddreg [dreg:$0x1a]  }
0x8b: {  	[tilespmem:s0], [sflag:$0x1] =	stream.indirect_vreg.gather [hbm4b:s2+s3], $0x80, v3, vm0, $0xb8;
	[tilespmem:$0x18100] =	vst v63  }
0x8c: {  	s8 =	rddreg [dreg:$0x1b]  }
0x8d: {  	[tilespmem:s8], [sflag:$0x1] =	stream.indirect_vreg.gather [hbm4b:s4+s3], $0x80, v3, vm0, $0xb8;
	[tilespmem:$0x18100] =	vst v63  }
0x8e: {  	v3 =	vld [tilespmem:$0x60];
	_ =	sdelay $0x4  }
0x8f: {  	v56 =	vshll.u32 v3, $0x2  }
0x90: {  	v3 =	vand.u32 $0x7, v3;
	v4 =	vand.u32 $0xFFFFFFE0, v56  }
0x91: {  	v3 =	vor.u32 v3, v4  }
0x92: {  	v4 =	vperm.xlane v3, v0;
	_ =	sdelay $0x1  }
0x93: {  	v4 =	vadd.s32 v1, v4;
	_ =	sdelay $0x1  }
0x94: {  	v3 =	vperm.xlane v3, v2;
	_ =	sdelay $0x1  }
0x95: {  	s8 =	rddreg [dreg:$0x1c];
	v3 =	vadd.s32 v1, v3  }
0x96: {  	[tilespmem:s8], [sflag:$0x1] =	stream.indirect_vreg.gather [hbm4b:s2+s3], $0x80, v4, vm0, $0xb8;
	[tilespmem:$0x18100] =	vst v63  }
0x97: {  	s8 =	simm.s32 $0xC900  }
0x98: {  	[tilespmem:s8], [sflag:$0x1] =	stream.indirect_vreg.gather [hbm4b:s4+s3], $0x80, v4, vm0, $0xb8;
	[tilespmem:$0x18100] =	vst v63  }
0x99: {  	_ = 	snop  }
0x9a: {  	[tilespmem:s9], [sflag:$0x1] =	stream.indirect_vreg.gather [hbm4b:s2+s3], $0x80, v3, vm0, $0xb8;
	[tilespmem:$0x18100] =	vst v63  }
0x9b: {  	_ = 	snop  }
0x9c: {  	[tilespmem:s10], [sflag:$0x1] =	stream.indirect_vreg.gather [hbm4b:s4+s3], $0x80, v3, vm0, $0xb8;
	[tilespmem:$0x18100] =	vst v63  }
0x9d: {  	v3 =	vld.msk [tilespmem:$0x70], $0xff;
	_ =	sdelay $0x4  }
0x9e: {  	v57 =	vshll.u32 v3, $0x2  }
0x9f: {  	v3 =	vand.u32 $0x7, v3;
	v4 =	vand.u32 $0xFFFFFFE0, v57  }
0xa0: {  	v3 =	vor.u32 v3, v4  }
0xa1: {  	v3 =	vperm.xlane v3, v0;
	_ =	sdelay $0x1  }
0xa2: {  	v3 =	vadd.s32 v1, v3;
	_ =	sdelay $0x4  }
0xa3: {  	[tilespmem:s11], [sflag:$0x1] =	stream.indirect_vreg.gather [hbm4b:s2+s3], $0x80, v3, vm0, $0xb8;
	[tilespmem:$0x18100] =	vst v63  }
0xa4: {  	_ = 	snop  }
0xa5: {  	[tilespmem:s12], [sflag:$0x1] =	stream.indirect_vreg.gather [hbm4b:s4+s3], $0x80, v3, vm0, $0xb8;
	[tilespmem:$0x18100] =	vst v63  }
0xa6: {  	v3 =	vld [tilespmem:$0x78];
	_ =	sdelay $0x4  }
0xa7: {  	v58 =	vshll.u32 v3, $0x2  }
0xa8: {  	v3 =	vand.u32 $0x7, v3;
	v4 =	vand.u32 $0xFFFFFFE0, v58  }
0xa9: {  	v3 =	vor.u32 v3, v4  }
0xaa: {  	v4 =	vperm.xlane v3, v0;
	_ =	sdelay $0x1  }
0xab: {  	v4 =	vadd.s32 v1, v4;
	_ =	sdelay $0x1  }
0xac: {  	v3 =	vperm.xlane v3, v2;
	_ =	sdelay $0x1  }
0xad: {  	v3 =	vadd.s32 v1, v3  }
0xae: {  	[tilespmem:s13], [sflag:$0x1] =	stream.indirect_vreg.gather [hbm4b:s2+s3], $0x80, v4, vm0, $0xb8;
	[tilespmem:$0x18100] =	vst v63  }
0xaf: {  	_ = 	snop  }
0xb0: {  	[tilespmem:s14], [sflag:$0x1] =	stream.indirect_vreg.gather [hbm4b:s4+s3], $0x80, v4, vm0, $0xb8;
	[tilespmem:$0x18100] =	vst v63  }
0xb1: {  	_ = 	snop  }
0xb2: {  	[tilespmem:s15], [sflag:$0x1] =	stream.indirect_vreg.gather [hbm4b:s2+s3], $0x80, v3, vm0, $0xb8;
	[tilespmem:$0x18100] =	vst v63  }
0xb3: {  	_ = 	snop  }
0xb4: {  	[tilespmem:s16], [sflag:$0x1] =	stream.indirect_vreg.gather [hbm4b:s4+s3], $0x80, v3, vm0, $0xb8;
	[tilespmem:$0x18100] =	vst v63  }
0xb5: {  	v3 =	vld.msk [tilespmem:$0x88], $0xff;
	_ =	sdelay $0x4  }
0xb6: {  	v59 =	vshll.u32 v3, $0x2  }
0xb7: {  	v3 =	vand.u32 $0x7, v3;
	v4 =	vand.u32 $0xFFFFFFE0, v59  }
0xb8: {  	v3 =	vor.u32 v3, v4  }
0xb9: {  	v3 =	vperm.xlane v3, v0;
	_ =	sdelay $0x1  }
0xba: {  	v3 =	vadd.s32 v1, v3;
	_ =	sdelay $0x4  }
0xbb: {  	[tilespmem:s17], [sflag:$0x1] =	stream.indirect_vreg.gather [hbm4b:s2+s3], $0x80, v3, vm0, $0xb8;
	[tilespmem:$0x18100] =	vst v63  }
0xbc: {  	_ = 	snop  }
0xbd: {  	[tilespmem:s18], [sflag:$0x1] =	stream.indirect_vreg.gather [hbm4b:s4+s3], $0x80, v3, vm0, $0xb8;
	[tilespmem:$0x18100] =	vst v63  }
0xbe: {  	v3 =	vld [tilespmem:$0x90];
	_ =	sdelay $0x4  }
0xbf: {  	v60 =	vshll.u32 v3, $0x2  }
0xc0: {  	v3 =	vand.u32 $0x7, v3;
	v4 =	vand.u32 $0xFFFFFFE0, v60  }
0xc1: {  	v3 =	vor.u32 v3, v4  }
0xc2: {  	v4 =	vperm.xlane v3, v0;
	_ =	sdelay $0x1  }
0xc3: {  	v4 =	vadd.s32 v1, v4;
	_ =	sdelay $0x1  }
0xc4: {  	v3 =	vperm.xlane v3, v2;
	_ =	sdelay $0x1  }
0xc5: {  	v3 =	vadd.s32 v1, v3  }
0xc6: {  	[tilespmem:s19], [sflag:$0x1] =	stream.indirect_vreg.gather [hbm4b:s2+s3], $0x80, v4, vm0, $0xb8;
	[tilespmem:$0x18100] =	vst v63  }
0xc7: {  	_ = 	snop  }
0xc8: {  	[tilespmem:s20], [sflag:$0x1] =	stream.indirect_vreg.gather [hbm4b:s4+s3], $0x80, v4, vm0, $0xb8;
	[tilespmem:$0x18100] =	vst v63  }
0xc9: {  	_ = 	snop  }
0xca: {  	[tilespmem:s21], [sflag:$0x1] =	stream.indirect_vreg.gather [hbm4b:s2+s3], $0x80, v3, vm0, $0xb8;
	[tilespmem:$0x18100] =	vst v63  }
0xcb: {  	_ = 	snop  }
0xcc: {  	[tilespmem:s22], [sflag:$0x1] =	stream.indirect_vreg.gather [hbm4b:s4+s3], $0x80, v3, vm0, $0xb8;
	[tilespmem:$0x18100] =	vst v63  }
0xcd: {  	v3 =	vld.msk [tilespmem:$0xA0], $0xff;
	_ =	sdelay $0x4  }
0xce: {  	v61 =	vshll.u32 v3, $0x2  }
0xcf: {  	v3 =	vand.u32 $0x7, v3;
	v4 =	vand.u32 $0xFFFFFFE0, v61  }
0xd0: {  	v3 =	vor.u32 v3, v4  }
0xd1: {  	v3 =	vperm.xlane v3, v0;
	_ =	sdelay $0x1  }
0xd2: {  	v3 =	vadd.s32 v1, v3;
	_ =	sdelay $0x4  }
0xd3: {  	[tilespmem:s23], [sflag:$0x1] =	stream.indirect_vreg.gather [hbm4b:s2+s3], $0x80, v3, vm0, $0xb8;
	[tilespmem:$0x18100] =	vst v63  }
0xd4: {  	_ = 	snop  }
0xd5: {  	[tilespmem:s24], [sflag:$0x1] =	stream.indirect_vreg.gather [hbm4b:s4+s3], $0x80, v3, vm0, $0xb8;
	[tilespmem:$0x18100] =	vst v63  }
0xd6: {  	v3 =	vld [tilespmem:$0xA8];
	_ =	sdelay $0x4  }
0xd7: {  	v62 =	vshll.u32 v3, $0x2  }
0xd8: {  	v3 =	vand.u32 $0x7, v3;
	v4 =	vand.u32 $0xFFFFFFE0, v62  }
0xd9: {  	v3 =	vor.u32 v3, v4  }
0xda: {  	v4 =	vperm.xlane v3, v0;
	_ =	sdelay $0x1  }
0xdb: {  	v4 =	vadd.s32 v1, v4;
	_ =	sdelay $0x1  }
0xdc: {  	v3 =	vperm.xlane v3, v2;
	_ =	sdelay $0x1  }
0xdd: {  	v3 =	vadd.s32 v1, v3  }
0xde: {  	[tilespmem:s25], [sflag:$0x1] =	stream.indirect_vreg.gather [hbm4b:s2+s3], $0x80, v4, vm0, $0xb8;
	[tilespmem:$0x18100] =	vst v63  }
0xdf: {  	_ = 	snop  }
0xe0: {  	[tilespmem:s26], [sflag:$0x1] =	stream.indirect_vreg.gather [hbm4b:s4+s3], $0x80, v4, vm0, $0xb8;
	[tilespmem:$0x18100] =	vst v63  }
0xe1: {  	_ = 	snop  }
0xe2: {  	[tilespmem:s28], [sflag:$0x1] =	stream.indirect_vreg.gather [hbm4b:s2+s3], $0x80, v3, vm0, $0xb8;
	[tilespmem:$0x18100] =	vst v63  }
0xe3: {  	_ = 	snop  }
0xe4: {  	[tilespmem:s29], [sflag:$0x1] =	stream.indirect_vreg.gather [hbm4b:s4+s3], $0x80, v3, vm0, $0xb8;
	[tilespmem:$0x18100] =	vst v63  }
0xe5: {  	v3 =	vld.msk [tilespmem:$0xB8], $0xff;
	_ =	sdelay $0x4  }
0xe6: {  	v63 =	vshll.u32 v3, $0x2  }
0xe7: {  	v3 =	vand.u32 $0x7, v3;
	v4 =	vand.u32 $0xFFFFFFE0, v63  }
0xe8: {  	v3 =	vor.u32 v3, v4  }
0xe9: {  	v3 =	vperm.xlane v3, v0;
	_ =	sdelay $0x1  }
0xea: {  	v3 =	vadd.s32 v1, v3;
	_ =	sdelay $0x4  }
0xeb: {  	[tilespmem:s30], [sflag:$0x1] =	stream.indirect_vreg.gather [hbm4b:s2+s3], $0x80, v3, vm0, $0xb8;
	[tilespmem:$0x18100] =	vst v63  }
0xec: {  	_ = 	snop  }
0xed: {  	[tilespmem:s31], [sflag:$0x1] =	stream.indirect_vreg.gather [hbm4b:s4+s3], $0x80, v3, vm0, $0xb8;
	[tilespmem:$0x18100] =	vst v63  }
0xee: {  	_ =	swait.ge [sflag:s1], $0x3000  }
0xef: {  	[sflag:s1] =	ssyncset.done $0x0  }
0xf0: {  	[sflag:s1] =	ssyncadd.s32 $0xFFFFD000  }
0xf1: {  	_ =	swait.ge [sflag:s1], $0x3000  }
0xf2: {  	[sflag:s1] =	ssyncset.done $0x0  }
0xf3: {  	[sflag:s1] =	ssyncadd.s32 $0xFFFFD000  }
0xf4: {  	_ =	swait.ge [sflag:s1], $0x3000  }
0xf5: {  	[sflag:s1] =	ssyncset.done $0x0  }
0xf6: {  	[sflag:s1] =	ssyncadd.s32 $0xFFFFD000  }
0xf7: {  	_ =	swait.ge [sflag:s1], $0x3000  }
0xf8: {  	[sflag:s1] =	ssyncset.done $0x0  }
0xf9: {  	[sflag:s1] =	ssyncadd.s32 $0xFFFFD000  }
0xfa: {  	_ =	swait.ge [sflag:s1], $0x3000  }
0xfb: {  	[sflag:s1] =	ssyncset.done $0x0  }
0xfc: {  	[sflag:s1] =	ssyncadd.s32 $0xFFFFD000  }
0xfd: {  	_ =	swait.ge [sflag:s1], $0x3000  }
0xfe: {  	[sflag:s1] =	ssyncset.done $0x0  }
0xff: {  	[sflag:s1] =	ssyncadd.s32 $0xFFFFD000  }
0x100: {  	_ =	swait.ge [sflag:s1], $0x3000  }
0x101: {  	[sflag:s1] =	ssyncset.done $0x0  }
0x102: {  	[sflag:s1] =	ssyncadd.s32 $0xFFFFD000  }
0x103: {  	_ =	swait.ge [sflag:s1], $0x3000  }
0x104: {  	p0 =	sne.s32 s5, $0x1;
	[sflag:s1] =	ssyncset.done $0x0  }
.Ltmp0:
0x105: {  	s8 =	rddreg [dreg:$0x4];
	[sflag:s1] =	ssyncadd.s32 $0xFFFFD000;
	(pc) =	sbr.rel @p0 .LBB2_1-.Ltmp0, $4  }
0x106: {  	[hbm4b:s8+s3] =	stream.linear.scatter [tilespmem:s7], [sflag:$0x2], $0x18000, $0x38;
	[tilespmem:$0x18100] =	vst v63  }
0x107: {  	_ =	swait.ge [sflag:s6], $0x18000  }
0x108: {  	[sflag:s6] =	ssyncset.done $0x0  }
0x109: {  	s5 =	sadd.s32 $0xFFFFFFFF, s5;
	[sflag:s6] =	ssyncadd.s32 $0xFFFE8000  }
0x10a: {  	_ =	sfence.sel $0x180000  }
0x10b: {  	[bflag:$0x0] =	sbarrier.arrive $0xFFFF  }
0x10c: {  	_ =	strace $0x9000004A  }
0x10d: {  	s0 =	stileid.u32;
	[bflag:$0x2] =	sbarrier.arrive $0xFFFF  }
0x10e: {  	p0 =	sne.s32 s0, $0x0;
	s0 =	rddreg [dreg:$0x2]  }
0x10f: {  	s0 =	sadd.s32 @!p0 $0x100000, s0  }
0x110: {  	[sflag:s0] =	ssyncadd.tile.s32 @!p0 $0x1;
	_ =	shalt  }
.Lfunc_end2:
_tile_overlayer_lowered:
.L_overlay_start_2:
0x111: {  	(tag) =	ssettag $0x2  }
0x112: {  	s0 =	rddreg [dreg:$0x0];
	s2 =	stileid.u32  }
0x113: {  	s1 =	rddreg [dreg:$0x1];
	p0 =	sne.s32 s2, $0x0  }
0x114: {  	s3 =	rddreg [dreg:$0x2];
	[bflag:$0x3] =	sbarrier.arrive $0xFFFF;
	s2 =	simm.s32 @!p0 $0x1C02  }
0x115: {  	[timem:s3], [sflag:s2] =	dma.local @!p0 [hbm:s0], s1  }
0x116: {  	s0 =	simm.s32 @!p0 $0x2  }
0x117: {  	_ =	swait.ge @!p0 [sflag:s0], s1  }
0x118: {  	s1 =	ssub.s32 @!p0 $0x0, s1;
	[sflag:s0] =	ssyncset.done @!p0 $0x0  }
0x119: {  	[sflag:s0] =	ssyncadd.s32 @!p0 s1  }
0x11a: {  	[bflag:$0x3] =	sbarrier.arrive $0xFFFF  }
0x11b: {  	_ =	shalt  }

// kernel: kernel.13.cloned.1.call-start
scs
__scs_entry_jumppad:
0x0: {  	(pc) =	sbr.rel $0x88, $3  }
0x1: {  	(tag) =	ssettag $0x0;
	lr =	simm.s32 $0x1  }
0x2: {  	[smem:$0x3F9B] =	sst lr;
	_ =	strace $0xD0000000  }
0x3: {  	_ = 	snop  }
0x4: {  	_ = 	snop  }
0x5: {  	_ = 	snop  }
0x6: {  	_ = 	snop  }
0x7: {  	_ = 	snop  }
__scs_overlays_trampoline_lowered:
0x8: {  	[smem:$0x3FAA] =	sst s0  }
0x9: {  	[smem:$0x3FAB] =	sst s1  }
0xa: {  	[smem:$0x3FAC] =	sst s2  }
0xb: {  	[smem:$0x3FAD] =	sst s3  }
0xc: {  	[smem:$0x3FAE] =	sst s4  }
0xd: {  	[smem:$0x3FAF] =	sst s5  }
0xe: {  	[smem:$0x3FB0] =	sst s6  }
0xf: {  	[smem:$0x3FB1] =	sst s7  }
0x10: {  	[smem:$0x3FB2] =	sst s8  }
0x11: {  	[smem:$0x3FB3] =	sst s9;
	s0 =	simm.s32 @!p0 $0x0  }
0x12: {  	s1 =	sld [smem:$0x3F99];
	s0 =	simm.s32 @p0 $0x1  }
0x13: {  	[smem:$0x3FB4] =	sst s0;
	s0 =	simm.s32 @!p1 $0x0  }
0x14: {  	s2 =	sld [smem:$0x3F98];
	s0 =	simm.s32 @p1 $0x1  }
0x15: {  	[smem:$0x3FB5] =	sst s0;
	s0 =	simm.s32 @!p2 $0x0  }
0x16: {  	s3 =	sld [smem:$0x3FDB];
	s0 =	simm.s32 @p2 $0x1  }
0x17: {  	s4 =	simm.s32 $0x1BF5;
	[smem:$0x3FB7] =	sst s0  }
0x18: {  	s0 =	sld [smem:$0x3F9A];
	_ =	swait.ge [sflag:s4], $0x0  }
0x19: {  	s7 =	sld [smem:$0x3F9B]  }
0x1a: {  	s8 =	sadd.s32 $0xFFFFE003, lr  }
0x1b: {  	s9 =	sadd.s32 $0xFFFFFEF7, lr;
	s5 =	simm.s32 $0xFFFFFFFF;
	p2 =	slt.u32 s8, $0xFFFFF086  }
0x1c: {  	p1 =	slt.u32 s9, $0xF7A;
	s5 =	simm.s32 @!p2 $0x0  }
0x1d: {  	s5 =	simm.s32 @p1 $0x1;
	p0 =	seq.s32 s7, s2  }
0x1e: {  	s7 =	smul.u32 @!p0 $0xF7A, s2;
	p2 =	seq.s32 @!p0 s5, $0x0  }
0x1f: {  	s9 =	smul.u32 $0xF7A, s1;
	s8 =	simm.s32 @!p0 $0x1BF5;
	p2 =	por !p2, p0  }
0x20: {  	[sflag:s8] =	ssyncset.s32 @!p0 $0xFFFFF086;
	s6 =	sadd.s32 @!p0 s3, s7;
	s7 =	simm.s32 @!p0 $0x108  }
0x21: {  	s3 =	sadd.s32 s3, s9;
	s6 =	sadd.s32 @!p0 $0x88, s6;
	s7 =	simm.s32 @p2 $0x1082  }
0x22: {  	[simem:s7], [sflag:s8] =	dma.local @!p0 [hbm:s6], $0xF7A  }
0x23: {  	s9 =	sor.u32 $0xD0000000, s2;
	s6 =	simm.s32 $0x108;
	_ =	swait.ge @!p0 [sflag:s8], $0x0  }
0x24: {  	s3 =	sadd.s32 $0x88, s3;
	s6 =	simm.s32 @!p1 $0x1082;
	[sflag:s4] =	ssyncset.s32 $0xFFFFF086  }
0x25: {  	[simem:s6], [sflag:s4] =	dma.local [hbm:s3], $0xF7A  }
0x26: {  	[smem:$0x3F9B] =	sst s1;
	(tag) =	ssettag s2;
	_ =	strace s9  }
0x27: {  	s1 =	sld [smem:$0x3FAB]  }
0x28: {  	s2 =	sld [smem:$0x3FAC]  }
0x29: {  	s4 =	sld [smem:$0x3FAE]  }
0x2a: {  	p0 =	seq.s32 s5, $0x0;
	s5 =	sld [smem:$0x3FAF]  }
0x2b: {  	s6 =	sld [smem:$0x3FB0]  }
0x2c: {  	s7 =	sld [smem:$0x3FB1]  }
0x2d: {  	s3 =	simm.s32 $0x108;
	s8 =	sld [smem:$0x3FB2]  }
0x2e: {  	s3 =	simm.s32 @!p0 $0x1082;
	s9 =	sld [smem:$0x3FB3]  }
0x2f: {  	lr =	sadd.s32 s0, s3;
	s0 =	sld [smem:$0x3FAA]  }
0x30: {  	s3 =	sld [smem:$0x3FAD]  }
0x31: {  	[smem:$0x3FB6] =	sst s10  }
0x32: {  	s10 =	sld [smem:$0x3FB4];
	_ =	sdelay $0x3  }
0x33: {  	p0 =	seq.s32 s10, $0x1;
	s10 =	sld [smem:$0x3FB6];
	_ =	sdelay $0x3  }
0x34: {  	[smem:$0x3FB6] =	sst s10  }
0x35: {  	s10 =	sld [smem:$0x3FB5];
	_ =	sdelay $0x3  }
0x36: {  	p1 =	seq.s32 s10, $0x1;
	s10 =	sld [smem:$0x3FB6];
	_ =	sdelay $0x3  }
0x37: {  	[smem:$0x3FB6] =	sst s10  }
0x38: {  	s10 =	sld [smem:$0x3FB7]  }
0x39: {  	_ = 	snop;
	(pc) =	sbr.ind lr, $3  }
0x3a: {  	_ = 	snop  }
0x3b: {  	_ = 	snop  }
0x3c: {  	p2 =	seq.s32 s10, $0x1;
	s10 =	sld [smem:$0x3FB6]  }
0x3d: {  	_ =	shalt  }
0x3e: {  	_ =	shalt  }
0x3f: {  	_ =	shalt  }
0x40: {  	_ =	shalt  }
0x41: {  	_ =	shalt  }
0x42: {  	_ =	shalt  }
0x43: {  	_ =	shalt  }
0x44: {  	_ =	shalt  }
0x45: {  	_ =	shalt  }
0x46: {  	_ =	shalt  }
0x47: {  	_ =	shalt  }
0x48: {  	_ =	shalt  }
0x49: {  	_ =	shalt  }
0x4a: {  	_ =	shalt  }
0x4b: {  	_ =	shalt  }
0x4c: {  	_ =	shalt  }
0x4d: {  	_ =	shalt  }
0x4e: {  	_ =	shalt  }
0x4f: {  	_ =	shalt  }
0x50: {  	_ =	shalt  }
0x51: {  	_ =	shalt  }
0x52: {  	_ =	shalt  }
0x53: {  	_ =	shalt  }
0x54: {  	_ =	shalt  }
0x55: {  	_ =	shalt  }
0x56: {  	_ =	shalt  }
0x57: {  	_ =	shalt  }
0x58: {  	_ =	shalt  }
0x59: {  	_ =	shalt  }
0x5a: {  	_ =	shalt  }
0x5b: {  	_ =	shalt  }
0x5c: {  	_ =	shalt  }
0x5d: {  	_ =	shalt  }
0x5e: {  	_ =	shalt  }
0x5f: {  	_ =	shalt  }
0x60: {  	_ =	shalt  }
0x61: {  	_ =	shalt  }
0x62: {  	_ =	shalt  }
0x63: {  	_ =	shalt  }
0x64: {  	_ =	shalt  }
0x65: {  	_ =	shalt  }
0x66: {  	_ =	shalt  }
0x67: {  	_ =	shalt  }
0x68: {  	_ =	shalt  }
0x69: {  	_ =	shalt  }
0x6a: {  	_ =	shalt  }
0x6b: {  	_ =	shalt  }
0x6c: {  	_ =	shalt  }
0x6d: {  	_ =	shalt  }
0x6e: {  	_ =	shalt  }
0x6f: {  	_ =	shalt  }
0x70: {  	_ =	shalt  }
0x71: {  	_ =	shalt  }
0x72: {  	_ =	shalt  }
0x73: {  	_ =	shalt  }
0x74: {  	_ =	shalt  }
0x75: {  	_ =	shalt  }
0x76: {  	_ =	shalt  }
0x77: {  	_ =	shalt  }
0x78: {  	_ =	shalt  }
0x79: {  	_ =	shalt  }
0x7a: {  	_ =	shalt  }
0x7b: {  	_ =	shalt  }
0x7c: {  	_ =	shalt  }
0x7d: {  	_ =	shalt  }
0x7e: {  	_ =	shalt  }
0x7f: {  	_ =	shalt  }
0x80: {  	_ =	shalt  }
0x81: {  	_ =	shalt  }
0x82: {  	_ =	shalt  }
0x83: {  	_ =	shalt  }
0x84: {  	_ =	shalt  }
0x85: {  	_ =	shalt  }
0x86: {  	_ =	shalt  }
0x87: {  	_ =	shalt  }
.Lfunc_end0:
.L_simem_size_0:
called_computation.2_lowered:
.L_overlay_start_0:
0x88: {  	s2 =	sld [smem:$0x3FD9]  }
0x89: {  	s3 =	sld [smem:$0x3FFE];
	_ =	sdelay $0x1  }
0x8a: {  	s1 =	srdreg.scid  }
0x8b: {  	s0 =	sand.u32 $0x1, s1  }
0x8c: {  	s17 =	sshll.u32 s0, $0xA;
	s2 =	sadd.s32 s3, s2  }
0x8d: {  	s2 =	sadd.s32 s2, s17  }
0x8e: {  	[smem:$0x3FC2] =	sst s2  }
0x8f: {  	_ = 	snop  }
0x90: {  	s2 =	sld [smem:$0x3FD0];
	(tm) =	ssettm $0x1  }
0x91: {  	s18 =	sld [smem:$0x3FFB];
	_ =	sdelay $0x3  }
0x92: {  	_ =	strace s18  }
0x93: {  	s3 =	sld [smem:$0x3FFC];
	_ =	sdelay $0x3  }
0x94: {  	_ =	strace s3  }
0x95: {  	s3 =	sld [smem:$0x3FFD];
	_ =	sdelay $0x3  }
0x96: {  	_ =	strace s3  }
0x97: {  	_ =	strace $0x8FFFFFFF  }
0x98: {  	s19 =	sld [smem:$0x3FDB];
	_ =	sdelay $0x1  }
0x99: {  	s4 =	simm.s32 $_scs_section_size  }
0x9a: {  	s5 =	simm.s32 $_size__tile_overlayer_lowered;
	s6 =	simm.s32 $_tile_overlayer_lowered  }
0x9b: {  	s22 =	simm.s32 $0x1BFF;
	s21 =	sshll.u32 s6, $0x1;
	s3 =	sadd.s32 s4, s19  }
0x9c: {  	s7 =	simm.s32 $0x0;
	s20 =	sshll.u32 s5, $0x1;
	s5 =	sadd.s32 s21, s3  }
0x9d: {  	[timem:s7], [sflag:s22] =	dma.local [hbm:s5], s20  }
0x9e: {  	_ =	swait.ge [sflag:s22], s20  }
0x9f: {  	s4 =	ssub.s32 $0x0, s20;
	[sflag:s22] =	ssyncset.done $0x0  }
0xa0: {  	[sflag:s22] =	ssyncadd.s32 s4;
	_ =	sdelay $0x1  }
0xa1: {  	s23 =	simm.s32 $0x1B8B  }
0xa2: {  	_ =	swait.ge [sflag:s23], $0x1  }
0xa3: {  	[sflag:s23] =	ssyncset.done $0x0  }
0xa4: {  	s25 =	simm.s32 $0x1B8E;
	s24 =	sld [smem:$0x3FFE];
	[sflag:s23] =	ssyncadd.s32 $0xFFFFFFFF  }
0xa5: {  	s26 =	simm.s32 $execute0_lowered;
	[smem:$0x3FD2] =	sst s25  }
0xa6: {  	s5 =	sshll.u32 s26, $0x1;
	_ =	strace $0x8000004C;
	[dreg:$0x1] =	wrdreg $0xFFFFFFFF  }
0xa7: {  	s28 =	simm.s32 $_size_execute0_lowered;
	s3 =	sadd.s32 s3, s5;
	[dreg:$0x0] =	wrdreg $0x0  }
0xa8: {  	s5 =	sshll.u32 s28, $0x1;
	[dreg:$0x2] =	wrdreg s3  }
0xa9: {  	[dreg:$0x3] =	wrdreg s5  }
0xaa: {  	[dreg:$0x4] =	wrdreg $0xC0  }
0xab: {  	_ =	task [dreg:s7], $0x5FFFF  }
0xac: {  	[dreg:$0x1] =	wrdreg $0xFFFFFFFF  }
0xad: {  	[dreg:$0x0] =	wrdreg $0x60  }
0xae: {  	[dreg:$0x2] =	wrdreg s24  }
0xaf: {  	[dreg:$0x3] =	wrdreg s2  }
0xb0: {  	[dreg:$0x4] =	wrdreg $0x9  }
0xb1: {  	_ =	task.clear_ibuf [dreg:s7], $0x5FFFF;
	_ =	strace $0x9000004C  }
0xb2: {  	s29 =	simm.s32 $0x9;
	_ =	strace $0x8000004E  }
0xb3: {  	_ =	swait.ge [sflag:s29], $0x1  }
0xb4: {  	[sflag:s29] =	ssyncadd.s32 $0xFFFFFFFF  }
0xb5: {  	_ =	strace $0x9000004E  }
0xb6: {  	_ =	sfence  }
0xb7: {  	s30 =	sld [smem:$0x0];
	_ =	sdelay $0x2  }
0xb8: {  	s31 =	sshll.u32 s1, $0xD;
	s1 =	sshrl.u32 s1, $0x2  }
0xb9: {  	s3 =	sand.u32 $0x4000, s31;
	s1 =	sadd.s32 s1, s30  }
0xba: {  	s0 =	sor.u32 s3, s0;
	s1 =	sshll.u32 s1, $0x11  }
0xbb: {  	s0 =	sor.u32 s1, s0  }
0xbc: {  	s0 =	sadd.s32 $0x8F2B, s0  }
0xbd: {  	[sflag:s0] =	ssyncadd.remote.s32 $0x1  }
0xbe: {  	_ =	sfence.sel $0xFFFF  }
0xbf: {  	[dreg:$0x0] =	wrdreg $0xFFFFFFFF;
	(pc) =	sbr.abs _section_cstart, $3  }
0xc0: {  	[dreg:$0x1] =	wrdreg $0xFFFFFFFF  }
0xc1: {  	_ =	task.clear_ibuf [dreg:s7], $0x2FFFF;
	_ =	strace $0x9FFFFFFF  }
0xc2: {  	(tm) =	ssettm $0x7FFFFFFF  }
0xc3: {  	_ =	shalt  }
tec
execute0_lowered:
.L_overlay_start_1:
0x0: {  	(tag) =	ssettag $0x1  }
0x1: {  	s0 =	rddreg [dreg:$0x0]  }
0x2: {  	s1 =	rddreg [dreg:$0x1];
	s3 =	srdreg.scid  }
0x3: {  	s2 =	simm.s32 $0x0;
	s4 =	stileid.u32;
	s18 =	simm.s32 $0x2  }
0x4: {  	s28 =	simm.s32 $0x3900;
	s29 =	simm.s32 $0x4100;
	s31 =	simm.s32 $0xC100  }
0x5: {  	s19 =	simm.s32 $0x10100;
	s30 =	simm.s32 $0x18100;
	s3 =	sand.u32 $0x1, s3  }
0x6: {  	[smem:$0x7FF] =	sst s2;
	s4 =	sshll.u32 s4, $0x7;
	s9 =	sadd.s32 $0x1A00, s0  }
0x7: {  	s8 =	sadd.s32 $0x222D00, s0;
	s5 =	sshll.u32 s3, $0x6;
	s20 =	ssub.s32 $0x2, s3  }
0x8: {  	_ =	strace $0x8000004D;
	s4 =	sor.u32 s5, s4;
	s7 =	sshrl.u32 s20, $0x1  }
0x9: {  	s3 =	sadd.s32 $0x222A00, s0;
	s6 =	sshrl.u32 s4, $0x3;
	s5 =	ssub.s32 s20, s7  }
0xa: {  	s7 =	sadd.s32 $0x222C00, s0;
	s22 =	sshll.u32 s4, $0x7;
	s20 =	simm.s32 $0x100  }
0xb: {  	s6 =	sadd.s32 s6, s0;
	s4 =	sadd.s32 s9, s22;
	s23 =	sadd.s32 s1, s22  }
0xc: {  	s24 =	sor.u32 $0x800, s22;
	s25 =	sor.u32 $0x1000, s22;
	[dreg:$0x5] =	wrdreg s4  }
0xd: {  	s17 =	smax.u32 s5, $0x1;
	s21 =	sadd.s32 $0x42800, s6;
	[dreg:$0x6] =	wrdreg s23  }
0xe: {  	s5 =	simm.s32 $0x0;
	s6 =	sadd.s32 $0x42900, s6;
	[dreg:$0x3] =	wrdreg s21  }
0xf: {  	s10 =	sadd.s32 s9, s24;
	s4 =	sadd.s32 s1, s24;
	[dreg:$0x4] =	wrdreg s6  }
0x10: {  	s26 =	sadd.s32 s9, s25;
	s14 =	sadd.s32 s1, s25;
	[dreg:$0x7] =	wrdreg s10  }
0x11: {  	s24 =	simm.s32 $0x2100;
	s25 =	simm.s32 $0x2900;
	[dreg:$0x8] =	wrdreg s4  }
0x12: {  	v2 =	vlaneseq.u32;
	s6 =	sadd.s32 $0x222B00, s0;
	[dreg:$0x9] =	wrdreg s26;
	s0 =	sor.u32 $0x1800, s22  }
0x13: {  	vm0 =	vmmov $0xffff;
	v1 =	vshrl.u32 v2, $0x3;
	s26 =	simm.s32 $0x3100;
	s4 =	simm.s32 $0x1;
	s15 =	sadd.s32 s9, s0  }
0x14: {  	v0 =	vand.u32 $0x7, v2;
	v2 =	vor.u32 $0x8, v2;
	v1 =	vmul.u32 $0x8, v1;
	s16 =	sadd.s32 s1, s0;
	s0 =	simm.s32 $0x8100;
	s1 =	simm.s32 $0x14100  }
.LBB2_1:
0x15: {  	s9 =	rddreg [dreg:$0x3]  }
0x16: {  	[tilespmem:s2], [sflag:$0x2] =	stream.linear.gather [hbm4b:s9+s2], $0x40, $0x38;
	[tilespmem:$0x1C100] =	vst v63  }
0x17: {  	_ =	swait.ge [sflag:s18], $0x40  }
0x18: {  	[sflag:s18] =	ssyncset.done $0x0  }
0x19: {  	s10 =	simm.s32 $0x80;
	s13 =	rddreg [dreg:$0x4];
	[sflag:s18] =	ssyncadd.s32 $0xFFFFFFC0  }
0x1a: {  	[tilespmem:s10], [sflag:$0x2] =	stream.linear.gather [hbm4b:s13+s2], $0x40, $0x38;
	[tilespmem:$0x1C100] =	vst v63  }
0x1b: {  	_ =	swait.ge [sflag:s18], $0x40  }
0x1c: {  	[sflag:s18] =	ssyncset.done $0x0  }
0x1d: {  	[sflag:s18] =	ssyncadd.s32 $0xFFFFFFC0  }
0x1e: {  	v3 =	vld [tilespmem:$0x0];
	_ =	sdelay $0x4  }
0x1f: {  	v4 =	vshll.u32 v3, $0x3  }
0x20: {  	v3 =	vand.u32 $0x7, v3;
	v4 =	vand.u32 $0xFFFFFFC0, v4  }
0x21: {  	v3 =	vor.u32 v3, v4  }
0x22: {  	v4 =	vperm.xlane v3, v0;
	_ =	sdelay $0x1  }
0x23: {  	v4 =	vadd.s32 v1, v4;
	_ =	sdelay $0x4  }
0x24: {  	[tilespmem:s20], [sflag:$0x1] =	stream.indirect_vreg.gather [hbm4b:s3+s2], $0x80, v4, vm0, $0xb8;
	[tilespmem:$0x1C100] =	vst v63  }
0x25: {  	s21 =	simm.s32 $0x900;
	v3 =	vperm.xlane v3, v2  }
0x26: {  	[tilespmem:s21], [sflag:$0x1] =	stream.indirect_vreg.gather [hbm4b:s6+s2], $0x80, v4, vm0, $0xb8;
	[tilespmem:$0x1C100] =	vst v63  }
0x27: {  	s22 =	simm.s32 $0x1100;
	v3 =	vadd.s32 v1, v3  }
0x28: {  	[tilespmem:s22], [sflag:$0x1] =	stream.indirect_vreg.gather [hbm4b:s7+s2], $0x80, v4, vm0, $0xb8;
	[tilespmem:$0x1C100] =	vst v63  }
0x29: {  	s23 =	simm.s32 $0x1900  }
0x2a: {  	[tilespmem:s23], [sflag:$0x1] =	stream.indirect_vreg.gather [hbm4b:s8+s2], $0x80, v4, vm0, $0xb8;
	[tilespmem:$0x1C100] =	vst v63  }
0x2b: {  	_ = 	snop  }
0x2c: {  	[tilespmem:s24], [sflag:$0x1] =	stream.indirect_vreg.gather [hbm4b:s3+s2], $0x80, v3, vm0, $0xb8;
	[tilespmem:$0x1C100] =	vst v63  }
0x2d: {  	_ = 	snop  }
0x2e: {  	[tilespmem:s25], [sflag:$0x1] =	stream.indirect_vreg.gather [hbm4b:s6+s2], $0x80, v3, vm0, $0xb8;
	[tilespmem:$0x1C100] =	vst v63  }
0x2f: {  	_ = 	snop  }
0x30: {  	[tilespmem:s26], [sflag:$0x1] =	stream.indirect_vreg.gather [hbm4b:s7+s2], $0x80, v3, vm0, $0xb8;
	[tilespmem:$0x1C100] =	vst v63  }
0x31: {  	_ = 	snop  }
0x32: {  	[tilespmem:s28], [sflag:$0x1] =	stream.indirect_vreg.gather [hbm4b:s8+s2], $0x80, v3, vm0, $0xb8;
	[tilespmem:$0x1C100] =	vst v63  }
0x33: {  	v3 =	vld [tilespmem:$0x80];
	_ =	sdelay $0x4  }
0x34: {  	v58 =	vshll.u32 v3, $0x3  }
0x35: {  	v3 =	vand.u32 $0x7, v3;
	v4 =	vand.u32 $0xFFFFFFC0, v58  }
0x36: {  	v3 =	vor.u32 v3, v4  }
0x37: {  	v4 =	vperm.xlane v3, v0;
	_ =	sdelay $0x1  }
0x38: {  	v4 =	vadd.s32 v1, v4;
	_ =	sdelay $0x4  }
0x39: {  	[tilespmem:s29], [sflag:$0x1] =	stream.indirect_vreg.gather [hbm4b:s3+s2], $0x80, v4, vm0, $0xb8;
	[tilespmem:$0x1C100] =	vst v63  }
0x3a: {  	s10 =	simm.s32 $0x4900;
	v3 =	vperm.xlane v3, v2  }
0x3b: {  	[tilespmem:s10], [sflag:$0x1] =	stream.indirect_vreg.gather [hbm4b:s6+s2], $0x80, v4, vm0, $0xb8;
	[tilespmem:$0x1C100] =	vst v63  }
0x3c: {  	s11 =	simm.s32 $0x5100;
	v3 =	vadd.s32 v1, v3  }
0x3d: {  	[tilespmem:s11], [sflag:$0x1] =	stream.indirect_vreg.gather [hbm4b:s7+s2], $0x80, v4, vm0, $0xb8;
	[tilespmem:$0x1C100] =	vst v63  }
0x3e: {  	s12 =	simm.s32 $0x5900  }
0x3f: {  	[tilespmem:s12], [sflag:$0x1] =	stream.indirect_vreg.gather [hbm4b:s8+s2], $0x80, v4, vm0, $0xb8;
	[tilespmem:$0x1C100] =	vst v63  }
0x40: {  	s13 =	simm.s32 $0x6100  }
0x41: {  	[tilespmem:s13], [sflag:$0x1] =	stream.indirect_vreg.gather [hbm4b:s3+s2], $0x80, v3, vm0, $0xb8;
	[tilespmem:$0x1C100] =	vst v63  }
0x42: {  	s21 =	simm.s32 $0x6900  }
0x43: {  	[tilespmem:s21], [sflag:$0x1] =	stream.indirect_vreg.gather [hbm4b:s6+s2], $0x80, v3, vm0, $0xb8;
	[tilespmem:$0x1C100] =	vst v63  }
0x44: {  	s22 =	simm.s32 $0x7100  }
0x45: {  	[tilespmem:s22], [sflag:$0x1] =	stream.indirect_vreg.gather [hbm4b:s7+s2], $0x80, v3, vm0, $0xb8;
	[tilespmem:$0x1C100] =	vst v63  }
0x46: {  	s23 =	simm.s32 $0x7900  }
0x47: {  	[tilespmem:s23], [sflag:$0x1] =	stream.indirect_vreg.gather [hbm4b:s8+s2], $0x80, v3, vm0, $0xb8;
	[tilespmem:$0x1C100] =	vst v63  }
0x48: {  	v3 =	vld [tilespmem:$0x10];
	_ =	sdelay $0x4  }
0x49: {  	v59 =	vshll.u32 v3, $0x3  }
0x4a: {  	v3 =	vand.u32 $0x7, v3;
	v4 =	vand.u32 $0xFFFFFFC0, v59  }
0x4b: {  	v3 =	vor.u32 v3, v4  }
0x4c: {  	v4 =	vperm.xlane v3, v0;
	_ =	sdelay $0x1  }
0x4d: {  	v4 =	vadd.s32 v1, v4;
	_ =	sdelay $0x4  }
0x4e: {  	[tilespmem:s0], [sflag:$0x1] =	stream.indirect_vreg.gather [hbm4b:s3+s2], $0x80, v4, vm0, $0xb8;
	[tilespmem:$0x1C100] =	vst v63  }
0x4f: {  	s10 =	simm.s32 $0x8900;
	v3 =	vperm.xlane v3, v2  }
0x50: {  	[tilespmem:s10], [sflag:$0x1] =	stream.indirect_vreg.gather [hbm4b:s6+s2], $0x80, v4, vm0, $0xb8;
	[tilespmem:$0x1C100] =	vst v63  }
0x51: {  	s11 =	simm.s32 $0x9100;
	v3 =	vadd.s32 v1, v3  }
0x52: {  	[tilespmem:s11], [sflag:$0x1] =	stream.indirect_vreg.gather [hbm4b:s7+s2], $0x80, v4, vm0, $0xb8;
	[tilespmem:$0x1C100] =	vst v63  }
0x53: {  	s12 =	simm.s32 $0x9900  }
0x54: {  	[tilespmem:s12], [sflag:$0x1] =	stream.indirect_vreg.gather [hbm4b:s8+s2], $0x80, v4, vm0, $0xb8;
	[tilespmem:$0x1C100] =	vst v63  }
0x55: {  	s13 =	simm.s32 $0xA100  }
0x56: {  	[tilespmem:s13], [sflag:$0x1] =	stream.indirect_vreg.gather [hbm4b:s3+s2], $0x80, v3, vm0, $0xb8;
	[tilespmem:$0x1C100] =	vst v63  }
0x57: {  	s21 =	simm.s32 $0xA900  }
0x58: {  	[tilespmem:s21], [sflag:$0x1] =	stream.indirect_vreg.gather [hbm4b:s6+s2], $0x80, v3, vm0, $0xb8;
	[tilespmem:$0x1C100] =	vst v63  }
0x59: {  	s22 =	simm.s32 $0xB100  }
0x5a: {  	[tilespmem:s22], [sflag:$0x1] =	stream.indirect_vreg.gather [hbm4b:s7+s2], $0x80, v3, vm0, $0xb8;
	[tilespmem:$0x1C100] =	vst v63  }
0x5b: {  	s23 =	simm.s32 $0xB900  }
0x5c: {  	[tilespmem:s23], [sflag:$0x1] =	stream.indirect_vreg.gather [hbm4b:s8+s2], $0x80, v3, vm0, $0xb8;
	[tilespmem:$0x1C100] =	vst v63  }
0x5d: {  	v3 =	vld [tilespmem:$0x90];
	_ =	sdelay $0x4  }
0x5e: {  	v60 =	vshll.u32 v3, $0x3  }
0x5f: {  	v3 =	vand.u32 $0x7, v3;
	v4 =	vand.u32 $0xFFFFFFC0, v60  }
0x60: {  	v3 =	vor.u32 v3, v4  }
0x61: {  	v4 =	vperm.xlane v3, v0;
	_ =	sdelay $0x1  }
0x62: {  	v4 =	vadd.s32 v1, v4;
	_ =	sdelay $0x4  }
0x63: {  	[tilespmem:s31], [sflag:$0x1] =	stream.indirect_vreg.gather [hbm4b:s3+s2], $0x80, v4, vm0, $0xb8;
	[tilespmem:$0x1C100] =	vst v63  }
0x64: {  	s10 =	simm.s32 $0xC900;
	v3 =	vperm.xlane v3, v2  }
0x65: {  	[tilespmem:s10], [sflag:$0x1] =	stream.indirect_vreg.gather [hbm4b:s6+s2], $0x80, v4, vm0, $0xb8;
	[tilespmem:$0x1C100] =	vst v63  }
0x66: {  	s11 =	simm.s32 $0xD100;
	v3 =	vadd.s32 v1, v3  }
0x67: {  	[tilespmem:s11], [sflag:$0x1] =	stream.indirect_vreg.gather [hbm4b:s7+s2], $0x80, v4, vm0, $0xb8;
	[tilespmem:$0x1C100] =	vst v63  }
0x68: {  	s12 =	simm.s32 $0xD900  }
0x69: {  	[tilespmem:s12], [sflag:$0x1] =	stream.indirect_vreg.gather [hbm4b:s8+s2], $0x80, v4, vm0, $0xb8;
	[tilespmem:$0x1C100] =	vst v63  }
0x6a: {  	s13 =	simm.s32 $0xE100  }
0x6b: {  	[tilespmem:s13], [sflag:$0x1] =	stream.indirect_vreg.gather [hbm4b:s3+s2], $0x80, v3, vm0, $0xb8;
	[tilespmem:$0x1C100] =	vst v63  }
0x6c: {  	s21 =	simm.s32 $0xE900  }
0x6d: {  	[tilespmem:s21], [sflag:$0x1] =	stream.indirect_vreg.gather [hbm4b:s6+s2], $0x80, v3, vm0, $0xb8;
	[tilespmem:$0x1C100] =	vst v63  }
0x6e: {  	s22 =	simm.s32 $0xF100  }
0x6f: {  	[tilespmem:s22], [sflag:$0x1] =	stream.indirect_vreg.gather [hbm4b:s7+s2], $0x80, v3, vm0, $0xb8;
	[tilespmem:$0x1C100] =	vst v63  }
0x70: {  	s23 =	simm.s32 $0xF900  }
0x71: {  	[tilespmem:s23], [sflag:$0x1] =	stream.indirect_vreg.gather [hbm4b:s8+s2], $0x80, v3, vm0, $0xb8;
	[tilespmem:$0x1C100] =	vst v63  }
0x72: {  	v3 =	vld [tilespmem:$0x20];
	_ =	sdelay $0x4  }
0x73: {  	v61 =	vshll.u32 v3, $0x3  }
0x74: {  	v3 =	vand.u32 $0x7, v3;
	v4 =	vand.u32 $0xFFFFFFC0, v61  }
0x75: {  	v3 =	vor.u32 v3, v4  }
0x76: {  	v4 =	vperm.xlane v3, v0;
	_ =	sdelay $0x1  }
0x77: {  	v4 =	vadd.s32 v1, v4;
	_ =	sdelay $0x4  }
0x78: {  	[tilespmem:s19], [sflag:$0x1] =	stream.indirect_vreg.gather [hbm4b:s3+s2], $0x80, v4, vm0, $0xb8;
	[tilespmem:$0x1C100] =	vst v63  }
0x79: {  	s10 =	simm.s32 $0x10900;
	v3 =	vperm.xlane v3, v2  }
0x7a: {  	[tilespmem:s10], [sflag:$0x1] =	stream.indirect_vreg.gather [hbm4b:s6+s2], $0x80, v4, vm0, $0xb8;
	[tilespmem:$0x1C100] =	vst v63  }
0x7b: {  	s11 =	simm.s32 $0x11100;
	v3 =	vadd.s32 v1, v3  }
0x7c: {  	[tilespmem:s11], [sflag:$0x1] =	stream.indirect_vreg.gather [hbm4b:s7+s2], $0x80, v4, vm0, $0xb8;
	[tilespmem:$0x1C100] =	vst v63  }
0x7d: {  	s12 =	simm.s32 $0x11900  }
0x7e: {  	[tilespmem:s12], [sflag:$0x1] =	stream.indirect_vreg.gather [hbm4b:s8+s2], $0x80, v4, vm0, $0xb8;
	[tilespmem:$0x1C100] =	vst v63  }
0x7f: {  	s13 =	simm.s32 $0x12100  }
0x80: {  	[tilespmem:s13], [sflag:$0x1] =	stream.indirect_vreg.gather [hbm4b:s3+s2], $0x80, v3, vm0, $0xb8;
	[tilespmem:$0x1C100] =	vst v63  }
0x81: {  	s21 =	simm.s32 $0x12900  }
0x82: {  	[tilespmem:s21], [sflag:$0x1] =	stream.indirect_vreg.gather [hbm4b:s6+s2], $0x80, v3, vm0, $0xb8;
	[tilespmem:$0x1C100] =	vst v63  }
0x83: {  	s22 =	simm.s32 $0x13100  }
0x84: {  	[tilespmem:s22], [sflag:$0x1] =	stream.indirect_vreg.gather [hbm4b:s7+s2], $0x80, v3, vm0, $0xb8;
	[tilespmem:$0x1C100] =	vst v63  }
0x85: {  	s23 =	simm.s32 $0x13900  }
0x86: {  	[tilespmem:s23], [sflag:$0x1] =	stream.indirect_vreg.gather [hbm4b:s8+s2], $0x80, v3, vm0, $0xb8;
	[tilespmem:$0x1C100] =	vst v63  }
0x87: {  	v3 =	vld [tilespmem:$0xA0];
	_ =	sdelay $0x4  }
0x88: {  	v62 =	vshll.u32 v3, $0x3  }
0x89: {  	v3 =	vand.u32 $0x7, v3;
	v4 =	vand.u32 $0xFFFFFFC0, v62  }
0x8a: {  	v3 =	vor.u32 v3, v4  }
0x8b: {  	v4 =	vperm.xlane v3, v0;
	_ =	sdelay $0x1  }
0x8c: {  	v4 =	vadd.s32 v1, v4;
	_ =	sdelay $0x4  }
0x8d: {  	[tilespmem:s1], [sflag:$0x1] =	stream.indirect_vreg.gather [hbm4b:s3+s2], $0x80, v4, vm0, $0xb8;
	[tilespmem:$0x1C100] =	vst v63  }
0x8e: {  	s10 =	simm.s32 $0x14900;
	v3 =	vperm.xlane v3, v2  }
0x8f: {  	[tilespmem:s10], [sflag:$0x1] =	stream.indirect_vreg.gather [hbm4b:s6+s2], $0x80, v4, vm0, $0xb8;
	[tilespmem:$0x1C100] =	vst v63  }
0x90: {  	s11 =	simm.s32 $0x15100;
	v3 =	vadd.s32 v1, v3  }
0x91: {  	[tilespmem:s11], [sflag:$0x1] =	stream.indirect_vreg.gather [hbm4b:s7+s2], $0x80, v4, vm0, $0xb8;
	[tilespmem:$0x1C100] =	vst v63  }
0x92: {  	s12 =	simm.s32 $0x15900  }
0x93: {  	[tilespmem:s12], [sflag:$0x1] =	stream.indirect_vreg.gather [hbm4b:s8+s2], $0x80, v4, vm0, $0xb8;
	[tilespmem:$0x1C100] =	vst v63  }
0x94: {  	s13 =	simm.s32 $0x16100  }
0x95: {  	[tilespmem:s13], [sflag:$0x1] =	stream.indirect_vreg.gather [hbm4b:s3+s2], $0x80, v3, vm0, $0xb8;
	[tilespmem:$0x1C100] =	vst v63  }
0x96: {  	s21 =	simm.s32 $0x16900  }
0x97: {  	[tilespmem:s21], [sflag:$0x1] =	stream.indirect_vreg.gather [hbm4b:s6+s2], $0x80, v3, vm0, $0xb8;
	[tilespmem:$0x1C100] =	vst v63  }
0x98: {  	s22 =	simm.s32 $0x17100  }
0x99: {  	[tilespmem:s22], [sflag:$0x1] =	stream.indirect_vreg.gather [hbm4b:s7+s2], $0x80, v3, vm0, $0xb8;
	[tilespmem:$0x1C100] =	vst v63  }
0x9a: {  	s23 =	simm.s32 $0x17900  }
0x9b: {  	[tilespmem:s23], [sflag:$0x1] =	stream.indirect_vreg.gather [hbm4b:s8+s2], $0x80, v3, vm0, $0xb8;
	[tilespmem:$0x1C100] =	vst v63  }
0x9c: {  	v3 =	vld [tilespmem:$0x30];
	_ =	sdelay $0x4  }
0x9d: {  	v63 =	vshll.u32 v3, $0x3  }
0x9e: {  	v3 =	vand.u32 $0x7, v3;
	v4 =	vand.u32 $0xFFFFFFC0, v63  }
0x9f: {  	v3 =	vor.u32 v3, v4  }
0xa0: {  	v4 =	vperm.xlane v3, v0;
	_ =	sdelay $0x1  }
0xa1: {  	v4 =	vadd.s32 v1, v4;
	_ =	sdelay $0x4  }
0xa2: {  	[tilespmem:s30], [sflag:$0x1] =	stream.indirect_vreg.gather [hbm4b:s3+s2], $0x80, v4, vm0, $0xb8;
	[tilespmem:$0x1C100] =	vst v63  }
0xa3: {  	s10 =	simm.s32 $0x18900;
	v3 =	vperm.xlane v3, v2  }
0xa4: {  	[tilespmem:s10], [sflag:$0x1] =	stream.indirect_vreg.gather [hbm4b:s6+s2], $0x80, v4, vm0, $0xb8;
	[tilespmem:$0x1C100] =	vst v63  }
0xa5: {  	s11 =	simm.s32 $0x19100;
	v3 =	vadd.s32 v1, v3  }
0xa6: {  	[tilespmem:s11], [sflag:$0x1] =	stream.indirect_vreg.gather [hbm4b:s7+s2], $0x80, v4, vm0, $0xb8;
	[tilespmem:$0x1C100] =	vst v63  }
0xa7: {  	s12 =	simm.s32 $0x19900  }
0xa8: {  	[tilespmem:s12], [sflag:$0x1] =	stream.indirect_vreg.gather [hbm4b:s8+s2], $0x80, v4, vm0, $0xb8;
	[tilespmem:$0x1C100] =	vst v63  }
0xa9: {  	s13 =	simm.s32 $0x1A100  }
0xaa: {  	[tilespmem:s13], [sflag:$0x1] =	stream.indirect_vreg.gather [hbm4b:s3+s2], $0x80, v3, vm0, $0xb8;
	[tilespmem:$0x1C100] =	vst v63  }
0xab: {  	s21 =	simm.s32 $0x1A900  }
0xac: {  	[tilespmem:s21], [sflag:$0x1] =	stream.indirect_vreg.gather [hbm4b:s6+s2], $0x80, v3, vm0, $0xb8;
	[tilespmem:$0x1C100] =	vst v63  }
0xad: {  	s22 =	simm.s32 $0x1B100  }
0xae: {  	[tilespmem:s22], [sflag:$0x1] =	stream.indirect_vreg.gather [hbm4b:s7+s2], $0x80, v3, vm0, $0xb8;
	[tilespmem:$0x1C100] =	vst v63  }
0xaf: {  	s23 =	simm.s32 $0x1B900  }
0xb0: {  	[tilespmem:s23], [sflag:$0x1] =	stream.indirect_vreg.gather [hbm4b:s8+s2], $0x80, v3, vm0, $0xb8;
	[tilespmem:$0x1C100] =	vst v63  }
0xb1: {  	_ =	swait.ge [sflag:s4], $0x4000  }
0xb2: {  	[sflag:s4] =	ssyncset.done $0x0  }
0xb3: {  	[sflag:s4] =	ssyncadd.s32 $0xFFFFC000  }
0xb4: {  	_ =	swait.ge [sflag:s4], $0x4000  }
0xb5: {  	[sflag:s4] =	ssyncset.done $0x0  }
0xb6: {  	[sflag:s4] =	ssyncadd.s32 $0xFFFFC000  }
0xb7: {  	_ =	swait.ge [sflag:s4], $0x4000  }
0xb8: {  	[sflag:s4] =	ssyncset.done $0x0  }
0xb9: {  	[sflag:s4] =	ssyncadd.s32 $0xFFFFC000  }
0xba: {  	_ =	swait.ge [sflag:s4], $0x4000  }
0xbb: {  	[sflag:s4] =	ssyncset.done $0x0  }
0xbc: {  	[sflag:s4] =	ssyncadd.s32 $0xFFFFC000  }
0xbd: {  	_ =	swait.ge [sflag:s4], $0x4000  }
0xbe: {  	[sflag:s4] =	ssyncset.done $0x0  }
0xbf: {  	[sflag:s4] =	ssyncadd.s32 $0xFFFFC000  }
0xc0: {  	_ =	swait.ge [sflag:s4], $0x4000  }
0xc1: {  	[sflag:s4] =	ssyncset.done $0x0  }
0xc2: {  	[sflag:s4] =	ssyncadd.s32 $0xFFFFC000  }
0xc3: {  	_ =	swait.ge [sflag:s4], $0x4000  }
0xc4: {  	[sflag:s4] =	ssyncset.done $0x0  }
0xc5: {  	s9 =	simm.s32 $0x0;
	[sflag:s4] =	ssyncadd.s32 $0xFFFFC000  }
.LBB2_2:
0xc6: {  	s10 =	sshll.u32 s9, $0xA;
	s11 =	sshll.u32 s9, $0x7  }
0xc7: {  	s12 =	simm.s32 $0x0;
	s10 =	sand.u32 $0x2000, s10;
	s11 =	sand.u32 $0x380, s11  }
0xc8: {  	s22 =	sand.u32 $0x1C00, s12;
	s10 =	sor.u32 s10, s11  }
0xc9: {  	s12 =	sand.u32 $0x70, s12;
	s11 =	sor.u32 s22, s10  }
0xca: {  	s11 =	sor.u32 s12, s11  }
0xcb: {  	v3 =	vld [tilespmem:s11+$0x4100]  }
0xcc: {  	v4 =	vld [tilespmem:s11+$0x100];
	_ =	sdelay $0x2  }
0xcd: {  	s21 =	simm.s32 $0x80  }
0xce: {  	s23 =	simm.s32 $0x10;
	s13 =	sand.u32 $0x1C00, s21  }
0xcf: {  	s22 =	sand.u32 $0x70, s23;
	s23 =	sor.u32 s13, s10;
	s12 =	simm.s32 $0x20;
	v3 =	vadd.f32 v3, v4  }
.LBB2_3:
0xd0: {  	p0 =	sne.s32 s12, $0x3F0;
	s13 =	sor.u32 s22, s23  }
0xd1: {  	v4 =	vld [tilespmem:s13+$0x4100];
	[tilespmem:s11+$0x100] =	vst v3;
	s11 =	smov.u32 s13  }
0xd2: {  	v3 =	vld [tilespmem:s11+$0x100]  }
.Ltmp0:
0xd3: {  	(pc) =	sbr.rel @p0 .LBB2_3-.Ltmp0, $4  }
0xd4: {  	_ = 	snop  }
0xd5: {  	s21 =	sadd.s32 $0x80, s21  }
0xd6: {  	s13 =	sand.u32 $0x1C00, s21  }
0xd7: {  	s22 =	sand.u32 $0x70, s12;
	s12 =	sadd.s32 $0x10, s12;
	s23 =	sor.u32 s13, s10;
	v3 =	vadd.f32 v4, v3  }
0xd8: {  	s10 =	sor.u32 s22, s23  }
0xd9: {  	v4 =	vld [tilespmem:s10+$0x4100];
	[tilespmem:s11+$0x100] =	vst v3  }
0xda: {  	v3 =	vld [tilespmem:s10+$0x100]  }
0xdb: {  	s9 =	sadd.s32 $0x1, s9  }
0xdc: {  	p0 =	sne.s32 s9, $0x10  }
.Ltmp1:
0xdd: {  	_ = 	snop;
	(pc) =	sbr.rel @p0 .LBB2_2-.Ltmp1, $3  }
0xde: {  	_ = 	snop  }
0xdf: {  	v3 =	vadd.f32 v4, v3;
	_ =	sdelay $0x1  }
0xe0: {  	[tilespmem:s10+$0x100] =	vst v3  }
0xe1: {  	s9 =	simm.s32 $0x0;
	s10 =	rddreg [dreg:$0x5]  }
0xe2: {  	[tilespmem:s29], [sflag:$0x2] =	stream.linear.gather [hbm4b:s10+s9], $0x4000, $0x38;
	[tilespmem:$0x1C100] =	vst v63  }
0xe3: {  	_ =	swait.ge [sflag:s18], $0x4000  }
0xe4: {  	[sflag:s18] =	ssyncset.done $0x0  }
0xe5: {  	s10 =	simm.s32 $0x0;
	[sflag:s18] =	ssyncadd.s32 $0xFFFFC000  }
.LBB2_6:
0xe6: {  	s11 =	sshll.u32 s10, $0xA;
	s12 =	sshll.u32 s10, $0x7  }
0xe7: {  	s11 =	sand.u32 $0x2000, s11;
	s12 =	sand.u32 $0x380, s12  }
0xe8: {  	s22 =	sand.u32 $0x1C00, s9;
	s11 =	sor.u32 s11, s12  }
0xe9: {  	s13 =	sand.u32 $0x70, s9;
	s12 =	sor.u32 s22, s11  }
0xea: {  	s21 =	sor.u32 s13, s12  }
0xeb: {  	v3 =	vld [tilespmem:s21+$0x4100]  }
0xec: {  	v4 =	vld [tilespmem:s21+$0x100];
	_ =	sdelay $0x2  }
0xed: {  	s12 =	simm.s32 $0x80  }
0xee: {  	s23 =	simm.s32 $0x10;
	s22 =	sand.u32 $0x1C00, s12  }
0xef: {  	s23 =	sand.u32 $0x70, s23;
	s13 =	sor.u32 s22, s11;
	s22 =	simm.s32 $0x20;
	v3 =	vadd.f32 v3, v4  }
.LBB2_7:
0xf0: {  	p0 =	sne.s32 s22, $0x3F0;
	s13 =	sor.u32 s23, s13  }
0xf1: {  	v4 =	vld [tilespmem:s13+$0x4100];
	[tilespmem:s21+$0x100] =	vst v3;
	s21 =	smov.u32 s13  }
0xf2: {  	v3 =	vld [tilespmem:s21+$0x100]  }
.Ltmp2:
0xf3: {  	(pc) =	sbr.rel @p0 .LBB2_7-.Ltmp2, $4  }
0xf4: {  	_ = 	snop  }
0xf5: {  	s12 =	sadd.s32 $0x80, s12  }
0xf6: {  	s13 =	sand.u32 $0x1C00, s12  }
0xf7: {  	s23 =	sand.u32 $0x70, s22;
	s22 =	sadd.s32 $0x10, s22;
	s13 =	sor.u32 s13, s11;
	v3 =	vadd.f32 v4, v3  }
0xf8: {  	s11 =	sor.u32 s23, s13  }
0xf9: {  	v4 =	vld [tilespmem:s11+$0x4100];
	[tilespmem:s21+$0x100] =	vst v3  }
0xfa: {  	v3 =	vld [tilespmem:s11+$0x100]  }
0xfb: {  	s10 =	sadd.s32 $0x1, s10  }
0xfc: {  	p0 =	sne.s32 s10, $0x10  }
.Ltmp3:
0xfd: {  	_ = 	snop;
	(pc) =	sbr.rel @p0 .LBB2_6-.Ltmp3, $3  }
0xfe: {  	_ = 	snop  }
0xff: {  	v3 =	vadd.f32 v4, v3;
	_ =	sdelay $0x1  }
0x100: {  	[tilespmem:s11+$0x100] =	vst v3  }
0x101: {  	s9 =	simm.s32 $0x0;
	s10 =	rddreg [dreg:$0x6]  }
0x102: {  	[hbm4b:s10+s9] =	stream.linear.scatter [tilespmem:s20], [sflag:$0x2], $0x4000, $0x38;
	[tilespmem:$0x1C100] =	vst v63  }
0x103: {  	_ =	swait.ge [sflag:s18], $0x4000  }
0x104: {  	[sflag:s18] =	ssyncset.done $0x0  }
0x105: {  	[sflag:s18] =	ssyncadd.s32 $0xFFFFC000  }
0x106: {  	v3 =	vld [tilespmem:$0xB0];
	_ =	sdelay $0x4  }
0x107: {  	v4 =	vshll.u32 v3, $0x3  }
0x108: {  	v3 =	vand.u32 $0x7, v3;
	v4 =	vand.u32 $0xFFFFFFC0, v4  }
0x109: {  	v3 =	vor.u32 v3, v4  }
0x10a: {  	v4 =	vperm.xlane v3, v0;
	_ =	sdelay $0x1  }
0x10b: {  	v4 =	vadd.s32 v1, v4;
	_ =	sdelay $0x4  }
0x10c: {  	[tilespmem:s20], [sflag:$0x1] =	stream.indirect_vreg.gather [hbm4b:s3+s9], $0x80, v4, vm0, $0xb8;
	[tilespmem:$0x1C100] =	vst v63  }
0x10d: {  	s21 =	simm.s32 $0x900;
	v3 =	vperm.xlane v3, v2  }
0x10e: {  	[tilespmem:s21], [sflag:$0x1] =	stream.indirect_vreg.gather [hbm4b:s6+s9], $0x80, v4, vm0, $0xb8;
	[tilespmem:$0x1C100] =	vst v63  }
0x10f: {  	s22 =	simm.s32 $0x1100;
	v3 =	vadd.s32 v1, v3  }
0x110: {  	[tilespmem:s22], [sflag:$0x1] =	stream.indirect_vreg.gather [hbm4b:s7+s9], $0x80, v4, vm0, $0xb8;
	[tilespmem:$0x1C100] =	vst v63  }
0x111: {  	s23 =	simm.s32 $0x1900  }
0x112: {  	[tilespmem:s23], [sflag:$0x1] =	stream.indirect_vreg.gather [hbm4b:s8+s9], $0x80, v4, vm0, $0xb8;
	[tilespmem:$0x1C100] =	vst v63  }
0x113: {  	_ = 	snop  }
0x114: {  	[tilespmem:s24], [sflag:$0x1] =	stream.indirect_vreg.gather [hbm4b:s3+s9], $0x80, v3, vm0, $0xb8;
	[tilespmem:$0x1C100] =	vst v63  }
0x115: {  	_ = 	snop  }
0x116: {  	[tilespmem:s25], [sflag:$0x1] =	stream.indirect_vreg.gather [hbm4b:s6+s9], $0x80, v3, vm0, $0xb8;
	[tilespmem:$0x1C100] =	vst v63  }
0x117: {  	_ = 	snop  }
0x118: {  	[tilespmem:s26], [sflag:$0x1] =	stream.indirect_vreg.gather [hbm4b:s7+s9], $0x80, v3, vm0, $0xb8;
	[tilespmem:$0x1C100] =	vst v63  }
0x119: {  	s10 =	simm.s32 $0x0  }
0x11a: {  	[tilespmem:s28], [sflag:$0x1] =	stream.indirect_vreg.gather [hbm4b:s8+s9], $0x80, v3, vm0, $0xb8;
	[tilespmem:$0x1C100] =	vst v63  }
.LBB2_10:
0x11b: {  	s11 =	sshll.u32 s10, $0xA;
	s12 =	sshll.u32 s10, $0x7  }
0x11c: {  	s11 =	sand.u32 $0x2000, s11;
	s12 =	sand.u32 $0x380, s12  }
0x11d: {  	s22 =	sand.u32 $0x1C00, s9;
	s11 =	sor.u32 s11, s12  }
0x11e: {  	s13 =	sand.u32 $0x70, s9;
	s12 =	sor.u32 s22, s11  }
0x11f: {  	s21 =	sor.u32 s13, s12  }
0x120: {  	v3 =	vld [tilespmem:s21+$0xC100]  }
0x121: {  	v4 =	vld [tilespmem:s21+$0x8100];
	_ =	sdelay $0x2  }
0x122: {  	s12 =	simm.s32 $0x80  }
0x123: {  	s23 =	simm.s32 $0x10;
	s22 =	sand.u32 $0x1C00, s12  }
0x124: {  	s23 =	sand.u32 $0x70, s23;
	s13 =	sor.u32 s22, s11;
	s22 =	simm.s32 $0x20;
	v3 =	vadd.f32 v3, v4  }
.LBB2_11:
0x125: {  	p0 =	sne.s32 s22, $0x3F0;
	s13 =	sor.u32 s23, s13  }
0x126: {  	v4 =	vld [tilespmem:s13+$0xC100];
	[tilespmem:s21+$0x8100] =	vst v3;
	s21 =	smov.u32 s13  }
0x127: {  	v3 =	vld [tilespmem:s21+$0x8100]  }
.Ltmp4:
0x128: {  	(pc) =	sbr.rel @p0 .LBB2_11-.Ltmp4, $4  }
0x129: {  	_ = 	snop  }
0x12a: {  	s12 =	sadd.s32 $0x80, s12  }
0x12b: {  	s13 =	sand.u32 $0x1C00, s12  }
0x12c: {  	s23 =	sand.u32 $0x70, s22;
	s22 =	sadd.s32 $0x10, s22;
	s13 =	sor.u32 s13, s11;
	v3 =	vadd.f32 v4, v3  }
0x12d: {  	s11 =	sor.u32 s23, s13  }
0x12e: {  	v4 =	vld [tilespmem:s11+$0xC100];
	[tilespmem:s21+$0x8100] =	vst v3  }
0x12f: {  	v3 =	vld [tilespmem:s11+$0x8100]  }
0x130: {  	s10 =	sadd.s32 $0x1, s10  }
0x131: {  	p0 =	sne.s32 s10, $0x10  }
.Ltmp5:
0x132: {  	_ = 	snop;
	(pc) =	sbr.rel @p0 .LBB2_10-.Ltmp5, $3  }
0x133: {  	_ = 	snop  }
0x134: {  	v3 =	vadd.f32 v4, v3;
	_ =	sdelay $0x1  }
0x135: {  	[tilespmem:s11+$0x8100] =	vst v3  }
0x136: {  	s9 =	simm.s32 $0x0;
	s10 =	rddreg [dreg:$0x7]  }
0x137: {  	[tilespmem:s31], [sflag:$0x2] =	stream.linear.gather [hbm4b:s10+s9], $0x4000, $0x38;
	[tilespmem:$0x1C100] =	vst v63  }
0x138: {  	_ =	swait.ge [sflag:s18], $0x4000  }
0x139: {  	[sflag:s18] =	ssyncset.done $0x0  }
0x13a: {  	s10 =	simm.s32 $0x0;
	[sflag:s18] =	ssyncadd.s32 $0xFFFFC000  }
.LBB2_14:
0x13b: {  	s11 =	sshll.u32 s10, $0xA;
	s12 =	sshll.u32 s10, $0x7  }
0x13c: {  	s11 =	sand.u32 $0x2000, s11;
	s12 =	sand.u32 $0x380, s12  }
0x13d: {  	s22 =	sand.u32 $0x1C00, s9;
	s11 =	sor.u32 s11, s12  }
0x13e: {  	s13 =	sand.u32 $0x70, s9;
	s12 =	sor.u32 s22, s11  }
0x13f: {  	s21 =	sor.u32 s13, s12  }
0x140: {  	v3 =	vld [tilespmem:s21+$0xC100]  }
0x141: {  	v4 =	vld [tilespmem:s21+$0x8100];
	_ =	sdelay $0x2  }
0x142: {  	s12 =	simm.s32 $0x80  }
0x143: {  	s23 =	simm.s32 $0x10;
	s22 =	sand.u32 $0x1C00, s12  }
0x144: {  	s23 =	sand.u32 $0x70, s23;
	s13 =	sor.u32 s22, s11;
	s22 =	simm.s32 $0x20;
	v3 =	vadd.f32 v3, v4  }
.LBB2_15:
0x145: {  	p0 =	sne.s32 s22, $0x3F0;
	s13 =	sor.u32 s23, s13  }
0x146: {  	v4 =	vld [tilespmem:s13+$0xC100];
	[tilespmem:s21+$0x8100] =	vst v3;
	s21 =	smov.u32 s13  }
0x147: {  	v3 =	vld [tilespmem:s21+$0x8100]  }
.Ltmp6:
0x148: {  	(pc) =	sbr.rel @p0 .LBB2_15-.Ltmp6, $4  }
0x149: {  	_ = 	snop  }
0x14a: {  	s12 =	sadd.s32 $0x80, s12  }
0x14b: {  	s13 =	sand.u32 $0x1C00, s12  }
0x14c: {  	s23 =	sand.u32 $0x70, s22;
	s22 =	sadd.s32 $0x10, s22;
	s13 =	sor.u32 s13, s11;
	v3 =	vadd.f32 v4, v3  }
0x14d: {  	s11 =	sor.u32 s23, s13  }
0x14e: {  	v4 =	vld [tilespmem:s11+$0xC100];
	[tilespmem:s21+$0x8100] =	vst v3  }
0x14f: {  	v3 =	vld [tilespmem:s11+$0x8100]  }
0x150: {  	s10 =	sadd.s32 $0x1, s10  }
0x151: {  	p0 =	sne.s32 s10, $0x10  }
.Ltmp7:
0x152: {  	_ = 	snop;
	(pc) =	sbr.rel @p0 .LBB2_14-.Ltmp7, $3  }
0x153: {  	_ = 	snop  }
0x154: {  	v3 =	vadd.f32 v4, v3;
	_ =	sdelay $0x1  }
0x155: {  	[tilespmem:s11+$0x8100] =	vst v3  }
0x156: {  	s9 =	simm.s32 $0x0;
	s10 =	rddreg [dreg:$0x8]  }
0x157: {  	[hbm4b:s10+s9] =	stream.linear.scatter [tilespmem:s0], [sflag:$0x2], $0x4000, $0x38;
	[tilespmem:$0x1C100] =	vst v63  }
0x158: {  	_ =	swait.ge [sflag:s18], $0x4000  }
0x159: {  	[sflag:s18] =	ssyncset.done $0x0  }
0x15a: {  	s10 =	simm.s32 $0x0;
	[sflag:s18] =	ssyncadd.s32 $0xFFFFC000  }
.LBB2_18:
0x15b: {  	s11 =	sshll.u32 s10, $0xA;
	s12 =	sshll.u32 s10, $0x7  }
0x15c: {  	s11 =	sand.u32 $0x2000, s11;
	s12 =	sand.u32 $0x380, s12  }
0x15d: {  	s22 =	sand.u32 $0x1C00, s9;
	s11 =	sor.u32 s11, s12  }
0x15e: {  	s13 =	sand.u32 $0x70, s9;
	s12 =	sor.u32 s22, s11  }
0x15f: {  	s21 =	sor.u32 s13, s12  }
0x160: {  	v3 =	vld [tilespmem:s21+$0x14100]  }
0x161: {  	v4 =	vld [tilespmem:s21+$0x10100];
	_ =	sdelay $0x2  }
0x162: {  	s12 =	simm.s32 $0x80  }
0x163: {  	s23 =	simm.s32 $0x10;
	s22 =	sand.u32 $0x1C00, s12  }
0x164: {  	s23 =	sand.u32 $0x70, s23;
	s13 =	sor.u32 s22, s11;
	s22 =	simm.s32 $0x20;
	v3 =	vadd.f32 v3, v4  }
.LBB2_19:
0x165: {  	p0 =	sne.s32 s22, $0x3F0;
	s13 =	sor.u32 s23, s13  }
0x166: {  	v4 =	vld [tilespmem:s13+$0x14100];
	[tilespmem:s21+$0x10100] =	vst v3;
	s21 =	smov.u32 s13  }
0x167: {  	v3 =	vld [tilespmem:s21+$0x10100]  }
.Ltmp8:
0x168: {  	(pc) =	sbr.rel @p0 .LBB2_19-.Ltmp8, $4  }
0x169: {  	_ = 	snop  }
0x16a: {  	s12 =	sadd.s32 $0x80, s12  }
0x16b: {  	s13 =	sand.u32 $0x1C00, s12  }
0x16c: {  	s23 =	sand.u32 $0x70, s22;
	s22 =	sadd.s32 $0x10, s22;
	s13 =	sor.u32 s13, s11;
	v3 =	vadd.f32 v4, v3  }
0x16d: {  	s11 =	sor.u32 s23, s13  }
0x16e: {  	v4 =	vld [tilespmem:s11+$0x14100];
	[tilespmem:s21+$0x10100] =	vst v3  }
0x16f: {  	v3 =	vld [tilespmem:s11+$0x10100]  }
0x170: {  	s10 =	sadd.s32 $0x1, s10  }
0x171: {  	p0 =	sne.s32 s10, $0x10  }
.Ltmp9:
0x172: {  	_ = 	snop;
	(pc) =	sbr.rel @p0 .LBB2_18-.Ltmp9, $3  }
0x173: {  	_ = 	snop  }
0x174: {  	v3 =	vadd.f32 v4, v3;
	_ =	sdelay $0x1  }
0x175: {  	[tilespmem:s11+$0x10100] =	vst v3  }
0x176: {  	s9 =	simm.s32 $0x0;
	s10 =	rddreg [dreg:$0x9]  }
0x177: {  	[tilespmem:s1], [sflag:$0x2] =	stream.linear.gather [hbm4b:s10+s9], $0x4000, $0x38;
	[tilespmem:$0x1C100] =	vst v63  }
0x178: {  	_ =	swait.ge [sflag:s18], $0x4000  }
0x179: {  	[sflag:s18] =	ssyncset.done $0x0  }
0x17a: {  	s10 =	simm.s32 $0x0;
	[sflag:s18] =	ssyncadd.s32 $0xFFFFC000  }
.LBB2_22:
0x17b: {  	s11 =	sshll.u32 s10, $0xA;
	s12 =	sshll.u32 s10, $0x7  }
0x17c: {  	s11 =	sand.u32 $0x2000, s11;
	s12 =	sand.u32 $0x380, s12  }
0x17d: {  	s22 =	sand.u32 $0x1C00, s9;
	s11 =	sor.u32 s11, s12  }
0x17e: {  	s13 =	sand.u32 $0x70, s9;
	s12 =	sor.u32 s22, s11  }
0x17f: {  	s21 =	sor.u32 s13, s12  }
0x180: {  	v3 =	vld [tilespmem:s21+$0x14100]  }
0x181: {  	v4 =	vld [tilespmem:s21+$0x10100];
	_ =	sdelay $0x2  }
0x182: {  	s12 =	simm.s32 $0x80  }
0x183: {  	s23 =	simm.s32 $0x10;
	s22 =	sand.u32 $0x1C00, s12  }
0x184: {  	s23 =	sand.u32 $0x70, s23;
	s13 =	sor.u32 s22, s11;
	s22 =	simm.s32 $0x20;
	v3 =	vadd.f32 v3, v4  }
.LBB2_23:
0x185: {  	p0 =	sne.s32 s22, $0x3F0;
	s13 =	sor.u32 s23, s13  }
0x186: {  	v4 =	vld [tilespmem:s13+$0x14100];
	[tilespmem:s21+$0x10100] =	vst v3;
	s21 =	smov.u32 s13  }
0x187: {  	v3 =	vld [tilespmem:s21+$0x10100]  }
.Ltmp10:
0x188: {  	(pc) =	sbr.rel @p0 .LBB2_23-.Ltmp10, $4  }
0x189: {  	_ = 	snop  }
0x18a: {  	s12 =	sadd.s32 $0x80, s12  }
0x18b: {  	s13 =	sand.u32 $0x1C00, s12  }
0x18c: {  	s23 =	sand.u32 $0x70, s22;
	s22 =	sadd.s32 $0x10, s22;
	s13 =	sor.u32 s13, s11;
	v3 =	vadd.f32 v4, v3  }
0x18d: {  	s11 =	sor.u32 s23, s13  }
0x18e: {  	v4 =	vld [tilespmem:s11+$0x14100];
	[tilespmem:s21+$0x10100] =	vst v3  }
0x18f: {  	v3 =	vld [tilespmem:s11+$0x10100]  }
0x190: {  	s10 =	sadd.s32 $0x1, s10  }
0x191: {  	p0 =	sne.s32 s10, $0x10  }
.Ltmp11:
0x192: {  	_ = 	snop;
	(pc) =	sbr.rel @p0 .LBB2_22-.Ltmp11, $3  }
0x193: {  	_ = 	snop  }
0x194: {  	v3 =	vadd.f32 v4, v3;
	_ =	sdelay $0x1  }
0x195: {  	[tilespmem:s11+$0x10100] =	vst v3  }
0x196: {  	s9 =	simm.s32 $0x0  }
0x197: {  	[hbm4b:s14+s9] =	stream.linear.scatter [tilespmem:s19], [sflag:$0x2], $0x4000, $0x38;
	[tilespmem:$0x1C100] =	vst v63  }
0x198: {  	_ =	swait.ge [sflag:s18], $0x4000  }
0x199: {  	[sflag:s18] =	ssyncset.done $0x0  }
0x19a: {  	[sflag:s18] =	ssyncadd.s32 $0xFFFFC000  }
0x19b: {  	_ =	swait.ge [sflag:s4], $0x4000  }
0x19c: {  	[sflag:s4] =	ssyncset.done $0x0  }
0x19d: {  	s10 =	simm.s32 $0x0;
	[sflag:s4] =	ssyncadd.s32 $0xFFFFC000  }
.LBB2_26:
0x19e: {  	s11 =	sshll.u32 s10, $0xA;
	s12 =	sshll.u32 s10, $0x7  }
0x19f: {  	s11 =	sand.u32 $0x2000, s11;
	s12 =	sand.u32 $0x380, s12  }
0x1a0: {  	s22 =	sand.u32 $0x1C00, s9;
	s11 =	sor.u32 s11, s12  }
0x1a1: {  	s13 =	sand.u32 $0x70, s9;
	s12 =	sor.u32 s22, s11  }
0x1a2: {  	s21 =	sor.u32 s13, s12  }
0x1a3: {  	v3 =	vld [tilespmem:s21+$0x100]  }
0x1a4: {  	v4 =	vld [tilespmem:s21+$0x18100];
	_ =	sdelay $0x2  }
0x1a5: {  	s12 =	simm.s32 $0x80  }
0x1a6: {  	s23 =	simm.s32 $0x10;
	s22 =	sand.u32 $0x1C00, s12  }
0x1a7: {  	s23 =	sand.u32 $0x70, s23;
	s13 =	sor.u32 s22, s11;
	s22 =	simm.s32 $0x20;
	v3 =	vadd.f32 v3, v4  }
.LBB2_27:
0x1a8: {  	p0 =	sne.s32 s22, $0x3F0;
	s13 =	sor.u32 s23, s13  }
0x1a9: {  	v4 =	vld [tilespmem:s13+$0x100];
	[tilespmem:s21+$0x18100] =	vst v3;
	s21 =	smov.u32 s13  }
0x1aa: {  	v3 =	vld [tilespmem:s21+$0x18100]  }
.Ltmp12:
0x1ab: {  	(pc) =	sbr.rel @p0 .LBB2_27-.Ltmp12, $4  }
0x1ac: {  	_ = 	snop  }
0x1ad: {  	s12 =	sadd.s32 $0x80, s12  }
0x1ae: {  	s13 =	sand.u32 $0x1C00, s12  }
0x1af: {  	s23 =	sand.u32 $0x70, s22;
	s22 =	sadd.s32 $0x10, s22;
	s13 =	sor.u32 s13, s11;
	v3 =	vadd.f32 v4, v3  }
0x1b0: {  	s11 =	sor.u32 s23, s13  }
0x1b1: {  	v4 =	vld [tilespmem:s11+$0x100];
	[tilespmem:s21+$0x18100] =	vst v3  }
0x1b2: {  	v3 =	vld [tilespmem:s11+$0x18100]  }
0x1b3: {  	s10 =	sadd.s32 $0x1, s10  }
0x1b4: {  	p0 =	sne.s32 s10, $0x10  }
.Ltmp13:
0x1b5: {  	_ = 	snop;
	(pc) =	sbr.rel @p0 .LBB2_26-.Ltmp13, $3  }
0x1b6: {  	_ = 	snop  }
0x1b7: {  	v3 =	vadd.f32 v4, v3;
	_ =	sdelay $0x1  }
0x1b8: {  	[tilespmem:s11+$0x18100] =	vst v3  }
0x1b9: {  	s9 =	simm.s32 $0x0  }
0x1ba: {  	[tilespmem:s20], [sflag:$0x2] =	stream.linear.gather [hbm4b:s15+s9], $0x4000, $0x38;
	[tilespmem:$0x1C100] =	vst v63  }
0x1bb: {  	_ =	swait.ge [sflag:s18], $0x4000  }
0x1bc: {  	[sflag:s18] =	ssyncset.done $0x0  }
0x1bd: {  	s10 =	simm.s32 $0x0;
	[sflag:s18] =	ssyncadd.s32 $0xFFFFC000  }
.LBB2_30:
0x1be: {  	s11 =	sshll.u32 s10, $0xA;
	s12 =	sshll.u32 s10, $0x7  }
0x1bf: {  	s11 =	sand.u32 $0x2000, s11;
	s12 =	sand.u32 $0x380, s12  }
0x1c0: {  	s22 =	sand.u32 $0x1C00, s9;
	s11 =	sor.u32 s11, s12  }
0x1c1: {  	s13 =	sand.u32 $0x70, s9;
	s12 =	sor.u32 s22, s11  }
0x1c2: {  	s21 =	sor.u32 s13, s12  }
0x1c3: {  	v3 =	vld [tilespmem:s21+$0x100]  }
0x1c4: {  	v4 =	vld [tilespmem:s21+$0x18100];
	_ =	sdelay $0x2  }
0x1c5: {  	s12 =	simm.s32 $0x80  }
0x1c6: {  	s23 =	simm.s32 $0x10;
	s22 =	sand.u32 $0x1C00, s12  }
0x1c7: {  	s23 =	sand.u32 $0x70, s23;
	s13 =	sor.u32 s22, s11;
	s22 =	simm.s32 $0x20;
	v3 =	vadd.f32 v3, v4  }
.LBB2_31:
0x1c8: {  	p0 =	sne.s32 s22, $0x3F0;
	s13 =	sor.u32 s23, s13  }
0x1c9: {  	v4 =	vld [tilespmem:s13+$0x100];
	[tilespmem:s21+$0x18100] =	vst v3;
	s21 =	smov.u32 s13  }
0x1ca: {  	v3 =	vld [tilespmem:s21+$0x18100]  }
.Ltmp14:
0x1cb: {  	(pc) =	sbr.rel @p0 .LBB2_31-.Ltmp14, $4  }
0x1cc: {  	_ = 	snop  }
0x1cd: {  	s12 =	sadd.s32 $0x80, s12  }
0x1ce: {  	s13 =	sand.u32 $0x1C00, s12  }
0x1cf: {  	s23 =	sand.u32 $0x70, s22;
	s22 =	sadd.s32 $0x10, s22;
	s13 =	sor.u32 s13, s11;
	v3 =	vadd.f32 v4, v3  }
0x1d0: {  	s11 =	sor.u32 s23, s13  }
0x1d1: {  	v4 =	vld [tilespmem:s11+$0x100];
	[tilespmem:s21+$0x18100] =	vst v3  }
0x1d2: {  	v3 =	vld [tilespmem:s11+$0x18100]  }
0x1d3: {  	s10 =	sadd.s32 $0x1, s10  }
0x1d4: {  	p0 =	sne.s32 s10, $0x10  }
.Ltmp15:
0x1d5: {  	_ = 	snop;
	(pc) =	sbr.rel @p0 .LBB2_30-.Ltmp15, $3  }
0x1d6: {  	_ = 	snop  }
0x1d7: {  	v3 =	vadd.f32 v4, v3;
	_ =	sdelay $0x1  }
0x1d8: {  	[tilespmem:s11+$0x18100] =	vst v3  }
0x1d9: {  	s5 =	sadd.s32 $0x1, s5  }
0x1da: {  	p0 =	sne.s32 s5, s17  }
.Ltmp16:
0x1db: {  	_ = 	snop;
	(pc) =	sbr.rel @p0 .LBB2_1-.Ltmp16, $4  }
0x1dc: {  	[hbm4b:s16+s2] =	stream.linear.scatter [tilespmem:s30], [sflag:$0x2], $0x4000, $0x38;
	[tilespmem:$0x1C100] =	vst v63  }
0x1dd: {  	_ =	swait.ge [sflag:s18], $0x4000  }
0x1de: {  	[sflag:s18] =	ssyncset.done $0x0  }
0x1df: {  	[sflag:s18] =	ssyncadd.s32 $0xFFFFC000  }
0x1e0: {  	_ =	sfence.sel $0x180000  }
0x1e1: {  	[bflag:$0x0] =	sbarrier.arrive $0xFFFF  }
0x1e2: {  	_ =	strace $0x9000004D  }
0x1e3: {  	s0 =	stileid.u32;
	[bflag:$0x2] =	sbarrier.arrive $0xFFFF  }
0x1e4: {  	p0 =	sne.s32 s0, $0x0;
	s0 =	rddreg [dreg:$0x2]  }
0x1e5: {  	s0 =	sadd.s32 @!p0 $0x100000, s0  }
0x1e6: {  	[sflag:s0] =	ssyncadd.tile.s32 @!p0 $0x1;
	_ =	shalt  }
.Lfunc_end2:
_tile_overlayer_lowered:
.L_overlay_start_2:
0x1e7: {  	(tag) =	ssettag $0x2  }
0x1e8: {  	s0 =	rddreg [dreg:$0x0];
	s2 =	stileid.u32  }
0x1e9: {  	s1 =	rddreg [dreg:$0x1];
	p0 =	sne.s32 s2, $0x0  }
0x1ea: {  	s3 =	rddreg [dreg:$0x2];
	[bflag:$0x3] =	sbarrier.arrive $0xFFFF;
	s2 =	simm.s32 @!p0 $0x1C02  }
0x1eb: {  	[timem:s3], [sflag:s2] =	dma.local @!p0 [hbm:s0], s1  }
0x1ec: {  	s0 =	simm.s32 @!p0 $0x2  }
0x1ed: {  	_ =	swait.ge @!p0 [sflag:s0], s1  }
0x1ee: {  	s1 =	ssub.s32 @!p0 $0x0, s1;
	[sflag:s0] =	ssyncset.done @!p0 $0x0  }
0x1ef: {  	[sflag:s0] =	ssyncadd.s32 @!p0 s1  }
0x1f0: {  	[bflag:$0x3] =	sbarrier.arrive $0xFFFF  }
0x1f1: {  	_ =	shalt  }

// kernel: kernel.7.cloned.1.call-start
scs
__scs_entry_jumppad:
0x0: {  	(pc) =	sbr.rel $0x88, $3  }
0x1: {  	(tag) =	ssettag $0x0;
	lr =	simm.s32 $0x1  }
0x2: {  	[smem:$0x3F9B] =	sst lr;
	_ =	strace $0xD0000000  }
0x3: {  	_ = 	snop  }
0x4: {  	_ = 	snop  }
0x5: {  	_ = 	snop  }
0x6: {  	_ = 	snop  }
0x7: {  	_ = 	snop  }
__scs_overlays_trampoline_lowered:
0x8: {  	[smem:$0x3FAA] =	sst s0  }
0x9: {  	[smem:$0x3FAB] =	sst s1  }
0xa: {  	[smem:$0x3FAC] =	sst s2  }
0xb: {  	[smem:$0x3FAD] =	sst s3  }
0xc: {  	[smem:$0x3FAE] =	sst s4  }
0xd: {  	[smem:$0x3FAF] =	sst s5  }
0xe: {  	[smem:$0x3FB0] =	sst s6  }
0xf: {  	[smem:$0x3FB1] =	sst s7  }
0x10: {  	[smem:$0x3FB2] =	sst s8  }
0x11: {  	[smem:$0x3FB3] =	sst s9;
	s0 =	simm.s32 @!p0 $0x0  }
0x12: {  	s1 =	sld [smem:$0x3F99];
	s0 =	simm.s32 @p0 $0x1  }
0x13: {  	[smem:$0x3FB4] =	sst s0;
	s0 =	simm.s32 @!p1 $0x0  }
0x14: {  	s2 =	sld [smem:$0x3F98];
	s0 =	simm.s32 @p1 $0x1  }
0x15: {  	[smem:$0x3FB5] =	sst s0;
	s0 =	simm.s32 @!p2 $0x0  }
0x16: {  	s3 =	sld [smem:$0x3FDB];
	s0 =	simm.s32 @p2 $0x1  }
0x17: {  	s4 =	simm.s32 $0x1BF5;
	[smem:$0x3FB7] =	sst s0  }
0x18: {  	s0 =	sld [smem:$0x3F9A];
	_ =	swait.ge [sflag:s4], $0x0  }
0x19: {  	s7 =	sld [smem:$0x3F9B]  }
0x1a: {  	s8 =	sadd.s32 $0xFFFFE003, lr  }
0x1b: {  	s9 =	sadd.s32 $0xFFFFFEF7, lr;
	s5 =	simm.s32 $0xFFFFFFFF;
	p2 =	slt.u32 s8, $0xFFFFF086  }
0x1c: {  	p1 =	slt.u32 s9, $0xF7A;
	s5 =	simm.s32 @!p2 $0x0  }
0x1d: {  	s5 =	simm.s32 @p1 $0x1;
	p0 =	seq.s32 s7, s2  }
0x1e: {  	s7 =	smul.u32 @!p0 $0xF7A, s2;
	p2 =	seq.s32 @!p0 s5, $0x0  }
0x1f: {  	s9 =	smul.u32 $0xF7A, s1;
	s8 =	simm.s32 @!p0 $0x1BF5;
	p2 =	por !p2, p0  }
0x20: {  	[sflag:s8] =	ssyncset.s32 @!p0 $0xFFFFF086;
	s6 =	sadd.s32 @!p0 s3, s7;
	s7 =	simm.s32 @!p0 $0x108  }
0x21: {  	s3 =	sadd.s32 s3, s9;
	s6 =	sadd.s32 @!p0 $0x88, s6;
	s7 =	simm.s32 @p2 $0x1082  }
0x22: {  	[simem:s7], [sflag:s8] =	dma.local @!p0 [hbm:s6], $0xF7A  }
0x23: {  	s9 =	sor.u32 $0xD0000000, s2;
	s6 =	simm.s32 $0x108;
	_ =	swait.ge @!p0 [sflag:s8], $0x0  }
0x24: {  	s3 =	sadd.s32 $0x88, s3;
	s6 =	simm.s32 @!p1 $0x1082;
	[sflag:s4] =	ssyncset.s32 $0xFFFFF086  }
0x25: {  	[simem:s6], [sflag:s4] =	dma.local [hbm:s3], $0xF7A  }
0x26: {  	[smem:$0x3F9B] =	sst s1;
	(tag) =	ssettag s2;
	_ =	strace s9  }
0x27: {  	s1 =	sld [smem:$0x3FAB]  }
0x28: {  	s2 =	sld [smem:$0x3FAC]  }
0x29: {  	s4 =	sld [smem:$0x3FAE]  }
0x2a: {  	p0 =	seq.s32 s5, $0x0;
	s5 =	sld [smem:$0x3FAF]  }
0x2b: {  	s6 =	sld [smem:$0x3FB0]  }
0x2c: {  	s7 =	sld [smem:$0x3FB1]  }
0x2d: {  	s3 =	simm.s32 $0x108;
	s8 =	sld [smem:$0x3FB2]  }
0x2e: {  	s3 =	simm.s32 @!p0 $0x1082;
	s9 =	sld [smem:$0x3FB3]  }
0x2f: {  	lr =	sadd.s32 s0, s3;
	s0 =	sld [smem:$0x3FAA]  }
0x30: {  	s3 =	sld [smem:$0x3FAD]  }
0x31: {  	[smem:$0x3FB6] =	sst s10  }
0x32: {  	s10 =	sld [smem:$0x3FB4];
	_ =	sdelay $0x3  }
0x33: {  	p0 =	seq.s32 s10, $0x1;
	s10 =	sld [smem:$0x3FB6];
	_ =	sdelay $0x3  }
0x34: {  	[smem:$0x3FB6] =	sst s10  }
0x35: {  	s10 =	sld [smem:$0x3FB5];
	_ =	sdelay $0x3  }
0x36: {  	p1 =	seq.s32 s10, $0x1;
	s10 =	sld [smem:$0x3FB6];
	_ =	sdelay $0x3  }
0x37: {  	[smem:$0x3FB6] =	sst s10  }
0x38: {  	s10 =	sld [smem:$0x3FB7]  }
0x39: {  	_ = 	snop;
	(pc) =	sbr.ind lr, $3  }
0x3a: {  	_ = 	snop  }
0x3b: {  	_ = 	snop  }
0x3c: {  	p2 =	seq.s32 s10, $0x1;
	s10 =	sld [smem:$0x3FB6]  }
0x3d: {  	_ =	shalt  }
0x3e: {  	_ =	shalt  }
0x3f: {  	_ =	shalt  }
0x40: {  	_ =	shalt  }
0x41: {  	_ =	shalt  }
0x42: {  	_ =	shalt  }
0x43: {  	_ =	shalt  }
0x44: {  	_ =	shalt  }
0x45: {  	_ =	shalt  }
0x46: {  	_ =	shalt  }
0x47: {  	_ =	shalt  }
0x48: {  	_ =	shalt  }
0x49: {  	_ =	shalt  }
0x4a: {  	_ =	shalt  }
0x4b: {  	_ =	shalt  }
0x4c: {  	_ =	shalt  }
0x4d: {  	_ =	shalt  }
0x4e: {  	_ =	shalt  }
0x4f: {  	_ =	shalt  }
0x50: {  	_ =	shalt  }
0x51: {  	_ =	shalt  }
0x52: {  	_ =	shalt  }
0x53: {  	_ =	shalt  }
0x54: {  	_ =	shalt  }
0x55: {  	_ =	shalt  }
0x56: {  	_ =	shalt  }
0x57: {  	_ =	shalt  }
0x58: {  	_ =	shalt  }
0x59: {  	_ =	shalt  }
0x5a: {  	_ =	shalt  }
0x5b: {  	_ =	shalt  }
0x5c: {  	_ =	shalt  }
0x5d: {  	_ =	shalt  }
0x5e: {  	_ =	shalt  }
0x5f: {  	_ =	shalt  }
0x60: {  	_ =	shalt  }
0x61: {  	_ =	shalt  }
0x62: {  	_ =	shalt  }
0x63: {  	_ =	shalt  }
0x64: {  	_ =	shalt  }
0x65: {  	_ =	shalt  }
0x66: {  	_ =	shalt  }
0x67: {  	_ =	shalt  }
0x68: {  	_ =	shalt  }
0x69: {  	_ =	shalt  }
0x6a: {  	_ =	shalt  }
0x6b: {  	_ =	shalt  }
0x6c: {  	_ =	shalt  }
0x6d: {  	_ =	shalt  }
0x6e: {  	_ =	shalt  }
0x6f: {  	_ =	shalt  }
0x70: {  	_ =	shalt  }
0x71: {  	_ =	shalt  }
0x72: {  	_ =	shalt  }
0x73: {  	_ =	shalt  }
0x74: {  	_ =	shalt  }
0x75: {  	_ =	shalt  }
0x76: {  	_ =	shalt  }
0x77: {  	_ =	shalt  }
0x78: {  	_ =	shalt  }
0x79: {  	_ =	shalt  }
0x7a: {  	_ =	shalt  }
0x7b: {  	_ =	shalt  }
0x7c: {  	_ =	shalt  }
0x7d: {  	_ =	shalt  }
0x7e: {  	_ =	shalt  }
0x7f: {  	_ =	shalt  }
0x80: {  	_ =	shalt  }
0x81: {  	_ =	shalt  }
0x82: {  	_ =	shalt  }
0x83: {  	_ =	shalt  }
0x84: {  	_ =	shalt  }
0x85: {  	_ =	shalt  }
0x86: {  	_ =	shalt  }
0x87: {  	_ =	shalt  }
.Lfunc_end0:
.L_simem_size_0:
called_computation_lowered:
.L_overlay_start_0:
0x88: {  	s2 =	sld [smem:$0x3FD9]  }
0x89: {  	s3 =	sld [smem:$0x3FFE];
	_ =	sdelay $0x1  }
0x8a: {  	s1 =	srdreg.scid  }
0x8b: {  	s0 =	sand.u32 $0x1, s1  }
0x8c: {  	s16 =	sshll.u32 s0, $0xA;
	s2 =	sadd.s32 s3, s2  }
0x8d: {  	s2 =	sadd.s32 s2, s16  }
0x8e: {  	[smem:$0x3FC2] =	sst s2  }
0x8f: {  	_ = 	snop  }
0x90: {  	(tm) =	ssettm $0x1  }
0x91: {  	s17 =	sld [smem:$0x3FFB];
	_ =	sdelay $0x3  }
0x92: {  	_ =	strace s17  }
0x93: {  	s2 =	sld [smem:$0x3FFC];
	_ =	sdelay $0x3  }
0x94: {  	_ =	strace s2  }
0x95: {  	s2 =	sld [smem:$0x3FFD];
	_ =	sdelay $0x3  }
0x96: {  	_ =	strace s2  }
0x97: {  	_ =	strace $0x8FFFFFFF  }
0x98: {  	s18 =	sld [smem:$0x3FDB];
	_ =	sdelay $0x1  }
0x99: {  	s19 =	simm.s32 $_scs_section_size  }
0x9a: {  	s4 =	simm.s32 $_size__tile_overlayer_lowered;
	s5 =	simm.s32 $_tile_overlayer_lowered  }
0x9b: {  	s22 =	simm.s32 $0x1BFF;
	s21 =	sshll.u32 s5, $0x1;
	s2 =	sadd.s32 s19, s18  }
0x9c: {  	s6 =	simm.s32 $0x0;
	s20 =	sshll.u32 s4, $0x1;
	s4 =	sadd.s32 s21, s2  }
0x9d: {  	[timem:s6], [sflag:s22] =	dma.local [hbm:s4], s20  }
0x9e: {  	_ =	swait.ge [sflag:s22], s20  }
0x9f: {  	s3 =	ssub.s32 $0x0, s20;
	[sflag:s22] =	ssyncset.done $0x0  }
0xa0: {  	[sflag:s22] =	ssyncadd.s32 s3;
	_ =	sdelay $0x1  }
0xa1: {  	s23 =	simm.s32 $0x1B8B  }
0xa2: {  	_ =	swait.ge [sflag:s23], $0x1  }
0xa3: {  	[sflag:s23] =	ssyncset.done $0x0  }
0xa4: {  	s25 =	simm.s32 $0x1B8E;
	s24 =	sld [smem:$0x3FFE];
	[sflag:s23] =	ssyncadd.s32 $0xFFFFFFFF  }
0xa5: {  	s26 =	simm.s32 $execute0_lowered;
	[smem:$0x3FD2] =	sst s25  }
0xa6: {  	s4 =	sshll.u32 s26, $0x1;
	_ =	strace $0x80000046;
	[dreg:$0x1] =	wrdreg $0xFFFFFFFF  }
0xa7: {  	s28 =	simm.s32 $_size_execute0_lowered;
	s2 =	sadd.s32 s2, s4;
	[dreg:$0x0] =	wrdreg $0x0  }
0xa8: {  	s4 =	sshll.u32 s28, $0x1;
	[dreg:$0x2] =	wrdreg s2  }
0xa9: {  	[dreg:$0x3] =	wrdreg s4  }
0xaa: {  	[dreg:$0x4] =	wrdreg $0xC0  }
0xab: {  	_ =	task [dreg:s6], $0x5FFFF  }
0xac: {  	[dreg:$0x1] =	wrdreg $0xFFFFFFFF  }
0xad: {  	[dreg:$0x0] =	wrdreg $0x60  }
0xae: {  	[dreg:$0x2] =	wrdreg s24  }
0xaf: {  	[dreg:$0x3] =	wrdreg $0xB000  }
0xb0: {  	[dreg:$0x4] =	wrdreg $0x9  }
0xb1: {  	_ =	task.clear_ibuf [dreg:s6], $0x5FFFF;
	_ =	strace $0x90000046  }
0xb2: {  	s29 =	simm.s32 $0x9;
	_ =	strace $0x80000048  }
0xb3: {  	_ =	swait.ge [sflag:s29], $0x1  }
0xb4: {  	[sflag:s29] =	ssyncadd.s32 $0xFFFFFFFF  }
0xb5: {  	_ =	strace $0x90000048  }
0xb6: {  	_ =	sfence  }
0xb7: {  	s30 =	sld [smem:$0x0];
	_ =	sdelay $0x2  }
0xb8: {  	s31 =	sshll.u32 s1, $0xD;
	s1 =	sshrl.u32 s1, $0x2  }
0xb9: {  	s3 =	sand.u32 $0x4000, s31;
	s1 =	sadd.s32 s1, s30  }
0xba: {  	s0 =	sor.u32 s3, s0;
	s1 =	sshll.u32 s1, $0x11  }
0xbb: {  	s0 =	sor.u32 s1, s0  }
0xbc: {  	s0 =	sadd.s32 $0x8F2B, s0  }
0xbd: {  	[sflag:s0] =	ssyncadd.remote.s32 $0x1  }
0xbe: {  	_ =	sfence.sel $0xFFFF  }
0xbf: {  	[dreg:$0x0] =	wrdreg $0xFFFFFFFF;
	(pc) =	sbr.abs _section_cstart, $3  }
0xc0: {  	[dreg:$0x1] =	wrdreg $0xFFFFFFFF  }
0xc1: {  	_ =	task.clear_ibuf [dreg:s6], $0x2FFFF;
	_ =	strace $0x9FFFFFFF  }
0xc2: {  	(tm) =	ssettm $0x7FFFFFFF  }
0xc3: {  	_ =	shalt  }
tec
execute0_lowered:
.L_overlay_start_1:
0x0: {  	(tag) =	ssettag $0x1  }
0x1: {  	s1 =	srdreg.scid  }
0x2: {  	s1 =	sand.u32 $0x1, s1  }
0x3: {  	p1 =	seq.s32 s1, $0x1  }
.Ltmp0:
0x4: {  	_ = 	snop;
	(pc) =	sbr.rel @p1 .LBB2_7-.Ltmp0, $4  }
0x5: {  	s3 =	rddreg [dreg:$0x0]  }
0x6: {  	s4 =	rddreg [dreg:$0x1];
	s7 =	simm.s32 $0x0  }
0x7: {  	s5 =	stileid.u32;
	[smem:$0x7FF] =	sst s7  }
0x8: {  	s0 =	rddreg [dreg:$0x2];
	p0 =	sne.s32 s5, $0x0;
	_ =	strace $0x80000047  }
0x9: {  	s1 =	sadd.s32 $0x41A00, s3;
	s6 =	sshll.u32 s5, $0x5  }
0xa: {  	s8 =	simm.s32 $0x2;
	s1 =	sadd.s32 s1, s6  }
0xb: {  	[tilespmem:s7], [sflag:$0x2] =	stream.linear.gather [hbm4b:s1+s7], $0x100, $0x38;
	[tilespmem:$0xB10] =	vst v63  }
0xc: {  	_ =	swait.ge [sflag:s8], $0x100  }
0xd: {  	s25 =	sadd.s32 $0x41C00, s3;
	[sflag:s8] =	ssyncset.done $0x0  }
0xe: {  	s2 =	simm.s32 $0x100;
	s1 =	sadd.s32 s25, s6;
	[sflag:s8] =	ssyncadd.s32 $0xFFFFFF00  }
0xf: {  	[tilespmem:s2], [sflag:$0x2] =	stream.linear.gather [hbm4b:s1+s7], $0x100, $0x38;
	[tilespmem:$0xB10] =	vst v63  }
0x10: {  	_ =	swait.ge [sflag:s8], $0x100  }
0x11: {  	[sflag:s8] =	ssyncset.done $0x0  }
0x12: {  	v15 =	vimm.s32 $0x0;
	[sflag:s8] =	ssyncadd.s32 $0xFFFFFF00  }
0x13: {  	v0 =	vimm.f32 $0.0e+00;
	[tilespmem:$0x600] =	vst v15  }
0x14: {  	[tilespmem:$0x780] =	vst v0  }
0x15: {  	[tilespmem:$0x610] =	vst v15  }
0x16: {  	[tilespmem:$0x790] =	vst v0  }
0x17: {  	[tilespmem:$0x620] =	vst v15  }
0x18: {  	[tilespmem:$0x7A0] =	vst v0  }
0x19: {  	[tilespmem:$0x630] =	vst v15  }
0x1a: {  	[tilespmem:$0x7B0] =	vst v0  }
0x1b: {  	[tilespmem:$0x640] =	vst v15  }
0x1c: {  	[tilespmem:$0x7C0] =	vst v0  }
0x1d: {  	[tilespmem:$0x650] =	vst v15  }
0x1e: {  	[tilespmem:$0x7D0] =	vst v0  }
0x1f: {  	[tilespmem:$0x660] =	vst v15  }
0x20: {  	[tilespmem:$0x7E0] =	vst v0  }
0x21: {  	[tilespmem:$0x670] =	vst v15  }
0x22: {  	[tilespmem:$0x7F0] =	vst v0  }
0x23: {  	[tilespmem:$0x680] =	vst v15  }
0x24: {  	[tilespmem:$0x800] =	vst v0  }
0x25: {  	[tilespmem:$0x690] =	vst v15  }
0x26: {  	[tilespmem:$0x810] =	vst v0  }
0x27: {  	[tilespmem:$0x6A0] =	vst v15  }
0x28: {  	[tilespmem:$0x820] =	vst v0  }
0x29: {  	[tilespmem:$0x6B0] =	vst v15  }
0x2a: {  	[tilespmem:$0x830] =	vst v0  }
0x2b: {  	[tilespmem:$0x6C0] =	vst v15  }
0x2c: {  	[tilespmem:$0x840] =	vst v0  }
0x2d: {  	[tilespmem:$0x6D0] =	vst v15  }
0x2e: {  	[tilespmem:$0x850] =	vst v0  }
0x2f: {  	[tilespmem:$0x6E0] =	vst v15  }
0x30: {  	[tilespmem:$0x860] =	vst v0  }
0x31: {  	[tilespmem:$0x6F0] =	vst v15  }
0x32: {  	[tilespmem:$0x870] =	vst v0  }
0x33: {  	[tilespmem:$0x700] =	vst v15  }
0x34: {  	[tilespmem:$0x880] =	vst v0  }
0x35: {  	[tilespmem:$0x710] =	vst v15  }
0x36: {  	[tilespmem:$0x890] =	vst v0  }
0x37: {  	[tilespmem:$0x720] =	vst v15  }
0x38: {  	[tilespmem:$0x8A0] =	vst v0  }
0x39: {  	[tilespmem:$0x730] =	vst v15  }
0x3a: {  	[tilespmem:$0x8B0] =	vst v0  }
0x3b: {  	p1 =	sgt.u32 s5, $0x1;
	s10 =	simm.s32 $0x1;
	[tilespmem:$0x740] =	vst v15  }
0x3c: {  	s11 =	simm.s32 $0x1;
	s12 =	simm.s32 $0x1;
	s13 =	simm.s32 $0x1;
	[tilespmem:$0x8C0] =	vst v0  }
0x3d: {  	s14 =	simm.s32 $0x1;
	s15 =	smul.u32 $0x30, s5;
	s2 =	simm.s32 $0x1;
	[tilespmem:$0x750] =	vst v15  }
0x3e: {  	s16 =	simm.s32 $0x1;
	s2 =	simm.s32 @!p1 $0x0;
	p1 =	sgt.u32 s5, $0x2;
	[tilespmem:$0x8D0] =	vst v0  }
0x3f: {  	s18 =	simm.s32 $0x600;
	s10 =	simm.s32 @!p1 $0x0;
	p1 =	sgt.u32 s5, $0x3;
	[tilespmem:$0x760] =	vst v15  }
0x40: {  	s13 =	simm.s32 @!p0 $0x0;
	s11 =	simm.s32 @!p1 $0x0;
	p1 =	sgt.u32 s5, $0x4;
	[tilespmem:$0x8E0] =	vst v0  }
0x41: {  	s1 =	sadd.s32 $0x42200, s3;
	s12 =	simm.s32 @!p1 $0x0;
	p1 =	sgt.u32 s5, $0x5;
	[tilespmem:$0x770] =	vst v15  }
0x42: {  	v1 =	vimm.s32 $0x65432100;
	s17 =	sadd.s32 s1, s15;
	[tilespmem:$0x8F0] =	vst v0;
	s14 =	simm.s32 @!p1 $0x0;
	p1 =	sgt.u32 s5, $0x6  }
0x43: {  	v18 =	vimm.s32 $0xDCBA9876;
	[hbm4b:s17+s7] =	stream.linear.scatter [tilespmem:s18], [sflag:$0x2], $0x180, $0x38;
	[tilespmem:$0xB10] =	vst v63  }
0x44: {  	v19 =	vimm.s32 $0x54321000;
	v20 =	vimm.s32 $0xBA987654;
	v21 =	vimm.s32 $0x32100000;
	s17 =	simm.s32 $0x1;
	s16 =	simm.s32 @!p1 $0x0;
	p1 =	sgt.u32 s5, $0x7  }
0x45: {  	v24 =	vlaneseq.u32;
	vm2 =	vmmov $0x3;
	vm0 =	vcmask $0x3F30;
	s18 =	simm.s32 $0x1;
	s17 =	simm.s32 @!p1 $0x0;
	p1 =	sgt.u32 s5, $0x8  }
0x46: {  	vm1 =	vmmov $0xf;
	v12 =	vmov s13;
	s13 =	simm.s32 $0x1;
	v0 =	vimm.s32 $0xEDCBA987;
	s18 =	simm.s32 @!p1 $0x0;
	p1 =	sgt.u32 s5, $0x9  }
0x47: {  	v18 =	vunpack.c.l.s4.s8 v18;
	v14 =	vmov s2;
	s2 =	simm.s32 $0x1;
	v4 =	vunpack.c.l.s4.s8 v0;
	s13 =	simm.s32 @!p1 $0x0;
	p1 =	sgt.u32 s5, $0xA  }
0x48: {  	vm3 =	vmmov $0xff;
	v16 =	vunpack.c.l.s4.s8 v1;
	v20 =	vunpack.c.l.s4.s8 v20;
	_ =	swait.ge [sflag:s8], $0x180;
	s2 =	simm.s32 @!p1 $0x0  }
0x49: {  	v18 =	vunpack.c.0.s8.s32 v18;
	[sflag:s8] =	ssyncset.done $0x0;
	v17 =	vunpack.c.0.s8.s32 v4;
	v2 =	vmov s2;
	s2 =	sadd.s32 $0x41E00, s3  }
0x4a: {  	s28 =	simm.s32 $0x780;
	v21 =	vunpack.c.l.s4.s8 v21;
	vm4 =	veq.s32 v24, $0x0;
	v16 =	vunpack.c.0.s8.s32 v16;
	[sflag:s8] =	ssyncadd.s32 $0xFFFFFE80;
	s26 =	sadd.s32 s2, s15  }
0x4b: {  	v18 =	vand.u32 $0xF, v18;
	v13 =	vmov s10;
	v17 =	vand.u32 $0xF, v17;
	[hbm4b:s26+s7] =	stream.linear.scatter [tilespmem:s28], [sflag:$0x2], $0x180, $0x38;
	[tilespmem:$0xB10] =	vst v63  }
0x4c: {  	v17 =	vcombine.low v16, v17;
	v16 =	vunpack.c.l.s4.s8 v19;
	v19 =	vimm.s32 $0xE40000;
	_ =	swait.ge [sflag:s8], $0x180  }
0x4d: {  	v10 =	vmov s11;
	v11 =	vmov s12;
	v19 =	vunpack.c.l.s2.s4 v19;
	[sflag:s8] =	ssyncset.done $0x0  }
0x4e: {  	s29 =	simm.s32 $0x0;
	v9 =	vmov s14;
	v8 =	vmov s16;
	v16 =	vunpack.c.0.s8.s32 v16;
	[sflag:s8] =	ssyncadd.s32 $0xFFFFFE80  }
0x4f: {  	v7 =	vmov s17;
	v6 =	vmov s18;
	v22 =	vunpack.c.l.s4.s8 v19;
	v23 =	vld [tilespmem:s29+$0x0]  }
0x50: {  	s10 =	simm.s32 $0x1;
	p1 =	sgt.u32 s5, $0xB;
	v5 =	vmov s13;
	v19 =	vcombine.low v16, v18;
	v16 =	vunpack.c.0.s8.s32 v20  }
0x51: {  	s11 =	simm.s32 $0x1;
	s10 =	simm.s32 @!p1 $0x0;
	p1 =	sgt.u32 s5, $0xC;
	v18 =	vunpack.c.0.s8.s32 v21;
	v20 =	vimm.s32 $0x7060504;
	v21 =	vunpack.c.0.s8.s32 v22  }
0x52: {  	s12 =	simm.s32 $0x1;
	s11 =	simm.s32 @!p1 $0x0;
	p1 =	sgt.u32 s5, $0xD;
	v0 =	vmov s10;
	v20 =	vunpack.c.0.s8.s32 v20;
	v16 =	vand.u32 $0xF, v16  }
0x53: {  	s12 =	simm.s32 @!p1 $0x0;
	v3 =	vmov s11;
	v18 =	vcombine.low v18, v16;
	v16 =	vand.u32 $0x3, v21  }
0x54: {  	v1 =	vmov s12;
	v16 =	vsel vm0, v20, v16;
	vm5 =	veq.s32 v23, $0x6  }
0x55: {  	vm7 =	veq.s32 v23, $0x7;
	vm9 =	veq.s32 v23, $0x3;
	vm8 =	veq.s32 v23, $0x4  }
0x56: {  	vm6 =	veq.s32 v23, $0x5;
	vm12 =	veq.s32 v23, $0x0;
	vm11 =	veq.s32 v23, $0x1  }
0x57: {  	vm10 =	veq.s32 v23, $0x2;
	v20 =	vsel vm6, $0x1, v15;
	v21 =	vsel vm5, $0x1, v15  }
0x58: {  	v22 =	vsel vm7, $0x1, v15;
	v23 =	vsel vm9, $0x1, v15;
	v25 =	vsel vm8, $0x1, v15  }
0x59: {  	v27 =	vsel vm10, $0x1, v15;
	v26 =	vperm.xlane v22, v17;
	v28 =	vperm.xlane v20, v17  }
0x5a: {  	v30 =	vsel vm11, $0x1, v15;
	v29 =	vperm.xlane v21, v17;
	v31 =	vperm.xlane v23, v17  }
0x5b: {  	v33 =	vsel vm12, $0x1, v15;
	v32 =	vperm.xlane v25, v17;
	v24 =	vperm.xlane v30, v17  }
0x5c: {  	v34 =	vperm.xlane v27, v17;
	v35 =	vperm.xlane v33, v17;
	v29 =	vsel vm4, $0x0, v29  }
0x5d: {  	v26 =	vsel vm4, $0x0, v26;
	v31 =	vsel vm4, $0x0, v31;
	v32 =	vsel vm4, $0x0, v32  }
0x5e: {  	v28 =	vsel vm4, $0x0, v28;
	v35 =	vsel vm4, $0x0, v35;
	v24 =	vsel vm4, $0x0, v24  }
0x5f: {  	v34 =	vsel vm4, $0x0, v34;
	v20 =	vadd.s32 v20, v28;
	v21 =	vadd.s32 v21, v29  }
0x60: {  	v22 =	vadd.s32 v22, v26;
	v23 =	vadd.s32 v23, v31;
	v25 =	vadd.s32 v25, v32  }
0x61: {  	v27 =	vadd.s32 v27, v34;
	v26 =	vperm.xlane v22, v19;
	v28 =	vperm.xlane v20, v19  }
0x62: {  	v24 =	vadd.s32 v30, v24;
	v29 =	vperm.xlane v21, v19;
	v30 =	vperm.xlane v23, v19  }
0x63: {  	v53 =	vadd.s32 v33, v35;
	v31 =	vperm.xlane v25, v19;
	v54 =	vperm.xlane v24, v19  }
0x64: {  	v34 =	vperm.xlane v27, v19;
	v35 =	vperm.xlane v53, v19;
	v29 =	vsel vm2, $0x0, v29  }
0x65: {  	v26 =	vsel vm2, $0x0, v26;
	v30 =	vsel vm2, $0x0, v30;
	v31 =	vsel vm2, $0x0, v31  }
0x66: {  	v28 =	vsel vm2, $0x0, v28;
	v35 =	vsel vm2, $0x0, v35;
	v33 =	vsel vm2, $0x0, v54  }
0x67: {  	v34 =	vsel vm2, $0x0, v34;
	v20 =	vadd.s32 v28, v20;
	v21 =	vadd.s32 v29, v21  }
0x68: {  	v22 =	vadd.s32 v26, v22;
	v23 =	vadd.s32 v30, v23;
	v25 =	vadd.s32 v31, v25  }
0x69: {  	v27 =	vadd.s32 v34, v27;
	v26 =	vperm.xlane v22, v18;
	v28 =	vperm.xlane v20, v18  }
0x6a: {  	v24 =	vadd.s32 v33, v24;
	v29 =	vperm.xlane v21, v18;
	v30 =	vperm.xlane v23, v18  }
0x6b: {  	v32 =	vadd.s32 v35, v53;
	v31 =	vperm.xlane v25, v18;
	v33 =	vperm.xlane v24, v18  }
0x6c: {  	v34 =	vperm.xlane v27, v18;
	v35 =	vperm.xlane v32, v18;
	v29 =	vsel vm1, $0x0, v29  }
0x6d: {  	v26 =	vsel vm1, $0x0, v26;
	v30 =	vsel vm1, $0x0, v30;
	v31 =	vsel vm1, $0x0, v31  }
0x6e: {  	v28 =	vsel vm1, $0x0, v28;
	v35 =	vsel vm1, $0x0, v35;
	v33 =	vsel vm1, $0x0, v33  }
0x6f: {  	v34 =	vsel vm1, $0x0, v34;
	v20 =	vadd.s32 v28, v20;
	v28 =	vadd.s32 v29, v21  }
0x70: {  	v29 =	vadd.s32 v26, v22;
	v23 =	vadd.s32 v30, v23;
	v25 =	vadd.s32 v31, v25  }
0x71: {  	v30 =	vadd.s32 v34, v27;
	v21 =	vperm.xlane v29, v16;
	v22 =	vperm.xlane v20, v16  }
0x72: {  	s9 =	simm.s32 $0x1;
	p1 =	seq.s32 s5, $0xF;
	v24 =	vadd.s32 v33, v24;
	v26 =	vperm.xlane v28, v16;
	v27 =	vperm.xlane v23, v16  }
0x73: {  	s9 =	simm.s32 @!p1 $0x0;
	v32 =	vadd.s32 v35, v32;
	v31 =	vperm.xlane v25, v16;
	v33 =	vperm.xlane v24, v16  }
0x74: {  	v4 =	vmov s9;
	v34 =	vperm.xlane v30, v16;
	v35 =	vperm.xlane v32, v16  }
0x75: {  	v26 =	vsel vm3, $0x0, v26;
	v36 =	vsel vm3, $0x0, v21;
	v27 =	vsel vm3, $0x0, v27  }
0x76: {  	v31 =	vsel vm3, $0x0, v31;
	v21 =	vsel vm3, $0x0, v22;
	v35 =	vsel vm3, $0x0, v35  }
0x77: {  	v33 =	vsel vm3, $0x0, v33;
	v34 =	vsel vm3, $0x0, v34;
	v21 =	vadd.s32 v21, v20  }
0x78: {  	s7 =	simm.s32 $0x10;
	v22 =	vadd.s32 v26, v28;
	v23 =	vadd.s32 v27, v23;
	v26 =	vadd.s32 v35, v32  }
0x79: {  	v27 =	vadd.s32 v31, v25;
	v25 =	vadd.s32 v33, v24;
	v31 =	vld [tilespmem:s7+$0x0];
	v20 =	vadd.s32 v26, v15  }
0x7a: {  	v24 =	vadd.s32 v34, v30;
	v28 =	vadd.s32 v25, v15;
	v20 =	vadd.s32 $0xFFFFFFFF, v20  }
0x7b: {  	v30 =	vadd.s32 v24, v15;
	v28 =	vadd.s32 $0xFFFFFFFF, v28;
	v20 =	vnsel vm12, $0x0, v20  }
0x7c: {  	v32 =	vimm.s32 $0x0;
	v20 =	vsel vm11, v28, v20;
	v28 =	vadd.s32 $0xFFFFFFFF, v30  }
0x7d: {  	v55 =	vadd.s32 v22, v15;
	v30 =	vadd.s32 v23, v15;
	v20 =	vsel vm10, v28, v20  }
0x7e: {  	v28 =	vadd.s32 $0xFFFFFFFF, v30;
	v30 =	vadd.s32 v27, v15;
	vm12 =	veq.s32 v31, $0x0  }
0x7f: {  	vm11 =	veq.s32 v31, $0x1;
	vm10 =	veq.s32 v31, $0x2;
	v20 =	vsel vm9, v28, v20  }
0x80: {  	v28 =	vadd.s32 $0xFFFFFFFF, v30;
	v30 =	vadd.s32 v21, v15;
	vm9 =	veq.s32 v31, $0x3  }
0x81: {  	v61 =	vsel vm10, $0x1, v15;
	v43 =	vsel vm11, $0x1, v15;
	v44 =	vsel vm12, $0x1, v15  }
0x82: {  	v20 =	vsel vm8, v28, v20;
	v30 =	vadd.s32 $0xFFFFFFFF, v30;
	v28 =	vadd.s32 v36, v29  }
0x83: {  	vm8 =	veq.s32 v31, $0x4;
	v58 =	vsel vm9, $0x1, v15;
	v41 =	vperm.xlane v43, v17  }
0x84: {  	v42 =	vperm.xlane v61, v17;
	v45 =	vperm.xlane v44, v17;
	v29 =	vsel vm6, v30, v20  }
0x85: {  	v30 =	vadd.s32 $0xFFFFFFFF, v55;
	v20 =	vimm.s32 $0xF;
	v56 =	vadd.s32 v28, v15  }
0x86: {  	vm6 =	veq.s32 v31, $0x6;
	v59 =	vsel vm8, $0x1, v15;
	v39 =	vperm.xlane v58, v17  }
0x87: {  	v29 =	vsel vm5, v30, v29;
	v30 =	vadd.s32 $0xFFFFFFFF, v56;
	vm5 =	veq.s32 v31, $0x7  }
0x88: {  	v40 =	vperm.xlane v59, v17;
	v45 =	vsel vm4, $0x0, v45;
	v48 =	vsel vm4, $0x0, v41  }
0x89: {  	v42 =	vsel vm4, $0x0, v42;
	v29 =	vsel vm7, v30, v29;
	vm7 =	veq.s32 v31, $0x5  }
0x8a: {  	v31 =	vsel vm6, $0x1, v15;
	v57 =	vsel vm5, $0x1, v15;
	v46 =	vsel vm4, $0x0, v39  }
0x8b: {  	v42 =	vadd.s32 v61, v42;
	v43 =	vadd.s32 v43, v48;
	v44 =	vadd.s32 v44, v45  }
0x8c: {  	v30 =	vsel vm7, $0x1, v15;
	v60 =	vperm.xlane v57, v17;
	v38 =	vperm.xlane v31, v17  }
0x8d: {  	v47 =	vsel vm4, $0x0, v40;
	v40 =	vadd.s32 v58, v46;
	v63 =	vperm.xlane v43, v19  }
0x8e: {  	v36 =	vperm.xlane v42, v19;
	v45 =	vperm.xlane v44, v19;
	[tilespmem:s29+$0x200] =	vst v29;
	v29 =	vimm.s32 $0x0  }
0x8f: {  	v37 =	vperm.xlane v30, v17;
	v41 =	vadd.s32 v59, v47;
	v33 =	vperm.xlane v40, v19  }
0x90: {  	v38 =	vsel vm4, $0x0, v38;
	v35 =	vsel vm4, $0x0, v60;
	v34 =	vperm.xlane v41, v19  }
0x91: {  	v45 =	vsel vm2, $0x0, v45;
	v46 =	vsel vm2, $0x0, v63;
	v51 =	vsel vm2, $0x0, v36  }
0x92: {  	v36 =	vimm.s32 $0x0;
	v37 =	vsel vm4, $0x0, v37;
	v38 =	vadd.s32 v31, v38  }
0x93: {  	v39 =	vadd.s32 v57, v35;
	v49 =	vsel vm2, $0x0, v33;
	v33 =	vimm.s32 $0x0  }
0x94: {  	v37 =	vadd.s32 v30, v37;
	v30 =	vperm.xlane v39, v19;
	v62 =	vperm.xlane v38, v19  }
0x95: {  	s31 =	sshll.u32 s5, $0x4;
	v35 =	vimm.s32 $0x0;
	v50 =	vsel vm2, $0x0, v34;
	v31 =	vperm.xlane v37, v19  }
0x96: {  	s30 =	sadd.s32 s6, s3;
	s6 =	sshll.u32 s5, $0x8;
	s3 =	sadd.s32 $0x42600, s3;
	v34 =	vimm.s32 $0x0;
	v47 =	vsel vm2, $0x0, v62;
	v48 =	vsel vm2, $0x0, v30  }
0x97: {  	s5 =	sadd.s32 $0x42800, s30;
	s9 =	simm.s32 $0x80;
	s8 =	sadd.s32 s31, s4;
	v30 =	vimm.s32 $0x0;
	v52 =	vsel vm2, $0x0, v31;
	v31 =	vimm.s32 $0x0  }
.LBB2_2:
0x98: {  	p1 =	sne.s32 s9, $0x3C0;
	v37 =	vadd.s32 v52, v37;
	v38 =	vadd.s32 v47, v38;
	v39 =	vadd.s32 v48, v39  }
0x99: {  	v40 =	vadd.s32 v49, v40;
	v41 =	vadd.s32 v50, v41;
	v47 =	vperm.xlane v39, v18  }
0x9a: {  	v42 =	vadd.s32 v51, v42;
	v48 =	vperm.xlane v37, v18;
	v49 =	vperm.xlane v38, v18  }
0x9b: {  	v43 =	vadd.s32 v46, v43;
	v46 =	vperm.xlane v40, v18;
	v50 =	vperm.xlane v41, v18  }
0x9c: {  	v44 =	vadd.s32 v45, v44;
	v45 =	vperm.xlane v43, v18;
	v51 =	vperm.xlane v42, v18  }
0x9d: {  	v52 =	vperm.xlane v44, v18;
	v49 =	vsel vm1, $0x0, v49;
	v47 =	vsel vm1, $0x0, v47  }
0x9e: {  	v46 =	vsel vm1, $0x0, v46;
	v50 =	vsel vm1, $0x0, v50;
	v48 =	vsel vm1, $0x0, v48  }
0x9f: {  	v52 =	vsel vm1, $0x0, v52;
	v45 =	vsel vm1, $0x0, v45;
	v51 =	vsel vm1, $0x0, v51  }
0xa0: {  	v37 =	vadd.s32 v48, v37;
	v38 =	vadd.s32 v49, v38;
	v39 =	vadd.s32 v47, v39  }
0xa1: {  	v40 =	vadd.s32 v46, v40;
	v41 =	vadd.s32 v50, v41;
	v46 =	vperm.xlane v39, v16  }
0xa2: {  	v42 =	vadd.s32 v51, v42;
	v47 =	vperm.xlane v37, v16;
	v48 =	vperm.xlane v38, v16  }
0xa3: {  	v43 =	vadd.s32 v45, v43;
	v45 =	vperm.xlane v40, v16;
	v49 =	vperm.xlane v41, v16  }
0xa4: {  	v44 =	vadd.s32 v52, v44;
	v50 =	vperm.xlane v43, v16;
	v51 =	vperm.xlane v42, v16  }
0xa5: {  	v52 =	vperm.xlane v44, v16;
	v48 =	vsel vm3, $0x0, v48;
	v46 =	vsel vm3, $0x0, v46  }
0xa6: {  	v45 =	vsel vm3, $0x0, v45;
	v49 =	vsel vm3, $0x0, v49;
	v47 =	vsel vm3, $0x0, v47  }
0xa7: {  	v52 =	vsel vm3, $0x0, v52;
	v50 =	vsel vm3, $0x0, v50;
	v51 =	vsel vm3, $0x0, v51  }
0xa8: {  	v37 =	vadd.s32 v47, v37;
	v38 =	vadd.s32 v48, v38;
	v39 =	vadd.s32 v46, v39  }
0xa9: {  	v40 =	vadd.s32 v45, v40;
	v41 =	vadd.s32 v49, v41;
	v45 =	vperm.xlane v26, v20  }
0xaa: {  	v46 =	vperm.xlane v25, v20;
	v47 =	vperm.xlane v24, v20;
	v24 =	vadd.s32 v51, v42  }
0xab: {  	v27 =	vperm.xlane v27, v20;
	v25 =	vadd.s32 v50, v43;
	v42 =	vperm.xlane v23, v20;
	v23 =	vmovc v40  }
0xac: {  	v26 =	vadd.s32 v52, v44;
	v43 =	vperm.xlane v22, v20;
	v40 =	vperm.xlane v21, v20;
	v21 =	vmovc v37  }
0xad: {  	v37 =	vperm.xlane v28, v20;
	v22 =	vmovc v38;
	v31 =	vadd.s32 v31, v45;
	v32 =	vadd.s32 v32, v46  }
0xae: {  	v35 =	vadd.s32 v35, v27;
	v28 =	vmovc v39;
	v33 =	vadd.s32 v33, v47;
	v34 =	vadd.s32 v34, v42  }
0xaf: {  	v27 =	vmovc v41;
	v30 =	vadd.s32 v30, v43;
	v38 =	vadd.s32 v26, v31;
	v36 =	vadd.s32 v36, v40  }
0xb0: {  	v39 =	vadd.s32 v25, v32;
	v29 =	vadd.s32 v29, v37;
	v38 =	vadd.s32 $0xFFFFFFFF, v38  }
0xb1: {  	v37 =	vnsel vm12, $0x0, v38;
	v38 =	vadd.s32 $0xFFFFFFFF, v39;
	v39 =	vadd.s32 v24, v33  }
0xb2: {  	s10 =	sshra.s32 s9, $0x2;
	v37 =	vsel vm11, v38, v37;
	v38 =	vadd.s32 $0xFFFFFFFF, v39;
	v39 =	vadd.s32 v23, v34  }
0xb3: {  	v37 =	vsel vm10, v38, v37;
	v38 =	vadd.s32 $0xFFFFFFFF, v39;
	v39 =	vadd.s32 v27, v35;
	v40 =	vld [tilespmem:s10+$0x0]  }
0xb4: {  	v37 =	vsel vm9, v38, v37;
	v38 =	vadd.s32 $0xFFFFFFFF, v39;
	v39 =	vadd.s32 v21, v36  }
0xb5: {  	v37 =	vsel vm8, v38, v37;
	v38 =	vadd.s32 $0xFFFFFFFF, v39;
	v39 =	vadd.s32 v22, v30  }
0xb6: {  	v37 =	vsel vm7, v38, v37;
	v38 =	vadd.s32 $0xFFFFFFFF, v39;
	v39 =	vadd.s32 v28, v29  }
0xb7: {  	v37 =	vsel vm6, v38, v37;
	v38 =	vadd.s32 $0xFFFFFFFF, v39  }
0xb8: {  	v37 =	vsel vm5, v38, v37;
	vm6 =	veq.s32 v40, $0x6;
	vm5 =	veq.s32 v40, $0x7  }
0xb9: {  	vm9 =	veq.s32 v40, $0x3;
	vm8 =	veq.s32 v40, $0x4;
	vm7 =	veq.s32 v40, $0x5;
	[tilespmem:s7+$0x200] =	vst v37;
	s7 =	smov.u32 s10  }
0xba: {  	vm12 =	veq.s32 v40, $0x0;
	vm11 =	veq.s32 v40, $0x1;
	vm10 =	veq.s32 v40, $0x2  }
0xbb: {  	v37 =	vsel vm7, $0x1, v15;
	v38 =	vsel vm6, $0x1, v15;
	v39 =	vsel vm5, $0x1, v15  }
0xbc: {  	v40 =	vsel vm9, $0x1, v15;
	v41 =	vsel vm8, $0x1, v15;
	v42 =	vperm.xlane v39, v17  }
0xbd: {  	v43 =	vsel vm10, $0x1, v15;
	v44 =	vperm.xlane v37, v17;
	v45 =	vperm.xlane v38, v17  }
0xbe: {  	v46 =	vsel vm11, $0x1, v15;
	v47 =	vperm.xlane v40, v17;
	v48 =	vperm.xlane v41, v17  }
0xbf: {  	v49 =	vsel vm12, $0x1, v15;
	v50 =	vperm.xlane v46, v17;
	v51 =	vperm.xlane v43, v17  }
0xc0: {  	v52 =	vperm.xlane v49, v17;
	v45 =	vsel vm4, $0x0, v45;
	v42 =	vsel vm4, $0x0, v42  }
0xc1: {  	v47 =	vsel vm4, $0x0, v47;
	v48 =	vsel vm4, $0x0, v48;
	v44 =	vsel vm4, $0x0, v44  }
0xc2: {  	v52 =	vsel vm4, $0x0, v52;
	v50 =	vsel vm4, $0x0, v50;
	v51 =	vsel vm4, $0x0, v51  }
0xc3: {  	v37 =	vadd.s32 v37, v44;
	v38 =	vadd.s32 v38, v45;
	v39 =	vadd.s32 v39, v42  }
0xc4: {  	v40 =	vadd.s32 v40, v47;
	v41 =	vadd.s32 v41, v48;
	v45 =	vperm.xlane v39, v19  }
0xc5: {  	v42 =	vadd.s32 v43, v51;
	v51 =	vperm.xlane v37, v19;
	v47 =	vperm.xlane v38, v19  }
.Ltmp1:
0xc6: {  	v43 =	vadd.s32 v46, v50;
	v46 =	vperm.xlane v40, v19;
	v50 =	vperm.xlane v41, v19;
	(pc) =	sbr.rel @p1 .LBB2_2-.Ltmp1, $4  }
0xc7: {  	v44 =	vadd.s32 v49, v52;
	v53 =	vperm.xlane v43, v19;
	v54 =	vperm.xlane v42, v19  }
0xc8: {  	v55 =	vperm.xlane v44, v19;
	v47 =	vsel vm2, $0x0, v47;
	v48 =	vsel vm2, $0x0, v45  }
0xc9: {  	v49 =	vsel vm2, $0x0, v46;
	v50 =	vsel vm2, $0x0, v50;
	v52 =	vsel vm2, $0x0, v51  }
0xca: {  	s9 =	sadd.s32 $0x40, s9;
	v45 =	vsel vm2, $0x0, v55;
	v46 =	vsel vm2, $0x0, v53;
	v51 =	vsel vm2, $0x0, v54  }
0xcb: {  	v15 =	vadd.s32 v52, v37  }
0xcc: {  	v17 =	vadd.s32 v47, v38;
	v19 =	vadd.s32 v48, v39;
	v26 =	vperm.xlane v26, v20  }
0xcd: {  	v55 =	vadd.s32 v49, v40;
	v25 =	vperm.xlane v25, v20;
	v24 =	vperm.xlane v24, v20  }
0xce: {  	v56 =	vadd.s32 v50, v41;
	v23 =	vperm.xlane v23, v20;
	v27 =	vperm.xlane v27, v20  }
0xcf: {  	v57 =	vadd.s32 v51, v42;
	v39 =	vperm.xlane v19, v18;
	v58 =	vperm.xlane v15, v18  }
0xd0: {  	v43 =	vadd.s32 v46, v43;
	v59 =	vperm.xlane v17, v18;
	v60 =	vperm.xlane v55, v18  }
0xd1: {  	v44 =	vadd.s32 v45, v44;
	v61 =	vperm.xlane v56, v18;
	v62 =	vperm.xlane v43, v18  }
0xd2: {  	vm4 =	vmmov $0x1;
	v63 =	vperm.xlane v57, v18;
	v18 =	vperm.xlane v44, v18  }
0xd3: {  	v25 =	vadd.s32 v32, v25;
	v24 =	vadd.s32 v33, v24;
	v23 =	vadd.s32 v34, v23  }
0xd4: {  	v27 =	vadd.s32 v35, v27;
	v42 =	vsel vm1, $0x0, v59;
	v39 =	vsel vm1, $0x0, v39  }
0xd5: {  	v46 =	vsel vm1, $0x0, v60;
	v47 =	vsel vm1, $0x0, v61;
	v41 =	vsel vm1, $0x0, v58  }
0xd6: {  	v18 =	vsel vm1, $0x0, v18;
	v45 =	vsel vm1, $0x0, v62;
	v48 =	vsel vm1, $0x0, v63  }
0xd7: {  	v15 =	vadd.s32 v41, v15;
	v17 =	vadd.s32 v42, v17;
	v19 =	vadd.s32 v39, v19  }
0xd8: {  	v37 =	vadd.s32 v46, v55;
	v38 =	vadd.s32 v47, v56;
	v55 =	vperm.xlane v22, v20  }
0xd9: {  	v40 =	vadd.s32 v48, v57;
	v57 =	vperm.xlane v28, v20;
	v39 =	vperm.xlane v19, v16  }
0xda: {  	v43 =	vadd.s32 v45, v43;
	v41 =	vperm.xlane v15, v16;
	v42 =	vperm.xlane v17, v16  }
0xdb: {  	v18 =	vadd.s32 v18, v44;
	v49 =	vperm.xlane v37, v16;
	v50 =	vperm.xlane v38, v16  }
0xdc: {  	v56 =	vadd.s32 v31, v26;
	v51 =	vperm.xlane v43, v16;
	v52 =	vperm.xlane v40, v16  }
0xdd: {  	v16 =	vperm.xlane v18, v16;
	v26 =	vadd.s32 v29, v57;
	v42 =	vsel vm3, $0x0, v42  }
0xde: {  	v39 =	vsel vm3, $0x0, v39;
	v45 =	vsel vm3, $0x0, v49;
	v46 =	vsel vm3, $0x0, v50  }
0xdf: {  	v41 =	vsel vm3, $0x0, v41;
	v16 =	vsel vm3, $0x0, v16;
	v44 =	vsel vm3, $0x0, v51  }
0xe0: {  	v47 =	vsel vm3, $0x0, v52;
	v15 =	vadd.s32 v41, v15;
	v17 =	vadd.s32 v42, v17  }
0xe1: {  	v19 =	vadd.s32 v39, v19;
	v37 =	vadd.s32 v45, v37;
	v38 =	vadd.s32 v46, v38  }
0xe2: {  	v53 =	vadd.s32 v47, v40;
	v54 =	vadd.s32 v44, v43;
	v16 =	vadd.s32 v16, v18  }
0xe3: {  	v18 =	vperm.xlane v21, v20;
	v21 =	vadd.s32 v30, v55;
	v58 =	vadd.s32 v16, v56  }
0xe4: {  	v59 =	vadd.s32 v54, v25;
	v60 =	vadd.s32 v53, v24;
	v16 =	vperm.xlane v16, v20  }
0xe5: {  	v62 =	vadd.s32 v37, v23;
	v46 =	vperm.xlane v54, v20;
	v47 =	vperm.xlane v53, v20  }
0xe6: {  	v44 =	vadd.s32 v17, v21;
	v48 =	vperm.xlane v37, v20;
	v49 =	vperm.xlane v38, v20  }
0xe7: {  	v45 =	vadd.s32 v19, v26;
	v17 =	vperm.xlane v17, v20;
	v19 =	vperm.xlane v19, v20  }
0xe8: {  	v18 =	vadd.s32 v36, v18;
	v28 =	vadd.s32 $0xFFFFFFFF, v58;
	v31 =	vadd.s32 $0xFFFFFFFF, v59  }
0xe9: {  	v61 =	vadd.s32 $0xFFFFFFFF, v60;
	v63 =	vadd.s32 $0xFFFFFFFF, v62;
	v36 =	vadd.s32 v38, v27  }
0xea: {  	v29 =	vadd.s32 $0xFFFFFFFF, v44;
	v30 =	vadd.s32 $0xFFFFFFFF, v45;
	v28 =	vnsel vm12, $0x0, v28  }
0xeb: {  	v41 =	vadd.s32 $0xFFFFFFFF, v36;
	v42 =	vadd.s32 v15, v18;
	v15 =	vperm.xlane v15, v20  }
0xec: {  	v16 =	vadd.s32 v56, v16;
	v50 =	vadd.s32 v25, v46;
	v51 =	vadd.s32 v24, v47  }
0xed: {  	v52 =	vadd.s32 v23, v48;
	v53 =	vadd.s32 v27, v49;
	v17 =	vadd.s32 v21, v17  }
0xee: {  	v28 =	vsel vm11, v31, v28;
	v16 =	vnsel vm4, $0x0, v16;
	vm4 =	vcmask $0x320  }
0xef: {  	v43 =	vadd.s32 $0xFFFFFFFF, v42;
	v28 =	vsel vm10, v61, v28;
	v16 =	vsel vm4, v16, v50  }
0xf0: {  	vm4 =	vcmask $0x720;
	v15 =	vadd.s32 v18, v15;
	v28 =	vsel vm9, v63, v28  }
0xf1: {  	v16 =	vsel vm4, v16, v51;
	vm4 =	vcmask $0xB20;
	v28 =	vsel vm8, v41, v28  }
0xf2: {  	v16 =	vsel vm4, v16, v52;
	vm4 =	vcmask $0xF20;
	v28 =	vsel vm7, v43, v28  }
0xf3: {  	v16 =	vsel vm4, v16, v53;
	vm4 =	vcmask $0x1320;
	v28 =	vsel vm6, v29, v28  }
0xf4: {  	v15 =	vsel vm4, v16, v15;
	vm4 =	vcmask $0x1720;
	v16 =	vadd.s32 v26, v19  }
0xf5: {  	v28 =	vsel vm5, v30, v28;
	v15 =	vsel vm4, v15, v17;
	vm4 =	vcmask $0x1B20  }
0xf6: {  	[tilespmem:s7+$0x200] =	vst v28;
	v15 =	vsel vm4, v15, v16  }
0xf7: {  	s29 =	simm.s32 $0x900;
	s30 =	simm.s32 $0x2;
	[tilespmem:$0x900] =	vst v15  }
0xf8: {  	[spmem:s8] =	stream.linear.scatter [tilespmem:s29], [sflag:$0x2], $0x10, $0x38;
	[tilespmem:$0xB10] =	vst v63  }
0xf9: {  	_ =	swait.ge [sflag:s30], $0x10  }
0xfa: {  	[sflag:s30] =	ssyncset.done $0x0  }
0xfb: {  	[sflag:s30] =	ssyncadd.s32 $0xFFFFFFF0  }
0xfc: {  	s31 =	simm.s32 $0x980;
	[bflag:$0x0] =	sbarrier.arrive $0xFFFF  }
0xfd: {  	[tilespmem:s31], [sflag:$0x2] =	stream.linear.gather [spmem:s4], $0x100, $0x38;
	[tilespmem:$0xB10] =	vst v63  }
0xfe: {  	_ =	swait.ge [sflag:s30], $0x100  }
0xff: {  	[sflag:s30] =	ssyncset.done $0x0  }
0x100: {  	[sflag:s30] =	ssyncadd.s32 $0xFFFFFF00  }
0x101: {  	v15 =	vld [tilespmem:$0x980]  }
0x102: {  	v16 =	vld [tilespmem:$0x990]  }
0x103: {  	v17 =	vld [tilespmem:$0x9A0]  }
0x104: {  	v18 =	vld [tilespmem:$0x9B0]  }
0x105: {  	v19 =	vld [tilespmem:$0x9C0]  }
0x106: {  	v54 =	vld [tilespmem:$0x9D0]  }
0x107: {  	v56 =	vld [tilespmem:$0x9E0];
	v55 =	vadd.s32 v15, v16  }
0x108: {  	v57 =	vld [tilespmem:$0x9F0];
	v21 =	vadd.s32 v17, v55  }
0x109: {  	v58 =	vld [tilespmem:$0xA00];
	v21 =	vadd.s32 v18, v21  }
0x10a: {  	v59 =	vld [tilespmem:$0xA10];
	v21 =	vadd.s32 v19, v21  }
0x10b: {  	v60 =	vld [tilespmem:$0xA20];
	v21 =	vadd.s32 v54, v21  }
0x10c: {  	v61 =	vld [tilespmem:$0xA30];
	v21 =	vadd.s32 v56, v21  }
0x10d: {  	v62 =	vld [tilespmem:$0xA40];
	v21 =	vadd.s32 v57, v21  }
0x10e: {  	v63 =	vld [tilespmem:$0xA50];
	v21 =	vadd.s32 v58, v21  }
0x10f: {  	v12 =	vmul.u32 v12, v15;
	v14 =	vmul.u32 v14, v16;
	v16 =	vld [tilespmem:$0xA60];
	v15 =	vadd.s32 v59, v21  }
0x110: {  	v13 =	vmul.u32 v13, v17;
	v17 =	vld [tilespmem:$0xA70];
	v15 =	vadd.s32 v60, v15  }
0x111: {  	v10 =	vmul.u32 v10, v18;
	v12 =	vadd.s32 v12, v14;
	v14 =	vadd.s32 v61, v15  }
0x112: {  	v11 =	vmul.u32 v11, v19;
	v12 =	vadd.s32 v13, v12;
	v13 =	vadd.s32 v62, v14  }
0x113: {  	v9 =	vmul.u32 v9, v54;
	v10 =	vadd.s32 v10, v12;
	v12 =	vadd.s32 v63, v13  }
0x114: {  	v10 =	vadd.s32 v11, v10;
	v11 =	vadd.s32 v16, v12  }
0x115: {  	v18 =	vimm.s32 $0x32100000;
	v9 =	vadd.s32 v9, v10;
	v10 =	vadd.s32 v17, v11  }
0x116: {  	v11 =	vimm.s32 $0x0;
	vm4 =	vgt.s32 v10, $0x0;
	vm5 =	vgt.s32 v10, $0x100  }
0x117: {  	v12 =	vsel vm4, $0x1, v11;
	v13 =	vsel vm5, $0x1, v11;
	vm4 =	vgt.s32 v10, $0x200  }
0x118: {  	v12 =	vadd.s32 v13, v12;
	v13 =	vsel vm4, $0x1, v11;
	vm4 =	vgt.s32 v10, $0x300  }
0x119: {  	v12 =	vadd.s32 v13, v12;
	v13 =	vsel vm4, $0x1, v11;
	vm4 =	vgt.s32 v10, $0x400  }
0x11a: {  	v12 =	vadd.s32 v13, v12;
	v13 =	vsel vm4, $0x1, v11;
	vm4 =	vgt.s32 v10, $0x500  }
0x11b: {  	v12 =	vadd.s32 v13, v12;
	v13 =	vsel vm4, $0x1, v11;
	vm4 =	vgt.s32 v10, $0x600  }
0x11c: {  	v12 =	vadd.s32 v13, v12;
	v13 =	vsel vm4, $0x1, v11;
	vm4 =	vgt.s32 v10, $0x700  }
0x11d: {  	v12 =	vadd.s32 v13, v12;
	v13 =	vsel vm4, $0x1, v11;
	vm4 =	vgt.s32 v10, $0x800  }
0x11e: {  	v12 =	vadd.s32 v13, v12;
	v13 =	vsel vm4, $0x1, v11;
	vm4 =	vgt.s32 v10, $0x900  }
0x11f: {  	v12 =	vadd.s32 v13, v12;
	v13 =	vsel vm4, $0x1, v11;
	vm4 =	vgt.s32 v10, $0xA00  }
0x120: {  	v12 =	vadd.s32 v13, v12;
	v13 =	vsel vm4, $0x1, v11;
	vm4 =	vgt.s32 v10, $0xB00  }
0x121: {  	v12 =	vadd.s32 v13, v12;
	v13 =	vsel vm4, $0x1, v11;
	vm4 =	vgt.s32 v10, $0xC00  }
0x122: {  	v14 =	vmul.u32 v8, v56;
	v8 =	vadd.s32 v13, v12;
	v12 =	vsel vm4, $0x1, v11  }
0x123: {  	vm4 =	vgt.s32 v10, $0xD00;
	v8 =	vadd.s32 v12, v8;
	v12 =	vimm.s32 $0xEDCBA987  }
0x124: {  	v15 =	vimm.s32 $0x65432100;
	v13 =	vsel vm4, $0x1, v11;
	v12 =	vunpack.c.l.s4.s8 v12  }
0x125: {  	vm4 =	vgt.s32 v10, $0xE00;
	v8 =	vadd.s32 v13, v8;
	v13 =	vunpack.c.l.s4.s8 v15  }
0x126: {  	v15 =	vsel vm4, $0x1, v11;
	vm4 =	vgt.s32 v10, $0xF00;
	v10 =	vunpack.c.0.s8.s32 v12  }
0x127: {  	v8 =	vadd.s32 v15, v8;
	v12 =	vsel vm4, $0x1, v11;
	v13 =	vunpack.c.0.s8.s32 v13  }
0x128: {  	v8 =	vadd.s32 v12, v8;
	v12 =	vimm.s32 $0xDCBA9876;
	v10 =	vand.u32 $0xF, v10  }
0x129: {  	v12 =	vunpack.c.l.s4.s8 v12;
	v10 =	vcombine.low v13, v10;
	v13 =	vimm.s32 $0x54321000  }
0x12a: {  	v9 =	vadd.s32 v14, v9;
	v17 =	vimm.s32 $0xBA987654;
	v13 =	vunpack.c.l.s4.s8 v13  }
0x12b: {  	v15 =	vmul.u32 v7, v57;
	v14 =	vshll.u32 v8, $0x8;
	v12 =	vunpack.c.0.s8.s32 v12  }
0x12c: {  	v7 =	vlaneseq.u32;
	v10 =	vperm.xlane v14, v10;
	v13 =	vunpack.c.0.s8.s32 v13  }
0x12d: {  	v17 =	vunpack.c.l.s4.s8 v17;
	vm4 =	veq.s32 v7, $0x0;
	v12 =	vand.u32 $0xF, v12  }
0x12e: {  	v10 =	vsel vm4, $0x0, v10;
	v12 =	vcombine.low v13, v12;
	v13 =	vunpack.c.l.s4.s8 v18  }
0x12f: {  	v17 =	vunpack.c.0.s8.s32 v17;
	v10 =	vadd.s32 v10, v14;
	v18 =	vimm.s32 $0xE40000  }
0x130: {  	v18 =	vunpack.c.l.s2.s4 v18;
	v12 =	vperm.xlane v10, v12;
	v13 =	vunpack.c.0.s8.s32 v13  }
0x131: {  	v6 =	vmul.u32 v6, v58;
	v9 =	vadd.s32 v15, v9;
	v15 =	vand.u32 $0xF, v17  }
0x132: {  	v12 =	vsel vm2, $0x0, v12;
	v13 =	vcombine.low v13, v15;
	v15 =	vunpack.c.l.s4.s8 v18  }
0x133: {  	v5 =	vmul.u32 v5, v59;
	v6 =	vadd.s32 v6, v9;
	v9 =	vadd.s32 v12, v10  }
0x134: {  	v12 =	vimm.s32 $0x7060504;
	v10 =	vperm.xlane v9, v13;
	v13 =	vunpack.c.0.s8.s32 v15  }
0x135: {  	v5 =	vadd.s32 v5, v6;
	v6 =	vunpack.c.0.s8.s32 v12  }
0x136: {  	v2 =	vmul.u32 v2, v60;
	v10 =	vsel vm1, $0x0, v10;
	v12 =	vand.u32 $0x3, v13  }
0x137: {  	v0 =	vmul.u32 v0, v61;
	v9 =	vadd.s32 v10, v9;
	v6 =	vsel vm0, v6, v12  }
0x138: {  	v3 =	vmul.u32 v3, v62;
	v2 =	vadd.s32 v2, v5;
	v5 =	vperm.xlane v9, v6  }
0x139: {  	v1 =	vmul.u32 v1, v63;
	v0 =	vadd.s32 v0, v2  }
0x13a: {  	v2 =	vmul.u32 v4, v16;
	v0 =	vadd.s32 v3, v0;
	v3 =	vsel vm3, $0x0, v5  }
0x13b: {  	v4 =	vimm.s32 $0x1;
	v1 =	vadd.s32 v1, v0;
	v0 =	vadd.s32 v3, v9  }
0x13c: {  	s4 =	simm.s32 $0x0;
	v2 =	vadd.s32 v2, v1;
	v3 =	vor.u32 s6, v7;
	v1 =	vsub.s32 v0, v14  }
0x13d: {  	v12 =	vld [tilespmem:s4+$0x0];
	v3 =	vand.u32 $0x7FF, v3;
	v14 =	vimm.s32 $0x6;
	v2 =	vadd.s32 v1, v2  }
0x13e: {  	v13 =	vld [tilespmem:s4+$0x200];
	[tilespmem:s4+$0x400] =	vst v3;
	v3 =	vimm.s32 $0x2;
	v9 =	vperm.xlane v2, v11;
	v10 =	vperm.xlane v2, v4  }
0x13f: {  	v4 =	vimm.s32 $0x3;
	v11 =	vperm.xlane v2, v3;
	v3 =	vimm.s32 $0x4  }
0x140: {  	v6 =	vperm.xlane v2, v4;
	v4 =	vperm.xlane v2, v3;
	v3 =	vimm.s32 $0x5  }
0x141: {  	s7 =	sadd.s32 $0x10, s6;
	v5 =	vperm.xlane v2, v3;
	v3 =	vperm.xlane v2, v14;
	v14 =	vimm.s32 $0x7  }
0x142: {  	vm4 =	vlt.s32 v12, $0x8;
	v2 =	vperm.xlane v2, v14;
	v14 =	vor.u32 s7, v7  }
0x143: {  	vm5 =	veq.s32 v12, $0x0;
	v16 =	vand.u32 $0x7FF, v14;
	v14 =	vadd.s32 v9, v13  }
0x144: {  	v17 =	vadd.s32 v10, v13;
	v14 =	vnsel vm5, $0x17FF, v14;
	vm5 =	veq.s32 v12, $0x1  }
0x145: {  	v14 =	vsel vm5, v17, v14;
	vm5 =	veq.s32 v12, $0x2;
	v17 =	vadd.s32 v11, v13  }
0x146: {  	v15 =	vld [tilespmem:s4+$0x100];
	s6 =	simm.s32 $0x10;
	v18 =	vadd.s32 v6, v13;
	v17 =	vsel vm5, v17, v14;
	vm5 =	veq.s32 v12, $0x3  }
0x147: {  	s8 =	simm.s32 $0x80;
	[tilespmem:s6+$0x400] =	vst v16;
	v14 =	vld [tilespmem:s6+$0x0];
	v16 =	vsel vm5, v18, v17;
	vm5 =	veq.s32 v12, $0x4;
	v17 =	vadd.s32 v4, v13  }
.LBB2_4:
0x148: {  	p1 =	sne.s32 s8, $0x3C0;
	v18 =	vld [tilespmem:s6+$0x200];
	v16 =	vsel vm5, v17, v16;
	vm5 =	veq.s32 v12, $0x5;
	v17 =	vadd.s32 v5, v13  }
0x149: {  	v19 =	vld [tilespmem:s6+$0x100];
	v16 =	vsel vm5, v17, v16;
	vm5 =	veq.s32 v12, $0x6;
	v17 =	vadd.s32 v3, v13  }
0x14a: {  	v13 =	vadd.s32 v2, v13;
	v16 =	vsel vm5, v17, v16;
	vm5 =	veq.s32 v12, $0x7  }
0x14b: {  	s7 =	sadd.s32 $0x10, s7;
	v17 =	vnsel vm4, $0x0, v15;
	v16 =	vsel vm5, v13, v16  }
0x14c: {  	v20 =	vor.u32 s7, v7;
	vm4 =	vlt.s32 v14, $0x8;
	[tilespmem:s4+$0x300] =	vst v16;
	v12 =	vmov v14  }
.Ltmp2:
0x14d: {  	v16 =	vand.u32 $0x7FF, v20;
	vm5 =	veq.s32 v12, $0x0;
	v14 =	vadd.s32 v9, v18;
	[tilespmem:s4+$0x500] =	vst v17;
	v13 =	vmovc v18;
	s4 =	smov.u32 s6;
	(pc) =	sbr.rel @p1 .LBB2_4-.Ltmp2, $4  }
0x14e: {  	v14 =	vnsel vm5, $0x17FF, v14;
	vm5 =	veq.s32 v12, $0x1;
	v17 =	vadd.s32 v10, v13;
	v15 =	vmovc v19  }
0x14f: {  	v14 =	vsel vm5, v17, v14;
	vm5 =	veq.s32 v12, $0x2;
	v17 =	vadd.s32 v11, v13  }
0x150: {  	s6 =	sshra.s32 s8, $0x2;
	v18 =	vadd.s32 v6, v13;
	v17 =	vsel vm5, v17, v14;
	vm5 =	veq.s32 v12, $0x3  }
0x151: {  	s8 =	sadd.s32 $0x40, s8;
	v14 =	vld [tilespmem:s6+$0x0];
	[tilespmem:s6+$0x400] =	vst v16;
	v16 =	vsel vm5, v18, v17;
	vm5 =	veq.s32 v12, $0x4;
	v17 =	vadd.s32 v4, v13  }
0x152: {  	v7 =	vld [tilespmem:s6+$0x200]  }
0x153: {  	v16 =	vsel vm5, v17, v16  }
0x154: {  	vm5 =	veq.s32 v12, $0x5;
	v59 =	vadd.s32 v5, v13;
	v60 =	vadd.s32 v3, v13  }
0x155: {  	v61 =	vadd.s32 v2, v13;
	v16 =	vsel vm5, v59, v16;
	vm5 =	veq.s32 v12, $0x6  }
0x156: {  	v62 =	vnsel vm4, $0x0, v15;
	v16 =	vsel vm5, v60, v16;
	vm5 =	veq.s32 v12, $0x7  }
0x157: {  	v12 =	vsel vm5, v61, v16;
	vm4 =	veq.s32 v14, $0x0;
	v9 =	vadd.s32 v9, v7  }
0x158: {  	v10 =	vadd.s32 v10, v7;
	v9 =	vnsel vm4, $0x17FF, v9;
	vm4 =	veq.s32 v14, $0x1  }
0x159: {  	v9 =	vsel vm4, v10, v9;
	vm4 =	veq.s32 v14, $0x2;
	v10 =	vadd.s32 v11, v7  }
0x15a: {  	v6 =	vadd.s32 v6, v7;
	v9 =	vsel vm4, v10, v9;
	vm4 =	veq.s32 v14, $0x3  }
0x15b: {  	v4 =	vadd.s32 v4, v7;
	v10 =	vld [tilespmem:s6+$0x100];
	v6 =	vsel vm4, v6, v9;
	vm4 =	veq.s32 v14, $0x4  }
0x15c: {  	v63 =	vadd.s32 v5, v7;
	v4 =	vsel vm4, v4, v6;
	vm4 =	veq.s32 v14, $0x5  }
0x15d: {  	v3 =	vadd.s32 v3, v7;
	v4 =	vsel vm4, v63, v4;
	vm4 =	veq.s32 v14, $0x6  }
0x15e: {  	v2 =	vadd.s32 v2, v7;
	[tilespmem:s4+$0x300] =	vst v12;
	v3 =	vsel vm4, v3, v4;
	vm4 =	veq.s32 v14, $0x7  }
0x15f: {  	vm5 =	vlt.s32 v14, $0x8;
	[tilespmem:s4+$0x500] =	vst v62;
	v2 =	vsel vm4, v2, v3  }
0x160: {  	v3 =	vnsel vm5, $0x0, v10;
	[tilespmem:s6+$0x300] =	vst v2  }
0x161: {  	s29 =	simm.s32 $0x300;
	s4 =	simm.s32 $0x0;
	[tilespmem:s6+$0x500] =	vst v3  }
0x162: {  	[hbm4b:s5+s4] =	stream.linear.scatter [tilespmem:s29], [sflag:$0x2], $0x100, $0x38;
	[tilespmem:$0xB10] =	vst v63  }
0x163: {  	s5 =	simm.s32 $0x2  }
0x164: {  	_ =	swait.ge [sflag:s5], $0x100  }
0x165: {  	[sflag:s5] =	ssyncset.done $0x0  }
0x166: {  	s7 =	simm.s32 $0x100;
	s8 =	simm.s32 $0x400;
	[sflag:s5] =	ssyncadd.s32 $0xFFFFFF00  }
0x167: {  	[hbm4b:s1+s7] =	stream.indirect.scatter [tilespmem:s8], [sflag:$0x1], $0x1, s29, s7, $0xb8;
	[tilespmem:$0xB10] =	vst v63  }
0x168: {  	s30 =	simm.s32 $0x500;
	s31 =	simm.s32 $0x1  }
0x169: {  	[hbm4b:s2+s7] =	stream.indirect.scatter [tilespmem:s30], [sflag:$0x1], $0x1, s29, s7, $0xb8;
	[tilespmem:$0xB10] =	vst v63  }
0x16a: {  	_ =	swait.ge [sflag:s31], $0x100  }
.Ltmp3:
0x16b: {  	[sflag:s31] =	ssyncset.done $0x0;
	(pc) =	sbr.rel @p0 .LBB2_7-.Ltmp3, $4  }
0x16c: {  	[sflag:s31] =	ssyncadd.s32 $0xFFFFFF00  }
0x16d: {  	_ =	swait.ge [sflag:s31], $0x100  }
0x16e: {  	[sflag:s31] =	ssyncset.done $0x0  }
0x16f: {  	[sflag:s31] =	ssyncadd.s32 $0xFFFFFF00  }
0x170: {  	v2 =	vimm.s32 $0xEDCBA987;
	v3 =	vimm.s32 $0x65432100  }
0x171: {  	v4 =	vimm.s32 $0xDCBA9876;
	v44 =	vimm.s32 $0x54321000;
	v5 =	vlaneseq.u32  }
0x172: {  	v6 =	vimm.s32 $0xBA987654;
	v7 =	vimm.s32 $0x32100000;
	v46 =	vimm.s32 $0xE40000  }
0x173: {  	v48 =	vimm.s32 $0x1;
	v50 =	vimm.s32 $0x7060504;
	v10 =	vimm.s32 $0x2  }
0x174: {  	v11 =	vimm.s32 $0x0;
	v52 =	vimm.s32 $0x3;
	v14 =	vimm.s32 $0x4  }
0x175: {  	v16 =	vimm.s32 $0x5;
	v53 =	vimm.s32 $0xF;
	v18 =	vimm.s32 $0x6  }
0x176: {  	v57 =	vimm.s32 $0x7;
	v2 =	vunpack.c.l.s4.s8 v2;
	v3 =	vunpack.c.l.s4.s8 v3  }
0x177: {  	v4 =	vunpack.c.l.s4.s8 v4;
	vm4 =	veq.s32 v5, $0x0;
	v6 =	vunpack.c.l.s4.s8 v6  }
0x178: {  	v45 =	vunpack.c.l.s4.s8 v7;
	v47 =	vunpack.c.l.s2.s4 v46;
	v49 =	vperm.xlane v1, v48  }
0x179: {  	v5 =	vmul.u32 $0x100, v5;
	v12 =	vperm.xlane v1, v10;
	v10 =	vperm.xlane v0, v10  }
0x17a: {  	v13 =	vperm.xlane v1, v52;
	v15 =	vperm.xlane v1, v14;
	v2 =	vunpack.c.0.s8.s32 v2  }
0x17b: {  	v14 =	vperm.xlane v0, v14;
	v17 =	vperm.xlane v1, v16;
	v3 =	vunpack.c.0.s8.s32 v3  }
0x17c: {  	v16 =	vperm.xlane v0, v16;
	v19 =	vperm.xlane v1, v18;
	v2 =	vand.u32 $0xF, v2  }
0x17d: {  	v18 =	vperm.xlane v0, v18;
	v2 =	vcombine.low v3, v2;
	v3 =	vunpack.c.l.s4.s8 v44  }
0x17e: {  	v58 =	vperm.xlane v1, v57;
	v59 =	vperm.xlane v0, v57;
	v4 =	vunpack.c.0.s8.s32 v4  }
0x17f: {  	v6 =	vunpack.c.0.s8.s32 v6;
	v2 =	vperm.xlane v8, v2;
	v3 =	vunpack.c.0.s8.s32 v3  }
0x180: {  	v9 =	vor.u32 $0x1, v5;
	vm8 =	vgt.s32 v10, v5;
	v4 =	vand.u32 $0xF, v4  }
0x181: {  	vm12 =	vgt.s32 v14, v5;
	v2 =	vsel vm4, $0x0, v2;
	v3 =	vcombine.low v3, v4  }
0x182: {  	vm14 =	vgt.s32 v16, v5;
	v55 =	vor.u32 $0x1001, v5;
	v2 =	vadd.s32 v8, v2  }
0x183: {  	v56 =	vor.u32 $0x1000, v5;
	v4 =	vunpack.c.0.s8.s32 v45;
	v3 =	vperm.xlane v2, v3  }
0x184: {  	vm5 =	vlt.s32 v49, v9;
	vm7 =	vlt.s32 v12, v9;
	v6 =	vand.u32 $0xF, v6  }
0x185: {  	vm9 =	vlt.s32 v13, v9;
	v4 =	vcombine.low v4, v6;
	v3 =	vsel vm2, $0x0, v3  }
0x186: {  	vm11 =	vlt.s32 v15, v9;
	v2 =	vadd.s32 v3, v2;
	v3 =	vunpack.c.l.s4.s8 v47  }
0x187: {  	vm13 =	vlt.s32 v17, v9;
	v6 =	vperm.xlane v0, v48;
	v4 =	vperm.xlane v2, v4  }
0x188: {  	vm15 =	vlt.s32 v19, v9;
	vm4 =	vgt.s32 v18, v5;
	v3 =	vunpack.c.0.s8.s32 v3  }
0x189: {  	v8 =	vunpack.c.0.s8.s32 v50;
	vm6 =	vgt.s32 v6, v5;
	v4 =	vsel vm1, $0x0, v4  }
0x18a: {  	vm1 =	vmand vm5, vm6;
	vm5 =	vlt.s32 v49, v55;
	v3 =	vand.u32 $0x3, v3  }
0x18b: {  	vm6 =	vgt.s32 v6, v56;
	v3 =	vsel vm0, v8, v3;
	v8 =	vperm.xlane v0, v52  }
0x18c: {  	v2 =	vadd.s32 v4, v2;
	v51 =	vsel vm1, $0x1, v11;
	vm0 =	vmand vm7, vm8  }
0x18d: {  	vm7 =	vlt.s32 v12, v55;
	v3 =	vperm.xlane v2, v3;
	vm10 =	vgt.s32 v8, v5  }
0x18e: {  	vm8 =	vgt.s32 v10, v56;
	v4 =	vsel vm0, $0x2, v51;
	vm0 =	vmand vm9, vm10  }
0x18f: {  	v3 =	vsel vm3, $0x0, v3;
	vm9 =	vlt.s32 v13, v55;
	vm10 =	vgt.s32 v8, v56  }
0x190: {  	vm3 =	vlt.s32 v58, v9;
	v4 =	vsel vm0, $0x3, v4;
	vm0 =	vmand vm11, vm12  }
0x191: {  	v2 =	vadd.s32 v3, v2;
	vm11 =	vmand vm9, vm10;
	vm12 =	vlt.s32 v15, v55  }
0x192: {  	vm10 =	vlt.s32 v19, v55;
	v4 =	vsel vm0, $0x4, v4;
	vm0 =	vmand vm13, vm14  }
0x193: {  	v2 =	vperm.xlane v2, v53;
	v54 =	vsel vm0, $0x5, v4;
	vm0 =	vmand vm15, vm4  }
0x194: {  	vm14 =	vlt.s32 v17, v55;
	v3 =	vsel vm0, $0x6, v54;
	vm0 =	vmand vm5, vm6  }
0x195: {  	vm15 =	vgt.s32 v16, v56;
	v60 =	vsel vm0, $0x1, v11;
	vm0 =	vmand vm7, vm8  }
0x196: {  	vm13 =	vgt.s32 v14, v56;
	vm9 =	vmand vm14, vm15;
	v6 =	vsel vm0, $0x2, v60  }
0x197: {  	vm8 =	vgt.s32 v59, v5;
	vm0 =	vmand vm12, vm13;
	v6 =	vsel vm11, $0x3, v6  }
0x198: {  	vm12 =	vlt.s32 v58, v55;
	vm11 =	vgt.s32 v18, v56;
	v61 =	vsel vm0, $0x4, v6  }
0x199: {  	vm13 =	vgt.s32 v59, v56;
	vm0 =	vmand vm10, vm11;
	v5 =	vsel vm9, $0x5, v61  }
0x19a: {  	vm3 =	vmand vm3, vm8;
	vm14 =	vmand vm12, vm13;
	v62 =	vsel vm0, $0x6, v5  }
0x19b: {  	vm15 =	vcmask $0x1F24;
	v63 =	vsel vm3, $0x7, v3;
	v0 =	vsel vm14, $0x7, v62  }
0x19c: {  	[tilespmem:$0xA80] =	vst v63;
	v0 =	vsel vm15, v0, v2  }
0x19d: {  	s1 =	simm.s32 $0xA80;
	[tilespmem:$0xA90] =	vst v0  }
0x19e: {  	[hbm4b:s3+s4] =	stream.linear.scatter [tilespmem:s1], [sflag:$0x2], $0x80, $0x38;
	[tilespmem:$0xB10] =	vst v63  }
0x19f: {  	_ =	swait.ge [sflag:s5], $0x80  }
0x1a0: {  	[sflag:s5] =	ssyncset.done $0x0  }
0x1a1: {  	[sflag:s5] =	ssyncadd.s32 $0xFFFFFF80  }
.LBB2_7:
0x1a2: {  	_ =	sfence.sel $0x180000  }
0x1a3: {  	[bflag:$0x0] =	sbarrier.arrive $0xFFFF  }
0x1a4: {  	_ =	strace $0x90000047  }
0x1a5: {  	s0 =	sadd.s32 @!p0 $0x100000, s0;
	[bflag:$0x2] =	sbarrier.arrive $0xFFFF  }
0x1a6: {  	[sflag:s0] =	ssyncadd.tile.s32 @!p0 $0x1;
	_ =	shalt  }
.Lfunc_end2:
_tile_overlayer_lowered:
.L_overlay_start_2:
0x1a7: {  	(tag) =	ssettag $0x2  }
0x1a8: {  	s0 =	rddreg [dreg:$0x0];
	s2 =	stileid.u32  }
0x1a9: {  	s1 =	rddreg [dreg:$0x1];
	p0 =	sne.s32 s2, $0x0  }
0x1aa: {  	s3 =	rddreg [dreg:$0x2];
	[bflag:$0x3] =	sbarrier.arrive $0xFFFF;
	s2 =	simm.s32 @!p0 $0x1C02  }
0x1ab: {  	[timem:s3], [sflag:s2] =	dma.local @!p0 [hbm:s0], s1  }
0x1ac: {  	s0 =	simm.s32 @!p0 $0x2  }
0x1ad: {  	_ =	swait.ge @!p0 [sflag:s0], s1  }
0x1ae: {  	s1 =	ssub.s32 @!p0 $0x0, s1;
	[sflag:s0] =	ssyncset.done @!p0 $0x0  }
0x1af: {  	[sflag:s0] =	ssyncadd.s32 @!p0 s1  }
0x1b0: {  	[bflag:$0x3] =	sbarrier.arrive $0xFFFF  }
0x1b1: {  	_ =	shalt  }

</sc_bundles>
